<compile_context>
chip_gen: v7x
topology: tpu7x:2x2x1
jax: 0.10.2.dev20260603
libtpu: 0.0.44.dev20260713+nightly
codegen_flags: <defaults>
</compile_context>

<pallas_src>
import functools

import jax
import jax.numpy as jnp
from jax import lax
from jax.experimental import pallas as pl
from jax.experimental.pallas import tpu as pltpu, tpu_sc as plsc

N = 10000
D = 128
H = 128
C = 40
E = 320000
B = 1000

NC = 2
NS = 16
NPAD = 10240
ROWS_PER_TILE = NPAD // NS
CHUNK = 128
CHUNKS_PER_TILE = 160
NCHUNKS = E // CHUNK
LAST_TILE_CHUNKS = NCHUNKS - (NS - 1) * CHUNKS_PER_TILE
QP = 1024
Q_PER_TILE = QP // NS
DH = D // NC
GW = 64
RING = 4

_mesh = plsc.VectorSubcoreMesh(core_axis_name="c", subcore_axis_name="s",
                               num_cores=NC, num_subcores=NS)


def _zero_2d(ref, rows, cols):
    def zrow(i, _):
        for c in range(cols // 16):
            ref[i, pl.ds(c * 16, 16)] = jnp.zeros((16,), jnp.float32)
        return 0
    lax.fori_loop(0, rows, zrow, 0)


def _ring_pipeline(table, sidx, didx, acc, nchunks, bufs, gsems, ssems,
                   extra=None):
    for k in range(2):
        pltpu.async_copy(table.at[sidx.at[k]], bufs[k], gsems[k])

    def macro(m, _):
        for k in range(RING):
            j = RING * m + k
            pltpu.make_async_copy(table.at[sidx.at[j]], bufs[k],
                                  gsems[k]).wait()
            pltpu.async_copy(bufs[k], acc.at[didx.at[j]], ssems[k],
                             add=True)
            if extra is not None:
                extra(k, j)
            bn = (k + 2) % RING
            jn = j + 2

            @pl.when(jn < nchunks)
            def _():
                @pl.when(j >= 2)
                def _():
                    pltpu.make_async_copy(bufs[bn], acc.at[didx.at[0]],
                                          ssems[bn]).wait()

                pltpu.async_copy(table.at[sidx.at[jn]], bufs[bn], gsems[bn])

        return 0

    lax.fori_loop(0, nchunks // RING, macro, 0)
    for k in (2, 3):
        pltpu.make_async_copy(bufs[k], acc.at[didx.at[0]], ssems[k]).wait()


def _seg_sum_kernel(emb2_hbm, edges_hbm, sum_out, cnt_out,
                    sidx, didx, b0, b1, b2, b3, ones, zc, tmp,
                    acc, cacc, g0, g1, g2, g3, s0, s1, s2, s3, semC):
    c_id = lax.axis_index("c")
    t = lax.axis_index("s")
    base = t * ROWS_PER_TILE

    _zero_2d(tmp, 64, DH)
    for c in range(CHUNK // 16):
        ones[pl.ds(c * 16, 16)] = jnp.ones((16,), jnp.float32)
    for c in range(ROWS_PER_TILE // 16):
        zc[pl.ds(c * 16, 16)] = jnp.zeros((16,), jnp.float32)

    for kk in range(ROWS_PER_TILE // 64):
        pltpu.sync_copy(tmp, acc.at[pl.ds(base + kk * 64, 64)])
    pltpu.sync_copy(zc, cacc.at[pl.ds(base, ROWS_PER_TILE)])

    is_last = t == NS - 1
    nchunks = jnp.where(is_last, LAST_TILE_CHUNKS, CHUNKS_PER_TILE)

    @pl.when(jnp.logical_not(is_last))
    def _():
        pltpu.sync_copy(
            edges_hbm.at[0, pl.ds(t * CHUNKS_PER_TILE, CHUNKS_PER_TILE)],
            sidx)
        pltpu.sync_copy(
            edges_hbm.at[1, pl.ds(t * CHUNKS_PER_TILE, CHUNKS_PER_TILE)],
            didx)

    @pl.when(is_last)
    def _():
        pltpu.sync_copy(
            edges_hbm.at[0, pl.ds(t * CHUNKS_PER_TILE, LAST_TILE_CHUNKS)],
            sidx.at[pl.ds(0, LAST_TILE_CHUNKS)])
        pltpu.sync_copy(
            edges_hbm.at[1, pl.ds(t * CHUNKS_PER_TILE, LAST_TILE_CHUNKS)],
            didx.at[pl.ds(0, LAST_TILE_CHUNKS)])

    off = jnp.full((16,), c_id * N, jnp.int32)

    def arow(i, _):
        for c in range(CHUNK // 16):
            sl = pl.ds(c * 16, 16)
            sidx[i, sl] = sidx[i, sl] + off
        return 0

    lax.fori_loop(0, nchunks, arow, 0)
    plsc.subcore_barrier()

    def cnt_extra(k, j):
        @pl.when(c_id == (k % 2))
        def _():
            pltpu.async_copy(ones, cacc.at[didx.at[j]], semC, add=True)

    _ring_pipeline(emb2_hbm, sidx, didx, acc, nchunks,
                   (b0, b1, b2, b3), (g0, g1, g2, g3), (s0, s1, s2, s3),
                   extra=cnt_extra)

    def drainC(i, _):
        pltpu.make_async_copy(ones, cacc.at[didx.at[0]], semC).wait()
        return 0

    lax.fori_loop(0, nchunks // 2, drainC, 0)
    plsc.subcore_barrier()

    obase = c_id * N + base
    out_rows = N - (NS - 1) * ROWS_PER_TILE

    @pl.when(jnp.logical_not(is_last))
    def _():
        pltpu.sync_copy(acc.at[pl.ds(base, ROWS_PER_TILE)],
                        sum_out.at[pl.ds(obase, ROWS_PER_TILE)])
        pltpu.sync_copy(cacc.at[pl.ds(base, ROWS_PER_TILE)],
                        cnt_out.at[pl.ds(obase, ROWS_PER_TILE)])

    @pl.when(is_last)
    def _():
        pltpu.sync_copy(acc.at[pl.ds(base, out_rows)],
                        sum_out.at[pl.ds(obase, out_rows)])
        pltpu.sync_copy(cacc.at[pl.ds(base, out_rows)],
                        cnt_out.at[pl.ds(obase, out_rows)])


_seg_sum = functools.partial(
    pl.kernel, _seg_sum_kernel, mesh=_mesh,
    compiler_params=pltpu.CompilerParams(use_tc_tiling_on_sc=False),
    out_type=[jax.ShapeDtypeStruct((NC * N, DH), jnp.float32),
              jax.ShapeDtypeStruct((NC * N,), jnp.float32)],
    scratch_types=[
        pltpu.VMEM((CHUNKS_PER_TILE, CHUNK), jnp.int32),
        pltpu.VMEM((CHUNKS_PER_TILE, CHUNK), jnp.int32),
        pltpu.VMEM((CHUNK, DH), jnp.float32),
        pltpu.VMEM((CHUNK, DH), jnp.float32),
        pltpu.VMEM((CHUNK, DH), jnp.float32),
        pltpu.VMEM((CHUNK, DH), jnp.float32),
        pltpu.VMEM((CHUNK,), jnp.float32),
        pltpu.VMEM((ROWS_PER_TILE,), jnp.float32),
        pltpu.VMEM((64, DH), jnp.float32),
        pltpu.VMEM_SHARED((NPAD, DH), jnp.float32),
        pltpu.VMEM_SHARED((NPAD,), jnp.float32),
        pltpu.SemaphoreType.DMA,
        pltpu.SemaphoreType.DMA,
        pltpu.SemaphoreType.DMA,
        pltpu.SemaphoreType.DMA,
        pltpu.SemaphoreType.DMA,
        pltpu.SemaphoreType.DMA,
        pltpu.SemaphoreType.DMA,
        pltpu.SemaphoreType.DMA,
        pltpu.SemaphoreType.DMA,
    ])()


def _dense_kernel(x_ref, sa_ref, sb_ref, ca_ref, cb_ref,
                  wl1a_ref, wl1b_ref, wr1_ref, b1_ref,
                  wl2_ref, wr2_ref, b2_ref,
                  g_ref, hr_ref, ivb_ref):
    dn = (((1,), (1,)), ((), ()))
    mm = lambda a, b: lax.dot_general(
        a, b, dn, preferred_element_type=jnp.float32,
        precision=jax.lax.Precision.HIGHEST)
    cnt = ca_ref[...] + cb_ref[...]
    iv = 1.0 / jnp.maximum(cnt, 1.0)
    h = mm(sa_ref[...] * iv, wl1a_ref[...])
    h = h + mm(sb_ref[...] * iv, wl1b_ref[...])
    h = h + mm(x_ref[...], wr1_ref[...])
    h = jnp.maximum(h + b1_ref[...], 0.0)
    g_ref[...] = mm(h, wl2_ref[...])
    hr_ref[...] = mm(h, wr2_ref[...]) + b2_ref[...]
    ivb_ref[...] = jnp.broadcast_to(iv, ivb_ref.shape)


def _dense(x, s2, c2, wl1a, wl1b, wr1, b1, wl2, wr2, b2):
    RB = 1000
    nb = N // RB
    grid = (nb,)
    full = lambda shape: pl.BlockSpec(shape, lambda i: tuple(0 for _ in shape))
    row = lambda cols: pl.BlockSpec((RB, cols), lambda i: (i, 0))
    hi = lambda cols: pl.BlockSpec((RB, cols), lambda i: (nb + i, 0))
    return pl.pallas_call(
        _dense_kernel,
        grid=grid,
        in_specs=[
            row(D), row(DH), hi(DH), row(1), hi(1),
            full((H, DH)), full((H, DH)), full((H, D)), full((1, H)),
            full((GW, H)), full((GW, H)), full((1, GW)),
        ],
        out_specs=[row(GW), row(GW), row(16)],
        out_shape=[jax.ShapeDtypeStruct((N, GW), jnp.float32),
                   jax.ShapeDtypeStruct((N, GW), jnp.float32),
                   jax.ShapeDtypeStruct((N, 16), jnp.float32)],
    )(x, s2, s2, c2, c2, wl1a, wl1b, wr1, b1, wl2, wr2, b2)


def _layer2_kernel(g_hbm, edges_hbm, hr_hbm, ivb_hbm, nodes_hbm, out_hbm,
                   sidx, didx, b0, b1, b2, b3, tmp, nbuf, qsum, qhr, qiv,
                   qout, acc, g0, g1, g2, g3, s0, s1, s2, s3):
    c_id = lax.axis_index("c")
    t = lax.axis_index("s")
    base = t * ROWS_PER_TILE
    is_last = t == NS - 1
    HALF = CHUNKS_PER_TILE // NC
    half = jnp.where(is_last, jnp.where(c_id == 0, 48, 52), HALF)
    cbase = t * CHUNKS_PER_TILE + c_id * jnp.where(is_last, 48, HALF)

    _zero_2d(tmp, 64, GW)
    for kk in range(ROWS_PER_TILE // 64):
        pltpu.sync_copy(tmp, acc.at[pl.ds(base + kk * 64, 64)])

    @pl.when(jnp.logical_not(is_last))
    def _():
        pltpu.sync_copy(edges_hbm.at[0, pl.ds(cbase, HALF)], sidx)
        pltpu.sync_copy(edges_hbm.at[1, pl.ds(cbase, HALF)], didx)

    @pl.when(is_last & (c_id == 0))
    def _():
        pltpu.sync_copy(edges_hbm.at[0, pl.ds(cbase, 48)],
                        sidx.at[pl.ds(0, 48)])
        pltpu.sync_copy(edges_hbm.at[1, pl.ds(cbase, 48)],
                        didx.at[pl.ds(0, 48)])

    @pl.when(is_last & (c_id == 1))
    def _():
        pltpu.sync_copy(edges_hbm.at[0, pl.ds(cbase, 52)],
                        sidx.at[pl.ds(0, 52)])
        pltpu.sync_copy(edges_hbm.at[1, pl.ds(cbase, 52)],
                        didx.at[pl.ds(0, 52)])

    plsc.subcore_barrier()

    _ring_pipeline(g_hbm, sidx, didx, acc, half, (b0, b1, b2, b3),
                   (g0, g1, g2, g3), (s0, s1, s2, s3))
    plsc.subcore_barrier()

    pltpu.sync_copy(nodes_hbm.at[pl.ds(t * Q_PER_TILE, Q_PER_TILE)], nbuf)
    _zero_2d(qhr, Q_PER_TILE, GW)

    @pl.when(c_id == 0)
    def _():
        pltpu.async_copy(hr_hbm.at[nbuf], qhr, g0).wait()

    pltpu.async_copy(acc.at[nbuf], qsum, g0).wait()
    pltpu.async_copy(ivb_hbm.at[nbuf], qiv, g0).wait()

    def qrow(q, _):
        iv = qiv[q, pl.ds(0, 16)]
        for c in range(GW // 16):
            sl = pl.ds(c * 16, 16)
            qout[q, sl] = qsum[q, sl] * iv + qhr[q, sl]
        return 0

    lax.fori_loop(0, Q_PER_TILE, qrow, 0)
    pltpu.sync_copy(qout, out_hbm.at[c_id, pl.ds(t * Q_PER_TILE, Q_PER_TILE)])


_layer2 = functools.partial(
    pl.kernel, _layer2_kernel, mesh=_mesh,
    compiler_params=pltpu.CompilerParams(use_tc_tiling_on_sc=False),
    out_type=jax.ShapeDtypeStruct((NC, QP, GW), jnp.float32),
    scratch_types=[
        pltpu.VMEM((CHUNKS_PER_TILE // NC, CHUNK), jnp.int32),
        pltpu.VMEM((CHUNKS_PER_TILE // NC, CHUNK), jnp.int32),
        pltpu.VMEM((CHUNK, GW), jnp.float32),
        pltpu.VMEM((CHUNK, GW), jnp.float32),
        pltpu.VMEM((CHUNK, GW), jnp.float32),
        pltpu.VMEM((CHUNK, GW), jnp.float32),
        pltpu.VMEM((64, GW), jnp.float32),
        pltpu.VMEM((Q_PER_TILE,), jnp.int32),
        pltpu.VMEM((Q_PER_TILE, GW), jnp.float32),
        pltpu.VMEM((Q_PER_TILE, GW), jnp.float32),
        pltpu.VMEM((Q_PER_TILE, 16), jnp.float32),
        pltpu.VMEM((Q_PER_TILE, GW), jnp.float32),
        pltpu.VMEM_SHARED((NPAD, GW), jnp.float32),
        pltpu.SemaphoreType.DMA,
        pltpu.SemaphoreType.DMA,
        pltpu.SemaphoreType.DMA,
        pltpu.SemaphoreType.DMA,
        pltpu.SemaphoreType.DMA,
        pltpu.SemaphoreType.DMA,
        pltpu.SemaphoreType.DMA,
        pltpu.SemaphoreType.DMA,
    ])()


def kernel(emb, W_l1, b1, W_r1, W_l2, b2, W_r2, nodes, edge_index):
    edges3 = edge_index.astype(jnp.int32).reshape(2, NCHUNKS, CHUNK)
    nodesp = jnp.concatenate(
        [nodes.astype(jnp.int32), jnp.zeros((QP - B,), jnp.int32)])

    emb2 = jnp.concatenate([emb[:, :DH], emb[:, DH:]], axis=0)
    sum2, cnt2 = _seg_sum(emb2, edges3)

    wl2p = jnp.pad(W_l2, ((0, GW - C), (0, 0)))
    wr2p = jnp.pad(W_r2, ((0, GW - C), (0, 0)))
    b2p = jnp.pad(b2, (0, GW - C)).reshape(1, GW)
    g, hr, ivb = _dense(
        emb, sum2, cnt2.reshape(NC * N, 1),
        W_l1[:, :DH], W_l1[:, DH:], W_r1, b1.reshape(1, H), wl2p, wr2p, b2p)

    outq = _layer2(g, edges3, hr, ivb, nodesp)
    return (outq[0] + outq[1])[:B, :C]

# --- scband reference (transcript-rebuilt; emitter-appended) ---
"""Pipeline reference for scband-ceu-gnn-20349555048513 (READ-ONLY COPY).

The authoritative reference and input builder live on the scoring server;
editing this copy changes nothing except your own understanding.
"""

import jax, jax.numpy as jnp
import numpy as np

N = 10000   # num_nodes
D = 128     # embedding_size
H = 128     # hidden size
C = 40      # num_classes
E = 320000  # num edges
B = 1000    # query nodes


def setup_inputs(seed: int = 0) -> dict:
    key = jax.random.key(seed)
    ks = jax.random.split(key, 10)
    nodes = jax.random.randint(ks[0], (B,), 0, N)
    edge_index = jax.random.randint(ks[1], (2, E), 0, N)
    emb = jax.random.normal(ks[2], (N, D), dtype=jnp.float32) * 0.1
    W_l1 = jax.random.normal(ks[3], (H, D), dtype=jnp.float32) * 0.05
    W_r1 = jax.random.normal(ks[4], (H, D), dtype=jnp.float32) * 0.05
    b1 = jnp.zeros((H,), dtype=jnp.float32)
    W_l2 = jax.random.normal(ks[5], (C, H), dtype=jnp.float32) * 0.05
    W_r2 = jax.random.normal(ks[6], (C, H), dtype=jnp.float32) * 0.05
    b2 = jnp.zeros((C,), dtype=jnp.float32)
    return {"emb": emb, "W_l1": W_l1, "b1": b1, "W_r1": W_r1,
            "W_l2": W_l2, "b2": b2, "W_r2": W_r2,
            "nodes": nodes, "edge_index": edge_index}


def _sage_layer(x, edge_index, W_l, W_r, b, num_nodes):
    # PyG SAGEConv (aggr='mean'): out_i = W_l @ mean_{j in N(i)} x_j + b + W_r @ x_i
    src = edge_index[0]
    dst = edge_index[1]
    msg = jnp.take(x, src, axis=0)
    summed = jax.ops.segment_sum(msg, dst, num_segments=num_nodes)
    cnt = jax.ops.segment_sum(jnp.ones((msg.shape[0],), x.dtype), dst, num_segments=num_nodes)
    mean = summed / jnp.clip(cnt, 1.0)[:, None]
    return mean @ W_l.T + b + x @ W_r.T


def reference(emb, W_l1, b1, W_r1, W_l2, b2, W_r2, nodes, edge_index):
    # CEU_GNN.forward (eval mode, v=None, delta=None): x = embedding.weight,
    # relu(SAGE1(x, ei)), dropout(no-op in eval), SAGE2(x, ei), return x[nodes]
    x = emb
    x = jax.nn.relu(_sage_layer(x, edge_index, W_l1, W_r1, b1, N))
    x = _sage_layer(x, edge_index, W_l2, W_r2, b2, N)
    return x[nodes]

if __name__ == "__main__":
    import jax
    _d = setup_inputs()
    print(jax.jit(kernel)(*tuple(_d.values())))

</pallas_src>

<mosaic_0001>
#map = affine_map<(d0, d1) -> (0, 0)>
#map1 = affine_map<(d0, d1) -> (0, 0, 0)>
#map2 = affine_map<(d0, d1) -> (0)>
module attributes {stable_mosaic.version = 14 : i64} {
  func.func @_layer2_kernel(%arg0: i32, %arg1: i32, %arg2: memref<10000x64xf32, #tpu.memory_space<hbm>>, %arg3: memref<2x2500x128xi32, #tpu.memory_space<hbm>>, %arg4: memref<10000x64xf32, #tpu.memory_space<hbm>>, %arg5: memref<10000x16xf32, #tpu.memory_space<hbm>>, %arg6: memref<1024xi32, #tpu.memory_space<hbm>>, %arg7: memref<2x1024x64xf32, #tpu.memory_space<hbm>>, %arg8: memref<80x128xi32, #tpu.memory_space<vmem>>, %arg9: memref<80x128xi32, #tpu.memory_space<vmem>>, %arg10: memref<128x64xf32, #tpu.memory_space<vmem>>, %arg11: memref<128x64xf32, #tpu.memory_space<vmem>>, %arg12: memref<128x64xf32, #tpu.memory_space<vmem>>, %arg13: memref<128x64xf32, #tpu.memory_space<vmem>>, %arg14: memref<64x64xf32, #tpu.memory_space<vmem>>, %arg15: memref<64xi32, #tpu.memory_space<vmem>>, %arg16: memref<64x64xf32, #tpu.memory_space<vmem>>, %arg17: memref<64x64xf32, #tpu.memory_space<vmem>>, %arg18: memref<64x16xf32, #tpu.memory_space<vmem>>, %arg19: memref<64x64xf32, #tpu.memory_space<vmem>>, %arg20: memref<10240x64xf32, #tpu.memory_space<vmem_shared>>, %arg21: memref<!tpu.dma_semaphore, #tpu.memory_space<semaphore_mem>>, %arg22: memref<!tpu.dma_semaphore, #tpu.memory_space<semaphore_mem>>, %arg23: memref<!tpu.dma_semaphore, #tpu.memory_space<semaphore_mem>>, %arg24: memref<!tpu.dma_semaphore, #tpu.memory_space<semaphore_mem>>, %arg25: memref<!tpu.dma_semaphore, #tpu.memory_space<semaphore_mem>>, %arg26: memref<!tpu.dma_semaphore, #tpu.memory_space<semaphore_mem>>, %arg27: memref<!tpu.dma_semaphore, #tpu.memory_space<semaphore_mem>>, %arg28: memref<!tpu.dma_semaphore, #tpu.memory_space<semaphore_mem>>) attributes {dimension_semantics = [#tpu.dimension_semantics<core_parallel>, #tpu.dimension_semantics<subcore_parallel>], iteration_bounds = array<i64: 2, 16>, scalar_prefetch = 0 : i64, scratch_operands = 21 : i64, tpu.core_type = #tpu.core_type<sc_vector_subcore>, window_params = [{transform_indices = #map}, {transform_indices = #map1}, {transform_indices = #map}, {transform_indices = #map}, {transform_indices = #map2}, {transform_indices = #map1}]} {
    %mul3A = arith.constant 640 : i32
    %mul3A_0 = arith.muli %arg1, %mul3A : i32
    %eq3A = arith.constant 15 : i32
    %eq3A_1 = arith.cmpi eq, %arg1, %eq3A : i32
    %eq3A_2 = arith.constant 0 : i32
    %eq3A_3 = arith.cmpi eq, %arg0, %eq3A_2 : i32
    %jit3A = arith.constant 48 : i32
    %jit3A_4 = arith.constant 52 : i32
    %select_n3A = arith.select %eq3A_3, %jit3A, %jit3A_4 : i32
    %jit3A_5 = arith.constant 80 : i32
    %select_n3A_6 = arith.select %eq3A_1, %select_n3A, %jit3A_5 : i32
    %mul3A_7 = arith.constant 160 : i32
    %mul3A_8 = arith.muli %arg1, %mul3A_7 : i32
    %jit3A_9 = arith.constant 48 : i32
    %jit3A_10 = arith.constant 80 : i32
    %select_n3A_11 = arith.select %eq3A_1, %jit3A_9, %jit3A_10 : i32
    %mul3A_12 = arith.muli %arg0, %select_n3A_11 : i32
    %add3A = arith.addi %mul3A_8, %mul3A_12 : i32
    %scan3A = arith.constant 0 : i32
    %scan3A_13 = arith.constant 0 : i32
    %scan3A_14 = arith.constant 64 : i32
    %scan3A_15 = arith.addi %scan3A_13, %scan3A_14 : i32
    %scan3A_16 = arith.constant 1 : i32
    %scan3A_17 = scf.for %scan3A_144 = %scan3A_13 to %scan3A_15 step %scan3A_16 iter_args(%scan3A_145 = %scan3A) -> (i32)  : i32 {
      %broadcast_in_dim3A = arith.constant 0.000000e+00 : f32
      %broadcast_in_dim3A_146 = vector.broadcast %broadcast_in_dim3A : f32 to vector<16xf32>
      %swap3A = arith.index_cast %scan3A_144 : i32 to index
      %swap3A_147 = arith.constant 0 : index
      %swap3A_148 = tpu.vector_load %arg14[%swap3A, %swap3A_147] {strides = array<i32>} : memref<64x64xf32, #tpu.memory_space<vmem>>, vector<1x16xf32>,
      %swap3A_149 = vector.shape_cast %swap3A_148 : vector<1x16xf32> to vector<16xf32>
      %swap3A_150 = vector.shape_cast %broadcast_in_dim3A_146 : vector<16xf32> to vector<1x16xf32>
      tpu.vector_store %arg14[%swap3A, %swap3A_147], %swap3A_150 {strides = array<i32>} : memref<64x64xf32, #tpu.memory_space<vmem>>, vector<1x16xf32>,
      %broadcast_in_dim3A_151 = arith.constant 0.000000e+00 : f32
      %broadcast_in_dim3A_152 = vector.broadcast %broadcast_in_dim3A_151 : f32 to vector<16xf32>
      %swap3A_153 = arith.index_cast %scan3A_144 : i32 to index
      %swap3A_154 = arith.constant 16 : index
      %swap3A_155 = tpu.vector_load %arg14[%swap3A_153, %swap3A_154] {strides = array<i32>} : memref<64x64xf32, #tpu.memory_space<vmem>>, vector<1x16xf32>,
      %swap3A_156 = vector.shape_cast %swap3A_155 : vector<1x16xf32> to vector<16xf32>
      %swap3A_157 = vector.shape_cast %broadcast_in_dim3A_152 : vector<16xf32> to vector<1x16xf32>
      tpu.vector_store %arg14[%swap3A_153, %swap3A_154], %swap3A_157 {strides = array<i32>} : memref<64x64xf32, #tpu.memory_space<vmem>>, vector<1x16xf32>,
      %broadcast_in_dim3A_158 = arith.constant 0.000000e+00 : f32
      %broadcast_in_dim3A_159 = vector.broadcast %broadcast_in_dim3A_158 : f32 to vector<16xf32>
      %swap3A_160 = arith.index_cast %scan3A_144 : i32 to index
      %swap3A_161 = arith.constant 32 : index
      %swap3A_162 = tpu.vector_load %arg14[%swap3A_160, %swap3A_161] {strides = array<i32>} : memref<64x64xf32, #tpu.memory_space<vmem>>, vector<1x16xf32>,
      %swap3A_163 = vector.shape_cast %swap3A_162 : vector<1x16xf32> to vector<16xf32>
      %swap3A_164 = vector.shape_cast %broadcast_in_dim3A_159 : vector<16xf32> to vector<1x16xf32>
      tpu.vector_store %arg14[%swap3A_160, %swap3A_161], %swap3A_164 {strides = array<i32>} : memref<64x64xf32, #tpu.memory_space<vmem>>, vector<1x16xf32>,
      %broadcast_in_dim3A_165 = arith.constant 0.000000e+00 : f32
      %broadcast_in_dim3A_166 = vector.broadcast %broadcast_in_dim3A_165 : f32 to vector<16xf32>
      %swap3A_167 = arith.index_cast %scan3A_144 : i32 to index
      %swap3A_168 = arith.constant 48 : index
      %swap3A_169 = tpu.vector_load %arg14[%swap3A_167, %swap3A_168] {strides = array<i32>} : memref<64x64xf32, #tpu.memory_space<vmem>>, vector<1x16xf32>,
      %swap3A_170 = vector.shape_cast %swap3A_169 : vector<1x16xf32> to vector<16xf32>
      %swap3A_171 = vector.shape_cast %broadcast_in_dim3A_166 : vector<16xf32> to vector<1x16xf32>
      tpu.vector_store %arg14[%swap3A_167, %swap3A_168], %swap3A_171 {strides = array<i32>} : memref<64x64xf32, #tpu.memory_space<vmem>>, vector<1x16xf32>,
      %scan3A_172 = arith.constant 0 : i32
      scf.yield %scan3A_172 : i32
    }
    %scan3A_18 = arith.constant 64 : i32
    %add3A_19 = arith.constant 0 : i32
    %add3A_20 = arith.addi %mul3A_0, %add3A_19 : i32
    "tpu.region"() ({
      %run_scoped3A = tpu.sem_alloc : memref<!tpu.dma_semaphore, #tpu.memory_space<semaphore_mem>>
      %dma_start3A_144 = arith.constant 0 : i32
      %dma_start3A_145 = tpu.memref_slice %arg20[%add3A_20, %dma_start3A_144] : memref<10240x64xf32, #tpu.memory_space<vmem_shared>> -> memref<64x64xf32, #tpu.memory_space<vmem_shared>>
      %dma_start3A_146 = arith.constant 0 : i32
      %dma_start3A_147 = tpu.memref_slice %arg20[%add3A_20, %dma_start3A_146] : memref<10240x64xf32, #tpu.memory_space<vmem_shared>> -> memref<64x64xf32, #tpu.memory_space<vmem_shared>>
      tpu.enqueue_dma source(%arg14 : memref<64x64xf32, #tpu.memory_space<vmem>>) target(%dma_start3A_147 : memref<64x64xf32, #tpu.memory_space<vmem_shared>>) target_semaphore(%run_scoped3A : memref<!tpu.dma_semaphore, #tpu.memory_space<semaphore_mem>>)
      %dma_wait3A_148 = arith.constant 0 : i32
      %dma_wait3A_149 = tpu.memref_slice %arg20[%add3A_20, %dma_wait3A_148] : memref<10240x64xf32, #tpu.memory_space<vmem_shared>> -> memref<64x64xf32, #tpu.memory_space<vmem_shared>>
      %dma_wait3A_150 = arith.constant 0 : i32
      %dma_wait3A_151 = tpu.memref_slice %arg20[%add3A_20, %dma_wait3A_150] : memref<10240x64xf32, #tpu.memory_space<vmem_shared>> -> memref<64x64xf32, #tpu.memory_space<vmem_shared>>
      tpu.wait_dma2 semaphore(%run_scoped3A : memref<!tpu.dma_semaphore, #tpu.memory_space<semaphore_mem>>) src(%arg14 : memref<64x64xf32, #tpu.memory_space<vmem>>) dst(%dma_wait3A_151 : memref<64x64xf32, #tpu.memory_space<vmem_shared>>)
      tpu.yield
    }) : () -> ()
    %add3A_21 = arith.constant 64 : i32
    %add3A_22 = arith.addi %mul3A_0, %add3A_21 : i32
    "tpu.region"() ({
      %run_scoped3A = tpu.sem_alloc : memref<!tpu.dma_semaphore, #tpu.memory_space<semaphore_mem>>
      %dma_start3A_144 = arith.constant 0 : i32
      %dma_start3A_145 = tpu.memref_slice %arg20[%add3A_22, %dma_start3A_144] : memref<10240x64xf32, #tpu.memory_space<vmem_shared>> -> memref<64x64xf32, #tpu.memory_space<vmem_shared>>
      %dma_start3A_146 = arith.constant 0 : i32
      %dma_start3A_147 = tpu.memref_slice %arg20[%add3A_22, %dma_start3A_146] : memref<10240x64xf32, #tpu.memory_space<vmem_shared>> -> memref<64x64xf32, #tpu.memory_space<vmem_shared>>
      tpu.enqueue_dma source(%arg14 : memref<64x64xf32, #tpu.memory_space<vmem>>) target(%dma_start3A_147 : memref<64x64xf32, #tpu.memory_space<vmem_shared>>) target_semaphore(%run_scoped3A : memref<!tpu.dma_semaphore, #tpu.memory_space<semaphore_mem>>)
      %dma_wait3A_148 = arith.constant 0 : i32
      %dma_wait3A_149 = tpu.memref_slice %arg20[%add3A_22, %dma_wait3A_148] : memref<10240x64xf32, #tpu.memory_space<vmem_shared>> -> memref<64x64xf32, #tpu.memory_space<vmem_shared>>
      %dma_wait3A_150 = arith.constant 0 : i32
      %dma_wait3A_151 = tpu.memref_slice %arg20[%add3A_22, %dma_wait3A_150] : memref<10240x64xf32, #tpu.memory_space<vmem_shared>> -> memref<64x64xf32, #tpu.memory_space<vmem_shared>>
      tpu.wait_dma2 semaphore(%run_scoped3A : memref<!tpu.dma_semaphore, #tpu.memory_space<semaphore_mem>>) src(%arg14 : memref<64x64xf32, #tpu.memory_space<vmem>>) dst(%dma_wait3A_151 : memref<64x64xf32, #tpu.memory_space<vmem_shared>>)
      tpu.yield
    }) : () -> ()
    %add3A_23 = arith.constant 128 : i32
    %add3A_24 = arith.addi %mul3A_0, %add3A_23 : i32
    "tpu.region"() ({
      %run_scoped3A = tpu.sem_alloc : memref<!tpu.dma_semaphore, #tpu.memory_space<semaphore_mem>>
      %dma_start3A_144 = arith.constant 0 : i32
      %dma_start3A_145 = tpu.memref_slice %arg20[%add3A_24, %dma_start3A_144] : memref<10240x64xf32, #tpu.memory_space<vmem_shared>> -> memref<64x64xf32, #tpu.memory_space<vmem_shared>>
      %dma_start3A_146 = arith.constant 0 : i32
      %dma_start3A_147 = tpu.memref_slice %arg20[%add3A_24, %dma_start3A_146] : memref<10240x64xf32, #tpu.memory_space<vmem_shared>> -> memref<64x64xf32, #tpu.memory_space<vmem_shared>>
      tpu.enqueue_dma source(%arg14 : memref<64x64xf32, #tpu.memory_space<vmem>>) target(%dma_start3A_147 : memref<64x64xf32, #tpu.memory_space<vmem_shared>>) target_semaphore(%run_scoped3A : memref<!tpu.dma_semaphore, #tpu.memory_space<semaphore_mem>>)
      %dma_wait3A_148 = arith.constant 0 : i32
      %dma_wait3A_149 = tpu.memref_slice %arg20[%add3A_24, %dma_wait3A_148] : memref<10240x64xf32, #tpu.memory_space<vmem_shared>> -> memref<64x64xf32, #tpu.memory_space<vmem_shared>>
      %dma_wait3A_150 = arith.constant 0 : i32
      %dma_wait3A_151 = tpu.memref_slice %arg20[%add3A_24, %dma_wait3A_150] : memref<10240x64xf32, #tpu.memory_space<vmem_shared>> -> memref<64x64xf32, #tpu.memory_space<vmem_shared>>
      tpu.wait_dma2 semaphore(%run_scoped3A : memref<!tpu.dma_semaphore, #tpu.memory_space<semaphore_mem>>) src(%arg14 : memref<64x64xf32, #tpu.memory_space<vmem>>) dst(%dma_wait3A_151 : memref<64x64xf32, #tpu.memory_space<vmem_shared>>)
      tpu.yield
    }) : () -> ()
    %add3A_25 = arith.constant 192 : i32
    %add3A_26 = arith.addi %mul3A_0, %add3A_25 : i32
    "tpu.region"() ({
      %run_scoped3A = tpu.sem_alloc : memref<!tpu.dma_semaphore, #tpu.memory_space<semaphore_mem>>
      %dma_start3A_144 = arith.constant 0 : i32
      %dma_start3A_145 = tpu.memref_slice %arg20[%add3A_26, %dma_start3A_144] : memref<10240x64xf32, #tpu.memory_space<vmem_shared>> -> memref<64x64xf32, #tpu.memory_space<vmem_shared>>
      %dma_start3A_146 = arith.constant 0 : i32
      %dma_start3A_147 = tpu.memref_slice %arg20[%add3A_26, %dma_start3A_146] : memref<10240x64xf32, #tpu.memory_space<vmem_shared>> -> memref<64x64xf32, #tpu.memory_space<vmem_shared>>
      tpu.enqueue_dma source(%arg14 : memref<64x64xf32, #tpu.memory_space<vmem>>) target(%dma_start3A_147 : memref<64x64xf32, #tpu.memory_space<vmem_shared>>) target_semaphore(%run_scoped3A : memref<!tpu.dma_semaphore, #tpu.memory_space<semaphore_mem>>)
      %dma_wait3A_148 = arith.constant 0 : i32
      %dma_wait3A_149 = tpu.memref_slice %arg20[%add3A_26, %dma_wait3A_148] : memref<10240x64xf32, #tpu.memory_space<vmem_shared>> -> memref<64x64xf32, #tpu.memory_space<vmem_shared>>
      %dma_wait3A_150 = arith.constant 0 : i32
      %dma_wait3A_151 = tpu.memref_slice %arg20[%add3A_26, %dma_wait3A_150] : memref<10240x64xf32, #tpu.memory_space<vmem_shared>> -> memref<64x64xf32, #tpu.memory_space<vmem_shared>>
      tpu.wait_dma2 semaphore(%run_scoped3A : memref<!tpu.dma_semaphore, #tpu.memory_space<semaphore_mem>>) src(%arg14 : memref<64x64xf32, #tpu.memory_space<vmem>>) dst(%dma_wait3A_151 : memref<64x64xf32, #tpu.memory_space<vmem_shared>>)
      tpu.yield
    }) : () -> ()
    %add3A_27 = arith.constant 256 : i32
    %add3A_28 = arith.addi %mul3A_0, %add3A_27 : i32
    "tpu.region"() ({
      %run_scoped3A = tpu.sem_alloc : memref<!tpu.dma_semaphore, #tpu.memory_space<semaphore_mem>>
      %dma_start3A_144 = arith.constant 0 : i32
      %dma_start3A_145 = tpu.memref_slice %arg20[%add3A_28, %dma_start3A_144] : memref<10240x64xf32, #tpu.memory_space<vmem_shared>> -> memref<64x64xf32, #tpu.memory_space<vmem_shared>>
      %dma_start3A_146 = arith.constant 0 : i32
      %dma_start3A_147 = tpu.memref_slice %arg20[%add3A_28, %dma_start3A_146] : memref<10240x64xf32, #tpu.memory_space<vmem_shared>> -> memref<64x64xf32, #tpu.memory_space<vmem_shared>>
      tpu.enqueue_dma source(%arg14 : memref<64x64xf32, #tpu.memory_space<vmem>>) target(%dma_start3A_147 : memref<64x64xf32, #tpu.memory_space<vmem_shared>>) target_semaphore(%run_scoped3A : memref<!tpu.dma_semaphore, #tpu.memory_space<semaphore_mem>>)
      %dma_wait3A_148 = arith.constant 0 : i32
      %dma_wait3A_149 = tpu.memref_slice %arg20[%add3A_28, %dma_wait3A_148] : memref<10240x64xf32, #tpu.memory_space<vmem_shared>> -> memref<64x64xf32, #tpu.memory_space<vmem_shared>>
      %dma_wait3A_150 = arith.constant 0 : i32
      %dma_wait3A_151 = tpu.memref_slice %arg20[%add3A_28, %dma_wait3A_150] : memref<10240x64xf32, #tpu.memory_space<vmem_shared>> -> memref<64x64xf32, #tpu.memory_space<vmem_shared>>
      tpu.wait_dma2 semaphore(%run_scoped3A : memref<!tpu.dma_semaphore, #tpu.memory_space<semaphore_mem>>) src(%arg14 : memref<64x64xf32, #tpu.memory_space<vmem>>) dst(%dma_wait3A_151 : memref<64x64xf32, #tpu.memory_space<vmem_shared>>)
      tpu.yield
    }) : () -> ()
    %add3A_29 = arith.constant 320 : i32
    %add3A_30 = arith.addi %mul3A_0, %add3A_29 : i32
    "tpu.region"() ({
      %run_scoped3A = tpu.sem_alloc : memref<!tpu.dma_semaphore, #tpu.memory_space<semaphore_mem>>
      %dma_start3A_144 = arith.constant 0 : i32
      %dma_start3A_145 = tpu.memref_slice %arg20[%add3A_30, %dma_start3A_144] : memref<10240x64xf32, #tpu.memory_space<vmem_shared>> -> memref<64x64xf32, #tpu.memory_space<vmem_shared>>
      %dma_start3A_146 = arith.constant 0 : i32
      %dma_start3A_147 = tpu.memref_slice %arg20[%add3A_30, %dma_start3A_146] : memref<10240x64xf32, #tpu.memory_space<vmem_shared>> -> memref<64x64xf32, #tpu.memory_space<vmem_shared>>
      tpu.enqueue_dma source(%arg14 : memref<64x64xf32, #tpu.memory_space<vmem>>) target(%dma_start3A_147 : memref<64x64xf32, #tpu.memory_space<vmem_shared>>) target_semaphore(%run_scoped3A : memref<!tpu.dma_semaphore, #tpu.memory_space<semaphore_mem>>)
      %dma_wait3A_148 = arith.constant 0 : i32
      %dma_wait3A_149 = tpu.memref_slice %arg20[%add3A_30, %dma_wait3A_148] : memref<10240x64xf32, #tpu.memory_space<vmem_shared>> -> memref<64x64xf32, #tpu.memory_space<vmem_shared>>
      %dma_wait3A_150 = arith.constant 0 : i32
      %dma_wait3A_151 = tpu.memref_slice %arg20[%add3A_30, %dma_wait3A_150] : memref<10240x64xf32, #tpu.memory_space<vmem_shared>> -> memref<64x64xf32, #tpu.memory_space<vmem_shared>>
      tpu.wait_dma2 semaphore(%run_scoped3A : memref<!tpu.dma_semaphore, #tpu.memory_space<semaphore_mem>>) src(%arg14 : memref<64x64xf32, #tpu.memory_space<vmem>>) dst(%dma_wait3A_151 : memref<64x64xf32, #tpu.memory_space<vmem_shared>>)
      tpu.yield
    }) : () -> ()
    %add3A_31 = arith.constant 384 : i32
    %add3A_32 = arith.addi %mul3A_0, %add3A_31 : i32
    "tpu.region"() ({
      %run_scoped3A = tpu.sem_alloc : memref<!tpu.dma_semaphore, #tpu.memory_space<semaphore_mem>>
      %dma_start3A_144 = arith.constant 0 : i32
      %dma_start3A_145 = tpu.memref_slice %arg20[%add3A_32, %dma_start3A_144] : memref<10240x64xf32, #tpu.memory_space<vmem_shared>> -> memref<64x64xf32, #tpu.memory_space<vmem_shared>>
      %dma_start3A_146 = arith.constant 0 : i32
      %dma_start3A_147 = tpu.memref_slice %arg20[%add3A_32, %dma_start3A_146] : memref<10240x64xf32, #tpu.memory_space<vmem_shared>> -> memref<64x64xf32, #tpu.memory_space<vmem_shared>>
      tpu.enqueue_dma source(%arg14 : memref<64x64xf32, #tpu.memory_space<vmem>>) target(%dma_start3A_147 : memref<64x64xf32, #tpu.memory_space<vmem_shared>>) target_semaphore(%run_scoped3A : memref<!tpu.dma_semaphore, #tpu.memory_space<semaphore_mem>>)
      %dma_wait3A_148 = arith.constant 0 : i32
      %dma_wait3A_149 = tpu.memref_slice %arg20[%add3A_32, %dma_wait3A_148] : memref<10240x64xf32, #tpu.memory_space<vmem_shared>> -> memref<64x64xf32, #tpu.memory_space<vmem_shared>>
      %dma_wait3A_150 = arith.constant 0 : i32
      %dma_wait3A_151 = tpu.memref_slice %arg20[%add3A_32, %dma_wait3A_150] : memref<10240x64xf32, #tpu.memory_space<vmem_shared>> -> memref<64x64xf32, #tpu.memory_space<vmem_shared>>
      tpu.wait_dma2 semaphore(%run_scoped3A : memref<!tpu.dma_semaphore, #tpu.memory_space<semaphore_mem>>) src(%arg14 : memref<64x64xf32, #tpu.memory_space<vmem>>) dst(%dma_wait3A_151 : memref<64x64xf32, #tpu.memory_space<vmem_shared>>)
      tpu.yield
    }) : () -> ()
    %add3A_33 = arith.constant 448 : i32
    %add3A_34 = arith.addi %mul3A_0, %add3A_33 : i32
    "tpu.region"() ({
      %run_scoped3A = tpu.sem_alloc : memref<!tpu.dma_semaphore, #tpu.memory_space<semaphore_mem>>
      %dma_start3A_144 = arith.constant 0 : i32
      %dma_start3A_145 = tpu.memref_slice %arg20[%add3A_34, %dma_start3A_144] : memref<10240x64xf32, #tpu.memory_space<vmem_shared>> -> memref<64x64xf32, #tpu.memory_space<vmem_shared>>
      %dma_start3A_146 = arith.constant 0 : i32
      %dma_start3A_147 = tpu.memref_slice %arg20[%add3A_34, %dma_start3A_146] : memref<10240x64xf32, #tpu.memory_space<vmem_shared>> -> memref<64x64xf32, #tpu.memory_space<vmem_shared>>
      tpu.enqueue_dma source(%arg14 : memref<64x64xf32, #tpu.memory_space<vmem>>) target(%dma_start3A_147 : memref<64x64xf32, #tpu.memory_space<vmem_shared>>) target_semaphore(%run_scoped3A : memref<!tpu.dma_semaphore, #tpu.memory_space<semaphore_mem>>)
      %dma_wait3A_148 = arith.constant 0 : i32
      %dma_wait3A_149 = tpu.memref_slice %arg20[%add3A_34, %dma_wait3A_148] : memref<10240x64xf32, #tpu.memory_space<vmem_shared>> -> memref<64x64xf32, #tpu.memory_space<vmem_shared>>
      %dma_wait3A_150 = arith.constant 0 : i32
      %dma_wait3A_151 = tpu.memref_slice %arg20[%add3A_34, %dma_wait3A_150] : memref<10240x64xf32, #tpu.memory_space<vmem_shared>> -> memref<64x64xf32, #tpu.memory_space<vmem_shared>>
      tpu.wait_dma2 semaphore(%run_scoped3A : memref<!tpu.dma_semaphore, #tpu.memory_space<semaphore_mem>>) src(%arg14 : memref<64x64xf32, #tpu.memory_space<vmem>>) dst(%dma_wait3A_151 : memref<64x64xf32, #tpu.memory_space<vmem_shared>>)
      tpu.yield
    }) : () -> ()
    %add3A_35 = arith.constant 512 : i32
    %add3A_36 = arith.addi %mul3A_0, %add3A_35 : i32
    "tpu.region"() ({
      %run_scoped3A = tpu.sem_alloc : memref<!tpu.dma_semaphore, #tpu.memory_space<semaphore_mem>>
      %dma_start3A_144 = arith.constant 0 : i32
      %dma_start3A_145 = tpu.memref_slice %arg20[%add3A_36, %dma_start3A_144] : memref<10240x64xf32, #tpu.memory_space<vmem_shared>> -> memref<64x64xf32, #tpu.memory_space<vmem_shared>>
      %dma_start3A_146 = arith.constant 0 : i32
      %dma_start3A_147 = tpu.memref_slice %arg20[%add3A_36, %dma_start3A_146] : memref<10240x64xf32, #tpu.memory_space<vmem_shared>> -> memref<64x64xf32, #tpu.memory_space<vmem_shared>>
      tpu.enqueue_dma source(%arg14 : memref<64x64xf32, #tpu.memory_space<vmem>>) target(%dma_start3A_147 : memref<64x64xf32, #tpu.memory_space<vmem_shared>>) target_semaphore(%run_scoped3A : memref<!tpu.dma_semaphore, #tpu.memory_space<semaphore_mem>>)
      %dma_wait3A_148 = arith.constant 0 : i32
      %dma_wait3A_149 = tpu.memref_slice %arg20[%add3A_36, %dma_wait3A_148] : memref<10240x64xf32, #tpu.memory_space<vmem_shared>> -> memref<64x64xf32, #tpu.memory_space<vmem_shared>>
      %dma_wait3A_150 = arith.constant 0 : i32
      %dma_wait3A_151 = tpu.memref_slice %arg20[%add3A_36, %dma_wait3A_150] : memref<10240x64xf32, #tpu.memory_space<vmem_shared>> -> memref<64x64xf32, #tpu.memory_space<vmem_shared>>
      tpu.wait_dma2 semaphore(%run_scoped3A : memref<!tpu.dma_semaphore, #tpu.memory_space<semaphore_mem>>) src(%arg14 : memref<64x64xf32, #tpu.memory_space<vmem>>) dst(%dma_wait3A_151 : memref<64x64xf32, #tpu.memory_space<vmem_shared>>)
      tpu.yield
    }) : () -> ()
    %add3A_37 = arith.constant 576 : i32
    %add3A_38 = arith.addi %mul3A_0, %add3A_37 : i32
    "tpu.region"() ({
      %run_scoped3A = tpu.sem_alloc : memref<!tpu.dma_semaphore, #tpu.memory_space<semaphore_mem>>
      %dma_start3A_144 = arith.constant 0 : i32
      %dma_start3A_145 = tpu.memref_slice %arg20[%add3A_38, %dma_start3A_144] : memref<10240x64xf32, #tpu.memory_space<vmem_shared>> -> memref<64x64xf32, #tpu.memory_space<vmem_shared>>
      %dma_start3A_146 = arith.constant 0 : i32
      %dma_start3A_147 = tpu.memref_slice %arg20[%add3A_38, %dma_start3A_146] : memref<10240x64xf32, #tpu.memory_space<vmem_shared>> -> memref<64x64xf32, #tpu.memory_space<vmem_shared>>
      tpu.enqueue_dma source(%arg14 : memref<64x64xf32, #tpu.memory_space<vmem>>) target(%dma_start3A_147 : memref<64x64xf32, #tpu.memory_space<vmem_shared>>) target_semaphore(%run_scoped3A : memref<!tpu.dma_semaphore, #tpu.memory_space<semaphore_mem>>)
      %dma_wait3A_148 = arith.constant 0 : i32
      %dma_wait3A_149 = tpu.memref_slice %arg20[%add3A_38, %dma_wait3A_148] : memref<10240x64xf32, #tpu.memory_space<vmem_shared>> -> memref<64x64xf32, #tpu.memory_space<vmem_shared>>
      %dma_wait3A_150 = arith.constant 0 : i32
      %dma_wait3A_151 = tpu.memref_slice %arg20[%add3A_38, %dma_wait3A_150] : memref<10240x64xf32, #tpu.memory_space<vmem_shared>> -> memref<64x64xf32, #tpu.memory_space<vmem_shared>>
      tpu.wait_dma2 semaphore(%run_scoped3A : memref<!tpu.dma_semaphore, #tpu.memory_space<semaphore_mem>>) src(%arg14 : memref<64x64xf32, #tpu.memory_space<vmem>>) dst(%dma_wait3A_151 : memref<64x64xf32, #tpu.memory_space<vmem_shared>>)
      tpu.yield
    }) : () -> ()
    %not3A = arith.constant true
    %not3A_39 = arith.xori %eq3A_1, %not3A : i1
    %convert_element_type3A = arith.extui %not3A_39 : i1 to i32
    %cond3A = arith.constant 0 : i32
    %cond3A_40 = arith.cmpi ne, %convert_element_type3A, %cond3A : i32
    scf.if %cond3A_40 {
      %run_scoped3A = arith.constant 0 : i32
      "tpu.region"() ({
        %run_scoped3A_145 = tpu.sem_alloc : memref<!tpu.dma_semaphore, #tpu.memory_space<semaphore_mem>>
        %dma_start3A_146 = arith.constant 0 : i32
        %dma_start3A_147 = tpu.memref_slice %arg3[%run_scoped3A, %add3A, %dma_start3A_146] : memref<2x2500x128xi32, #tpu.memory_space<hbm>> -> memref<1x80x128xi32, #tpu.memory_space<hbm>>
        %dma_start3A_148 = tpu.memref_squeeze %dma_start3A_147 : memref<1x80x128xi32, #tpu.memory_space<hbm>> -> memref<80x128xi32, #tpu.memory_space<hbm>>
        %dma_start3A_149 = arith.constant 0 : i32
        %dma_start3A_150 = tpu.memref_slice %arg3[%run_scoped3A, %add3A, %dma_start3A_149] : memref<2x2500x128xi32, #tpu.memory_space<hbm>> -> memref<1x80x128xi32, #tpu.memory_space<hbm>>
        %dma_start3A_151 = tpu.memref_squeeze %dma_start3A_150 : memref<1x80x128xi32, #tpu.memory_space<hbm>> -> memref<80x128xi32, #tpu.memory_space<hbm>>
        tpu.enqueue_dma source(%dma_start3A_151 : memref<80x128xi32, #tpu.memory_space<hbm>>) target(%arg8 : memref<80x128xi32, #tpu.memory_space<vmem>>) target_semaphore(%run_scoped3A_145 : memref<!tpu.dma_semaphore, #tpu.memory_space<semaphore_mem>>)
        %dma_wait3A_152 = arith.constant 0 : i32
        %dma_wait3A_153 = tpu.memref_slice %arg3[%run_scoped3A, %add3A, %dma_wait3A_152] : memref<2x2500x128xi32, #tpu.memory_space<hbm>> -> memref<1x80x128xi32, #tpu.memory_space<hbm>>
        %dma_wait3A_154 = tpu.memref_squeeze %dma_wait3A_153 : memref<1x80x128xi32, #tpu.memory_space<hbm>> -> memref<80x128xi32, #tpu.memory_space<hbm>>
        %dma_wait3A_155 = arith.constant 0 : i32
        %dma_wait3A_156 = tpu.memref_slice %arg3[%run_scoped3A, %add3A, %dma_wait3A_155] : memref<2x2500x128xi32, #tpu.memory_space<hbm>> -> memref<1x80x128xi32, #tpu.memory_space<hbm>>
        %dma_wait3A_157 = tpu.memref_squeeze %dma_wait3A_156 : memref<1x80x128xi32, #tpu.memory_space<hbm>> -> memref<80x128xi32, #tpu.memory_space<hbm>>
        tpu.wait_dma2 semaphore(%run_scoped3A_145 : memref<!tpu.dma_semaphore, #tpu.memory_space<semaphore_mem>>) src(%dma_wait3A_157 : memref<80x128xi32, #tpu.memory_space<hbm>>) dst(%arg8 : memref<80x128xi32, #tpu.memory_space<vmem>>)
        tpu.yield
      }) : () -> ()
      %run_scoped3A_144 = arith.constant 1 : i32
      "tpu.region"() ({
        %run_scoped3A_145 = tpu.sem_alloc : memref<!tpu.dma_semaphore, #tpu.memory_space<semaphore_mem>>
        %dma_start3A_146 = arith.constant 0 : i32
        %dma_start3A_147 = tpu.memref_slice %arg3[%run_scoped3A_144, %add3A, %dma_start3A_146] : memref<2x2500x128xi32, #tpu.memory_space<hbm>> -> memref<1x80x128xi32, #tpu.memory_space<hbm>>
        %dma_start3A_148 = tpu.memref_squeeze %dma_start3A_147 : memref<1x80x128xi32, #tpu.memory_space<hbm>> -> memref<80x128xi32, #tpu.memory_space<hbm>>
        %dma_start3A_149 = arith.constant 0 : i32
        %dma_start3A_150 = tpu.memref_slice %arg3[%run_scoped3A_144, %add3A, %dma_start3A_149] : memref<2x2500x128xi32, #tpu.memory_space<hbm>> -> memref<1x80x128xi32, #tpu.memory_space<hbm>>
        %dma_start3A_151 = tpu.memref_squeeze %dma_start3A_150 : memref<1x80x128xi32, #tpu.memory_space<hbm>> -> memref<80x128xi32, #tpu.memory_space<hbm>>
        tpu.enqueue_dma source(%dma_start3A_151 : memref<80x128xi32, #tpu.memory_space<hbm>>) target(%arg9 : memref<80x128xi32, #tpu.memory_space<vmem>>) target_semaphore(%run_scoped3A_145 : memref<!tpu.dma_semaphore, #tpu.memory_space<semaphore_mem>>)
        %dma_wait3A_152 = arith.constant 0 : i32
        %dma_wait3A_153 = tpu.memref_slice %arg3[%run_scoped3A_144, %add3A, %dma_wait3A_152] : memref<2x2500x128xi32, #tpu.memory_space<hbm>> -> memref<1x80x128xi32, #tpu.memory_space<hbm>>
        %dma_wait3A_154 = tpu.memref_squeeze %dma_wait3A_153 : memref<1x80x128xi32, #tpu.memory_space<hbm>> -> memref<80x128xi32, #tpu.memory_space<hbm>>
        %dma_wait3A_155 = arith.constant 0 : i32
        %dma_wait3A_156 = tpu.memref_slice %arg3[%run_scoped3A_144, %add3A, %dma_wait3A_155] : memref<2x2500x128xi32, #tpu.memory_space<hbm>> -> memref<1x80x128xi32, #tpu.memory_space<hbm>>
        %dma_wait3A_157 = tpu.memref_squeeze %dma_wait3A_156 : memref<1x80x128xi32, #tpu.memory_space<hbm>> -> memref<80x128xi32, #tpu.memory_space<hbm>>
        tpu.wait_dma2 semaphore(%run_scoped3A_145 : memref<!tpu.dma_semaphore, #tpu.memory_space<semaphore_mem>>) src(%dma_wait3A_157 : memref<80x128xi32, #tpu.memory_space<hbm>>) dst(%arg9 : memref<80x128xi32, #tpu.memory_space<vmem>>)
        tpu.yield
      }) : () -> ()
    } else {
    }
    %eq3A_41 = arith.constant 0 : i32
    %eq3A_42 = arith.cmpi eq, %arg0, %eq3A_41 : i32
    %and3A = arith.andi %eq3A_1, %eq3A_42 : i1
    %convert_element_type3A_43 = arith.extui %and3A : i1 to i32
    %cond3A_44 = arith.constant 0 : i32
    %cond3A_45 = arith.cmpi ne, %convert_element_type3A_43, %cond3A_44 : i32
    scf.if %cond3A_45 {
      %run_scoped3A = arith.constant 0 : i32
      "tpu.region"() ({
        %run_scoped3A_145 = tpu.sem_alloc : memref<!tpu.dma_semaphore, #tpu.memory_space<semaphore_mem>>
        %dma_start3A_146 = arith.constant 0 : i32
        %dma_start3A_147 = arith.constant 0 : i32
        %dma_start3A_148 = tpu.memref_slice %arg8[%dma_start3A_146, %dma_start3A_147] : memref<80x128xi32, #tpu.memory_space<vmem>> -> memref<48x128xi32, #tpu.memory_space<vmem>>
        %dma_start3A_149 = arith.constant 0 : i32
        %dma_start3A_150 = tpu.memref_slice %arg3[%run_scoped3A, %add3A, %dma_start3A_149] : memref<2x2500x128xi32, #tpu.memory_space<hbm>> -> memref<1x48x128xi32, #tpu.memory_space<hbm>>
        %dma_start3A_151 = tpu.memref_squeeze %dma_start3A_150 : memref<1x48x128xi32, #tpu.memory_space<hbm>> -> memref<48x128xi32, #tpu.memory_space<hbm>>
        %dma_start3A_152 = arith.constant 0 : i32
        %dma_start3A_153 = arith.constant 0 : i32
        %dma_start3A_154 = tpu.memref_slice %arg8[%dma_start3A_152, %dma_start3A_153] : memref<80x128xi32, #tpu.memory_space<vmem>> -> memref<48x128xi32, #tpu.memory_space<vmem>>
        %dma_start3A_155 = arith.constant 0 : i32
        %dma_start3A_156 = tpu.memref_slice %arg3[%run_scoped3A, %add3A, %dma_start3A_155] : memref<2x2500x128xi32, #tpu.memory_space<hbm>> -> memref<1x48x128xi32, #tpu.memory_space<hbm>>
        %dma_start3A_157 = tpu.memref_squeeze %dma_start3A_156 : memref<1x48x128xi32, #tpu.memory_space<hbm>> -> memref<48x128xi32, #tpu.memory_space<hbm>>
        tpu.enqueue_dma source(%dma_start3A_157 : memref<48x128xi32, #tpu.memory_space<hbm>>) target(%dma_start3A_154 : memref<48x128xi32, #tpu.memory_space<vmem>>) target_semaphore(%run_scoped3A_145 : memref<!tpu.dma_semaphore, #tpu.memory_space<semaphore_mem>>)
        %dma_wait3A_158 = arith.constant 0 : i32
        %dma_wait3A_159 = arith.constant 0 : i32
        %dma_wait3A_160 = tpu.memref_slice %arg8[%dma_wait3A_158, %dma_wait3A_159] : memref<80x128xi32, #tpu.memory_space<vmem>> -> memref<48x128xi32, #tpu.memory_space<vmem>>
        %dma_wait3A_161 = arith.constant 0 : i32
        %dma_wait3A_162 = tpu.memref_slice %arg3[%run_scoped3A, %add3A, %dma_wait3A_161] : memref<2x2500x128xi32, #tpu.memory_space<hbm>> -> memref<1x48x128xi32, #tpu.memory_space<hbm>>
        %dma_wait3A_163 = tpu.memref_squeeze %dma_wait3A_162 : memref<1x48x128xi32, #tpu.memory_space<hbm>> -> memref<48x128xi32, #tpu.memory_space<hbm>>
        %dma_wait3A_164 = arith.constant 0 : i32
        %dma_wait3A_165 = arith.constant 0 : i32
        %dma_wait3A_166 = tpu.memref_slice %arg8[%dma_wait3A_164, %dma_wait3A_165] : memref<80x128xi32, #tpu.memory_space<vmem>> -> memref<48x128xi32, #tpu.memory_space<vmem>>
        %dma_wait3A_167 = arith.constant 0 : i32
        %dma_wait3A_168 = tpu.memref_slice %arg3[%run_scoped3A, %add3A, %dma_wait3A_167] : memref<2x2500x128xi32, #tpu.memory_space<hbm>> -> memref<1x48x128xi32, #tpu.memory_space<hbm>>
        %dma_wait3A_169 = tpu.memref_squeeze %dma_wait3A_168 : memref<1x48x128xi32, #tpu.memory_space<hbm>> -> memref<48x128xi32, #tpu.memory_space<hbm>>
        tpu.wait_dma2 semaphore(%run_scoped3A_145 : memref<!tpu.dma_semaphore, #tpu.memory_space<semaphore_mem>>) src(%dma_wait3A_169 : memref<48x128xi32, #tpu.memory_space<hbm>>) dst(%dma_wait3A_166 : memref<48x128xi32, #tpu.memory_space<vmem>>)
        tpu.yield
      }) : () -> ()
      %run_scoped3A_144 = arith.constant 1 : i32
      "tpu.region"() ({
        %run_scoped3A_145 = tpu.sem_alloc : memref<!tpu.dma_semaphore, #tpu.memory_space<semaphore_mem>>
        %dma_start3A_146 = arith.constant 0 : i32
        %dma_start3A_147 = arith.constant 0 : i32
        %dma_start3A_148 = tpu.memref_slice %arg9[%dma_start3A_146, %dma_start3A_147] : memref<80x128xi32, #tpu.memory_space<vmem>> -> memref<48x128xi32, #tpu.memory_space<vmem>>
        %dma_start3A_149 = arith.constant 0 : i32
        %dma_start3A_150 = tpu.memref_slice %arg3[%run_scoped3A_144, %add3A, %dma_start3A_149] : memref<2x2500x128xi32, #tpu.memory_space<hbm>> -> memref<1x48x128xi32, #tpu.memory_space<hbm>>
        %dma_start3A_151 = tpu.memref_squeeze %dma_start3A_150 : memref<1x48x128xi32, #tpu.memory_space<hbm>> -> memref<48x128xi32, #tpu.memory_space<hbm>>
        %dma_start3A_152 = arith.constant 0 : i32
        %dma_start3A_153 = arith.constant 0 : i32
        %dma_start3A_154 = tpu.memref_slice %arg9[%dma_start3A_152, %dma_start3A_153] : memref<80x128xi32, #tpu.memory_space<vmem>> -> memref<48x128xi32, #tpu.memory_space<vmem>>
        %dma_start3A_155 = arith.constant 0 : i32
        %dma_start3A_156 = tpu.memref_slice %arg3[%run_scoped3A_144, %add3A, %dma_start3A_155] : memref<2x2500x128xi32, #tpu.memory_space<hbm>> -> memref<1x48x128xi32, #tpu.memory_space<hbm>>
        %dma_start3A_157 = tpu.memref_squeeze %dma_start3A_156 : memref<1x48x128xi32, #tpu.memory_space<hbm>> -> memref<48x128xi32, #tpu.memory_space<hbm>>
        tpu.enqueue_dma source(%dma_start3A_157 : memref<48x128xi32, #tpu.memory_space<hbm>>) target(%dma_start3A_154 : memref<48x128xi32, #tpu.memory_space<vmem>>) target_semaphore(%run_scoped3A_145 : memref<!tpu.dma_semaphore, #tpu.memory_space<semaphore_mem>>)
        %dma_wait3A_158 = arith.constant 0 : i32
        %dma_wait3A_159 = arith.constant 0 : i32
        %dma_wait3A_160 = tpu.memref_slice %arg9[%dma_wait3A_158, %dma_wait3A_159] : memref<80x128xi32, #tpu.memory_space<vmem>> -> memref<48x128xi32, #tpu.memory_space<vmem>>
        %dma_wait3A_161 = arith.constant 0 : i32
        %dma_wait3A_162 = tpu.memref_slice %arg3[%run_scoped3A_144, %add3A, %dma_wait3A_161] : memref<2x2500x128xi32, #tpu.memory_space<hbm>> -> memref<1x48x128xi32, #tpu.memory_space<hbm>>
        %dma_wait3A_163 = tpu.memref_squeeze %dma_wait3A_162 : memref<1x48x128xi32, #tpu.memory_space<hbm>> -> memref<48x128xi32, #tpu.memory_space<hbm>>
        %dma_wait3A_164 = arith.constant 0 : i32
        %dma_wait3A_165 = arith.constant 0 : i32
        %dma_wait3A_166 = tpu.memref_slice %arg9[%dma_wait3A_164, %dma_wait3A_165] : memref<80x128xi32, #tpu.memory_space<vmem>> -> memref<48x128xi32, #tpu.memory_space<vmem>>
        %dma_wait3A_167 = arith.constant 0 : i32
        %dma_wait3A_168 = tpu.memref_slice %arg3[%run_scoped3A_144, %add3A, %dma_wait3A_167] : memref<2x2500x128xi32, #tpu.memory_space<hbm>> -> memref<1x48x128xi32, #tpu.memory_space<hbm>>
        %dma_wait3A_169 = tpu.memref_squeeze %dma_wait3A_168 : memref<1x48x128xi32, #tpu.memory_space<hbm>> -> memref<48x128xi32, #tpu.memory_space<hbm>>
        tpu.wait_dma2 semaphore(%run_scoped3A_145 : memref<!tpu.dma_semaphore, #tpu.memory_space<semaphore_mem>>) src(%dma_wait3A_169 : memref<48x128xi32, #tpu.memory_space<hbm>>) dst(%dma_wait3A_166 : memref<48x128xi32, #tpu.memory_space<vmem>>)
        tpu.yield
      }) : () -> ()
    } else {
    }
    %eq3A_46 = arith.constant 1 : i32
    %eq3A_47 = arith.cmpi eq, %arg0, %eq3A_46 : i32
    %and3A_48 = arith.andi %eq3A_1, %eq3A_47 : i1
    %convert_element_type3A_49 = arith.extui %and3A_48 : i1 to i32
    %cond3A_50 = arith.constant 0 : i32
    %cond3A_51 = arith.cmpi ne, %convert_element_type3A_49, %cond3A_50 : i32
    scf.if %cond3A_51 {
      %run_scoped3A = arith.constant 0 : i32
      "tpu.region"() ({
        %run_scoped3A_145 = tpu.sem_alloc : memref<!tpu.dma_semaphore, #tpu.memory_space<semaphore_mem>>
        %dma_start3A_146 = arith.constant 0 : i32
        %dma_start3A_147 = arith.constant 0 : i32
        %dma_start3A_148 = tpu.memref_slice %arg8[%dma_start3A_146, %dma_start3A_147] : memref<80x128xi32, #tpu.memory_space<vmem>> -> memref<52x128xi32, #tpu.memory_space<vmem>>
        %dma_start3A_149 = arith.constant 0 : i32
        %dma_start3A_150 = tpu.memref_slice %arg3[%run_scoped3A, %add3A, %dma_start3A_149] : memref<2x2500x128xi32, #tpu.memory_space<hbm>> -> memref<1x52x128xi32, #tpu.memory_space<hbm>>
        %dma_start3A_151 = tpu.memref_squeeze %dma_start3A_150 : memref<1x52x128xi32, #tpu.memory_space<hbm>> -> memref<52x128xi32, #tpu.memory_space<hbm>>
        %dma_start3A_152 = arith.constant 0 : i32
        %dma_start3A_153 = arith.constant 0 : i32
        %dma_start3A_154 = tpu.memref_slice %arg8[%dma_start3A_152, %dma_start3A_153] : memref<80x128xi32, #tpu.memory_space<vmem>> -> memref<52x128xi32, #tpu.memory_space<vmem>>
        %dma_start3A_155 = arith.constant 0 : i32
        %dma_start3A_156 = tpu.memref_slice %arg3[%run_scoped3A, %add3A, %dma_start3A_155] : memref<2x2500x128xi32, #tpu.memory_space<hbm>> -> memref<1x52x128xi32, #tpu.memory_space<hbm>>
        %dma_start3A_157 = tpu.memref_squeeze %dma_start3A_156 : memref<1x52x128xi32, #tpu.memory_space<hbm>> -> memref<52x128xi32, #tpu.memory_space<hbm>>
        tpu.enqueue_dma source(%dma_start3A_157 : memref<52x128xi32, #tpu.memory_space<hbm>>) target(%dma_start3A_154 : memref<52x128xi32, #tpu.memory_space<vmem>>) target_semaphore(%run_scoped3A_145 : memref<!tpu.dma_semaphore, #tpu.memory_space<semaphore_mem>>)
        %dma_wait3A_158 = arith.constant 0 : i32
        %dma_wait3A_159 = arith.constant 0 : i32
        %dma_wait3A_160 = tpu.memref_slice %arg8[%dma_wait3A_158, %dma_wait3A_159] : memref<80x128xi32, #tpu.memory_space<vmem>> -> memref<52x128xi32, #tpu.memory_space<vmem>>
        %dma_wait3A_161 = arith.constant 0 : i32
        %dma_wait3A_162 = tpu.memref_slice %arg3[%run_scoped3A, %add3A, %dma_wait3A_161] : memref<2x2500x128xi32, #tpu.memory_space<hbm>> -> memref<1x52x128xi32, #tpu.memory_space<hbm>>
        %dma_wait3A_163 = tpu.memref_squeeze %dma_wait3A_162 : memref<1x52x128xi32, #tpu.memory_space<hbm>> -> memref<52x128xi32, #tpu.memory_space<hbm>>
        %dma_wait3A_164 = arith.constant 0 : i32
        %dma_wait3A_165 = arith.constant 0 : i32
        %dma_wait3A_166 = tpu.memref_slice %arg8[%dma_wait3A_164, %dma_wait3A_165] : memref<80x128xi32, #tpu.memory_space<vmem>> -> memref<52x128xi32, #tpu.memory_space<vmem>>
        %dma_wait3A_167 = arith.constant 0 : i32
        %dma_wait3A_168 = tpu.memref_slice %arg3[%run_scoped3A, %add3A, %dma_wait3A_167] : memref<2x2500x128xi32, #tpu.memory_space<hbm>> -> memref<1x52x128xi32, #tpu.memory_space<hbm>>
        %dma_wait3A_169 = tpu.memref_squeeze %dma_wait3A_168 : memref<1x52x128xi32, #tpu.memory_space<hbm>> -> memref<52x128xi32, #tpu.memory_space<hbm>>
        tpu.wait_dma2 semaphore(%run_scoped3A_145 : memref<!tpu.dma_semaphore, #tpu.memory_space<semaphore_mem>>) src(%dma_wait3A_169 : memref<52x128xi32, #tpu.memory_space<hbm>>) dst(%dma_wait3A_166 : memref<52x128xi32, #tpu.memory_space<vmem>>)
        tpu.yield
      }) : () -> ()
      %run_scoped3A_144 = arith.constant 1 : i32
      "tpu.region"() ({
        %run_scoped3A_145 = tpu.sem_alloc : memref<!tpu.dma_semaphore, #tpu.memory_space<semaphore_mem>>
        %dma_start3A_146 = arith.constant 0 : i32
        %dma_start3A_147 = arith.constant 0 : i32
        %dma_start3A_148 = tpu.memref_slice %arg9[%dma_start3A_146, %dma_start3A_147] : memref<80x128xi32, #tpu.memory_space<vmem>> -> memref<52x128xi32, #tpu.memory_space<vmem>>
        %dma_start3A_149 = arith.constant 0 : i32
        %dma_start3A_150 = tpu.memref_slice %arg3[%run_scoped3A_144, %add3A, %dma_start3A_149] : memref<2x2500x128xi32, #tpu.memory_space<hbm>> -> memref<1x52x128xi32, #tpu.memory_space<hbm>>
        %dma_start3A_151 = tpu.memref_squeeze %dma_start3A_150 : memref<1x52x128xi32, #tpu.memory_space<hbm>> -> memref<52x128xi32, #tpu.memory_space<hbm>>
        %dma_start3A_152 = arith.constant 0 : i32
        %dma_start3A_153 = arith.constant 0 : i32
        %dma_start3A_154 = tpu.memref_slice %arg9[%dma_start3A_152, %dma_start3A_153] : memref<80x128xi32, #tpu.memory_space<vmem>> -> memref<52x128xi32, #tpu.memory_space<vmem>>
        %dma_start3A_155 = arith.constant 0 : i32
        %dma_start3A_156 = tpu.memref_slice %arg3[%run_scoped3A_144, %add3A, %dma_start3A_155] : memref<2x2500x128xi32, #tpu.memory_space<hbm>> -> memref<1x52x128xi32, #tpu.memory_space<hbm>>
        %dma_start3A_157 = tpu.memref_squeeze %dma_start3A_156 : memref<1x52x128xi32, #tpu.memory_space<hbm>> -> memref<52x128xi32, #tpu.memory_space<hbm>>
        tpu.enqueue_dma source(%dma_start3A_157 : memref<52x128xi32, #tpu.memory_space<hbm>>) target(%dma_start3A_154 : memref<52x128xi32, #tpu.memory_space<vmem>>) target_semaphore(%run_scoped3A_145 : memref<!tpu.dma_semaphore, #tpu.memory_space<semaphore_mem>>)
        %dma_wait3A_158 = arith.constant 0 : i32
        %dma_wait3A_159 = arith.constant 0 : i32
        %dma_wait3A_160 = tpu.memref_slice %arg9[%dma_wait3A_158, %dma_wait3A_159] : memref<80x128xi32, #tpu.memory_space<vmem>> -> memref<52x128xi32, #tpu.memory_space<vmem>>
        %dma_wait3A_161 = arith.constant 0 : i32
        %dma_wait3A_162 = tpu.memref_slice %arg3[%run_scoped3A_144, %add3A, %dma_wait3A_161] : memref<2x2500x128xi32, #tpu.memory_space<hbm>> -> memref<1x52x128xi32, #tpu.memory_space<hbm>>
        %dma_wait3A_163 = tpu.memref_squeeze %dma_wait3A_162 : memref<1x52x128xi32, #tpu.memory_space<hbm>> -> memref<52x128xi32, #tpu.memory_space<hbm>>
        %dma_wait3A_164 = arith.constant 0 : i32
        %dma_wait3A_165 = arith.constant 0 : i32
        %dma_wait3A_166 = tpu.memref_slice %arg9[%dma_wait3A_164, %dma_wait3A_165] : memref<80x128xi32, #tpu.memory_space<vmem>> -> memref<52x128xi32, #tpu.memory_space<vmem>>
        %dma_wait3A_167 = arith.constant 0 : i32
        %dma_wait3A_168 = tpu.memref_slice %arg3[%run_scoped3A_144, %add3A, %dma_wait3A_167] : memref<2x2500x128xi32, #tpu.memory_space<hbm>> -> memref<1x52x128xi32, #tpu.memory_space<hbm>>
        %dma_wait3A_169 = tpu.memref_squeeze %dma_wait3A_168 : memref<1x52x128xi32, #tpu.memory_space<hbm>> -> memref<52x128xi32, #tpu.memory_space<hbm>>
        tpu.wait_dma2 semaphore(%run_scoped3A_145 : memref<!tpu.dma_semaphore, #tpu.memory_space<semaphore_mem>>) src(%dma_wait3A_169 : memref<52x128xi32, #tpu.memory_space<hbm>>) dst(%dma_wait3A_166 : memref<52x128xi32, #tpu.memory_space<vmem>>)
        tpu.yield
      }) : () -> ()
    } else {
    }
    %barrier3A = arith.constant 0 : index
    tpu.barrier barrier_id(%barrier3A)
    %dma_start3A = arith.constant 0 : i32
    %dma_start3A_52 = arith.constant 0 : i32
    %dma_start3A_53 = tpu.memref_slice %arg8[%dma_start3A, %dma_start3A_52] : memref<80x128xi32, #tpu.memory_space<vmem>> -> memref<1x128xi32, #tpu.memory_space<vmem>>
    %dma_start3A_54 = tpu.memref_squeeze %dma_start3A_53 : memref<1x128xi32, #tpu.memory_space<vmem>> -> memref<128xi32, #tpu.memory_space<vmem>>
    %dma_start3A_55 = arith.constant 0 : i32
    %dma_start3A_56 = arith.constant 0 : i32
    %dma_start3A_57 = tpu.memref_slice %arg2[%dma_start3A_55, %dma_start3A_56] : memref<10000x64xf32, #tpu.memory_space<hbm>> -> memref<10000x64xf32, #tpu.memory_space<hbm>>
    tpu.enqueue_indirect_dma source(%dma_start3A_57 : memref<10000x64xf32, #tpu.memory_space<hbm>>) target(%arg10 : memref<128x64xf32, #tpu.memory_space<vmem>>) offsets(%dma_start3A_54 : memref<128xi32, #tpu.memory_space<vmem>>) semaphore(%arg21 : memref<!tpu.dma_semaphore, #tpu.memory_space<semaphore_mem>>)
    %dma_start3A_58 = arith.constant 1 : i32
    %dma_start3A_59 = arith.constant 0 : i32
    %dma_start3A_60 = tpu.memref_slice %arg8[%dma_start3A_58, %dma_start3A_59] : memref<80x128xi32, #tpu.memory_space<vmem>> -> memref<1x128xi32, #tpu.memory_space<vmem>>
    %dma_start3A_61 = tpu.memref_squeeze %dma_start3A_60 : memref<1x128xi32, #tpu.memory_space<vmem>> -> memref<128xi32, #tpu.memory_space<vmem>>
    %dma_start3A_62 = arith.constant 0 : i32
    %dma_start3A_63 = arith.constant 0 : i32
    %dma_start3A_64 = tpu.memref_slice %arg2[%dma_start3A_62, %dma_start3A_63] : memref<10000x64xf32, #tpu.memory_space<hbm>> -> memref<10000x64xf32, #tpu.memory_space<hbm>>
    tpu.enqueue_indirect_dma source(%dma_start3A_64 : memref<10000x64xf32, #tpu.memory_space<hbm>>) target(%arg11 : memref<128x64xf32, #tpu.memory_space<vmem>>) offsets(%dma_start3A_61 : memref<128xi32, #tpu.memory_space<vmem>>) semaphore(%arg22 : memref<!tpu.dma_semaphore, #tpu.memory_space<semaphore_mem>>)
    %jit3A_65 = arith.constant 4 : i32
    %div3A = arith.divsi %select_n3A_6, %jit3A_65 : i32
    %sign3A = arith.constant 0 : i32
    %sign3A_66 = arith.cmpi sgt, %select_n3A_6, %sign3A : i32
    %sign3A_67 = arith.extui %sign3A_66 : i1 to i32
    %sign3A_68 = arith.constant 0 : i32
    %sign3A_69 = arith.cmpi slt, %select_n3A_6, %sign3A_68 : i32
    %sign3A_70 = arith.extui %sign3A_69 : i1 to i32
    %sign3A_71 = arith.subi %sign3A_67, %sign3A_70 : i32
    %sign3A_72 = arith.constant 0 : i32
    %sign3A_73 = arith.cmpi sgt, %jit3A_65, %sign3A_72 : i32
    %sign3A_74 = arith.extui %sign3A_73 : i1 to i32
    %sign3A_75 = arith.constant 0 : i32
    %sign3A_76 = arith.cmpi slt, %jit3A_65, %sign3A_75 : i32
    %sign3A_77 = arith.extui %sign3A_76 : i1 to i32
    %sign3A_78 = arith.subi %sign3A_74, %sign3A_77 : i32
    %ne3A = arith.cmpi ne, %sign3A_71, %sign3A_78 : i32
    %rem3A = arith.remsi %select_n3A_6, %jit3A_65 : i32
    %ne3A_79 = arith.constant 0 : i32
    %ne3A_80 = arith.cmpi ne, %rem3A, %ne3A_79 : i32
    %and3A_81 = arith.andi %ne3A, %ne3A_80 : i1
    %sub3A = arith.constant 1 : i32
    %sub3A_82 = arith.subi %div3A, %sub3A : i32
    %select_n3A_83 = arith.select %and3A_81, %sub3A_82, %div3A : i32
    %while3A = arith.constant 0 : i32
    %while3A_84 = arith.constant 0 : i32
    %while3A_85 = arith.subi %select_n3A_83, %while3A : i32
    %while3A_86 = arith.addi %while3A, %while3A_85 : i32
    %while3A_87 = arith.constant 1 : i32
    %while3A_88 = arith.divsi %while3A_85, %while3A_87 : i32
    %while3A_89 = arith.muli %while3A_88, %while3A_87 : i32
    %while3A_90 = arith.addi %while3A, %while3A_89 : i32
    %while3A_91 = arith.constant 1 : i32
    %while3A_92 = scf.for %while3A_144 = %while3A to %while3A_90 step %while3A_91 iter_args(%while3A_145 = %while3A_84) -> (i32)  : i32 {
      %mul3A_146 = arith.constant 4 : i32
      %mul3A_147 = arith.muli %mul3A_146, %while3A_144 : i32
      %add3A_148 = arith.constant 0 : i32
      %add3A_149 = arith.addi %mul3A_147, %add3A_148 : i32
      %dma_wait3A_150 = arith.constant 0 : i32
      %dma_wait3A_151 = tpu.memref_slice %arg8[%add3A_149, %dma_wait3A_150] : memref<80x128xi32, #tpu.memory_space<vmem>> -> memref<1x128xi32, #tpu.memory_space<vmem>>
      %dma_wait3A_152 = tpu.memref_squeeze %dma_wait3A_151 : memref<1x128xi32, #tpu.memory_space<vmem>> -> memref<128xi32, #tpu.memory_space<vmem>>
      %dma_wait3A_153 = arith.constant 0 : i32
      %dma_wait3A_154 = arith.constant 0 : i32
      %dma_wait3A_155 = tpu.memref_slice %arg2[%dma_wait3A_153, %dma_wait3A_154] : memref<10000x64xf32, #tpu.memory_space<hbm>> -> memref<10000x64xf32, #tpu.memory_space<hbm>>
      tpu.wait_indirect_dma semaphore(%arg21 : memref<!tpu.dma_semaphore, #tpu.memory_space<semaphore_mem>>) src(%dma_wait3A_155 : memref<10000x64xf32, #tpu.memory_space<hbm>>) dst(%arg10 : memref<128x64xf32, #tpu.memory_space<vmem>>)
      %dma_start3A_156 = arith.constant 0 : i32
      %dma_start3A_157 = tpu.memref_slice %arg9[%add3A_149, %dma_start3A_156] : memref<80x128xi32, #tpu.memory_space<vmem>> -> memref<1x128xi32, #tpu.memory_space<vmem>>
      %dma_start3A_158 = tpu.memref_squeeze %dma_start3A_157 : memref<1x128xi32, #tpu.memory_space<vmem>> -> memref<128xi32, #tpu.memory_space<vmem>>
      %dma_start3A_159 = arith.constant 0 : i32
      %dma_start3A_160 = arith.constant 0 : i32
      %dma_start3A_161 = tpu.memref_slice %arg20[%dma_start3A_159, %dma_start3A_160] : memref<10240x64xf32, #tpu.memory_space<vmem_shared>> -> memref<10240x64xf32, #tpu.memory_space<vmem_shared>>
      tpu.enqueue_indirect_dma source(%arg10 : memref<128x64xf32, #tpu.memory_space<vmem>>) target(%dma_start3A_161 : memref<10240x64xf32, #tpu.memory_space<vmem_shared>>) offsets(%dma_start3A_158 : memref<128xi32, #tpu.memory_space<vmem>>) semaphore(%arg25 : memref<!tpu.dma_semaphore, #tpu.memory_space<semaphore_mem>>) {add = true}
      %add3A_162 = arith.constant 2 : i32
      %add3A_163 = arith.addi %add3A_149, %add3A_162 : i32
      %lt3A = arith.cmpi slt, %add3A_163, %select_n3A_6 : i32
      %convert_element_type3A_164 = arith.extui %lt3A : i1 to i32
      %cond3A_165 = arith.constant 0 : i32
      %cond3A_166 = arith.cmpi ne, %convert_element_type3A_164, %cond3A_165 : i32
      scf.if %cond3A_166 {
        %ge3A = arith.constant 2 : i32
        %ge3A_234 = arith.cmpi sge, %add3A_149, %ge3A : i32
        %convert_element_type3A_235 = arith.extui %ge3A_234 : i1 to i32
        %cond3A_236 = arith.constant 0 : i32
        %cond3A_237 = arith.cmpi ne, %convert_element_type3A_235, %cond3A_236 : i32
        scf.if %cond3A_237 {
          %dma_wait3A_244 = arith.constant 0 : i32
          %dma_wait3A_245 = arith.constant 0 : i32
          %dma_wait3A_246 = tpu.memref_slice %arg9[%dma_wait3A_244, %dma_wait3A_245] : memref<80x128xi32, #tpu.memory_space<vmem>> -> memref<1x128xi32, #tpu.memory_space<vmem>>
          %dma_wait3A_247 = tpu.memref_squeeze %dma_wait3A_246 : memref<1x128xi32, #tpu.memory_space<vmem>> -> memref<128xi32, #tpu.memory_space<vmem>>
          %dma_wait3A_248 = arith.constant 0 : i32
          %dma_wait3A_249 = arith.constant 0 : i32
          %dma_wait3A_250 = tpu.memref_slice %arg20[%dma_wait3A_248, %dma_wait3A_249] : memref<10240x64xf32, #tpu.memory_space<vmem_shared>> -> memref<10240x64xf32, #tpu.memory_space<vmem_shared>>
          tpu.wait_indirect_dma semaphore(%arg27 : memref<!tpu.dma_semaphore, #tpu.memory_space<semaphore_mem>>) src(%arg12 : memref<128x64xf32, #tpu.memory_space<vmem>>) dst(%dma_wait3A_250 : memref<10240x64xf32, #tpu.memory_space<vmem_shared>>)
        } else {
        }
        %dma_start3A_238 = arith.constant 0 : i32
        %dma_start3A_239 = tpu.memref_slice %arg8[%add3A_163, %dma_start3A_238] : memref<80x128xi32, #tpu.memory_space<vmem>> -> memref<1x128xi32, #tpu.memory_space<vmem>>
        %dma_start3A_240 = tpu.memref_squeeze %dma_start3A_239 : memref<1x128xi32, #tpu.memory_space<vmem>> -> memref<128xi32, #tpu.memory_space<vmem>>
        %dma_start3A_241 = arith.constant 0 : i32
        %dma_start3A_242 = arith.constant 0 : i32
        %dma_start3A_243 = tpu.memref_slice %arg2[%dma_start3A_241, %dma_start3A_242] : memref<10000x64xf32, #tpu.memory_space<hbm>> -> memref<10000x64xf32, #tpu.memory_space<hbm>>
        tpu.enqueue_indirect_dma source(%dma_start3A_243 : memref<10000x64xf32, #tpu.memory_space<hbm>>) target(%arg12 : memref<128x64xf32, #tpu.memory_space<vmem>>) offsets(%dma_start3A_240 : memref<128xi32, #tpu.memory_space<vmem>>) semaphore(%arg23 : memref<!tpu.dma_semaphore, #tpu.memory_space<semaphore_mem>>)
      } else {
      }
      %mul3A_167 = arith.constant 4 : i32
      %mul3A_168 = arith.muli %mul3A_167, %while3A_144 : i32
      %add3A_169 = arith.constant 1 : i32
      %add3A_170 = arith.addi %mul3A_168, %add3A_169 : i32
      %dma_wait3A_171 = arith.constant 0 : i32
      %dma_wait3A_172 = tpu.memref_slice %arg8[%add3A_170, %dma_wait3A_171] : memref<80x128xi32, #tpu.memory_space<vmem>> -> memref<1x128xi32, #tpu.memory_space<vmem>>
      %dma_wait3A_173 = tpu.memref_squeeze %dma_wait3A_172 : memref<1x128xi32, #tpu.memory_space<vmem>> -> memref<128xi32, #tpu.memory_space<vmem>>
      %dma_wait3A_174 = arith.constant 0 : i32
      %dma_wait3A_175 = arith.constant 0 : i32
      %dma_wait3A_176 = tpu.memref_slice %arg2[%dma_wait3A_174, %dma_wait3A_175] : memref<10000x64xf32, #tpu.memory_space<hbm>> -> memref<10000x64xf32, #tpu.memory_space<hbm>>
      tpu.wait_indirect_dma semaphore(%arg22 : memref<!tpu.dma_semaphore, #tpu.memory_space<semaphore_mem>>) src(%dma_wait3A_176 : memref<10000x64xf32, #tpu.memory_space<hbm>>) dst(%arg11 : memref<128x64xf32, #tpu.memory_space<vmem>>)
      %dma_start3A_177 = arith.constant 0 : i32
      %dma_start3A_178 = tpu.memref_slice %arg9[%add3A_170, %dma_start3A_177] : memref<80x128xi32, #tpu.memory_space<vmem>> -> memref<1x128xi32, #tpu.memory_space<vmem>>
      %dma_start3A_179 = tpu.memref_squeeze %dma_start3A_178 : memref<1x128xi32, #tpu.memory_space<vmem>> -> memref<128xi32, #tpu.memory_space<vmem>>
      %dma_start3A_180 = arith.constant 0 : i32
      %dma_start3A_181 = arith.constant 0 : i32
      %dma_start3A_182 = tpu.memref_slice %arg20[%dma_start3A_180, %dma_start3A_181] : memref<10240x64xf32, #tpu.memory_space<vmem_shared>> -> memref<10240x64xf32, #tpu.memory_space<vmem_shared>>
      tpu.enqueue_indirect_dma source(%arg11 : memref<128x64xf32, #tpu.memory_space<vmem>>) target(%dma_start3A_182 : memref<10240x64xf32, #tpu.memory_space<vmem_shared>>) offsets(%dma_start3A_179 : memref<128xi32, #tpu.memory_space<vmem>>) semaphore(%arg26 : memref<!tpu.dma_semaphore, #tpu.memory_space<semaphore_mem>>) {add = true}
      %add3A_183 = arith.constant 2 : i32
      %add3A_184 = arith.addi %add3A_170, %add3A_183 : i32
      %lt3A_185 = arith.cmpi slt, %add3A_184, %select_n3A_6 : i32
      %convert_element_type3A_186 = arith.extui %lt3A_185 : i1 to i32
      %cond3A_187 = arith.constant 0 : i32
      %cond3A_188 = arith.cmpi ne, %convert_element_type3A_186, %cond3A_187 : i32
      scf.if %cond3A_188 {
        %ge3A = arith.constant 2 : i32
        %ge3A_234 = arith.cmpi sge, %add3A_170, %ge3A : i32
        %convert_element_type3A_235 = arith.extui %ge3A_234 : i1 to i32
        %cond3A_236 = arith.constant 0 : i32
        %cond3A_237 = arith.cmpi ne, %convert_element_type3A_235, %cond3A_236 : i32
        scf.if %cond3A_237 {
          %dma_wait3A_244 = arith.constant 0 : i32
          %dma_wait3A_245 = arith.constant 0 : i32
          %dma_wait3A_246 = tpu.memref_slice %arg9[%dma_wait3A_244, %dma_wait3A_245] : memref<80x128xi32, #tpu.memory_space<vmem>> -> memref<1x128xi32, #tpu.memory_space<vmem>>
          %dma_wait3A_247 = tpu.memref_squeeze %dma_wait3A_246 : memref<1x128xi32, #tpu.memory_space<vmem>> -> memref<128xi32, #tpu.memory_space<vmem>>
          %dma_wait3A_248 = arith.constant 0 : i32
          %dma_wait3A_249 = arith.constant 0 : i32
          %dma_wait3A_250 = tpu.memref_slice %arg20[%dma_wait3A_248, %dma_wait3A_249] : memref<10240x64xf32, #tpu.memory_space<vmem_shared>> -> memref<10240x64xf32, #tpu.memory_space<vmem_shared>>
          tpu.wait_indirect_dma semaphore(%arg28 : memref<!tpu.dma_semaphore, #tpu.memory_space<semaphore_mem>>) src(%arg13 : memref<128x64xf32, #tpu.memory_space<vmem>>) dst(%dma_wait3A_250 : memref<10240x64xf32, #tpu.memory_space<vmem_shared>>)
        } else {
        }
        %dma_start3A_238 = arith.constant 0 : i32
        %dma_start3A_239 = tpu.memref_slice %arg8[%add3A_184, %dma_start3A_238] : memref<80x128xi32, #tpu.memory_space<vmem>> -> memref<1x128xi32, #tpu.memory_space<vmem>>
        %dma_start3A_240 = tpu.memref_squeeze %dma_start3A_239 : memref<1x128xi32, #tpu.memory_space<vmem>> -> memref<128xi32, #tpu.memory_space<vmem>>
        %dma_start3A_241 = arith.constant 0 : i32
        %dma_start3A_242 = arith.constant 0 : i32
        %dma_start3A_243 = tpu.memref_slice %arg2[%dma_start3A_241, %dma_start3A_242] : memref<10000x64xf32, #tpu.memory_space<hbm>> -> memref<10000x64xf32, #tpu.memory_space<hbm>>
        tpu.enqueue_indirect_dma source(%dma_start3A_243 : memref<10000x64xf32, #tpu.memory_space<hbm>>) target(%arg13 : memref<128x64xf32, #tpu.memory_space<vmem>>) offsets(%dma_start3A_240 : memref<128xi32, #tpu.memory_space<vmem>>) semaphore(%arg24 : memref<!tpu.dma_semaphore, #tpu.memory_space<semaphore_mem>>)
      } else {
      }
      %mul3A_189 = arith.constant 4 : i32
      %mul3A_190 = arith.muli %mul3A_189, %while3A_144 : i32
      %add3A_191 = arith.constant 2 : i32
      %add3A_192 = arith.addi %mul3A_190, %add3A_191 : i32
      %dma_wait3A_193 = arith.constant 0 : i32
      %dma_wait3A_194 = tpu.memref_slice %arg8[%add3A_192, %dma_wait3A_193] : memref<80x128xi32, #tpu.memory_space<vmem>> -> memref<1x128xi32, #tpu.memory_space<vmem>>
      %dma_wait3A_195 = tpu.memref_squeeze %dma_wait3A_194 : memref<1x128xi32, #tpu.memory_space<vmem>> -> memref<128xi32, #tpu.memory_space<vmem>>
      %dma_wait3A_196 = arith.constant 0 : i32
      %dma_wait3A_197 = arith.constant 0 : i32
      %dma_wait3A_198 = tpu.memref_slice %arg2[%dma_wait3A_196, %dma_wait3A_197] : memref<10000x64xf32, #tpu.memory_space<hbm>> -> memref<10000x64xf32, #tpu.memory_space<hbm>>
      tpu.wait_indirect_dma semaphore(%arg23 : memref<!tpu.dma_semaphore, #tpu.memory_space<semaphore_mem>>) src(%dma_wait3A_198 : memref<10000x64xf32, #tpu.memory_space<hbm>>) dst(%arg12 : memref<128x64xf32, #tpu.memory_space<vmem>>)
      %dma_start3A_199 = arith.constant 0 : i32
      %dma_start3A_200 = tpu.memref_slice %arg9[%add3A_192, %dma_start3A_199] : memref<80x128xi32, #tpu.memory_space<vmem>> -> memref<1x128xi32, #tpu.memory_space<vmem>>
      %dma_start3A_201 = tpu.memref_squeeze %dma_start3A_200 : memref<1x128xi32, #tpu.memory_space<vmem>> -> memref<128xi32, #tpu.memory_space<vmem>>
      %dma_start3A_202 = arith.constant 0 : i32
      %dma_start3A_203 = arith.constant 0 : i32
      %dma_start3A_204 = tpu.memref_slice %arg20[%dma_start3A_202, %dma_start3A_203] : memref<10240x64xf32, #tpu.memory_space<vmem_shared>> -> memref<10240x64xf32, #tpu.memory_space<vmem_shared>>
      tpu.enqueue_indirect_dma source(%arg12 : memref<128x64xf32, #tpu.memory_space<vmem>>) target(%dma_start3A_204 : memref<10240x64xf32, #tpu.memory_space<vmem_shared>>) offsets(%dma_start3A_201 : memref<128xi32, #tpu.memory_space<vmem>>) semaphore(%arg27 : memref<!tpu.dma_semaphore, #tpu.memory_space<semaphore_mem>>) {add = true}
      %add3A_205 = arith.constant 2 : i32
      %add3A_206 = arith.addi %add3A_192, %add3A_205 : i32
      %lt3A_207 = arith.cmpi slt, %add3A_206, %select_n3A_6 : i32
      %convert_element_type3A_208 = arith.extui %lt3A_207 : i1 to i32
      %cond3A_209 = arith.constant 0 : i32
      %cond3A_210 = arith.cmpi ne, %convert_element_type3A_208, %cond3A_209 : i32
      scf.if %cond3A_210 {
        %ge3A = arith.constant 2 : i32
        %ge3A_234 = arith.cmpi sge, %add3A_192, %ge3A : i32
        %convert_element_type3A_235 = arith.extui %ge3A_234 : i1 to i32
        %cond3A_236 = arith.constant 0 : i32
        %cond3A_237 = arith.cmpi ne, %convert_element_type3A_235, %cond3A_236 : i32
        scf.if %cond3A_237 {
          %dma_wait3A_244 = arith.constant 0 : i32
          %dma_wait3A_245 = arith.constant 0 : i32
          %dma_wait3A_246 = tpu.memref_slice %arg9[%dma_wait3A_244, %dma_wait3A_245] : memref<80x128xi32, #tpu.memory_space<vmem>> -> memref<1x128xi32, #tpu.memory_space<vmem>>
          %dma_wait3A_247 = tpu.memref_squeeze %dma_wait3A_246 : memref<1x128xi32, #tpu.memory_space<vmem>> -> memref<128xi32, #tpu.memory_space<vmem>>
          %dma_wait3A_248 = arith.constant 0 : i32
          %dma_wait3A_249 = arith.constant 0 : i32
          %dma_wait3A_250 = tpu.memref_slice %arg20[%dma_wait3A_248, %dma_wait3A_249] : memref<10240x64xf32, #tpu.memory_space<vmem_shared>> -> memref<10240x64xf32, #tpu.memory_space<vmem_shared>>
          tpu.wait_indirect_dma semaphore(%arg25 : memref<!tpu.dma_semaphore, #tpu.memory_space<semaphore_mem>>) src(%arg10 : memref<128x64xf32, #tpu.memory_space<vmem>>) dst(%dma_wait3A_250 : memref<10240x64xf32, #tpu.memory_space<vmem_shared>>)
        } else {
        }
        %dma_start3A_238 = arith.constant 0 : i32
        %dma_start3A_239 = tpu.memref_slice %arg8[%add3A_206, %dma_start3A_238] : memref<80x128xi32, #tpu.memory_space<vmem>> -> memref<1x128xi32, #tpu.memory_space<vmem>>
        %dma_start3A_240 = tpu.memref_squeeze %dma_start3A_239 : memref<1x128xi32, #tpu.memory_space<vmem>> -> memref<128xi32, #tpu.memory_space<vmem>>
        %dma_start3A_241 = arith.constant 0 : i32
        %dma_start3A_242 = arith.constant 0 : i32
        %dma_start3A_243 = tpu.memref_slice %arg2[%dma_start3A_241, %dma_start3A_242] : memref<10000x64xf32, #tpu.memory_space<hbm>> -> memref<10000x64xf32, #tpu.memory_space<hbm>>
        tpu.enqueue_indirect_dma source(%dma_start3A_243 : memref<10000x64xf32, #tpu.memory_space<hbm>>) target(%arg10 : memref<128x64xf32, #tpu.memory_space<vmem>>) offsets(%dma_start3A_240 : memref<128xi32, #tpu.memory_space<vmem>>) semaphore(%arg21 : memref<!tpu.dma_semaphore, #tpu.memory_space<semaphore_mem>>)
      } else {
      }
      %mul3A_211 = arith.constant 4 : i32
      %mul3A_212 = arith.muli %mul3A_211, %while3A_144 : i32
      %add3A_213 = arith.constant 3 : i32
      %add3A_214 = arith.addi %mul3A_212, %add3A_213 : i32
      %dma_wait3A_215 = arith.constant 0 : i32
      %dma_wait3A_216 = tpu.memref_slice %arg8[%add3A_214, %dma_wait3A_215] : memref<80x128xi32, #tpu.memory_space<vmem>> -> memref<1x128xi32, #tpu.memory_space<vmem>>
      %dma_wait3A_217 = tpu.memref_squeeze %dma_wait3A_216 : memref<1x128xi32, #tpu.memory_space<vmem>> -> memref<128xi32, #tpu.memory_space<vmem>>
      %dma_wait3A_218 = arith.constant 0 : i32
      %dma_wait3A_219 = arith.constant 0 : i32
      %dma_wait3A_220 = tpu.memref_slice %arg2[%dma_wait3A_218, %dma_wait3A_219] : memref<10000x64xf32, #tpu.memory_space<hbm>> -> memref<10000x64xf32, #tpu.memory_space<hbm>>
      tpu.wait_indirect_dma semaphore(%arg24 : memref<!tpu.dma_semaphore, #tpu.memory_space<semaphore_mem>>) src(%dma_wait3A_220 : memref<10000x64xf32, #tpu.memory_space<hbm>>) dst(%arg13 : memref<128x64xf32, #tpu.memory_space<vmem>>)
      %dma_start3A_221 = arith.constant 0 : i32
      %dma_start3A_222 = tpu.memref_slice %arg9[%add3A_214, %dma_start3A_221] : memref<80x128xi32, #tpu.memory_space<vmem>> -> memref<1x128xi32, #tpu.memory_space<vmem>>
      %dma_start3A_223 = tpu.memref_squeeze %dma_start3A_222 : memref<1x128xi32, #tpu.memory_space<vmem>> -> memref<128xi32, #tpu.memory_space<vmem>>
      %dma_start3A_224 = arith.constant 0 : i32
      %dma_start3A_225 = arith.constant 0 : i32
      %dma_start3A_226 = tpu.memref_slice %arg20[%dma_start3A_224, %dma_start3A_225] : memref<10240x64xf32, #tpu.memory_space<vmem_shared>> -> memref<10240x64xf32, #tpu.memory_space<vmem_shared>>
      tpu.enqueue_indirect_dma source(%arg13 : memref<128x64xf32, #tpu.memory_space<vmem>>) target(%dma_start3A_226 : memref<10240x64xf32, #tpu.memory_space<vmem_shared>>) offsets(%dma_start3A_223 : memref<128xi32, #tpu.memory_space<vmem>>) semaphore(%arg28 : memref<!tpu.dma_semaphore, #tpu.memory_space<semaphore_mem>>) {add = true}
      %add3A_227 = arith.constant 2 : i32
      %add3A_228 = arith.addi %add3A_214, %add3A_227 : i32
      %lt3A_229 = arith.cmpi slt, %add3A_228, %select_n3A_6 : i32
      %convert_element_type3A_230 = arith.extui %lt3A_229 : i1 to i32
      %cond3A_231 = arith.constant 0 : i32
      %cond3A_232 = arith.cmpi ne, %convert_element_type3A_230, %cond3A_231 : i32
      scf.if %cond3A_232 {
        %ge3A = arith.constant 2 : i32
        %ge3A_234 = arith.cmpi sge, %add3A_214, %ge3A : i32
        %convert_element_type3A_235 = arith.extui %ge3A_234 : i1 to i32
        %cond3A_236 = arith.constant 0 : i32
        %cond3A_237 = arith.cmpi ne, %convert_element_type3A_235, %cond3A_236 : i32
        scf.if %cond3A_237 {
          %dma_wait3A_244 = arith.constant 0 : i32
          %dma_wait3A_245 = arith.constant 0 : i32
          %dma_wait3A_246 = tpu.memref_slice %arg9[%dma_wait3A_244, %dma_wait3A_245] : memref<80x128xi32, #tpu.memory_space<vmem>> -> memref<1x128xi32, #tpu.memory_space<vmem>>
          %dma_wait3A_247 = tpu.memref_squeeze %dma_wait3A_246 : memref<1x128xi32, #tpu.memory_space<vmem>> -> memref<128xi32, #tpu.memory_space<vmem>>
          %dma_wait3A_248 = arith.constant 0 : i32
          %dma_wait3A_249 = arith.constant 0 : i32
          %dma_wait3A_250 = tpu.memref_slice %arg20[%dma_wait3A_248, %dma_wait3A_249] : memref<10240x64xf32, #tpu.memory_space<vmem_shared>> -> memref<10240x64xf32, #tpu.memory_space<vmem_shared>>
          tpu.wait_indirect_dma semaphore(%arg26 : memref<!tpu.dma_semaphore, #tpu.memory_space<semaphore_mem>>) src(%arg11 : memref<128x64xf32, #tpu.memory_space<vmem>>) dst(%dma_wait3A_250 : memref<10240x64xf32, #tpu.memory_space<vmem_shared>>)
        } else {
        }
        %dma_start3A_238 = arith.constant 0 : i32
        %dma_start3A_239 = tpu.memref_slice %arg8[%add3A_228, %dma_start3A_238] : memref<80x128xi32, #tpu.memory_space<vmem>> -> memref<1x128xi32, #tpu.memory_space<vmem>>
        %dma_start3A_240 = tpu.memref_squeeze %dma_start3A_239 : memref<1x128xi32, #tpu.memory_space<vmem>> -> memref<128xi32, #tpu.memory_space<vmem>>
        %dma_start3A_241 = arith.constant 0 : i32
        %dma_start3A_242 = arith.constant 0 : i32
        %dma_start3A_243 = tpu.memref_slice %arg2[%dma_start3A_241, %dma_start3A_242] : memref<10000x64xf32, #tpu.memory_space<hbm>> -> memref<10000x64xf32, #tpu.memory_space<hbm>>
        tpu.enqueue_indirect_dma source(%dma_start3A_243 : memref<10000x64xf32, #tpu.memory_space<hbm>>) target(%arg11 : memref<128x64xf32, #tpu.memory_space<vmem>>) offsets(%dma_start3A_240 : memref<128xi32, #tpu.memory_space<vmem>>) semaphore(%arg22 : memref<!tpu.dma_semaphore, #tpu.memory_space<semaphore_mem>>)
      } else {
      }
      %while3A_233 = arith.constant 0 : i32
      scf.yield %while3A_233 : i32
    }
    %while3A_93 = arith.constant 1 : i32
    %while3A_94 = scf.for %while3A_144 = %while3A_90 to %while3A_86 step %while3A_93 iter_args(%while3A_145 = %while3A_92) -> (i32)  : i32 {
      %mul3A_146 = arith.constant 4 : i32
      %mul3A_147 = arith.muli %mul3A_146, %while3A_144 : i32
      %add3A_148 = arith.constant 0 : i32
      %add3A_149 = arith.addi %mul3A_147, %add3A_148 : i32
      %dma_wait3A_150 = arith.constant 0 : i32
      %dma_wait3A_151 = tpu.memref_slice %arg8[%add3A_149, %dma_wait3A_150] : memref<80x128xi32, #tpu.memory_space<vmem>> -> memref<1x128xi32, #tpu.memory_space<vmem>>
      %dma_wait3A_152 = tpu.memref_squeeze %dma_wait3A_151 : memref<1x128xi32, #tpu.memory_space<vmem>> -> memref<128xi32, #tpu.memory_space<vmem>>
      %dma_wait3A_153 = arith.constant 0 : i32
      %dma_wait3A_154 = arith.constant 0 : i32
      %dma_wait3A_155 = tpu.memref_slice %arg2[%dma_wait3A_153, %dma_wait3A_154] : memref<10000x64xf32, #tpu.memory_space<hbm>> -> memref<10000x64xf32, #tpu.memory_space<hbm>>
      tpu.wait_indirect_dma semaphore(%arg21 : memref<!tpu.dma_semaphore, #tpu.memory_space<semaphore_mem>>) src(%dma_wait3A_155 : memref<10000x64xf32, #tpu.memory_space<hbm>>) dst(%arg10 : memref<128x64xf32, #tpu.memory_space<vmem>>)
      %dma_start3A_156 = arith.constant 0 : i32
      %dma_start3A_157 = tpu.memref_slice %arg9[%add3A_149, %dma_start3A_156] : memref<80x128xi32, #tpu.memory_space<vmem>> -> memref<1x128xi32, #tpu.memory_space<vmem>>
      %dma_start3A_158 = tpu.memref_squeeze %dma_start3A_157 : memref<1x128xi32, #tpu.memory_space<vmem>> -> memref<128xi32, #tpu.memory_space<vmem>>
      %dma_start3A_159 = arith.constant 0 : i32
      %dma_start3A_160 = arith.constant 0 : i32
      %dma_start3A_161 = tpu.memref_slice %arg20[%dma_start3A_159, %dma_start3A_160] : memref<10240x64xf32, #tpu.memory_space<vmem_shared>> -> memref<10240x64xf32, #tpu.memory_space<vmem_shared>>
      tpu.enqueue_indirect_dma source(%arg10 : memref<128x64xf32, #tpu.memory_space<vmem>>) target(%dma_start3A_161 : memref<10240x64xf32, #tpu.memory_space<vmem_shared>>) offsets(%dma_start3A_158 : memref<128xi32, #tpu.memory_space<vmem>>) semaphore(%arg25 : memref<!tpu.dma_semaphore, #tpu.memory_space<semaphore_mem>>) {add = true}
      %add3A_162 = arith.constant 2 : i32
      %add3A_163 = arith.addi %add3A_149, %add3A_162 : i32
      %lt3A = arith.cmpi slt, %add3A_163, %select_n3A_6 : i32
      %convert_element_type3A_164 = arith.extui %lt3A : i1 to i32
      %cond3A_165 = arith.constant 0 : i32
      %cond3A_166 = arith.cmpi ne, %convert_element_type3A_164, %cond3A_165 : i32
      scf.if %cond3A_166 {
        %ge3A = arith.constant 2 : i32
        %ge3A_234 = arith.cmpi sge, %add3A_149, %ge3A : i32
        %convert_element_type3A_235 = arith.extui %ge3A_234 : i1 to i32
        %cond3A_236 = arith.constant 0 : i32
        %cond3A_237 = arith.cmpi ne, %convert_element_type3A_235, %cond3A_236 : i32
        scf.if %cond3A_237 {
          %dma_wait3A_244 = arith.constant 0 : i32
          %dma_wait3A_245 = arith.constant 0 : i32
          %dma_wait3A_246 = tpu.memref_slice %arg9[%dma_wait3A_244, %dma_wait3A_245] : memref<80x128xi32, #tpu.memory_space<vmem>> -> memref<1x128xi32, #tpu.memory_space<vmem>>
          %dma_wait3A_247 = tpu.memref_squeeze %dma_wait3A_246 : memref<1x128xi32, #tpu.memory_space<vmem>> -> memref<128xi32, #tpu.memory_space<vmem>>
          %dma_wait3A_248 = arith.constant 0 : i32
          %dma_wait3A_249 = arith.constant 0 : i32
          %dma_wait3A_250 = tpu.memref_slice %arg20[%dma_wait3A_248, %dma_wait3A_249] : memref<10240x64xf32, #tpu.memory_space<vmem_shared>> -> memref<10240x64xf32, #tpu.memory_space<vmem_shared>>
          tpu.wait_indirect_dma semaphore(%arg27 : memref<!tpu.dma_semaphore, #tpu.memory_space<semaphore_mem>>) src(%arg12 : memref<128x64xf32, #tpu.memory_space<vmem>>) dst(%dma_wait3A_250 : memref<10240x64xf32, #tpu.memory_space<vmem_shared>>)
        } else {
        }
        %dma_start3A_238 = arith.constant 0 : i32
        %dma_start3A_239 = tpu.memref_slice %arg8[%add3A_163, %dma_start3A_238] : memref<80x128xi32, #tpu.memory_space<vmem>> -> memref<1x128xi32, #tpu.memory_space<vmem>>
        %dma_start3A_240 = tpu.memref_squeeze %dma_start3A_239 : memref<1x128xi32, #tpu.memory_space<vmem>> -> memref<128xi32, #tpu.memory_space<vmem>>
        %dma_start3A_241 = arith.constant 0 : i32
        %dma_start3A_242 = arith.constant 0 : i32
        %dma_start3A_243 = tpu.memref_slice %arg2[%dma_start3A_241, %dma_start3A_242] : memref<10000x64xf32, #tpu.memory_space<hbm>> -> memref<10000x64xf32, #tpu.memory_space<hbm>>
        tpu.enqueue_indirect_dma source(%dma_start3A_243 : memref<10000x64xf32, #tpu.memory_space<hbm>>) target(%arg12 : memref<128x64xf32, #tpu.memory_space<vmem>>) offsets(%dma_start3A_240 : memref<128xi32, #tpu.memory_space<vmem>>) semaphore(%arg23 : memref<!tpu.dma_semaphore, #tpu.memory_space<semaphore_mem>>)
      } else {
      }
      %mul3A_167 = arith.constant 4 : i32
      %mul3A_168 = arith.muli %mul3A_167, %while3A_144 : i32
      %add3A_169 = arith.constant 1 : i32
      %add3A_170 = arith.addi %mul3A_168, %add3A_169 : i32
      %dma_wait3A_171 = arith.constant 0 : i32
      %dma_wait3A_172 = tpu.memref_slice %arg8[%add3A_170, %dma_wait3A_171] : memref<80x128xi32, #tpu.memory_space<vmem>> -> memref<1x128xi32, #tpu.memory_space<vmem>>
      %dma_wait3A_173 = tpu.memref_squeeze %dma_wait3A_172 : memref<1x128xi32, #tpu.memory_space<vmem>> -> memref<128xi32, #tpu.memory_space<vmem>>
      %dma_wait3A_174 = arith.constant 0 : i32
      %dma_wait3A_175 = arith.constant 0 : i32
      %dma_wait3A_176 = tpu.memref_slice %arg2[%dma_wait3A_174, %dma_wait3A_175] : memref<10000x64xf32, #tpu.memory_space<hbm>> -> memref<10000x64xf32, #tpu.memory_space<hbm>>
      tpu.wait_indirect_dma semaphore(%arg22 : memref<!tpu.dma_semaphore, #tpu.memory_space<semaphore_mem>>) src(%dma_wait3A_176 : memref<10000x64xf32, #tpu.memory_space<hbm>>) dst(%arg11 : memref<128x64xf32, #tpu.memory_space<vmem>>)
      %dma_start3A_177 = arith.constant 0 : i32
      %dma_start3A_178 = tpu.memref_slice %arg9[%add3A_170, %dma_start3A_177] : memref<80x128xi32, #tpu.memory_space<vmem>> -> memref<1x128xi32, #tpu.memory_space<vmem>>
      %dma_start3A_179 = tpu.memref_squeeze %dma_start3A_178 : memref<1x128xi32, #tpu.memory_space<vmem>> -> memref<128xi32, #tpu.memory_space<vmem>>
      %dma_start3A_180 = arith.constant 0 : i32
      %dma_start3A_181 = arith.constant 0 : i32
      %dma_start3A_182 = tpu.memref_slice %arg20[%dma_start3A_180, %dma_start3A_181] : memref<10240x64xf32, #tpu.memory_space<vmem_shared>> -> memref<10240x64xf32, #tpu.memory_space<vmem_shared>>
      tpu.enqueue_indirect_dma source(%arg11 : memref<128x64xf32, #tpu.memory_space<vmem>>) target(%dma_start3A_182 : memref<10240x64xf32, #tpu.memory_space<vmem_shared>>) offsets(%dma_start3A_179 : memref<128xi32, #tpu.memory_space<vmem>>) semaphore(%arg26 : memref<!tpu.dma_semaphore, #tpu.memory_space<semaphore_mem>>) {add = true}
      %add3A_183 = arith.constant 2 : i32
      %add3A_184 = arith.addi %add3A_170, %add3A_183 : i32
      %lt3A_185 = arith.cmpi slt, %add3A_184, %select_n3A_6 : i32
      %convert_element_type3A_186 = arith.extui %lt3A_185 : i1 to i32
      %cond3A_187 = arith.constant 0 : i32
      %cond3A_188 = arith.cmpi ne, %convert_element_type3A_186, %cond3A_187 : i32
      scf.if %cond3A_188 {
        %ge3A = arith.constant 2 : i32
        %ge3A_234 = arith.cmpi sge, %add3A_170, %ge3A : i32
        %convert_element_type3A_235 = arith.extui %ge3A_234 : i1 to i32
        %cond3A_236 = arith.constant 0 : i32
        %cond3A_237 = arith.cmpi ne, %convert_element_type3A_235, %cond3A_236 : i32
        scf.if %cond3A_237 {
          %dma_wait3A_244 = arith.constant 0 : i32
          %dma_wait3A_245 = arith.constant 0 : i32
          %dma_wait3A_246 = tpu.memref_slice %arg9[%dma_wait3A_244, %dma_wait3A_245] : memref<80x128xi32, #tpu.memory_space<vmem>> -> memref<1x128xi32, #tpu.memory_space<vmem>>
          %dma_wait3A_247 = tpu.memref_squeeze %dma_wait3A_246 : memref<1x128xi32, #tpu.memory_space<vmem>> -> memref<128xi32, #tpu.memory_space<vmem>>
          %dma_wait3A_248 = arith.constant 0 : i32
          %dma_wait3A_249 = arith.constant 0 : i32
          %dma_wait3A_250 = tpu.memref_slice %arg20[%dma_wait3A_248, %dma_wait3A_249] : memref<10240x64xf32, #tpu.memory_space<vmem_shared>> -> memref<10240x64xf32, #tpu.memory_space<vmem_shared>>
          tpu.wait_indirect_dma semaphore(%arg28 : memref<!tpu.dma_semaphore, #tpu.memory_space<semaphore_mem>>) src(%arg13 : memref<128x64xf32, #tpu.memory_space<vmem>>) dst(%dma_wait3A_250 : memref<10240x64xf32, #tpu.memory_space<vmem_shared>>)
        } else {
        }
        %dma_start3A_238 = arith.constant 0 : i32
        %dma_start3A_239 = tpu.memref_slice %arg8[%add3A_184, %dma_start3A_238] : memref<80x128xi32, #tpu.memory_space<vmem>> -> memref<1x128xi32, #tpu.memory_space<vmem>>
        %dma_start3A_240 = tpu.memref_squeeze %dma_start3A_239 : memref<1x128xi32, #tpu.memory_space<vmem>> -> memref<128xi32, #tpu.memory_space<vmem>>
        %dma_start3A_241 = arith.constant 0 : i32
        %dma_start3A_242 = arith.constant 0 : i32
        %dma_start3A_243 = tpu.memref_slice %arg2[%dma_start3A_241, %dma_start3A_242] : memref<10000x64xf32, #tpu.memory_space<hbm>> -> memref<10000x64xf32, #tpu.memory_space<hbm>>
        tpu.enqueue_indirect_dma source(%dma_start3A_243 : memref<10000x64xf32, #tpu.memory_space<hbm>>) target(%arg13 : memref<128x64xf32, #tpu.memory_space<vmem>>) offsets(%dma_start3A_240 : memref<128xi32, #tpu.memory_space<vmem>>) semaphore(%arg24 : memref<!tpu.dma_semaphore, #tpu.memory_space<semaphore_mem>>)
      } else {
      }
      %mul3A_189 = arith.constant 4 : i32
      %mul3A_190 = arith.muli %mul3A_189, %while3A_144 : i32
      %add3A_191 = arith.constant 2 : i32
      %add3A_192 = arith.addi %mul3A_190, %add3A_191 : i32
      %dma_wait3A_193 = arith.constant 0 : i32
      %dma_wait3A_194 = tpu.memref_slice %arg8[%add3A_192, %dma_wait3A_193] : memref<80x128xi32, #tpu.memory_space<vmem>> -> memref<1x128xi32, #tpu.memory_space<vmem>>
      %dma_wait3A_195 = tpu.memref_squeeze %dma_wait3A_194 : memref<1x128xi32, #tpu.memory_space<vmem>> -> memref<128xi32, #tpu.memory_space<vmem>>
      %dma_wait3A_196 = arith.constant 0 : i32
      %dma_wait3A_197 = arith.constant 0 : i32
      %dma_wait3A_198 = tpu.memref_slice %arg2[%dma_wait3A_196, %dma_wait3A_197] : memref<10000x64xf32, #tpu.memory_space<hbm>> -> memref<10000x64xf32, #tpu.memory_space<hbm>>
      tpu.wait_indirect_dma semaphore(%arg23 : memref<!tpu.dma_semaphore, #tpu.memory_space<semaphore_mem>>) src(%dma_wait3A_198 : memref<10000x64xf32, #tpu.memory_space<hbm>>) dst(%arg12 : memref<128x64xf32, #tpu.memory_space<vmem>>)
      %dma_start3A_199 = arith.constant 0 : i32
      %dma_start3A_200 = tpu.memref_slice %arg9[%add3A_192, %dma_start3A_199] : memref<80x128xi32, #tpu.memory_space<vmem>> -> memref<1x128xi32, #tpu.memory_space<vmem>>
      %dma_start3A_201 = tpu.memref_squeeze %dma_start3A_200 : memref<1x128xi32, #tpu.memory_space<vmem>> -> memref<128xi32, #tpu.memory_space<vmem>>
      %dma_start3A_202 = arith.constant 0 : i32
      %dma_start3A_203 = arith.constant 0 : i32
      %dma_start3A_204 = tpu.memref_slice %arg20[%dma_start3A_202, %dma_start3A_203] : memref<10240x64xf32, #tpu.memory_space<vmem_shared>> -> memref<10240x64xf32, #tpu.memory_space<vmem_shared>>
      tpu.enqueue_indirect_dma source(%arg12 : memref<128x64xf32, #tpu.memory_space<vmem>>) target(%dma_start3A_204 : memref<10240x64xf32, #tpu.memory_space<vmem_shared>>) offsets(%dma_start3A_201 : memref<128xi32, #tpu.memory_space<vmem>>) semaphore(%arg27 : memref<!tpu.dma_semaphore, #tpu.memory_space<semaphore_mem>>) {add = true}
      %add3A_205 = arith.constant 2 : i32
      %add3A_206 = arith.addi %add3A_192, %add3A_205 : i32
      %lt3A_207 = arith.cmpi slt, %add3A_206, %select_n3A_6 : i32
      %convert_element_type3A_208 = arith.extui %lt3A_207 : i1 to i32
      %cond3A_209 = arith.constant 0 : i32
      %cond3A_210 = arith.cmpi ne, %convert_element_type3A_208, %cond3A_209 : i32
      scf.if %cond3A_210 {
        %ge3A = arith.constant 2 : i32
        %ge3A_234 = arith.cmpi sge, %add3A_192, %ge3A : i32
        %convert_element_type3A_235 = arith.extui %ge3A_234 : i1 to i32
        %cond3A_236 = arith.constant 0 : i32
        %cond3A_237 = arith.cmpi ne, %convert_element_type3A_235, %cond3A_236 : i32
        scf.if %cond3A_237 {
          %dma_wait3A_244 = arith.constant 0 : i32
          %dma_wait3A_245 = arith.constant 0 : i32
          %dma_wait3A_246 = tpu.memref_slice %arg9[%dma_wait3A_244, %dma_wait3A_245] : memref<80x128xi32, #tpu.memory_space<vmem>> -> memref<1x128xi32, #tpu.memory_space<vmem>>
          %dma_wait3A_247 = tpu.memref_squeeze %dma_wait3A_246 : memref<1x128xi32, #tpu.memory_space<vmem>> -> memref<128xi32, #tpu.memory_space<vmem>>
          %dma_wait3A_248 = arith.constant 0 : i32
          %dma_wait3A_249 = arith.constant 0 : i32
          %dma_wait3A_250 = tpu.memref_slice %arg20[%dma_wait3A_248, %dma_wait3A_249] : memref<10240x64xf32, #tpu.memory_space<vmem_shared>> -> memref<10240x64xf32, #tpu.memory_space<vmem_shared>>
          tpu.wait_indirect_dma semaphore(%arg25 : memref<!tpu.dma_semaphore, #tpu.memory_space<semaphore_mem>>) src(%arg10 : memref<128x64xf32, #tpu.memory_space<vmem>>) dst(%dma_wait3A_250 : memref<10240x64xf32, #tpu.memory_space<vmem_shared>>)
        } else {
        }
        %dma_start3A_238 = arith.constant 0 : i32
        %dma_start3A_239 = tpu.memref_slice %arg8[%add3A_206, %dma_start3A_238] : memref<80x128xi32, #tpu.memory_space<vmem>> -> memref<1x128xi32, #tpu.memory_space<vmem>>
        %dma_start3A_240 = tpu.memref_squeeze %dma_start3A_239 : memref<1x128xi32, #tpu.memory_space<vmem>> -> memref<128xi32, #tpu.memory_space<vmem>>
        %dma_start3A_241 = arith.constant 0 : i32
        %dma_start3A_242 = arith.constant 0 : i32
        %dma_start3A_243 = tpu.memref_slice %arg2[%dma_start3A_241, %dma_start3A_242] : memref<10000x64xf32, #tpu.memory_space<hbm>> -> memref<10000x64xf32, #tpu.memory_space<hbm>>
        tpu.enqueue_indirect_dma source(%dma_start3A_243 : memref<10000x64xf32, #tpu.memory_space<hbm>>) target(%arg10 : memref<128x64xf32, #tpu.memory_space<vmem>>) offsets(%dma_start3A_240 : memref<128xi32, #tpu.memory_space<vmem>>) semaphore(%arg21 : memref<!tpu.dma_semaphore, #tpu.memory_space<semaphore_mem>>)
      } else {
      }
      %mul3A_211 = arith.constant 4 : i32
      %mul3A_212 = arith.muli %mul3A_211, %while3A_144 : i32
      %add3A_213 = arith.constant 3 : i32
      %add3A_214 = arith.addi %mul3A_212, %add3A_213 : i32
      %dma_wait3A_215 = arith.constant 0 : i32
      %dma_wait3A_216 = tpu.memref_slice %arg8[%add3A_214, %dma_wait3A_215] : memref<80x128xi32, #tpu.memory_space<vmem>> -> memref<1x128xi32, #tpu.memory_space<vmem>>
      %dma_wait3A_217 = tpu.memref_squeeze %dma_wait3A_216 : memref<1x128xi32, #tpu.memory_space<vmem>> -> memref<128xi32, #tpu.memory_space<vmem>>
      %dma_wait3A_218 = arith.constant 0 : i32
      %dma_wait3A_219 = arith.constant 0 : i32
      %dma_wait3A_220 = tpu.memref_slice %arg2[%dma_wait3A_218, %dma_wait3A_219] : memref<10000x64xf32, #tpu.memory_space<hbm>> -> memref<10000x64xf32, #tpu.memory_space<hbm>>
      tpu.wait_indirect_dma semaphore(%arg24 : memref<!tpu.dma_semaphore, #tpu.memory_space<semaphore_mem>>) src(%dma_wait3A_220 : memref<10000x64xf32, #tpu.memory_space<hbm>>) dst(%arg13 : memref<128x64xf32, #tpu.memory_space<vmem>>)
      %dma_start3A_221 = arith.constant 0 : i32
      %dma_start3A_222 = tpu.memref_slice %arg9[%add3A_214, %dma_start3A_221] : memref<80x128xi32, #tpu.memory_space<vmem>> -> memref<1x128xi32, #tpu.memory_space<vmem>>
      %dma_start3A_223 = tpu.memref_squeeze %dma_start3A_222 : memref<1x128xi32, #tpu.memory_space<vmem>> -> memref<128xi32, #tpu.memory_space<vmem>>
      %dma_start3A_224 = arith.constant 0 : i32
      %dma_start3A_225 = arith.constant 0 : i32
      %dma_start3A_226 = tpu.memref_slice %arg20[%dma_start3A_224, %dma_start3A_225] : memref<10240x64xf32, #tpu.memory_space<vmem_shared>> -> memref<10240x64xf32, #tpu.memory_space<vmem_shared>>
      tpu.enqueue_indirect_dma source(%arg13 : memref<128x64xf32, #tpu.memory_space<vmem>>) target(%dma_start3A_226 : memref<10240x64xf32, #tpu.memory_space<vmem_shared>>) offsets(%dma_start3A_223 : memref<128xi32, #tpu.memory_space<vmem>>) semaphore(%arg28 : memref<!tpu.dma_semaphore, #tpu.memory_space<semaphore_mem>>) {add = true}
      %add3A_227 = arith.constant 2 : i32
      %add3A_228 = arith.addi %add3A_214, %add3A_227 : i32
      %lt3A_229 = arith.cmpi slt, %add3A_228, %select_n3A_6 : i32
      %convert_element_type3A_230 = arith.extui %lt3A_229 : i1 to i32
      %cond3A_231 = arith.constant 0 : i32
      %cond3A_232 = arith.cmpi ne, %convert_element_type3A_230, %cond3A_231 : i32
      scf.if %cond3A_232 {
        %ge3A = arith.constant 2 : i32
        %ge3A_234 = arith.cmpi sge, %add3A_214, %ge3A : i32
        %convert_element_type3A_235 = arith.extui %ge3A_234 : i1 to i32
        %cond3A_236 = arith.constant 0 : i32
        %cond3A_237 = arith.cmpi ne, %convert_element_type3A_235, %cond3A_236 : i32
        scf.if %cond3A_237 {
          %dma_wait3A_244 = arith.constant 0 : i32
          %dma_wait3A_245 = arith.constant 0 : i32
          %dma_wait3A_246 = tpu.memref_slice %arg9[%dma_wait3A_244, %dma_wait3A_245] : memref<80x128xi32, #tpu.memory_space<vmem>> -> memref<1x128xi32, #tpu.memory_space<vmem>>
          %dma_wait3A_247 = tpu.memref_squeeze %dma_wait3A_246 : memref<1x128xi32, #tpu.memory_space<vmem>> -> memref<128xi32, #tpu.memory_space<vmem>>
          %dma_wait3A_248 = arith.constant 0 : i32
          %dma_wait3A_249 = arith.constant 0 : i32
          %dma_wait3A_250 = tpu.memref_slice %arg20[%dma_wait3A_248, %dma_wait3A_249] : memref<10240x64xf32, #tpu.memory_space<vmem_shared>> -> memref<10240x64xf32, #tpu.memory_space<vmem_shared>>
          tpu.wait_indirect_dma semaphore(%arg26 : memref<!tpu.dma_semaphore, #tpu.memory_space<semaphore_mem>>) src(%arg11 : memref<128x64xf32, #tpu.memory_space<vmem>>) dst(%dma_wait3A_250 : memref<10240x64xf32, #tpu.memory_space<vmem_shared>>)
        } else {
        }
        %dma_start3A_238 = arith.constant 0 : i32
        %dma_start3A_239 = tpu.memref_slice %arg8[%add3A_228, %dma_start3A_238] : memref<80x128xi32, #tpu.memory_space<vmem>> -> memref<1x128xi32, #tpu.memory_space<vmem>>
        %dma_start3A_240 = tpu.memref_squeeze %dma_start3A_239 : memref<1x128xi32, #tpu.memory_space<vmem>> -> memref<128xi32, #tpu.memory_space<vmem>>
        %dma_start3A_241 = arith.constant 0 : i32
        %dma_start3A_242 = arith.constant 0 : i32
        %dma_start3A_243 = tpu.memref_slice %arg2[%dma_start3A_241, %dma_start3A_242] : memref<10000x64xf32, #tpu.memory_space<hbm>> -> memref<10000x64xf32, #tpu.memory_space<hbm>>
        tpu.enqueue_indirect_dma source(%dma_start3A_243 : memref<10000x64xf32, #tpu.memory_space<hbm>>) target(%arg11 : memref<128x64xf32, #tpu.memory_space<vmem>>) offsets(%dma_start3A_240 : memref<128xi32, #tpu.memory_space<vmem>>) semaphore(%arg22 : memref<!tpu.dma_semaphore, #tpu.memory_space<semaphore_mem>>)
      } else {
      }
      %while3A_233 = arith.constant 0 : i32
      scf.yield %while3A_233 : i32
    }
    %dma_wait3A = arith.constant 0 : i32
    %dma_wait3A_95 = arith.constant 0 : i32
    %dma_wait3A_96 = tpu.memref_slice %arg9[%dma_wait3A, %dma_wait3A_95] : memref<80x128xi32, #tpu.memory_space<vmem>> -> memref<1x128xi32, #tpu.memory_space<vmem>>
    %dma_wait3A_97 = tpu.memref_squeeze %dma_wait3A_96 : memref<1x128xi32, #tpu.memory_space<vmem>> -> memref<128xi32, #tpu.memory_space<vmem>>
    %dma_wait3A_98 = arith.constant 0 : i32
    %dma_wait3A_99 = arith.constant 0 : i32
    %dma_wait3A_100 = tpu.memref_slice %arg20[%dma_wait3A_98, %dma_wait3A_99] : memref<10240x64xf32, #tpu.memory_space<vmem_shared>> -> memref<10240x64xf32, #tpu.memory_space<vmem_shared>>
    tpu.wait_indirect_dma semaphore(%arg27 : memref<!tpu.dma_semaphore, #tpu.memory_space<semaphore_mem>>) src(%arg12 : memref<128x64xf32, #tpu.memory_space<vmem>>) dst(%dma_wait3A_100 : memref<10240x64xf32, #tpu.memory_space<vmem_shared>>)
    %dma_wait3A_101 = arith.constant 0 : i32
    %dma_wait3A_102 = arith.constant 0 : i32
    %dma_wait3A_103 = tpu.memref_slice %arg9[%dma_wait3A_101, %dma_wait3A_102] : memref<80x128xi32, #tpu.memory_space<vmem>> -> memref<1x128xi32, #tpu.memory_space<vmem>>
    %dma_wait3A_104 = tpu.memref_squeeze %dma_wait3A_103 : memref<1x128xi32, #tpu.memory_space<vmem>> -> memref<128xi32, #tpu.memory_space<vmem>>
    %dma_wait3A_105 = arith.constant 0 : i32
    %dma_wait3A_106 = arith.constant 0 : i32
    %dma_wait3A_107 = tpu.memref_slice %arg20[%dma_wait3A_105, %dma_wait3A_106] : memref<10240x64xf32, #tpu.memory_space<vmem_shared>> -> memref<10240x64xf32, #tpu.memory_space<vmem_shared>>
    tpu.wait_indirect_dma semaphore(%arg28 : memref<!tpu.dma_semaphore, #tpu.memory_space<semaphore_mem>>) src(%arg13 : memref<128x64xf32, #tpu.memory_space<vmem>>) dst(%dma_wait3A_107 : memref<10240x64xf32, #tpu.memory_space<vmem_shared>>)
    %barrier3A_108 = arith.constant 0 : index
    tpu.barrier barrier_id(%barrier3A_108)
    %mul3A_109 = arith.constant 64 : i32
    %mul3A_110 = arith.muli %arg1, %mul3A_109 : i32
    "tpu.region"() ({
      %run_scoped3A = tpu.sem_alloc : memref<!tpu.dma_semaphore, #tpu.memory_space<semaphore_mem>>
      %dma_start3A_144 = tpu.memref_slice %arg6[%mul3A_110] : memref<1024xi32, #tpu.memory_space<hbm>> -> memref<64xi32, #tpu.memory_space<hbm>>
      %dma_start3A_145 = tpu.memref_slice %arg6[%mul3A_110] : memref<1024xi32, #tpu.memory_space<hbm>> -> memref<64xi32, #tpu.memory_space<hbm>>
      tpu.enqueue_dma source(%dma_start3A_145 : memref<64xi32, #tpu.memory_space<hbm>>) target(%arg15 : memref<64xi32, #tpu.memory_space<vmem>>) target_semaphore(%run_scoped3A : memref<!tpu.dma_semaphore, #tpu.memory_space<semaphore_mem>>)
      %dma_wait3A_146 = tpu.memref_slice %arg6[%mul3A_110] : memref<1024xi32, #tpu.memory_space<hbm>> -> memref<64xi32, #tpu.memory_space<hbm>>
      %dma_wait3A_147 = tpu.memref_slice %arg6[%mul3A_110] : memref<1024xi32, #tpu.memory_space<hbm>> -> memref<64xi32, #tpu.memory_space<hbm>>
      tpu.wait_dma2 semaphore(%run_scoped3A : memref<!tpu.dma_semaphore, #tpu.memory_space<semaphore_mem>>) src(%dma_wait3A_147 : memref<64xi32, #tpu.memory_space<hbm>>) dst(%arg15 : memref<64xi32, #tpu.memory_space<vmem>>)
      tpu.yield
    }) : () -> ()
    %scan3A_111 = arith.constant 0 : i32
    %scan3A_112 = arith.constant 0 : i32
    %scan3A_113 = arith.constant 64 : i32
    %scan3A_114 = arith.addi %scan3A_112, %scan3A_113 : i32
    %scan3A_115 = arith.constant 1 : i32
    %scan3A_116 = scf.for %scan3A_144 = %scan3A_112 to %scan3A_114 step %scan3A_115 iter_args(%scan3A_145 = %scan3A_111) -> (i32)  : i32 {
      %broadcast_in_dim3A = arith.constant 0.000000e+00 : f32
      %broadcast_in_dim3A_146 = vector.broadcast %broadcast_in_dim3A : f32 to vector<16xf32>
      %swap3A = arith.index_cast %scan3A_144 : i32 to index
      %swap3A_147 = arith.constant 0 : index
      %swap3A_148 = tpu.vector_load %arg17[%swap3A, %swap3A_147] {strides = array<i32>} : memref<64x64xf32, #tpu.memory_space<vmem>>, vector<1x16xf32>,
      %swap3A_149 = vector.shape_cast %swap3A_148 : vector<1x16xf32> to vector<16xf32>
      %swap3A_150 = vector.shape_cast %broadcast_in_dim3A_146 : vector<16xf32> to vector<1x16xf32>
      tpu.vector_store %arg17[%swap3A, %swap3A_147], %swap3A_150 {strides = array<i32>} : memref<64x64xf32, #tpu.memory_space<vmem>>, vector<1x16xf32>,
      %broadcast_in_dim3A_151 = arith.constant 0.000000e+00 : f32
      %broadcast_in_dim3A_152 = vector.broadcast %broadcast_in_dim3A_151 : f32 to vector<16xf32>
      %swap3A_153 = arith.index_cast %scan3A_144 : i32 to index
      %swap3A_154 = arith.constant 16 : index
      %swap3A_155 = tpu.vector_load %arg17[%swap3A_153, %swap3A_154] {strides = array<i32>} : memref<64x64xf32, #tpu.memory_space<vmem>>, vector<1x16xf32>,
      %swap3A_156 = vector.shape_cast %swap3A_155 : vector<1x16xf32> to vector<16xf32>
      %swap3A_157 = vector.shape_cast %broadcast_in_dim3A_152 : vector<16xf32> to vector<1x16xf32>
      tpu.vector_store %arg17[%swap3A_153, %swap3A_154], %swap3A_157 {strides = array<i32>} : memref<64x64xf32, #tpu.memory_space<vmem>>, vector<1x16xf32>,
      %broadcast_in_dim3A_158 = arith.constant 0.000000e+00 : f32
      %broadcast_in_dim3A_159 = vector.broadcast %broadcast_in_dim3A_158 : f32 to vector<16xf32>
      %swap3A_160 = arith.index_cast %scan3A_144 : i32 to index
      %swap3A_161 = arith.constant 32 : index
      %swap3A_162 = tpu.vector_load %arg17[%swap3A_160, %swap3A_161] {strides = array<i32>} : memref<64x64xf32, #tpu.memory_space<vmem>>, vector<1x16xf32>,
      %swap3A_163 = vector.shape_cast %swap3A_162 : vector<1x16xf32> to vector<16xf32>
      %swap3A_164 = vector.shape_cast %broadcast_in_dim3A_159 : vector<16xf32> to vector<1x16xf32>
      tpu.vector_store %arg17[%swap3A_160, %swap3A_161], %swap3A_164 {strides = array<i32>} : memref<64x64xf32, #tpu.memory_space<vmem>>, vector<1x16xf32>,
      %broadcast_in_dim3A_165 = arith.constant 0.000000e+00 : f32
      %broadcast_in_dim3A_166 = vector.broadcast %broadcast_in_dim3A_165 : f32 to vector<16xf32>
      %swap3A_167 = arith.index_cast %scan3A_144 : i32 to index
      %swap3A_168 = arith.constant 48 : index
      %swap3A_169 = tpu.vector_load %arg17[%swap3A_167, %swap3A_168] {strides = array<i32>} : memref<64x64xf32, #tpu.memory_space<vmem>>, vector<1x16xf32>,
      %swap3A_170 = vector.shape_cast %swap3A_169 : vector<1x16xf32> to vector<16xf32>
      %swap3A_171 = vector.shape_cast %broadcast_in_dim3A_166 : vector<16xf32> to vector<1x16xf32>
      tpu.vector_store %arg17[%swap3A_167, %swap3A_168], %swap3A_171 {strides = array<i32>} : memref<64x64xf32, #tpu.memory_space<vmem>>, vector<1x16xf32>,
      %scan3A_172 = arith.constant 0 : i32
      scf.yield %scan3A_172 : i32
    }
    %scan3A_117 = arith.constant 64 : i32
    %eq3A_118 = arith.constant 0 : i32
    %eq3A_119 = arith.cmpi eq, %arg0, %eq3A_118 : i32
    %convert_element_type3A_120 = arith.extui %eq3A_119 : i1 to i32
    %cond3A_121 = arith.constant 0 : i32
    %cond3A_122 = arith.cmpi ne, %convert_element_type3A_120, %cond3A_121 : i32
    scf.if %cond3A_122 {
      %dma_start3A_144 = arith.constant 0 : i32
      %dma_start3A_145 = arith.constant 0 : i32
      %dma_start3A_146 = tpu.memref_slice %arg4[%dma_start3A_144, %dma_start3A_145] : memref<10000x64xf32, #tpu.memory_space<hbm>> -> memref<10000x64xf32, #tpu.memory_space<hbm>>
      tpu.enqueue_indirect_dma source(%dma_start3A_146 : memref<10000x64xf32, #tpu.memory_space<hbm>>) target(%arg17 : memref<64x64xf32, #tpu.memory_space<vmem>>) offsets(%arg15 : memref<64xi32, #tpu.memory_space<vmem>>) semaphore(%arg21 : memref<!tpu.dma_semaphore, #tpu.memory_space<semaphore_mem>>)
      %dma_wait3A_147 = arith.constant 0 : i32
      %dma_wait3A_148 = arith.constant 0 : i32
      %dma_wait3A_149 = tpu.memref_slice %arg4[%dma_wait3A_147, %dma_wait3A_148] : memref<10000x64xf32, #tpu.memory_space<hbm>> -> memref<10000x64xf32, #tpu.memory_space<hbm>>
      tpu.wait_indirect_dma semaphore(%arg21 : memref<!tpu.dma_semaphore, #tpu.memory_space<semaphore_mem>>) src(%dma_wait3A_149 : memref<10000x64xf32, #tpu.memory_space<hbm>>) dst(%arg17 : memref<64x64xf32, #tpu.memory_space<vmem>>)
    } else {
    }
    %dma_start3A_123 = arith.constant 0 : i32
    %dma_start3A_124 = arith.constant 0 : i32
    %dma_start3A_125 = tpu.memref_slice %arg20[%dma_start3A_123, %dma_start3A_124] : memref<10240x64xf32, #tpu.memory_space<vmem_shared>> -> memref<10240x64xf32, #tpu.memory_space<vmem_shared>>
    tpu.enqueue_indirect_dma source(%dma_start3A_125 : memref<10240x64xf32, #tpu.memory_space<vmem_shared>>) target(%arg16 : memref<64x64xf32, #tpu.memory_space<vmem>>) offsets(%arg15 : memref<64xi32, #tpu.memory_space<vmem>>) semaphore(%arg21 : memref<!tpu.dma_semaphore, #tpu.memory_space<semaphore_mem>>)
    %dma_wait3A_126 = arith.constant 0 : i32
    %dma_wait3A_127 = arith.constant 0 : i32
    %dma_wait3A_128 = tpu.memref_slice %arg20[%dma_wait3A_126, %dma_wait3A_127] : memref<10240x64xf32, #tpu.memory_space<vmem_shared>> -> memref<10240x64xf32, #tpu.memory_space<vmem_shared>>
    tpu.wait_indirect_dma semaphore(%arg21 : memref<!tpu.dma_semaphore, #tpu.memory_space<semaphore_mem>>) src(%dma_wait3A_128 : memref<10240x64xf32, #tpu.memory_space<vmem_shared>>) dst(%arg16 : memref<64x64xf32, #tpu.memory_space<vmem>>)
    %dma_start3A_129 = arith.constant 0 : i32
    %dma_start3A_130 = arith.constant 0 : i32
    %dma_start3A_131 = tpu.memref_slice %arg5[%dma_start3A_129, %dma_start3A_130] : memref<10000x16xf32, #tpu.memory_space<hbm>> -> memref<10000x16xf32, #tpu.memory_space<hbm>>
    tpu.enqueue_indirect_dma source(%dma_start3A_131 : memref<10000x16xf32, #tpu.memory_space<hbm>>) target(%arg18 : memref<64x16xf32, #tpu.memory_space<vmem>>) offsets(%arg15 : memref<64xi32, #tpu.memory_space<vmem>>) semaphore(%arg21 : memref<!tpu.dma_semaphore, #tpu.memory_space<semaphore_mem>>)
    %dma_wait3A_132 = arith.constant 0 : i32
    %dma_wait3A_133 = arith.constant 0 : i32
    %dma_wait3A_134 = tpu.memref_slice %arg5[%dma_wait3A_132, %dma_wait3A_133] : memref<10000x16xf32, #tpu.memory_space<hbm>> -> memref<10000x16xf32, #tpu.memory_space<hbm>>
    tpu.wait_indirect_dma semaphore(%arg21 : memref<!tpu.dma_semaphore, #tpu.memory_space<semaphore_mem>>) src(%dma_wait3A_134 : memref<10000x16xf32, #tpu.memory_space<hbm>>) dst(%arg18 : memref<64x16xf32, #tpu.memory_space<vmem>>)
    %scan3A_135 = arith.constant 0 : i32
    %scan3A_136 = arith.constant 0 : i32
    %scan3A_137 = arith.constant 64 : i32
    %scan3A_138 = arith.addi %scan3A_136, %scan3A_137 : i32
    %scan3A_139 = arith.constant 1 : i32
    %scan3A_140 = scf.for %scan3A_144 = %scan3A_136 to %scan3A_138 step %scan3A_139 iter_args(%scan3A_145 = %scan3A_135) -> (i32)  : i32 {
      %get3A = arith.index_cast %scan3A_144 : i32 to index
      %get3A_146 = arith.constant 0 : index
      %get3A_147 = tpu.vector_load %arg18[%get3A, %get3A_146] {strides = array<i32>} : memref<64x16xf32, #tpu.memory_space<vmem>>, vector<1x16xf32>,
      %get3A_148 = vector.shape_cast %get3A_147 : vector<1x16xf32> to vector<16xf32>
      %get3A_149 = arith.index_cast %scan3A_144 : i32 to index
      %get3A_150 = arith.constant 0 : index
      %get3A_151 = tpu.vector_load %arg16[%get3A_149, %get3A_150] {strides = array<i32>} : memref<64x64xf32, #tpu.memory_space<vmem>>, vector<1x16xf32>,
      %get3A_152 = vector.shape_cast %get3A_151 : vector<1x16xf32> to vector<16xf32>
      %mul3A_153 = arith.mulf %get3A_152, %get3A_148 : vector<16xf32>
      %get3A_154 = arith.index_cast %scan3A_144 : i32 to index
      %get3A_155 = arith.constant 0 : index
      %get3A_156 = tpu.vector_load %arg17[%get3A_154, %get3A_155] {strides = array<i32>} : memref<64x64xf32, #tpu.memory_space<vmem>>, vector<1x16xf32>,
      %get3A_157 = vector.shape_cast %get3A_156 : vector<1x16xf32> to vector<16xf32>
      %add3A_158 = arith.addf %mul3A_153, %get3A_157 : vector<16xf32>
      %swap3A = arith.index_cast %scan3A_144 : i32 to index
      %swap3A_159 = arith.constant 0 : index
      %swap3A_160 = tpu.vector_load %arg19[%swap3A, %swap3A_159] {strides = array<i32>} : memref<64x64xf32, #tpu.memory_space<vmem>>, vector<1x16xf32>,
      %swap3A_161 = vector.shape_cast %swap3A_160 : vector<1x16xf32> to vector<16xf32>
      %swap3A_162 = vector.shape_cast %add3A_158 : vector<16xf32> to vector<1x16xf32>
      tpu.vector_store %arg19[%swap3A, %swap3A_159], %swap3A_162 {strides = array<i32>} : memref<64x64xf32, #tpu.memory_space<vmem>>, vector<1x16xf32>,
      %get3A_163 = arith.index_cast %scan3A_144 : i32 to index
      %get3A_164 = arith.constant 16 : index
      %get3A_165 = tpu.vector_load %arg16[%get3A_163, %get3A_164] {strides = array<i32>} : memref<64x64xf32, #tpu.memory_space<vmem>>, vector<1x16xf32>,
      %get3A_166 = vector.shape_cast %get3A_165 : vector<1x16xf32> to vector<16xf32>
      %mul3A_167 = arith.mulf %get3A_166, %get3A_148 : vector<16xf32>
      %get3A_168 = arith.index_cast %scan3A_144 : i32 to index
      %get3A_169 = arith.constant 16 : index
      %get3A_170 = tpu.vector_load %arg17[%get3A_168, %get3A_169] {strides = array<i32>} : memref<64x64xf32, #tpu.memory_space<vmem>>, vector<1x16xf32>,
      %get3A_171 = vector.shape_cast %get3A_170 : vector<1x16xf32> to vector<16xf32>
      %add3A_172 = arith.addf %mul3A_167, %get3A_171 : vector<16xf32>
      %swap3A_173 = arith.index_cast %scan3A_144 : i32 to index
      %swap3A_174 = arith.constant 16 : index
      %swap3A_175 = tpu.vector_load %arg19[%swap3A_173, %swap3A_174] {strides = array<i32>} : memref<64x64xf32, #tpu.memory_space<vmem>>, vector<1x16xf32>,
      %swap3A_176 = vector.shape_cast %swap3A_175 : vector<1x16xf32> to vector<16xf32>
      %swap3A_177 = vector.shape_cast %add3A_172 : vector<16xf32> to vector<1x16xf32>
      tpu.vector_store %arg19[%swap3A_173, %swap3A_174], %swap3A_177 {strides = array<i32>} : memref<64x64xf32, #tpu.memory_space<vmem>>, vector<1x16xf32>,
      %get3A_178 = arith.index_cast %scan3A_144 : i32 to index
      %get3A_179 = arith.constant 32 : index
      %get3A_180 = tpu.vector_load %arg16[%get3A_178, %get3A_179] {strides = array<i32>} : memref<64x64xf32, #tpu.memory_space<vmem>>, vector<1x16xf32>,
      %get3A_181 = vector.shape_cast %get3A_180 : vector<1x16xf32> to vector<16xf32>
      %mul3A_182 = arith.mulf %get3A_181, %get3A_148 : vector<16xf32>
      %get3A_183 = arith.index_cast %scan3A_144 : i32 to index
      %get3A_184 = arith.constant 32 : index
      %get3A_185 = tpu.vector_load %arg17[%get3A_183, %get3A_184] {strides = array<i32>} : memref<64x64xf32, #tpu.memory_space<vmem>>, vector<1x16xf32>,
      %get3A_186 = vector.shape_cast %get3A_185 : vector<1x16xf32> to vector<16xf32>
      %add3A_187 = arith.addf %mul3A_182, %get3A_186 : vector<16xf32>
      %swap3A_188 = arith.index_cast %scan3A_144 : i32 to index
      %swap3A_189 = arith.constant 32 : index
      %swap3A_190 = tpu.vector_load %arg19[%swap3A_188, %swap3A_189] {strides = array<i32>} : memref<64x64xf32, #tpu.memory_space<vmem>>, vector<1x16xf32>,
      %swap3A_191 = vector.shape_cast %swap3A_190 : vector<1x16xf32> to vector<16xf32>
      %swap3A_192 = vector.shape_cast %add3A_187 : vector<16xf32> to vector<1x16xf32>
      tpu.vector_store %arg19[%swap3A_188, %swap3A_189], %swap3A_192 {strides = array<i32>} : memref<64x64xf32, #tpu.memory_space<vmem>>, vector<1x16xf32>,
      %get3A_193 = arith.index_cast %scan3A_144 : i32 to index
      %get3A_194 = arith.constant 48 : index
      %get3A_195 = tpu.vector_load %arg16[%get3A_193, %get3A_194] {strides = array<i32>} : memref<64x64xf32, #tpu.memory_space<vmem>>, vector<1x16xf32>,
      %get3A_196 = vector.shape_cast %get3A_195 : vector<1x16xf32> to vector<16xf32>
      %mul3A_197 = arith.mulf %get3A_196, %get3A_148 : vector<16xf32>
      %get3A_198 = arith.index_cast %scan3A_144 : i32 to index
      %get3A_199 = arith.constant 48 : index
      %get3A_200 = tpu.vector_load %arg17[%get3A_198, %get3A_199] {strides = array<i32>} : memref<64x64xf32, #tpu.memory_space<vmem>>, vector<1x16xf32>,
      %get3A_201 = vector.shape_cast %get3A_200 : vector<1x16xf32> to vector<16xf32>
      %add3A_202 = arith.addf %mul3A_197, %get3A_201 : vector<16xf32>
      %swap3A_203 = arith.index_cast %scan3A_144 : i32 to index
      %swap3A_204 = arith.constant 48 : index
      %swap3A_205 = tpu.vector_load %arg19[%swap3A_203, %swap3A_204] {strides = array<i32>} : memref<64x64xf32, #tpu.memory_space<vmem>>, vector<1x16xf32>,
      %swap3A_206 = vector.shape_cast %swap3A_205 : vector<1x16xf32> to vector<16xf32>
      %swap3A_207 = vector.shape_cast %add3A_202 : vector<16xf32> to vector<1x16xf32>
      tpu.vector_store %arg19[%swap3A_203, %swap3A_204], %swap3A_207 {strides = array<i32>} : memref<64x64xf32, #tpu.memory_space<vmem>>, vector<1x16xf32>,
      %scan3A_208 = arith.constant 0 : i32
      scf.yield %scan3A_208 : i32
    }
    %scan3A_141 = arith.constant 64 : i32
    %mul3A_142 = arith.constant 64 : i32
    %mul3A_143 = arith.muli %arg1, %mul3A_142 : i32
    "tpu.region"() ({
      %run_scoped3A = tpu.sem_alloc : memref<!tpu.dma_semaphore, #tpu.memory_space<semaphore_mem>>
      %dma_start3A_144 = arith.constant 0 : i32
      %dma_start3A_145 = tpu.memref_slice %arg7[%arg0, %mul3A_143, %dma_start3A_144] : memref<2x1024x64xf32, #tpu.memory_space<hbm>> -> memref<1x64x64xf32, #tpu.memory_space<hbm>>
      %dma_start3A_146 = tpu.memref_squeeze %dma_start3A_145 : memref<1x64x64xf32, #tpu.memory_space<hbm>> -> memref<64x64xf32, #tpu.memory_space<hbm>>
      %dma_start3A_147 = arith.constant 0 : i32
      %dma_start3A_148 = tpu.memref_slice %arg7[%arg0, %mul3A_143, %dma_start3A_147] : memref<2x1024x64xf32, #tpu.memory_space<hbm>> -> memref<1x64x64xf32, #tpu.memory_space<hbm>>
      %dma_start3A_149 = tpu.memref_squeeze %dma_start3A_148 : memref<1x64x64xf32, #tpu.memory_space<hbm>> -> memref<64x64xf32, #tpu.memory_space<hbm>>
      tpu.enqueue_dma source(%arg19 : memref<64x64xf32, #tpu.memory_space<vmem>>) target(%dma_start3A_149 : memref<64x64xf32, #tpu.memory_space<hbm>>) target_semaphore(%run_scoped3A : memref<!tpu.dma_semaphore, #tpu.memory_space<semaphore_mem>>)
      %dma_wait3A_150 = arith.constant 0 : i32
      %dma_wait3A_151 = tpu.memref_slice %arg7[%arg0, %mul3A_143, %dma_wait3A_150] : memref<2x1024x64xf32, #tpu.memory_space<hbm>> -> memref<1x64x64xf32, #tpu.memory_space<hbm>>
      %dma_wait3A_152 = tpu.memref_squeeze %dma_wait3A_151 : memref<1x64x64xf32, #tpu.memory_space<hbm>> -> memref<64x64xf32, #tpu.memory_space<hbm>>
      %dma_wait3A_153 = arith.constant 0 : i32
      %dma_wait3A_154 = tpu.memref_slice %arg7[%arg0, %mul3A_143, %dma_wait3A_153] : memref<2x1024x64xf32, #tpu.memory_space<hbm>> -> memref<1x64x64xf32, #tpu.memory_space<hbm>>
      %dma_wait3A_155 = tpu.memref_squeeze %dma_wait3A_154 : memref<1x64x64xf32, #tpu.memory_space<hbm>> -> memref<64x64xf32, #tpu.memory_space<hbm>>
      tpu.wait_dma2 semaphore(%run_scoped3A : memref<!tpu.dma_semaphore, #tpu.memory_space<semaphore_mem>>) src(%arg19 : memref<64x64xf32, #tpu.memory_space<vmem>>) dst(%dma_wait3A_155 : memref<64x64xf32, #tpu.memory_space<hbm>>)
      tpu.yield
    }) : () -> ()
    return
  }
}

#map = affine_map<(d0, d1) -> (0, 0)>
#map1 = affine_map<(d0, d1) -> (0, 0, 0)>
#map2 = affine_map<(d0, d1) -> (0)>
module attributes {stable_mosaic.version = 14 : i64} {
  func.func @_seg_sum_kernel(%arg0: i32, %arg1: i32, %arg2: memref<20000x64xf32, #tpu.memory_space<hbm>>, %arg3: memref<2x2500x128xi32, #tpu.memory_space<hbm>>, %arg4: memref<20000x64xf32, #tpu.memory_space<hbm>>, %arg5: memref<20000xf32, #tpu.memory_space<hbm>>, %arg6: memref<160x128xi32, #tpu.memory_space<vmem>>, %arg7: memref<160x128xi32, #tpu.memory_space<vmem>>, %arg8: memref<128x64xf32, #tpu.memory_space<vmem>>, %arg9: memref<128x64xf32, #tpu.memory_space<vmem>>, %arg10: memref<128x64xf32, #tpu.memory_space<vmem>>, %arg11: memref<128x64xf32, #tpu.memory_space<vmem>>, %arg12: memref<128xf32, #tpu.memory_space<vmem>>, %arg13: memref<640xf32, #tpu.memory_space<vmem>>, %arg14: memref<64x64xf32, #tpu.memory_space<vmem>>, %arg15: memref<10240x64xf32, #tpu.memory_space<vmem_shared>>, %arg16: memref<10240xf32, #tpu.memory_space<vmem_shared>>, %arg17: memref<!tpu.dma_semaphore, #tpu.memory_space<semaphore_mem>>, %arg18: memref<!tpu.dma_semaphore, #tpu.memory_space<semaphore_mem>>, %arg19: memref<!tpu.dma_semaphore, #tpu.memory_space<semaphore_mem>>, %arg20: memref<!tpu.dma_semaphore, #tpu.memory_space<semaphore_mem>>, %arg21: memref<!tpu.dma_semaphore, #tpu.memory_space<semaphore_mem>>, %arg22: memref<!tpu.dma_semaphore, #tpu.memory_space<semaphore_mem>>, %arg23: memref<!tpu.dma_semaphore, #tpu.memory_space<semaphore_mem>>, %arg24: memref<!tpu.dma_semaphore, #tpu.memory_space<semaphore_mem>>, %arg25: memref<!tpu.dma_semaphore, #tpu.memory_space<semaphore_mem>>) attributes {dimension_semantics = [#tpu.dimension_semantics<core_parallel>, #tpu.dimension_semantics<subcore_parallel>], iteration_bounds = array<i64: 2, 16>, scalar_prefetch = 0 : i64, scratch_operands = 20 : i64, tpu.core_type = #tpu.core_type<sc_vector_subcore>, window_params = [{transform_indices = #map}, {transform_indices = #map1}, {transform_indices = #map}, {transform_indices = #map2}]} {
    %mul3A = arith.constant 640 : i32
    %mul3A_0 = arith.muli %arg1, %mul3A : i32
    %scan3A = arith.constant 0 : i32
    %scan3A_1 = arith.constant 0 : i32
    %scan3A_2 = arith.constant 64 : i32
    %scan3A_3 = arith.addi %scan3A_1, %scan3A_2 : i32
    %scan3A_4 = arith.constant 1 : i32
    %scan3A_5 = scf.for %scan3A_437 = %scan3A_1 to %scan3A_3 step %scan3A_4 iter_args(%scan3A_438 = %scan3A) -> (i32)  : i32 {
      %broadcast_in_dim3A_439 = arith.constant 0.000000e+00 : f32
      %broadcast_in_dim3A_440 = vector.broadcast %broadcast_in_dim3A_439 : f32 to vector<16xf32>
      %swap3A_441 = arith.index_cast %scan3A_437 : i32 to index
      %swap3A_442 = arith.constant 0 : index
      %swap3A_443 = tpu.vector_load %arg14[%swap3A_441, %swap3A_442] {strides = array<i32>} : memref<64x64xf32, #tpu.memory_space<vmem>>, vector<1x16xf32>,
      %swap3A_444 = vector.shape_cast %swap3A_443 : vector<1x16xf32> to vector<16xf32>
      %swap3A_445 = vector.shape_cast %broadcast_in_dim3A_440 : vector<16xf32> to vector<1x16xf32>
      tpu.vector_store %arg14[%swap3A_441, %swap3A_442], %swap3A_445 {strides = array<i32>} : memref<64x64xf32, #tpu.memory_space<vmem>>, vector<1x16xf32>,
      %broadcast_in_dim3A_446 = arith.constant 0.000000e+00 : f32
      %broadcast_in_dim3A_447 = vector.broadcast %broadcast_in_dim3A_446 : f32 to vector<16xf32>
      %swap3A_448 = arith.index_cast %scan3A_437 : i32 to index
      %swap3A_449 = arith.constant 16 : index
      %swap3A_450 = tpu.vector_load %arg14[%swap3A_448, %swap3A_449] {strides = array<i32>} : memref<64x64xf32, #tpu.memory_space<vmem>>, vector<1x16xf32>,
      %swap3A_451 = vector.shape_cast %swap3A_450 : vector<1x16xf32> to vector<16xf32>
      %swap3A_452 = vector.shape_cast %broadcast_in_dim3A_447 : vector<16xf32> to vector<1x16xf32>
      tpu.vector_store %arg14[%swap3A_448, %swap3A_449], %swap3A_452 {strides = array<i32>} : memref<64x64xf32, #tpu.memory_space<vmem>>, vector<1x16xf32>,
      %broadcast_in_dim3A_453 = arith.constant 0.000000e+00 : f32
      %broadcast_in_dim3A_454 = vector.broadcast %broadcast_in_dim3A_453 : f32 to vector<16xf32>
      %swap3A_455 = arith.index_cast %scan3A_437 : i32 to index
      %swap3A_456 = arith.constant 32 : index
      %swap3A_457 = tpu.vector_load %arg14[%swap3A_455, %swap3A_456] {strides = array<i32>} : memref<64x64xf32, #tpu.memory_space<vmem>>, vector<1x16xf32>,
      %swap3A_458 = vector.shape_cast %swap3A_457 : vector<1x16xf32> to vector<16xf32>
      %swap3A_459 = vector.shape_cast %broadcast_in_dim3A_454 : vector<16xf32> to vector<1x16xf32>
      tpu.vector_store %arg14[%swap3A_455, %swap3A_456], %swap3A_459 {strides = array<i32>} : memref<64x64xf32, #tpu.memory_space<vmem>>, vector<1x16xf32>,
      %broadcast_in_dim3A_460 = arith.constant 0.000000e+00 : f32
      %broadcast_in_dim3A_461 = vector.broadcast %broadcast_in_dim3A_460 : f32 to vector<16xf32>
      %swap3A_462 = arith.index_cast %scan3A_437 : i32 to index
      %swap3A_463 = arith.constant 48 : index
      %swap3A_464 = tpu.vector_load %arg14[%swap3A_462, %swap3A_463] {strides = array<i32>} : memref<64x64xf32, #tpu.memory_space<vmem>>, vector<1x16xf32>,
      %swap3A_465 = vector.shape_cast %swap3A_464 : vector<1x16xf32> to vector<16xf32>
      %swap3A_466 = vector.shape_cast %broadcast_in_dim3A_461 : vector<16xf32> to vector<1x16xf32>
      tpu.vector_store %arg14[%swap3A_462, %swap3A_463], %swap3A_466 {strides = array<i32>} : memref<64x64xf32, #tpu.memory_space<vmem>>, vector<1x16xf32>,
      %scan3A_467 = arith.constant 0 : i32
      scf.yield %scan3A_467 : i32
    }
    %scan3A_6 = arith.constant 64 : i32
    %broadcast_in_dim3A = arith.constant 1.000000e+00 : f32
    %broadcast_in_dim3A_7 = vector.broadcast %broadcast_in_dim3A : f32 to vector<16xf32>
    %swap3A = arith.constant 0 : index
    %swap3A_8 = tpu.vector_load %arg12[%swap3A] {strides = array<i32>} : memref<128xf32, #tpu.memory_space<vmem>>, vector<16xf32>,
    %swap3A_9 = vector.shape_cast %swap3A_8 : vector<16xf32> to vector<16xf32>
    %swap3A_10 = vector.shape_cast %broadcast_in_dim3A_7 : vector<16xf32> to vector<16xf32>
    tpu.vector_store %arg12[%swap3A], %swap3A_10 {strides = array<i32>} : memref<128xf32, #tpu.memory_space<vmem>>, vector<16xf32>,
    %broadcast_in_dim3A_11 = arith.constant 1.000000e+00 : f32
    %broadcast_in_dim3A_12 = vector.broadcast %broadcast_in_dim3A_11 : f32 to vector<16xf32>
    %swap3A_13 = arith.constant 16 : index
    %swap3A_14 = tpu.vector_load %arg12[%swap3A_13] {strides = array<i32>} : memref<128xf32, #tpu.memory_space<vmem>>, vector<16xf32>,
    %swap3A_15 = vector.shape_cast %swap3A_14 : vector<16xf32> to vector<16xf32>
    %swap3A_16 = vector.shape_cast %broadcast_in_dim3A_12 : vector<16xf32> to vector<16xf32>
    tpu.vector_store %arg12[%swap3A_13], %swap3A_16 {strides = array<i32>} : memref<128xf32, #tpu.memory_space<vmem>>, vector<16xf32>,
    %broadcast_in_dim3A_17 = arith.constant 1.000000e+00 : f32
    %broadcast_in_dim3A_18 = vector.broadcast %broadcast_in_dim3A_17 : f32 to vector<16xf32>
    %swap3A_19 = arith.constant 32 : index
    %swap3A_20 = tpu.vector_load %arg12[%swap3A_19] {strides = array<i32>} : memref<128xf32, #tpu.memory_space<vmem>>, vector<16xf32>,
    %swap3A_21 = vector.shape_cast %swap3A_20 : vector<16xf32> to vector<16xf32>
    %swap3A_22 = vector.shape_cast %broadcast_in_dim3A_18 : vector<16xf32> to vector<16xf32>
    tpu.vector_store %arg12[%swap3A_19], %swap3A_22 {strides = array<i32>} : memref<128xf32, #tpu.memory_space<vmem>>, vector<16xf32>,
    %broadcast_in_dim3A_23 = arith.constant 1.000000e+00 : f32
    %broadcast_in_dim3A_24 = vector.broadcast %broadcast_in_dim3A_23 : f32 to vector<16xf32>
    %swap3A_25 = arith.constant 48 : index
    %swap3A_26 = tpu.vector_load %arg12[%swap3A_25] {strides = array<i32>} : memref<128xf32, #tpu.memory_space<vmem>>, vector<16xf32>,
    %swap3A_27 = vector.shape_cast %swap3A_26 : vector<16xf32> to vector<16xf32>
    %swap3A_28 = vector.shape_cast %broadcast_in_dim3A_24 : vector<16xf32> to vector<16xf32>
    tpu.vector_store %arg12[%swap3A_25], %swap3A_28 {strides = array<i32>} : memref<128xf32, #tpu.memory_space<vmem>>, vector<16xf32>,
    %broadcast_in_dim3A_29 = arith.constant 1.000000e+00 : f32
    %broadcast_in_dim3A_30 = vector.broadcast %broadcast_in_dim3A_29 : f32 to vector<16xf32>
    %swap3A_31 = arith.constant 64 : index
    %swap3A_32 = tpu.vector_load %arg12[%swap3A_31] {strides = array<i32>} : memref<128xf32, #tpu.memory_space<vmem>>, vector<16xf32>,
    %swap3A_33 = vector.shape_cast %swap3A_32 : vector<16xf32> to vector<16xf32>
    %swap3A_34 = vector.shape_cast %broadcast_in_dim3A_30 : vector<16xf32> to vector<16xf32>
    tpu.vector_store %arg12[%swap3A_31], %swap3A_34 {strides = array<i32>} : memref<128xf32, #tpu.memory_space<vmem>>, vector<16xf32>,
    %broadcast_in_dim3A_35 = arith.constant 1.000000e+00 : f32
    %broadcast_in_dim3A_36 = vector.broadcast %broadcast_in_dim3A_35 : f32 to vector<16xf32>
    %swap3A_37 = arith.constant 80 : index
    %swap3A_38 = tpu.vector_load %arg12[%swap3A_37] {strides = array<i32>} : memref<128xf32, #tpu.memory_space<vmem>>, vector<16xf32>,
    %swap3A_39 = vector.shape_cast %swap3A_38 : vector<16xf32> to vector<16xf32>
    %swap3A_40 = vector.shape_cast %broadcast_in_dim3A_36 : vector<16xf32> to vector<16xf32>
    tpu.vector_store %arg12[%swap3A_37], %swap3A_40 {strides = array<i32>} : memref<128xf32, #tpu.memory_space<vmem>>, vector<16xf32>,
    %broadcast_in_dim3A_41 = arith.constant 1.000000e+00 : f32
    %broadcast_in_dim3A_42 = vector.broadcast %broadcast_in_dim3A_41 : f32 to vector<16xf32>
    %swap3A_43 = arith.constant 96 : index
    %swap3A_44 = tpu.vector_load %arg12[%swap3A_43] {strides = array<i32>} : memref<128xf32, #tpu.memory_space<vmem>>, vector<16xf32>,
    %swap3A_45 = vector.shape_cast %swap3A_44 : vector<16xf32> to vector<16xf32>
    %swap3A_46 = vector.shape_cast %broadcast_in_dim3A_42 : vector<16xf32> to vector<16xf32>
    tpu.vector_store %arg12[%swap3A_43], %swap3A_46 {strides = array<i32>} : memref<128xf32, #tpu.memory_space<vmem>>, vector<16xf32>,
    %broadcast_in_dim3A_47 = arith.constant 1.000000e+00 : f32
    %broadcast_in_dim3A_48 = vector.broadcast %broadcast_in_dim3A_47 : f32 to vector<16xf32>
    %swap3A_49 = arith.constant 112 : index
    %swap3A_50 = tpu.vector_load %arg12[%swap3A_49] {strides = array<i32>} : memref<128xf32, #tpu.memory_space<vmem>>, vector<16xf32>,
    %swap3A_51 = vector.shape_cast %swap3A_50 : vector<16xf32> to vector<16xf32>
    %swap3A_52 = vector.shape_cast %broadcast_in_dim3A_48 : vector<16xf32> to vector<16xf32>
    tpu.vector_store %arg12[%swap3A_49], %swap3A_52 {strides = array<i32>} : memref<128xf32, #tpu.memory_space<vmem>>, vector<16xf32>,
    %broadcast_in_dim3A_53 = arith.constant 0.000000e+00 : f32
    %broadcast_in_dim3A_54 = vector.broadcast %broadcast_in_dim3A_53 : f32 to vector<16xf32>
    %swap3A_55 = arith.constant 0 : index
    %swap3A_56 = tpu.vector_load %arg13[%swap3A_55] {strides = array<i32>} : memref<640xf32, #tpu.memory_space<vmem>>, vector<16xf32>,
    %swap3A_57 = vector.shape_cast %swap3A_56 : vector<16xf32> to vector<16xf32>
    %swap3A_58 = vector.shape_cast %broadcast_in_dim3A_54 : vector<16xf32> to vector<16xf32>
    tpu.vector_store %arg13[%swap3A_55], %swap3A_58 {strides = array<i32>} : memref<640xf32, #tpu.memory_space<vmem>>, vector<16xf32>,
    %broadcast_in_dim3A_59 = arith.constant 0.000000e+00 : f32
    %broadcast_in_dim3A_60 = vector.broadcast %broadcast_in_dim3A_59 : f32 to vector<16xf32>
    %swap3A_61 = arith.constant 16 : index
    %swap3A_62 = tpu.vector_load %arg13[%swap3A_61] {strides = array<i32>} : memref<640xf32, #tpu.memory_space<vmem>>, vector<16xf32>,
    %swap3A_63 = vector.shape_cast %swap3A_62 : vector<16xf32> to vector<16xf32>
    %swap3A_64 = vector.shape_cast %broadcast_in_dim3A_60 : vector<16xf32> to vector<16xf32>
    tpu.vector_store %arg13[%swap3A_61], %swap3A_64 {strides = array<i32>} : memref<640xf32, #tpu.memory_space<vmem>>, vector<16xf32>,
    %broadcast_in_dim3A_65 = arith.constant 0.000000e+00 : f32
    %broadcast_in_dim3A_66 = vector.broadcast %broadcast_in_dim3A_65 : f32 to vector<16xf32>
    %swap3A_67 = arith.constant 32 : index
    %swap3A_68 = tpu.vector_load %arg13[%swap3A_67] {strides = array<i32>} : memref<640xf32, #tpu.memory_space<vmem>>, vector<16xf32>,
    %swap3A_69 = vector.shape_cast %swap3A_68 : vector<16xf32> to vector<16xf32>
    %swap3A_70 = vector.shape_cast %broadcast_in_dim3A_66 : vector<16xf32> to vector<16xf32>
    tpu.vector_store %arg13[%swap3A_67], %swap3A_70 {strides = array<i32>} : memref<640xf32, #tpu.memory_space<vmem>>, vector<16xf32>,
    %broadcast_in_dim3A_71 = arith.constant 0.000000e+00 : f32
    %broadcast_in_dim3A_72 = vector.broadcast %broadcast_in_dim3A_71 : f32 to vector<16xf32>
    %swap3A_73 = arith.constant 48 : index
    %swap3A_74 = tpu.vector_load %arg13[%swap3A_73] {strides = array<i32>} : memref<640xf32, #tpu.memory_space<vmem>>, vector<16xf32>,
    %swap3A_75 = vector.shape_cast %swap3A_74 : vector<16xf32> to vector<16xf32>
    %swap3A_76 = vector.shape_cast %broadcast_in_dim3A_72 : vector<16xf32> to vector<16xf32>
    tpu.vector_store %arg13[%swap3A_73], %swap3A_76 {strides = array<i32>} : memref<640xf32, #tpu.memory_space<vmem>>, vector<16xf32>,
    %broadcast_in_dim3A_77 = arith.constant 0.000000e+00 : f32
    %broadcast_in_dim3A_78 = vector.broadcast %broadcast_in_dim3A_77 : f32 to vector<16xf32>
    %swap3A_79 = arith.constant 64 : index
    %swap3A_80 = tpu.vector_load %arg13[%swap3A_79] {strides = array<i32>} : memref<640xf32, #tpu.memory_space<vmem>>, vector<16xf32>,
    %swap3A_81 = vector.shape_cast %swap3A_80 : vector<16xf32> to vector<16xf32>
    %swap3A_82 = vector.shape_cast %broadcast_in_dim3A_78 : vector<16xf32> to vector<16xf32>
    tpu.vector_store %arg13[%swap3A_79], %swap3A_82 {strides = array<i32>} : memref<640xf32, #tpu.memory_space<vmem>>, vector<16xf32>,
    %broadcast_in_dim3A_83 = arith.constant 0.000000e+00 : f32
    %broadcast_in_dim3A_84 = vector.broadcast %broadcast_in_dim3A_83 : f32 to vector<16xf32>
    %swap3A_85 = arith.constant 80 : index
    %swap3A_86 = tpu.vector_load %arg13[%swap3A_85] {strides = array<i32>} : memref<640xf32, #tpu.memory_space<vmem>>, vector<16xf32>,
    %swap3A_87 = vector.shape_cast %swap3A_86 : vector<16xf32> to vector<16xf32>
    %swap3A_88 = vector.shape_cast %broadcast_in_dim3A_84 : vector<16xf32> to vector<16xf32>
    tpu.vector_store %arg13[%swap3A_85], %swap3A_88 {strides = array<i32>} : memref<640xf32, #tpu.memory_space<vmem>>, vector<16xf32>,
    %broadcast_in_dim3A_89 = arith.constant 0.000000e+00 : f32
    %broadcast_in_dim3A_90 = vector.broadcast %broadcast_in_dim3A_89 : f32 to vector<16xf32>
    %swap3A_91 = arith.constant 96 : index
    %swap3A_92 = tpu.vector_load %arg13[%swap3A_91] {strides = array<i32>} : memref<640xf32, #tpu.memory_space<vmem>>, vector<16xf32>,
    %swap3A_93 = vector.shape_cast %swap3A_92 : vector<16xf32> to vector<16xf32>
    %swap3A_94 = vector.shape_cast %broadcast_in_dim3A_90 : vector<16xf32> to vector<16xf32>
    tpu.vector_store %arg13[%swap3A_91], %swap3A_94 {strides = array<i32>} : memref<640xf32, #tpu.memory_space<vmem>>, vector<16xf32>,
    %broadcast_in_dim3A_95 = arith.constant 0.000000e+00 : f32
    %broadcast_in_dim3A_96 = vector.broadcast %broadcast_in_dim3A_95 : f32 to vector<16xf32>
    %swap3A_97 = arith.constant 112 : index
    %swap3A_98 = tpu.vector_load %arg13[%swap3A_97] {strides = array<i32>} : memref<640xf32, #tpu.memory_space<vmem>>, vector<16xf32>,
    %swap3A_99 = vector.shape_cast %swap3A_98 : vector<16xf32> to vector<16xf32>
    %swap3A_100 = vector.shape_cast %broadcast_in_dim3A_96 : vector<16xf32> to vector<16xf32>
    tpu.vector_store %arg13[%swap3A_97], %swap3A_100 {strides = array<i32>} : memref<640xf32, #tpu.memory_space<vmem>>, vector<16xf32>,
    %broadcast_in_dim3A_101 = arith.constant 0.000000e+00 : f32
    %broadcast_in_dim3A_102 = vector.broadcast %broadcast_in_dim3A_101 : f32 to vector<16xf32>
    %swap3A_103 = arith.constant 128 : index
    %swap3A_104 = tpu.vector_load %arg13[%swap3A_103] {strides = array<i32>} : memref<640xf32, #tpu.memory_space<vmem>>, vector<16xf32>,
    %swap3A_105 = vector.shape_cast %swap3A_104 : vector<16xf32> to vector<16xf32>
    %swap3A_106 = vector.shape_cast %broadcast_in_dim3A_102 : vector<16xf32> to vector<16xf32>
    tpu.vector_store %arg13[%swap3A_103], %swap3A_106 {strides = array<i32>} : memref<640xf32, #tpu.memory_space<vmem>>, vector<16xf32>,
    %broadcast_in_dim3A_107 = arith.constant 0.000000e+00 : f32
    %broadcast_in_dim3A_108 = vector.broadcast %broadcast_in_dim3A_107 : f32 to vector<16xf32>
    %swap3A_109 = arith.constant 144 : index
    %swap3A_110 = tpu.vector_load %arg13[%swap3A_109] {strides = array<i32>} : memref<640xf32, #tpu.memory_space<vmem>>, vector<16xf32>,
    %swap3A_111 = vector.shape_cast %swap3A_110 : vector<16xf32> to vector<16xf32>
    %swap3A_112 = vector.shape_cast %broadcast_in_dim3A_108 : vector<16xf32> to vector<16xf32>
    tpu.vector_store %arg13[%swap3A_109], %swap3A_112 {strides = array<i32>} : memref<640xf32, #tpu.memory_space<vmem>>, vector<16xf32>,
    %broadcast_in_dim3A_113 = arith.constant 0.000000e+00 : f32
    %broadcast_in_dim3A_114 = vector.broadcast %broadcast_in_dim3A_113 : f32 to vector<16xf32>
    %swap3A_115 = arith.constant 160 : index
    %swap3A_116 = tpu.vector_load %arg13[%swap3A_115] {strides = array<i32>} : memref<640xf32, #tpu.memory_space<vmem>>, vector<16xf32>,
    %swap3A_117 = vector.shape_cast %swap3A_116 : vector<16xf32> to vector<16xf32>
    %swap3A_118 = vector.shape_cast %broadcast_in_dim3A_114 : vector<16xf32> to vector<16xf32>
    tpu.vector_store %arg13[%swap3A_115], %swap3A_118 {strides = array<i32>} : memref<640xf32, #tpu.memory_space<vmem>>, vector<16xf32>,
    %broadcast_in_dim3A_119 = arith.constant 0.000000e+00 : f32
    %broadcast_in_dim3A_120 = vector.broadcast %broadcast_in_dim3A_119 : f32 to vector<16xf32>
    %swap3A_121 = arith.constant 176 : index
    %swap3A_122 = tpu.vector_load %arg13[%swap3A_121] {strides = array<i32>} : memref<640xf32, #tpu.memory_space<vmem>>, vector<16xf32>,
    %swap3A_123 = vector.shape_cast %swap3A_122 : vector<16xf32> to vector<16xf32>
    %swap3A_124 = vector.shape_cast %broadcast_in_dim3A_120 : vector<16xf32> to vector<16xf32>
    tpu.vector_store %arg13[%swap3A_121], %swap3A_124 {strides = array<i32>} : memref<640xf32, #tpu.memory_space<vmem>>, vector<16xf32>,
    %broadcast_in_dim3A_125 = arith.constant 0.000000e+00 : f32
    %broadcast_in_dim3A_126 = vector.broadcast %broadcast_in_dim3A_125 : f32 to vector<16xf32>
    %swap3A_127 = arith.constant 192 : index
    %swap3A_128 = tpu.vector_load %arg13[%swap3A_127] {strides = array<i32>} : memref<640xf32, #tpu.memory_space<vmem>>, vector<16xf32>,
    %swap3A_129 = vector.shape_cast %swap3A_128 : vector<16xf32> to vector<16xf32>
    %swap3A_130 = vector.shape_cast %broadcast_in_dim3A_126 : vector<16xf32> to vector<16xf32>
    tpu.vector_store %arg13[%swap3A_127], %swap3A_130 {strides = array<i32>} : memref<640xf32, #tpu.memory_space<vmem>>, vector<16xf32>,
    %broadcast_in_dim3A_131 = arith.constant 0.000000e+00 : f32
    %broadcast_in_dim3A_132 = vector.broadcast %broadcast_in_dim3A_131 : f32 to vector<16xf32>
    %swap3A_133 = arith.constant 208 : index
    %swap3A_134 = tpu.vector_load %arg13[%swap3A_133] {strides = array<i32>} : memref<640xf32, #tpu.memory_space<vmem>>, vector<16xf32>,
    %swap3A_135 = vector.shape_cast %swap3A_134 : vector<16xf32> to vector<16xf32>
    %swap3A_136 = vector.shape_cast %broadcast_in_dim3A_132 : vector<16xf32> to vector<16xf32>
    tpu.vector_store %arg13[%swap3A_133], %swap3A_136 {strides = array<i32>} : memref<640xf32, #tpu.memory_space<vmem>>, vector<16xf32>,
    %broadcast_in_dim3A_137 = arith.constant 0.000000e+00 : f32
    %broadcast_in_dim3A_138 = vector.broadcast %broadcast_in_dim3A_137 : f32 to vector<16xf32>
    %swap3A_139 = arith.constant 224 : index
    %swap3A_140 = tpu.vector_load %arg13[%swap3A_139] {strides = array<i32>} : memref<640xf32, #tpu.memory_space<vmem>>, vector<16xf32>,
    %swap3A_141 = vector.shape_cast %swap3A_140 : vector<16xf32> to vector<16xf32>
    %swap3A_142 = vector.shape_cast %broadcast_in_dim3A_138 : vector<16xf32> to vector<16xf32>
    tpu.vector_store %arg13[%swap3A_139], %swap3A_142 {strides = array<i32>} : memref<640xf32, #tpu.memory_space<vmem>>, vector<16xf32>,
    %broadcast_in_dim3A_143 = arith.constant 0.000000e+00 : f32
    %broadcast_in_dim3A_144 = vector.broadcast %broadcast_in_dim3A_143 : f32 to vector<16xf32>
    %swap3A_145 = arith.constant 240 : index
    %swap3A_146 = tpu.vector_load %arg13[%swap3A_145] {strides = array<i32>} : memref<640xf32, #tpu.memory_space<vmem>>, vector<16xf32>,
    %swap3A_147 = vector.shape_cast %swap3A_146 : vector<16xf32> to vector<16xf32>
    %swap3A_148 = vector.shape_cast %broadcast_in_dim3A_144 : vector<16xf32> to vector<16xf32>
    tpu.vector_store %arg13[%swap3A_145], %swap3A_148 {strides = array<i32>} : memref<640xf32, #tpu.memory_space<vmem>>, vector<16xf32>,
    %broadcast_in_dim3A_149 = arith.constant 0.000000e+00 : f32
    %broadcast_in_dim3A_150 = vector.broadcast %broadcast_in_dim3A_149 : f32 to vector<16xf32>
    %swap3A_151 = arith.constant 256 : index
    %swap3A_152 = tpu.vector_load %arg13[%swap3A_151] {strides = array<i32>} : memref<640xf32, #tpu.memory_space<vmem>>, vector<16xf32>,
    %swap3A_153 = vector.shape_cast %swap3A_152 : vector<16xf32> to vector<16xf32>
    %swap3A_154 = vector.shape_cast %broadcast_in_dim3A_150 : vector<16xf32> to vector<16xf32>
    tpu.vector_store %arg13[%swap3A_151], %swap3A_154 {strides = array<i32>} : memref<640xf32, #tpu.memory_space<vmem>>, vector<16xf32>,
    %broadcast_in_dim3A_155 = arith.constant 0.000000e+00 : f32
    %broadcast_in_dim3A_156 = vector.broadcast %broadcast_in_dim3A_155 : f32 to vector<16xf32>
    %swap3A_157 = arith.constant 272 : index
    %swap3A_158 = tpu.vector_load %arg13[%swap3A_157] {strides = array<i32>} : memref<640xf32, #tpu.memory_space<vmem>>, vector<16xf32>,
    %swap3A_159 = vector.shape_cast %swap3A_158 : vector<16xf32> to vector<16xf32>
    %swap3A_160 = vector.shape_cast %broadcast_in_dim3A_156 : vector<16xf32> to vector<16xf32>
    tpu.vector_store %arg13[%swap3A_157], %swap3A_160 {strides = array<i32>} : memref<640xf32, #tpu.memory_space<vmem>>, vector<16xf32>,
    %broadcast_in_dim3A_161 = arith.constant 0.000000e+00 : f32
    %broadcast_in_dim3A_162 = vector.broadcast %broadcast_in_dim3A_161 : f32 to vector<16xf32>
    %swap3A_163 = arith.constant 288 : index
    %swap3A_164 = tpu.vector_load %arg13[%swap3A_163] {strides = array<i32>} : memref<640xf32, #tpu.memory_space<vmem>>, vector<16xf32>,
    %swap3A_165 = vector.shape_cast %swap3A_164 : vector<16xf32> to vector<16xf32>
    %swap3A_166 = vector.shape_cast %broadcast_in_dim3A_162 : vector<16xf32> to vector<16xf32>
    tpu.vector_store %arg13[%swap3A_163], %swap3A_166 {strides = array<i32>} : memref<640xf32, #tpu.memory_space<vmem>>, vector<16xf32>,
    %broadcast_in_dim3A_167 = arith.constant 0.000000e+00 : f32
    %broadcast_in_dim3A_168 = vector.broadcast %broadcast_in_dim3A_167 : f32 to vector<16xf32>
    %swap3A_169 = arith.constant 304 : index
    %swap3A_170 = tpu.vector_load %arg13[%swap3A_169] {strides = array<i32>} : memref<640xf32, #tpu.memory_space<vmem>>, vector<16xf32>,
    %swap3A_171 = vector.shape_cast %swap3A_170 : vector<16xf32> to vector<16xf32>
    %swap3A_172 = vector.shape_cast %broadcast_in_dim3A_168 : vector<16xf32> to vector<16xf32>
    tpu.vector_store %arg13[%swap3A_169], %swap3A_172 {strides = array<i32>} : memref<640xf32, #tpu.memory_space<vmem>>, vector<16xf32>,
    %broadcast_in_dim3A_173 = arith.constant 0.000000e+00 : f32
    %broadcast_in_dim3A_174 = vector.broadcast %broadcast_in_dim3A_173 : f32 to vector<16xf32>
    %swap3A_175 = arith.constant 320 : index
    %swap3A_176 = tpu.vector_load %arg13[%swap3A_175] {strides = array<i32>} : memref<640xf32, #tpu.memory_space<vmem>>, vector<16xf32>,
    %swap3A_177 = vector.shape_cast %swap3A_176 : vector<16xf32> to vector<16xf32>
    %swap3A_178 = vector.shape_cast %broadcast_in_dim3A_174 : vector<16xf32> to vector<16xf32>
    tpu.vector_store %arg13[%swap3A_175], %swap3A_178 {strides = array<i32>} : memref<640xf32, #tpu.memory_space<vmem>>, vector<16xf32>,
    %broadcast_in_dim3A_179 = arith.constant 0.000000e+00 : f32
    %broadcast_in_dim3A_180 = vector.broadcast %broadcast_in_dim3A_179 : f32 to vector<16xf32>
    %swap3A_181 = arith.constant 336 : index
    %swap3A_182 = tpu.vector_load %arg13[%swap3A_181] {strides = array<i32>} : memref<640xf32, #tpu.memory_space<vmem>>, vector<16xf32>,
    %swap3A_183 = vector.shape_cast %swap3A_182 : vector<16xf32> to vector<16xf32>
    %swap3A_184 = vector.shape_cast %broadcast_in_dim3A_180 : vector<16xf32> to vector<16xf32>
    tpu.vector_store %arg13[%swap3A_181], %swap3A_184 {strides = array<i32>} : memref<640xf32, #tpu.memory_space<vmem>>, vector<16xf32>,
    %broadcast_in_dim3A_185 = arith.constant 0.000000e+00 : f32
    %broadcast_in_dim3A_186 = vector.broadcast %broadcast_in_dim3A_185 : f32 to vector<16xf32>
    %swap3A_187 = arith.constant 352 : index
    %swap3A_188 = tpu.vector_load %arg13[%swap3A_187] {strides = array<i32>} : memref<640xf32, #tpu.memory_space<vmem>>, vector<16xf32>,
    %swap3A_189 = vector.shape_cast %swap3A_188 : vector<16xf32> to vector<16xf32>
    %swap3A_190 = vector.shape_cast %broadcast_in_dim3A_186 : vector<16xf32> to vector<16xf32>
    tpu.vector_store %arg13[%swap3A_187], %swap3A_190 {strides = array<i32>} : memref<640xf32, #tpu.memory_space<vmem>>, vector<16xf32>,
    %broadcast_in_dim3A_191 = arith.constant 0.000000e+00 : f32
    %broadcast_in_dim3A_192 = vector.broadcast %broadcast_in_dim3A_191 : f32 to vector<16xf32>
    %swap3A_193 = arith.constant 368 : index
    %swap3A_194 = tpu.vector_load %arg13[%swap3A_193] {strides = array<i32>} : memref<640xf32, #tpu.memory_space<vmem>>, vector<16xf32>,
    %swap3A_195 = vector.shape_cast %swap3A_194 : vector<16xf32> to vector<16xf32>
    %swap3A_196 = vector.shape_cast %broadcast_in_dim3A_192 : vector<16xf32> to vector<16xf32>
    tpu.vector_store %arg13[%swap3A_193], %swap3A_196 {strides = array<i32>} : memref<640xf32, #tpu.memory_space<vmem>>, vector<16xf32>,
    %broadcast_in_dim3A_197 = arith.constant 0.000000e+00 : f32
    %broadcast_in_dim3A_198 = vector.broadcast %broadcast_in_dim3A_197 : f32 to vector<16xf32>
    %swap3A_199 = arith.constant 384 : index
    %swap3A_200 = tpu.vector_load %arg13[%swap3A_199] {strides = array<i32>} : memref<640xf32, #tpu.memory_space<vmem>>, vector<16xf32>,
    %swap3A_201 = vector.shape_cast %swap3A_200 : vector<16xf32> to vector<16xf32>
    %swap3A_202 = vector.shape_cast %broadcast_in_dim3A_198 : vector<16xf32> to vector<16xf32>
    tpu.vector_store %arg13[%swap3A_199], %swap3A_202 {strides = array<i32>} : memref<640xf32, #tpu.memory_space<vmem>>, vector<16xf32>,
    %broadcast_in_dim3A_203 = arith.constant 0.000000e+00 : f32
    %broadcast_in_dim3A_204 = vector.broadcast %broadcast_in_dim3A_203 : f32 to vector<16xf32>
    %swap3A_205 = arith.constant 400 : index
    %swap3A_206 = tpu.vector_load %arg13[%swap3A_205] {strides = array<i32>} : memref<640xf32, #tpu.memory_space<vmem>>, vector<16xf32>,
    %swap3A_207 = vector.shape_cast %swap3A_206 : vector<16xf32> to vector<16xf32>
    %swap3A_208 = vector.shape_cast %broadcast_in_dim3A_204 : vector<16xf32> to vector<16xf32>
    tpu.vector_store %arg13[%swap3A_205], %swap3A_208 {strides = array<i32>} : memref<640xf32, #tpu.memory_space<vmem>>, vector<16xf32>,
    %broadcast_in_dim3A_209 = arith.constant 0.000000e+00 : f32
    %broadcast_in_dim3A_210 = vector.broadcast %broadcast_in_dim3A_209 : f32 to vector<16xf32>
    %swap3A_211 = arith.constant 416 : index
    %swap3A_212 = tpu.vector_load %arg13[%swap3A_211] {strides = array<i32>} : memref<640xf32, #tpu.memory_space<vmem>>, vector<16xf32>,
    %swap3A_213 = vector.shape_cast %swap3A_212 : vector<16xf32> to vector<16xf32>
    %swap3A_214 = vector.shape_cast %broadcast_in_dim3A_210 : vector<16xf32> to vector<16xf32>
    tpu.vector_store %arg13[%swap3A_211], %swap3A_214 {strides = array<i32>} : memref<640xf32, #tpu.memory_space<vmem>>, vector<16xf32>,
    %broadcast_in_dim3A_215 = arith.constant 0.000000e+00 : f32
    %broadcast_in_dim3A_216 = vector.broadcast %broadcast_in_dim3A_215 : f32 to vector<16xf32>
    %swap3A_217 = arith.constant 432 : index
    %swap3A_218 = tpu.vector_load %arg13[%swap3A_217] {strides = array<i32>} : memref<640xf32, #tpu.memory_space<vmem>>, vector<16xf32>,
    %swap3A_219 = vector.shape_cast %swap3A_218 : vector<16xf32> to vector<16xf32>
    %swap3A_220 = vector.shape_cast %broadcast_in_dim3A_216 : vector<16xf32> to vector<16xf32>
    tpu.vector_store %arg13[%swap3A_217], %swap3A_220 {strides = array<i32>} : memref<640xf32, #tpu.memory_space<vmem>>, vector<16xf32>,
    %broadcast_in_dim3A_221 = arith.constant 0.000000e+00 : f32
    %broadcast_in_dim3A_222 = vector.broadcast %broadcast_in_dim3A_221 : f32 to vector<16xf32>
    %swap3A_223 = arith.constant 448 : index
    %swap3A_224 = tpu.vector_load %arg13[%swap3A_223] {strides = array<i32>} : memref<640xf32, #tpu.memory_space<vmem>>, vector<16xf32>,
    %swap3A_225 = vector.shape_cast %swap3A_224 : vector<16xf32> to vector<16xf32>
    %swap3A_226 = vector.shape_cast %broadcast_in_dim3A_222 : vector<16xf32> to vector<16xf32>
    tpu.vector_store %arg13[%swap3A_223], %swap3A_226 {strides = array<i32>} : memref<640xf32, #tpu.memory_space<vmem>>, vector<16xf32>,
    %broadcast_in_dim3A_227 = arith.constant 0.000000e+00 : f32
    %broadcast_in_dim3A_228 = vector.broadcast %broadcast_in_dim3A_227 : f32 to vector<16xf32>
    %swap3A_229 = arith.constant 464 : index
    %swap3A_230 = tpu.vector_load %arg13[%swap3A_229] {strides = array<i32>} : memref<640xf32, #tpu.memory_space<vmem>>, vector<16xf32>,
    %swap3A_231 = vector.shape_cast %swap3A_230 : vector<16xf32> to vector<16xf32>
    %swap3A_232 = vector.shape_cast %broadcast_in_dim3A_228 : vector<16xf32> to vector<16xf32>
    tpu.vector_store %arg13[%swap3A_229], %swap3A_232 {strides = array<i32>} : memref<640xf32, #tpu.memory_space<vmem>>, vector<16xf32>,
    %broadcast_in_dim3A_233 = arith.constant 0.000000e+00 : f32
    %broadcast_in_dim3A_234 = vector.broadcast %broadcast_in_dim3A_233 : f32 to vector<16xf32>
    %swap3A_235 = arith.constant 480 : index
    %swap3A_236 = tpu.vector_load %arg13[%swap3A_235] {strides = array<i32>} : memref<640xf32, #tpu.memory_space<vmem>>, vector<16xf32>,
    %swap3A_237 = vector.shape_cast %swap3A_236 : vector<16xf32> to vector<16xf32>
    %swap3A_238 = vector.shape_cast %broadcast_in_dim3A_234 : vector<16xf32> to vector<16xf32>
    tpu.vector_store %arg13[%swap3A_235], %swap3A_238 {strides = array<i32>} : memref<640xf32, #tpu.memory_space<vmem>>, vector<16xf32>,
    %broadcast_in_dim3A_239 = arith.constant 0.000000e+00 : f32
    %broadcast_in_dim3A_240 = vector.broadcast %broadcast_in_dim3A_239 : f32 to vector<16xf32>
    %swap3A_241 = arith.constant 496 : index
    %swap3A_242 = tpu.vector_load %arg13[%swap3A_241] {strides = array<i32>} : memref<640xf32, #tpu.memory_space<vmem>>, vector<16xf32>,
    %swap3A_243 = vector.shape_cast %swap3A_242 : vector<16xf32> to vector<16xf32>
    %swap3A_244 = vector.shape_cast %broadcast_in_dim3A_240 : vector<16xf32> to vector<16xf32>
    tpu.vector_store %arg13[%swap3A_241], %swap3A_244 {strides = array<i32>} : memref<640xf32, #tpu.memory_space<vmem>>, vector<16xf32>,
    %broadcast_in_dim3A_245 = arith.constant 0.000000e+00 : f32
    %broadcast_in_dim3A_246 = vector.broadcast %broadcast_in_dim3A_245 : f32 to vector<16xf32>
    %swap3A_247 = arith.constant 512 : index
    %swap3A_248 = tpu.vector_load %arg13[%swap3A_247] {strides = array<i32>} : memref<640xf32, #tpu.memory_space<vmem>>, vector<16xf32>,
    %swap3A_249 = vector.shape_cast %swap3A_248 : vector<16xf32> to vector<16xf32>
    %swap3A_250 = vector.shape_cast %broadcast_in_dim3A_246 : vector<16xf32> to vector<16xf32>
    tpu.vector_store %arg13[%swap3A_247], %swap3A_250 {strides = array<i32>} : memref<640xf32, #tpu.memory_space<vmem>>, vector<16xf32>,
    %broadcast_in_dim3A_251 = arith.constant 0.000000e+00 : f32
    %broadcast_in_dim3A_252 = vector.broadcast %broadcast_in_dim3A_251 : f32 to vector<16xf32>
    %swap3A_253 = arith.constant 528 : index
    %swap3A_254 = tpu.vector_load %arg13[%swap3A_253] {strides = array<i32>} : memref<640xf32, #tpu.memory_space<vmem>>, vector<16xf32>,
    %swap3A_255 = vector.shape_cast %swap3A_254 : vector<16xf32> to vector<16xf32>
    %swap3A_256 = vector.shape_cast %broadcast_in_dim3A_252 : vector<16xf32> to vector<16xf32>
    tpu.vector_store %arg13[%swap3A_253], %swap3A_256 {strides = array<i32>} : memref<640xf32, #tpu.memory_space<vmem>>, vector<16xf32>,
    %broadcast_in_dim3A_257 = arith.constant 0.000000e+00 : f32
    %broadcast_in_dim3A_258 = vector.broadcast %broadcast_in_dim3A_257 : f32 to vector<16xf32>
    %swap3A_259 = arith.constant 544 : index
    %swap3A_260 = tpu.vector_load %arg13[%swap3A_259] {strides = array<i32>} : memref<640xf32, #tpu.memory_space<vmem>>, vector<16xf32>,
    %swap3A_261 = vector.shape_cast %swap3A_260 : vector<16xf32> to vector<16xf32>
    %swap3A_262 = vector.shape_cast %broadcast_in_dim3A_258 : vector<16xf32> to vector<16xf32>
    tpu.vector_store %arg13[%swap3A_259], %swap3A_262 {strides = array<i32>} : memref<640xf32, #tpu.memory_space<vmem>>, vector<16xf32>,
    %broadcast_in_dim3A_263 = arith.constant 0.000000e+00 : f32
    %broadcast_in_dim3A_264 = vector.broadcast %broadcast_in_dim3A_263 : f32 to vector<16xf32>
    %swap3A_265 = arith.constant 560 : index
    %swap3A_266 = tpu.vector_load %arg13[%swap3A_265] {strides = array<i32>} : memref<640xf32, #tpu.memory_space<vmem>>, vector<16xf32>,
    %swap3A_267 = vector.shape_cast %swap3A_266 : vector<16xf32> to vector<16xf32>
    %swap3A_268 = vector.shape_cast %broadcast_in_dim3A_264 : vector<16xf32> to vector<16xf32>
    tpu.vector_store %arg13[%swap3A_265], %swap3A_268 {strides = array<i32>} : memref<640xf32, #tpu.memory_space<vmem>>, vector<16xf32>,
    %broadcast_in_dim3A_269 = arith.constant 0.000000e+00 : f32
    %broadcast_in_dim3A_270 = vector.broadcast %broadcast_in_dim3A_269 : f32 to vector<16xf32>
    %swap3A_271 = arith.constant 576 : index
    %swap3A_272 = tpu.vector_load %arg13[%swap3A_271] {strides = array<i32>} : memref<640xf32, #tpu.memory_space<vmem>>, vector<16xf32>,
    %swap3A_273 = vector.shape_cast %swap3A_272 : vector<16xf32> to vector<16xf32>
    %swap3A_274 = vector.shape_cast %broadcast_in_dim3A_270 : vector<16xf32> to vector<16xf32>
    tpu.vector_store %arg13[%swap3A_271], %swap3A_274 {strides = array<i32>} : memref<640xf32, #tpu.memory_space<vmem>>, vector<16xf32>,
    %broadcast_in_dim3A_275 = arith.constant 0.000000e+00 : f32
    %broadcast_in_dim3A_276 = vector.broadcast %broadcast_in_dim3A_275 : f32 to vector<16xf32>
    %swap3A_277 = arith.constant 592 : index
    %swap3A_278 = tpu.vector_load %arg13[%swap3A_277] {strides = array<i32>} : memref<640xf32, #tpu.memory_space<vmem>>, vector<16xf32>,
    %swap3A_279 = vector.shape_cast %swap3A_278 : vector<16xf32> to vector<16xf32>
    %swap3A_280 = vector.shape_cast %broadcast_in_dim3A_276 : vector<16xf32> to vector<16xf32>
    tpu.vector_store %arg13[%swap3A_277], %swap3A_280 {strides = array<i32>} : memref<640xf32, #tpu.memory_space<vmem>>, vector<16xf32>,
    %broadcast_in_dim3A_281 = arith.constant 0.000000e+00 : f32
    %broadcast_in_dim3A_282 = vector.broadcast %broadcast_in_dim3A_281 : f32 to vector<16xf32>
    %swap3A_283 = arith.constant 608 : index
    %swap3A_284 = tpu.vector_load %arg13[%swap3A_283] {strides = array<i32>} : memref<640xf32, #tpu.memory_space<vmem>>, vector<16xf32>,
    %swap3A_285 = vector.shape_cast %swap3A_284 : vector<16xf32> to vector<16xf32>
    %swap3A_286 = vector.shape_cast %broadcast_in_dim3A_282 : vector<16xf32> to vector<16xf32>
    tpu.vector_store %arg13[%swap3A_283], %swap3A_286 {strides = array<i32>} : memref<640xf32, #tpu.memory_space<vmem>>, vector<16xf32>,
    %broadcast_in_dim3A_287 = arith.constant 0.000000e+00 : f32
    %broadcast_in_dim3A_288 = vector.broadcast %broadcast_in_dim3A_287 : f32 to vector<16xf32>
    %swap3A_289 = arith.constant 624 : index
    %swap3A_290 = tpu.vector_load %arg13[%swap3A_289] {strides = array<i32>} : memref<640xf32, #tpu.memory_space<vmem>>, vector<16xf32>,
    %swap3A_291 = vector.shape_cast %swap3A_290 : vector<16xf32> to vector<16xf32>
    %swap3A_292 = vector.shape_cast %broadcast_in_dim3A_288 : vector<16xf32> to vector<16xf32>
    tpu.vector_store %arg13[%swap3A_289], %swap3A_292 {strides = array<i32>} : memref<640xf32, #tpu.memory_space<vmem>>, vector<16xf32>,
    %add3A = arith.constant 0 : i32
    %add3A_293 = arith.addi %mul3A_0, %add3A : i32
    "tpu.region"() ({
      %run_scoped3A = tpu.sem_alloc : memref<!tpu.dma_semaphore, #tpu.memory_space<semaphore_mem>>
      %dma_start3A_437 = arith.constant 0 : i32
      %dma_start3A_438 = tpu.memref_slice %arg15[%add3A_293, %dma_start3A_437] : memref<10240x64xf32, #tpu.memory_space<vmem_shared>> -> memref<64x64xf32, #tpu.memory_space<vmem_shared>>
      %dma_start3A_439 = arith.constant 0 : i32
      %dma_start3A_440 = tpu.memref_slice %arg15[%add3A_293, %dma_start3A_439] : memref<10240x64xf32, #tpu.memory_space<vmem_shared>> -> memref<64x64xf32, #tpu.memory_space<vmem_shared>>
      tpu.enqueue_dma source(%arg14 : memref<64x64xf32, #tpu.memory_space<vmem>>) target(%dma_start3A_440 : memref<64x64xf32, #tpu.memory_space<vmem_shared>>) target_semaphore(%run_scoped3A : memref<!tpu.dma_semaphore, #tpu.memory_space<semaphore_mem>>)
      %dma_wait3A_441 = arith.constant 0 : i32
      %dma_wait3A_442 = tpu.memref_slice %arg15[%add3A_293, %dma_wait3A_441] : memref<10240x64xf32, #tpu.memory_space<vmem_shared>> -> memref<64x64xf32, #tpu.memory_space<vmem_shared>>
      %dma_wait3A_443 = arith.constant 0 : i32
      %dma_wait3A_444 = tpu.memref_slice %arg15[%add3A_293, %dma_wait3A_443] : memref<10240x64xf32, #tpu.memory_space<vmem_shared>> -> memref<64x64xf32, #tpu.memory_space<vmem_shared>>
      tpu.wait_dma2 semaphore(%run_scoped3A : memref<!tpu.dma_semaphore, #tpu.memory_space<semaphore_mem>>) src(%arg14 : memref<64x64xf32, #tpu.memory_space<vmem>>) dst(%dma_wait3A_444 : memref<64x64xf32, #tpu.memory_space<vmem_shared>>)
      tpu.yield
    }) : () -> ()
    %add3A_294 = arith.constant 64 : i32
    %add3A_295 = arith.addi %mul3A_0, %add3A_294 : i32
    "tpu.region"() ({
      %run_scoped3A = tpu.sem_alloc : memref<!tpu.dma_semaphore, #tpu.memory_space<semaphore_mem>>
      %dma_start3A_437 = arith.constant 0 : i32
      %dma_start3A_438 = tpu.memref_slice %arg15[%add3A_295, %dma_start3A_437] : memref<10240x64xf32, #tpu.memory_space<vmem_shared>> -> memref<64x64xf32, #tpu.memory_space<vmem_shared>>
      %dma_start3A_439 = arith.constant 0 : i32
      %dma_start3A_440 = tpu.memref_slice %arg15[%add3A_295, %dma_start3A_439] : memref<10240x64xf32, #tpu.memory_space<vmem_shared>> -> memref<64x64xf32, #tpu.memory_space<vmem_shared>>
      tpu.enqueue_dma source(%arg14 : memref<64x64xf32, #tpu.memory_space<vmem>>) target(%dma_start3A_440 : memref<64x64xf32, #tpu.memory_space<vmem_shared>>) target_semaphore(%run_scoped3A : memref<!tpu.dma_semaphore, #tpu.memory_space<semaphore_mem>>)
      %dma_wait3A_441 = arith.constant 0 : i32
      %dma_wait3A_442 = tpu.memref_slice %arg15[%add3A_295, %dma_wait3A_441] : memref<10240x64xf32, #tpu.memory_space<vmem_shared>> -> memref<64x64xf32, #tpu.memory_space<vmem_shared>>
      %dma_wait3A_443 = arith.constant 0 : i32
      %dma_wait3A_444 = tpu.memref_slice %arg15[%add3A_295, %dma_wait3A_443] : memref<10240x64xf32, #tpu.memory_space<vmem_shared>> -> memref<64x64xf32, #tpu.memory_space<vmem_shared>>
      tpu.wait_dma2 semaphore(%run_scoped3A : memref<!tpu.dma_semaphore, #tpu.memory_space<semaphore_mem>>) src(%arg14 : memref<64x64xf32, #tpu.memory_space<vmem>>) dst(%dma_wait3A_444 : memref<64x64xf32, #tpu.memory_space<vmem_shared>>)
      tpu.yield
    }) : () -> ()
    %add3A_296 = arith.constant 128 : i32
    %add3A_297 = arith.addi %mul3A_0, %add3A_296 : i32
    "tpu.region"() ({
      %run_scoped3A = tpu.sem_alloc : memref<!tpu.dma_semaphore, #tpu.memory_space<semaphore_mem>>
      %dma_start3A_437 = arith.constant 0 : i32
      %dma_start3A_438 = tpu.memref_slice %arg15[%add3A_297, %dma_start3A_437] : memref<10240x64xf32, #tpu.memory_space<vmem_shared>> -> memref<64x64xf32, #tpu.memory_space<vmem_shared>>
      %dma_start3A_439 = arith.constant 0 : i32
      %dma_start3A_440 = tpu.memref_slice %arg15[%add3A_297, %dma_start3A_439] : memref<10240x64xf32, #tpu.memory_space<vmem_shared>> -> memref<64x64xf32, #tpu.memory_space<vmem_shared>>
      tpu.enqueue_dma source(%arg14 : memref<64x64xf32, #tpu.memory_space<vmem>>) target(%dma_start3A_440 : memref<64x64xf32, #tpu.memory_space<vmem_shared>>) target_semaphore(%run_scoped3A : memref<!tpu.dma_semaphore, #tpu.memory_space<semaphore_mem>>)
      %dma_wait3A_441 = arith.constant 0 : i32
      %dma_wait3A_442 = tpu.memref_slice %arg15[%add3A_297, %dma_wait3A_441] : memref<10240x64xf32, #tpu.memory_space<vmem_shared>> -> memref<64x64xf32, #tpu.memory_space<vmem_shared>>
      %dma_wait3A_443 = arith.constant 0 : i32
      %dma_wait3A_444 = tpu.memref_slice %arg15[%add3A_297, %dma_wait3A_443] : memref<10240x64xf32, #tpu.memory_space<vmem_shared>> -> memref<64x64xf32, #tpu.memory_space<vmem_shared>>
      tpu.wait_dma2 semaphore(%run_scoped3A : memref<!tpu.dma_semaphore, #tpu.memory_space<semaphore_mem>>) src(%arg14 : memref<64x64xf32, #tpu.memory_space<vmem>>) dst(%dma_wait3A_444 : memref<64x64xf32, #tpu.memory_space<vmem_shared>>)
      tpu.yield
    }) : () -> ()
    %add3A_298 = arith.constant 192 : i32
    %add3A_299 = arith.addi %mul3A_0, %add3A_298 : i32
    "tpu.region"() ({
      %run_scoped3A = tpu.sem_alloc : memref<!tpu.dma_semaphore, #tpu.memory_space<semaphore_mem>>
      %dma_start3A_437 = arith.constant 0 : i32
      %dma_start3A_438 = tpu.memref_slice %arg15[%add3A_299, %dma_start3A_437] : memref<10240x64xf32, #tpu.memory_space<vmem_shared>> -> memref<64x64xf32, #tpu.memory_space<vmem_shared>>
      %dma_start3A_439 = arith.constant 0 : i32
      %dma_start3A_440 = tpu.memref_slice %arg15[%add3A_299, %dma_start3A_439] : memref<10240x64xf32, #tpu.memory_space<vmem_shared>> -> memref<64x64xf32, #tpu.memory_space<vmem_shared>>
      tpu.enqueue_dma source(%arg14 : memref<64x64xf32, #tpu.memory_space<vmem>>) target(%dma_start3A_440 : memref<64x64xf32, #tpu.memory_space<vmem_shared>>) target_semaphore(%run_scoped3A : memref<!tpu.dma_semaphore, #tpu.memory_space<semaphore_mem>>)
      %dma_wait3A_441 = arith.constant 0 : i32
      %dma_wait3A_442 = tpu.memref_slice %arg15[%add3A_299, %dma_wait3A_441] : memref<10240x64xf32, #tpu.memory_space<vmem_shared>> -> memref<64x64xf32, #tpu.memory_space<vmem_shared>>
      %dma_wait3A_443 = arith.constant 0 : i32
      %dma_wait3A_444 = tpu.memref_slice %arg15[%add3A_299, %dma_wait3A_443] : memref<10240x64xf32, #tpu.memory_space<vmem_shared>> -> memref<64x64xf32, #tpu.memory_space<vmem_shared>>
      tpu.wait_dma2 semaphore(%run_scoped3A : memref<!tpu.dma_semaphore, #tpu.memory_space<semaphore_mem>>) src(%arg14 : memref<64x64xf32, #tpu.memory_space<vmem>>) dst(%dma_wait3A_444 : memref<64x64xf32, #tpu.memory_space<vmem_shared>>)
      tpu.yield
    }) : () -> ()
    %add3A_300 = arith.constant 256 : i32
    %add3A_301 = arith.addi %mul3A_0, %add3A_300 : i32
    "tpu.region"() ({
      %run_scoped3A = tpu.sem_alloc : memref<!tpu.dma_semaphore, #tpu.memory_space<semaphore_mem>>
      %dma_start3A_437 = arith.constant 0 : i32
      %dma_start3A_438 = tpu.memref_slice %arg15[%add3A_301, %dma_start3A_437] : memref<10240x64xf32, #tpu.memory_space<vmem_shared>> -> memref<64x64xf32, #tpu.memory_space<vmem_shared>>
      %dma_start3A_439 = arith.constant 0 : i32
      %dma_start3A_440 = tpu.memref_slice %arg15[%add3A_301, %dma_start3A_439] : memref<10240x64xf32, #tpu.memory_space<vmem_shared>> -> memref<64x64xf32, #tpu.memory_space<vmem_shared>>
      tpu.enqueue_dma source(%arg14 : memref<64x64xf32, #tpu.memory_space<vmem>>) target(%dma_start3A_440 : memref<64x64xf32, #tpu.memory_space<vmem_shared>>) target_semaphore(%run_scoped3A : memref<!tpu.dma_semaphore, #tpu.memory_space<semaphore_mem>>)
      %dma_wait3A_441 = arith.constant 0 : i32
      %dma_wait3A_442 = tpu.memref_slice %arg15[%add3A_301, %dma_wait3A_441] : memref<10240x64xf32, #tpu.memory_space<vmem_shared>> -> memref<64x64xf32, #tpu.memory_space<vmem_shared>>
      %dma_wait3A_443 = arith.constant 0 : i32
      %dma_wait3A_444 = tpu.memref_slice %arg15[%add3A_301, %dma_wait3A_443] : memref<10240x64xf32, #tpu.memory_space<vmem_shared>> -> memref<64x64xf32, #tpu.memory_space<vmem_shared>>
      tpu.wait_dma2 semaphore(%run_scoped3A : memref<!tpu.dma_semaphore, #tpu.memory_space<semaphore_mem>>) src(%arg14 : memref<64x64xf32, #tpu.memory_space<vmem>>) dst(%dma_wait3A_444 : memref<64x64xf32, #tpu.memory_space<vmem_shared>>)
      tpu.yield
    }) : () -> ()
    %add3A_302 = arith.constant 320 : i32
    %add3A_303 = arith.addi %mul3A_0, %add3A_302 : i32
    "tpu.region"() ({
      %run_scoped3A = tpu.sem_alloc : memref<!tpu.dma_semaphore, #tpu.memory_space<semaphore_mem>>
      %dma_start3A_437 = arith.constant 0 : i32
      %dma_start3A_438 = tpu.memref_slice %arg15[%add3A_303, %dma_start3A_437] : memref<10240x64xf32, #tpu.memory_space<vmem_shared>> -> memref<64x64xf32, #tpu.memory_space<vmem_shared>>
      %dma_start3A_439 = arith.constant 0 : i32
      %dma_start3A_440 = tpu.memref_slice %arg15[%add3A_303, %dma_start3A_439] : memref<10240x64xf32, #tpu.memory_space<vmem_shared>> -> memref<64x64xf32, #tpu.memory_space<vmem_shared>>
      tpu.enqueue_dma source(%arg14 : memref<64x64xf32, #tpu.memory_space<vmem>>) target(%dma_start3A_440 : memref<64x64xf32, #tpu.memory_space<vmem_shared>>) target_semaphore(%run_scoped3A : memref<!tpu.dma_semaphore, #tpu.memory_space<semaphore_mem>>)
      %dma_wait3A_441 = arith.constant 0 : i32
      %dma_wait3A_442 = tpu.memref_slice %arg15[%add3A_303, %dma_wait3A_441] : memref<10240x64xf32, #tpu.memory_space<vmem_shared>> -> memref<64x64xf32, #tpu.memory_space<vmem_shared>>
      %dma_wait3A_443 = arith.constant 0 : i32
      %dma_wait3A_444 = tpu.memref_slice %arg15[%add3A_303, %dma_wait3A_443] : memref<10240x64xf32, #tpu.memory_space<vmem_shared>> -> memref<64x64xf32, #tpu.memory_space<vmem_shared>>
      tpu.wait_dma2 semaphore(%run_scoped3A : memref<!tpu.dma_semaphore, #tpu.memory_space<semaphore_mem>>) src(%arg14 : memref<64x64xf32, #tpu.memory_space<vmem>>) dst(%dma_wait3A_444 : memref<64x64xf32, #tpu.memory_space<vmem_shared>>)
      tpu.yield
    }) : () -> ()
    %add3A_304 = arith.constant 384 : i32
    %add3A_305 = arith.addi %mul3A_0, %add3A_304 : i32
    "tpu.region"() ({
      %run_scoped3A = tpu.sem_alloc : memref<!tpu.dma_semaphore, #tpu.memory_space<semaphore_mem>>
      %dma_start3A_437 = arith.constant 0 : i32
      %dma_start3A_438 = tpu.memref_slice %arg15[%add3A_305, %dma_start3A_437] : memref<10240x64xf32, #tpu.memory_space<vmem_shared>> -> memref<64x64xf32, #tpu.memory_space<vmem_shared>>
      %dma_start3A_439 = arith.constant 0 : i32
      %dma_start3A_440 = tpu.memref_slice %arg15[%add3A_305, %dma_start3A_439] : memref<10240x64xf32, #tpu.memory_space<vmem_shared>> -> memref<64x64xf32, #tpu.memory_space<vmem_shared>>
      tpu.enqueue_dma source(%arg14 : memref<64x64xf32, #tpu.memory_space<vmem>>) target(%dma_start3A_440 : memref<64x64xf32, #tpu.memory_space<vmem_shared>>) target_semaphore(%run_scoped3A : memref<!tpu.dma_semaphore, #tpu.memory_space<semaphore_mem>>)
      %dma_wait3A_441 = arith.constant 0 : i32
      %dma_wait3A_442 = tpu.memref_slice %arg15[%add3A_305, %dma_wait3A_441] : memref<10240x64xf32, #tpu.memory_space<vmem_shared>> -> memref<64x64xf32, #tpu.memory_space<vmem_shared>>
      %dma_wait3A_443 = arith.constant 0 : i32
      %dma_wait3A_444 = tpu.memref_slice %arg15[%add3A_305, %dma_wait3A_443] : memref<10240x64xf32, #tpu.memory_space<vmem_shared>> -> memref<64x64xf32, #tpu.memory_space<vmem_shared>>
      tpu.wait_dma2 semaphore(%run_scoped3A : memref<!tpu.dma_semaphore, #tpu.memory_space<semaphore_mem>>) src(%arg14 : memref<64x64xf32, #tpu.memory_space<vmem>>) dst(%dma_wait3A_444 : memref<64x64xf32, #tpu.memory_space<vmem_shared>>)
      tpu.yield
    }) : () -> ()
    %add3A_306 = arith.constant 448 : i32
    %add3A_307 = arith.addi %mul3A_0, %add3A_306 : i32
    "tpu.region"() ({
      %run_scoped3A = tpu.sem_alloc : memref<!tpu.dma_semaphore, #tpu.memory_space<semaphore_mem>>
      %dma_start3A_437 = arith.constant 0 : i32
      %dma_start3A_438 = tpu.memref_slice %arg15[%add3A_307, %dma_start3A_437] : memref<10240x64xf32, #tpu.memory_space<vmem_shared>> -> memref<64x64xf32, #tpu.memory_space<vmem_shared>>
      %dma_start3A_439 = arith.constant 0 : i32
      %dma_start3A_440 = tpu.memref_slice %arg15[%add3A_307, %dma_start3A_439] : memref<10240x64xf32, #tpu.memory_space<vmem_shared>> -> memref<64x64xf32, #tpu.memory_space<vmem_shared>>
      tpu.enqueue_dma source(%arg14 : memref<64x64xf32, #tpu.memory_space<vmem>>) target(%dma_start3A_440 : memref<64x64xf32, #tpu.memory_space<vmem_shared>>) target_semaphore(%run_scoped3A : memref<!tpu.dma_semaphore, #tpu.memory_space<semaphore_mem>>)
      %dma_wait3A_441 = arith.constant 0 : i32
      %dma_wait3A_442 = tpu.memref_slice %arg15[%add3A_307, %dma_wait3A_441] : memref<10240x64xf32, #tpu.memory_space<vmem_shared>> -> memref<64x64xf32, #tpu.memory_space<vmem_shared>>
      %dma_wait3A_443 = arith.constant 0 : i32
      %dma_wait3A_444 = tpu.memref_slice %arg15[%add3A_307, %dma_wait3A_443] : memref<10240x64xf32, #tpu.memory_space<vmem_shared>> -> memref<64x64xf32, #tpu.memory_space<vmem_shared>>
      tpu.wait_dma2 semaphore(%run_scoped3A : memref<!tpu.dma_semaphore, #tpu.memory_space<semaphore_mem>>) src(%arg14 : memref<64x64xf32, #tpu.memory_space<vmem>>) dst(%dma_wait3A_444 : memref<64x64xf32, #tpu.memory_space<vmem_shared>>)
      tpu.yield
    }) : () -> ()
    %add3A_308 = arith.constant 512 : i32
    %add3A_309 = arith.addi %mul3A_0, %add3A_308 : i32
    "tpu.region"() ({
      %run_scoped3A = tpu.sem_alloc : memref<!tpu.dma_semaphore, #tpu.memory_space<semaphore_mem>>
      %dma_start3A_437 = arith.constant 0 : i32
      %dma_start3A_438 = tpu.memref_slice %arg15[%add3A_309, %dma_start3A_437] : memref<10240x64xf32, #tpu.memory_space<vmem_shared>> -> memref<64x64xf32, #tpu.memory_space<vmem_shared>>
      %dma_start3A_439 = arith.constant 0 : i32
      %dma_start3A_440 = tpu.memref_slice %arg15[%add3A_309, %dma_start3A_439] : memref<10240x64xf32, #tpu.memory_space<vmem_shared>> -> memref<64x64xf32, #tpu.memory_space<vmem_shared>>
      tpu.enqueue_dma source(%arg14 : memref<64x64xf32, #tpu.memory_space<vmem>>) target(%dma_start3A_440 : memref<64x64xf32, #tpu.memory_space<vmem_shared>>) target_semaphore(%run_scoped3A : memref<!tpu.dma_semaphore, #tpu.memory_space<semaphore_mem>>)
      %dma_wait3A_441 = arith.constant 0 : i32
      %dma_wait3A_442 = tpu.memref_slice %arg15[%add3A_309, %dma_wait3A_441] : memref<10240x64xf32, #tpu.memory_space<vmem_shared>> -> memref<64x64xf32, #tpu.memory_space<vmem_shared>>
      %dma_wait3A_443 = arith.constant 0 : i32
      %dma_wait3A_444 = tpu.memref_slice %arg15[%add3A_309, %dma_wait3A_443] : memref<10240x64xf32, #tpu.memory_space<vmem_shared>> -> memref<64x64xf32, #tpu.memory_space<vmem_shared>>
      tpu.wait_dma2 semaphore(%run_scoped3A : memref<!tpu.dma_semaphore, #tpu.memory_space<semaphore_mem>>) src(%arg14 : memref<64x64xf32, #tpu.memory_space<vmem>>) dst(%dma_wait3A_444 : memref<64x64xf32, #tpu.memory_space<vmem_shared>>)
      tpu.yield
    }) : () -> ()
    %add3A_310 = arith.constant 576 : i32
    %add3A_311 = arith.addi %mul3A_0, %add3A_310 : i32
    "tpu.region"() ({
      %run_scoped3A = tpu.sem_alloc : memref<!tpu.dma_semaphore, #tpu.memory_space<semaphore_mem>>
      %dma_start3A_437 = arith.constant 0 : i32
      %dma_start3A_438 = tpu.memref_slice %arg15[%add3A_311, %dma_start3A_437] : memref<10240x64xf32, #tpu.memory_space<vmem_shared>> -> memref<64x64xf32, #tpu.memory_space<vmem_shared>>
      %dma_start3A_439 = arith.constant 0 : i32
      %dma_start3A_440 = tpu.memref_slice %arg15[%add3A_311, %dma_start3A_439] : memref<10240x64xf32, #tpu.memory_space<vmem_shared>> -> memref<64x64xf32, #tpu.memory_space<vmem_shared>>
      tpu.enqueue_dma source(%arg14 : memref<64x64xf32, #tpu.memory_space<vmem>>) target(%dma_start3A_440 : memref<64x64xf32, #tpu.memory_space<vmem_shared>>) target_semaphore(%run_scoped3A : memref<!tpu.dma_semaphore, #tpu.memory_space<semaphore_mem>>)
      %dma_wait3A_441 = arith.constant 0 : i32
      %dma_wait3A_442 = tpu.memref_slice %arg15[%add3A_311, %dma_wait3A_441] : memref<10240x64xf32, #tpu.memory_space<vmem_shared>> -> memref<64x64xf32, #tpu.memory_space<vmem_shared>>
      %dma_wait3A_443 = arith.constant 0 : i32
      %dma_wait3A_444 = tpu.memref_slice %arg15[%add3A_311, %dma_wait3A_443] : memref<10240x64xf32, #tpu.memory_space<vmem_shared>> -> memref<64x64xf32, #tpu.memory_space<vmem_shared>>
      tpu.wait_dma2 semaphore(%run_scoped3A : memref<!tpu.dma_semaphore, #tpu.memory_space<semaphore_mem>>) src(%arg14 : memref<64x64xf32, #tpu.memory_space<vmem>>) dst(%dma_wait3A_444 : memref<64x64xf32, #tpu.memory_space<vmem_shared>>)
      tpu.yield
    }) : () -> ()
    "tpu.region"() ({
      %run_scoped3A = tpu.sem_alloc : memref<!tpu.dma_semaphore, #tpu.memory_space<semaphore_mem>>
      %dma_start3A_437 = tpu.memref_slice %arg16[%mul3A_0] : memref<10240xf32, #tpu.memory_space<vmem_shared>> -> memref<640xf32, #tpu.memory_space<vmem_shared>>
      %dma_start3A_438 = tpu.memref_slice %arg16[%mul3A_0] : memref<10240xf32, #tpu.memory_space<vmem_shared>> -> memref<640xf32, #tpu.memory_space<vmem_shared>>
      tpu.enqueue_dma source(%arg13 : memref<640xf32, #tpu.memory_space<vmem>>) target(%dma_start3A_438 : memref<640xf32, #tpu.memory_space<vmem_shared>>) target_semaphore(%run_scoped3A : memref<!tpu.dma_semaphore, #tpu.memory_space<semaphore_mem>>)
      %dma_wait3A_439 = tpu.memref_slice %arg16[%mul3A_0] : memref<10240xf32, #tpu.memory_space<vmem_shared>> -> memref<640xf32, #tpu.memory_space<vmem_shared>>
      %dma_wait3A_440 = tpu.memref_slice %arg16[%mul3A_0] : memref<10240xf32, #tpu.memory_space<vmem_shared>> -> memref<640xf32, #tpu.memory_space<vmem_shared>>
      tpu.wait_dma2 semaphore(%run_scoped3A : memref<!tpu.dma_semaphore, #tpu.memory_space<semaphore_mem>>) src(%arg13 : memref<640xf32, #tpu.memory_space<vmem>>) dst(%dma_wait3A_440 : memref<640xf32, #tpu.memory_space<vmem_shared>>)
      tpu.yield
    }) : () -> ()
    %eq3A = arith.constant 15 : i32
    %eq3A_312 = arith.cmpi eq, %arg1, %eq3A : i32
    %jit3A = arith.constant 100 : i32
    %jit3A_313 = arith.constant 160 : i32
    %select_n3A = arith.select %eq3A_312, %jit3A, %jit3A_313 : i32
    %not3A = arith.constant true
    %not3A_314 = arith.xori %eq3A_312, %not3A : i1
    %convert_element_type3A = arith.extui %not3A_314 : i1 to i32
    %cond3A = arith.constant 0 : i32
    %cond3A_315 = arith.cmpi ne, %convert_element_type3A, %cond3A : i32
    scf.if %cond3A_315 {
      %mul3A_437 = arith.constant 160 : i32
      %mul3A_438 = arith.muli %arg1, %mul3A_437 : i32
      %run_scoped3A = arith.constant 0 : i32
      "tpu.region"() ({
        %run_scoped3A_442 = tpu.sem_alloc : memref<!tpu.dma_semaphore, #tpu.memory_space<semaphore_mem>>
        %dma_start3A_443 = arith.constant 0 : i32
        %dma_start3A_444 = tpu.memref_slice %arg3[%run_scoped3A, %mul3A_438, %dma_start3A_443] : memref<2x2500x128xi32, #tpu.memory_space<hbm>> -> memref<1x160x128xi32, #tpu.memory_space<hbm>>
        %dma_start3A_445 = tpu.memref_squeeze %dma_start3A_444 : memref<1x160x128xi32, #tpu.memory_space<hbm>> -> memref<160x128xi32, #tpu.memory_space<hbm>>
        %dma_start3A_446 = arith.constant 0 : i32
        %dma_start3A_447 = tpu.memref_slice %arg3[%run_scoped3A, %mul3A_438, %dma_start3A_446] : memref<2x2500x128xi32, #tpu.memory_space<hbm>> -> memref<1x160x128xi32, #tpu.memory_space<hbm>>
        %dma_start3A_448 = tpu.memref_squeeze %dma_start3A_447 : memref<1x160x128xi32, #tpu.memory_space<hbm>> -> memref<160x128xi32, #tpu.memory_space<hbm>>
        tpu.enqueue_dma source(%dma_start3A_448 : memref<160x128xi32, #tpu.memory_space<hbm>>) target(%arg6 : memref<160x128xi32, #tpu.memory_space<vmem>>) target_semaphore(%run_scoped3A_442 : memref<!tpu.dma_semaphore, #tpu.memory_space<semaphore_mem>>)
        %dma_wait3A_449 = arith.constant 0 : i32
        %dma_wait3A_450 = tpu.memref_slice %arg3[%run_scoped3A, %mul3A_438, %dma_wait3A_449] : memref<2x2500x128xi32, #tpu.memory_space<hbm>> -> memref<1x160x128xi32, #tpu.memory_space<hbm>>
        %dma_wait3A_451 = tpu.memref_squeeze %dma_wait3A_450 : memref<1x160x128xi32, #tpu.memory_space<hbm>> -> memref<160x128xi32, #tpu.memory_space<hbm>>
        %dma_wait3A_452 = arith.constant 0 : i32
        %dma_wait3A_453 = tpu.memref_slice %arg3[%run_scoped3A, %mul3A_438, %dma_wait3A_452] : memref<2x2500x128xi32, #tpu.memory_space<hbm>> -> memref<1x160x128xi32, #tpu.memory_space<hbm>>
        %dma_wait3A_454 = tpu.memref_squeeze %dma_wait3A_453 : memref<1x160x128xi32, #tpu.memory_space<hbm>> -> memref<160x128xi32, #tpu.memory_space<hbm>>
        tpu.wait_dma2 semaphore(%run_scoped3A_442 : memref<!tpu.dma_semaphore, #tpu.memory_space<semaphore_mem>>) src(%dma_wait3A_454 : memref<160x128xi32, #tpu.memory_space<hbm>>) dst(%arg6 : memref<160x128xi32, #tpu.memory_space<vmem>>)
        tpu.yield
      }) : () -> ()
      %mul3A_439 = arith.constant 160 : i32
      %mul3A_440 = arith.muli %arg1, %mul3A_439 : i32
      %run_scoped3A_441 = arith.constant 1 : i32
      "tpu.region"() ({
        %run_scoped3A_442 = tpu.sem_alloc : memref<!tpu.dma_semaphore, #tpu.memory_space<semaphore_mem>>
        %dma_start3A_443 = arith.constant 0 : i32
        %dma_start3A_444 = tpu.memref_slice %arg3[%run_scoped3A_441, %mul3A_440, %dma_start3A_443] : memref<2x2500x128xi32, #tpu.memory_space<hbm>> -> memref<1x160x128xi32, #tpu.memory_space<hbm>>
        %dma_start3A_445 = tpu.memref_squeeze %dma_start3A_444 : memref<1x160x128xi32, #tpu.memory_space<hbm>> -> memref<160x128xi32, #tpu.memory_space<hbm>>
        %dma_start3A_446 = arith.constant 0 : i32
        %dma_start3A_447 = tpu.memref_slice %arg3[%run_scoped3A_441, %mul3A_440, %dma_start3A_446] : memref<2x2500x128xi32, #tpu.memory_space<hbm>> -> memref<1x160x128xi32, #tpu.memory_space<hbm>>
        %dma_start3A_448 = tpu.memref_squeeze %dma_start3A_447 : memref<1x160x128xi32, #tpu.memory_space<hbm>> -> memref<160x128xi32, #tpu.memory_space<hbm>>
        tpu.enqueue_dma source(%dma_start3A_448 : memref<160x128xi32, #tpu.memory_space<hbm>>) target(%arg7 : memref<160x128xi32, #tpu.memory_space<vmem>>) target_semaphore(%run_scoped3A_442 : memref<!tpu.dma_semaphore, #tpu.memory_space<semaphore_mem>>)
        %dma_wait3A_449 = arith.constant 0 : i32
        %dma_wait3A_450 = tpu.memref_slice %arg3[%run_scoped3A_441, %mul3A_440, %dma_wait3A_449] : memref<2x2500x128xi32, #tpu.memory_space<hbm>> -> memref<1x160x128xi32, #tpu.memory_space<hbm>>
        %dma_wait3A_451 = tpu.memref_squeeze %dma_wait3A_450 : memref<1x160x128xi32, #tpu.memory_space<hbm>> -> memref<160x128xi32, #tpu.memory_space<hbm>>
        %dma_wait3A_452 = arith.constant 0 : i32
        %dma_wait3A_453 = tpu.memref_slice %arg3[%run_scoped3A_441, %mul3A_440, %dma_wait3A_452] : memref<2x2500x128xi32, #tpu.memory_space<hbm>> -> memref<1x160x128xi32, #tpu.memory_space<hbm>>
        %dma_wait3A_454 = tpu.memref_squeeze %dma_wait3A_453 : memref<1x160x128xi32, #tpu.memory_space<hbm>> -> memref<160x128xi32, #tpu.memory_space<hbm>>
        tpu.wait_dma2 semaphore(%run_scoped3A_442 : memref<!tpu.dma_semaphore, #tpu.memory_space<semaphore_mem>>) src(%dma_wait3A_454 : memref<160x128xi32, #tpu.memory_space<hbm>>) dst(%arg7 : memref<160x128xi32, #tpu.memory_space<vmem>>)
        tpu.yield
      }) : () -> ()
    } else {
    }
    %convert_element_type3A_316 = arith.extui %eq3A_312 : i1 to i32
    %cond3A_317 = arith.constant 0 : i32
    %cond3A_318 = arith.cmpi ne, %convert_element_type3A_316, %cond3A_317 : i32
    scf.if %cond3A_318 {
      %mul3A_437 = arith.constant 160 : i32
      %mul3A_438 = arith.muli %arg1, %mul3A_437 : i32
      %run_scoped3A = arith.constant 0 : i32
      "tpu.region"() ({
        %run_scoped3A_442 = tpu.sem_alloc : memref<!tpu.dma_semaphore, #tpu.memory_space<semaphore_mem>>
        %dma_start3A_443 = arith.constant 0 : i32
        %dma_start3A_444 = arith.constant 0 : i32
        %dma_start3A_445 = tpu.memref_slice %arg6[%dma_start3A_443, %dma_start3A_444] : memref<160x128xi32, #tpu.memory_space<vmem>> -> memref<100x128xi32, #tpu.memory_space<vmem>>
        %dma_start3A_446 = arith.constant 0 : i32
        %dma_start3A_447 = tpu.memref_slice %arg3[%run_scoped3A, %mul3A_438, %dma_start3A_446] : memref<2x2500x128xi32, #tpu.memory_space<hbm>> -> memref<1x100x128xi32, #tpu.memory_space<hbm>>
        %dma_start3A_448 = tpu.memref_squeeze %dma_start3A_447 : memref<1x100x128xi32, #tpu.memory_space<hbm>> -> memref<100x128xi32, #tpu.memory_space<hbm>>
        %dma_start3A_449 = arith.constant 0 : i32
        %dma_start3A_450 = arith.constant 0 : i32
        %dma_start3A_451 = tpu.memref_slice %arg6[%dma_start3A_449, %dma_start3A_450] : memref<160x128xi32, #tpu.memory_space<vmem>> -> memref<100x128xi32, #tpu.memory_space<vmem>>
        %dma_start3A_452 = arith.constant 0 : i32
        %dma_start3A_453 = tpu.memref_slice %arg3[%run_scoped3A, %mul3A_438, %dma_start3A_452] : memref<2x2500x128xi32, #tpu.memory_space<hbm>> -> memref<1x100x128xi32, #tpu.memory_space<hbm>>
        %dma_start3A_454 = tpu.memref_squeeze %dma_start3A_453 : memref<1x100x128xi32, #tpu.memory_space<hbm>> -> memref<100x128xi32, #tpu.memory_space<hbm>>
        tpu.enqueue_dma source(%dma_start3A_454 : memref<100x128xi32, #tpu.memory_space<hbm>>) target(%dma_start3A_451 : memref<100x128xi32, #tpu.memory_space<vmem>>) target_semaphore(%run_scoped3A_442 : memref<!tpu.dma_semaphore, #tpu.memory_space<semaphore_mem>>)
        %dma_wait3A_455 = arith.constant 0 : i32
        %dma_wait3A_456 = arith.constant 0 : i32
        %dma_wait3A_457 = tpu.memref_slice %arg6[%dma_wait3A_455, %dma_wait3A_456] : memref<160x128xi32, #tpu.memory_space<vmem>> -> memref<100x128xi32, #tpu.memory_space<vmem>>
        %dma_wait3A_458 = arith.constant 0 : i32
        %dma_wait3A_459 = tpu.memref_slice %arg3[%run_scoped3A, %mul3A_438, %dma_wait3A_458] : memref<2x2500x128xi32, #tpu.memory_space<hbm>> -> memref<1x100x128xi32, #tpu.memory_space<hbm>>
        %dma_wait3A_460 = tpu.memref_squeeze %dma_wait3A_459 : memref<1x100x128xi32, #tpu.memory_space<hbm>> -> memref<100x128xi32, #tpu.memory_space<hbm>>
        %dma_wait3A_461 = arith.constant 0 : i32
        %dma_wait3A_462 = arith.constant 0 : i32
        %dma_wait3A_463 = tpu.memref_slice %arg6[%dma_wait3A_461, %dma_wait3A_462] : memref<160x128xi32, #tpu.memory_space<vmem>> -> memref<100x128xi32, #tpu.memory_space<vmem>>
        %dma_wait3A_464 = arith.constant 0 : i32
        %dma_wait3A_465 = tpu.memref_slice %arg3[%run_scoped3A, %mul3A_438, %dma_wait3A_464] : memref<2x2500x128xi32, #tpu.memory_space<hbm>> -> memref<1x100x128xi32, #tpu.memory_space<hbm>>
        %dma_wait3A_466 = tpu.memref_squeeze %dma_wait3A_465 : memref<1x100x128xi32, #tpu.memory_space<hbm>> -> memref<100x128xi32, #tpu.memory_space<hbm>>
        tpu.wait_dma2 semaphore(%run_scoped3A_442 : memref<!tpu.dma_semaphore, #tpu.memory_space<semaphore_mem>>) src(%dma_wait3A_466 : memref<100x128xi32, #tpu.memory_space<hbm>>) dst(%dma_wait3A_463 : memref<100x128xi32, #tpu.memory_space<vmem>>)
        tpu.yield
      }) : () -> ()
      %mul3A_439 = arith.constant 160 : i32
      %mul3A_440 = arith.muli %arg1, %mul3A_439 : i32
      %run_scoped3A_441 = arith.constant 1 : i32
      "tpu.region"() ({
        %run_scoped3A_442 = tpu.sem_alloc : memref<!tpu.dma_semaphore, #tpu.memory_space<semaphore_mem>>
        %dma_start3A_443 = arith.constant 0 : i32
        %dma_start3A_444 = arith.constant 0 : i32
        %dma_start3A_445 = tpu.memref_slice %arg7[%dma_start3A_443, %dma_start3A_444] : memref<160x128xi32, #tpu.memory_space<vmem>> -> memref<100x128xi32, #tpu.memory_space<vmem>>
        %dma_start3A_446 = arith.constant 0 : i32
        %dma_start3A_447 = tpu.memref_slice %arg3[%run_scoped3A_441, %mul3A_440, %dma_start3A_446] : memref<2x2500x128xi32, #tpu.memory_space<hbm>> -> memref<1x100x128xi32, #tpu.memory_space<hbm>>
        %dma_start3A_448 = tpu.memref_squeeze %dma_start3A_447 : memref<1x100x128xi32, #tpu.memory_space<hbm>> -> memref<100x128xi32, #tpu.memory_space<hbm>>
        %dma_start3A_449 = arith.constant 0 : i32
        %dma_start3A_450 = arith.constant 0 : i32
        %dma_start3A_451 = tpu.memref_slice %arg7[%dma_start3A_449, %dma_start3A_450] : memref<160x128xi32, #tpu.memory_space<vmem>> -> memref<100x128xi32, #tpu.memory_space<vmem>>
        %dma_start3A_452 = arith.constant 0 : i32
        %dma_start3A_453 = tpu.memref_slice %arg3[%run_scoped3A_441, %mul3A_440, %dma_start3A_452] : memref<2x2500x128xi32, #tpu.memory_space<hbm>> -> memref<1x100x128xi32, #tpu.memory_space<hbm>>
        %dma_start3A_454 = tpu.memref_squeeze %dma_start3A_453 : memref<1x100x128xi32, #tpu.memory_space<hbm>> -> memref<100x128xi32, #tpu.memory_space<hbm>>
        tpu.enqueue_dma source(%dma_start3A_454 : memref<100x128xi32, #tpu.memory_space<hbm>>) target(%dma_start3A_451 : memref<100x128xi32, #tpu.memory_space<vmem>>) target_semaphore(%run_scoped3A_442 : memref<!tpu.dma_semaphore, #tpu.memory_space<semaphore_mem>>)
        %dma_wait3A_455 = arith.constant 0 : i32
        %dma_wait3A_456 = arith.constant 0 : i32
        %dma_wait3A_457 = tpu.memref_slice %arg7[%dma_wait3A_455, %dma_wait3A_456] : memref<160x128xi32, #tpu.memory_space<vmem>> -> memref<100x128xi32, #tpu.memory_space<vmem>>
        %dma_wait3A_458 = arith.constant 0 : i32
        %dma_wait3A_459 = tpu.memref_slice %arg3[%run_scoped3A_441, %mul3A_440, %dma_wait3A_458] : memref<2x2500x128xi32, #tpu.memory_space<hbm>> -> memref<1x100x128xi32, #tpu.memory_space<hbm>>
        %dma_wait3A_460 = tpu.memref_squeeze %dma_wait3A_459 : memref<1x100x128xi32, #tpu.memory_space<hbm>> -> memref<100x128xi32, #tpu.memory_space<hbm>>
        %dma_wait3A_461 = arith.constant 0 : i32
        %dma_wait3A_462 = arith.constant 0 : i32
        %dma_wait3A_463 = tpu.memref_slice %arg7[%dma_wait3A_461, %dma_wait3A_462] : memref<160x128xi32, #tpu.memory_space<vmem>> -> memref<100x128xi32, #tpu.memory_space<vmem>>
        %dma_wait3A_464 = arith.constant 0 : i32
        %dma_wait3A_465 = tpu.memref_slice %arg3[%run_scoped3A_441, %mul3A_440, %dma_wait3A_464] : memref<2x2500x128xi32, #tpu.memory_space<hbm>> -> memref<1x100x128xi32, #tpu.memory_space<hbm>>
        %dma_wait3A_466 = tpu.memref_squeeze %dma_wait3A_465 : memref<1x100x128xi32, #tpu.memory_space<hbm>> -> memref<100x128xi32, #tpu.memory_space<hbm>>
        tpu.wait_dma2 semaphore(%run_scoped3A_442 : memref<!tpu.dma_semaphore, #tpu.memory_space<semaphore_mem>>) src(%dma_wait3A_466 : memref<100x128xi32, #tpu.memory_space<hbm>>) dst(%dma_wait3A_463 : memref<100x128xi32, #tpu.memory_space<vmem>>)
        tpu.yield
      }) : () -> ()
    } else {
    }
    %mul3A_319 = arith.constant 10000 : i32
    %mul3A_320 = arith.muli %arg0, %mul3A_319 : i32
    %broadcast_in_dim3A_321 = vector.broadcast %mul3A_320 : i32 to vector<16xi32>
    %while3A = arith.constant 0 : i32
    %while3A_322 = arith.constant 0 : i32
    %while3A_323 = arith.subi %select_n3A, %while3A : i32
    %while3A_324 = arith.addi %while3A, %while3A_323 : i32
    %while3A_325 = arith.constant 1 : i32
    %while3A_326 = arith.divsi %while3A_323, %while3A_325 : i32
    %while3A_327 = arith.muli %while3A_326, %while3A_325 : i32
    %while3A_328 = arith.addi %while3A, %while3A_327 : i32
    %while3A_329 = arith.constant 1 : i32
    %while3A_330 = scf.for %while3A_437 = %while3A to %while3A_328 step %while3A_329 iter_args(%while3A_438 = %while3A_322) -> (i32)  : i32 {
      %get3A = arith.index_cast %while3A_437 : i32 to index
      %get3A_439 = arith.constant 0 : index
      %get3A_440 = tpu.vector_load %arg6[%get3A, %get3A_439] {strides = array<i32>} : memref<160x128xi32, #tpu.memory_space<vmem>>, vector<1x16xi32>,
      %get3A_441 = vector.shape_cast %get3A_440 : vector<1x16xi32> to vector<16xi32>
      %add3A_442 = arith.addi %get3A_441, %broadcast_in_dim3A_321 : vector<16xi32>
      %swap3A_443 = arith.index_cast %while3A_437 : i32 to index
      %swap3A_444 = arith.constant 0 : index
      %swap3A_445 = tpu.vector_load %arg6[%swap3A_443, %swap3A_444] {strides = array<i32>} : memref<160x128xi32, #tpu.memory_space<vmem>>, vector<1x16xi32>,
      %swap3A_446 = vector.shape_cast %swap3A_445 : vector<1x16xi32> to vector<16xi32>
      %swap3A_447 = vector.shape_cast %add3A_442 : vector<16xi32> to vector<1x16xi32>
      tpu.vector_store %arg6[%swap3A_443, %swap3A_444], %swap3A_447 {strides = array<i32>} : memref<160x128xi32, #tpu.memory_space<vmem>>, vector<1x16xi32>,
      %get3A_448 = arith.index_cast %while3A_437 : i32 to index
      %get3A_449 = arith.constant 16 : index
      %get3A_450 = tpu.vector_load %arg6[%get3A_448, %get3A_449] {strides = array<i32>} : memref<160x128xi32, #tpu.memory_space<vmem>>, vector<1x16xi32>,
      %get3A_451 = vector.shape_cast %get3A_450 : vector<1x16xi32> to vector<16xi32>
      %add3A_452 = arith.addi %get3A_451, %broadcast_in_dim3A_321 : vector<16xi32>
      %swap3A_453 = arith.index_cast %while3A_437 : i32 to index
      %swap3A_454 = arith.constant 16 : index
      %swap3A_455 = tpu.vector_load %arg6[%swap3A_453, %swap3A_454] {strides = array<i32>} : memref<160x128xi32, #tpu.memory_space<vmem>>, vector<1x16xi32>,
      %swap3A_456 = vector.shape_cast %swap3A_455 : vector<1x16xi32> to vector<16xi32>
      %swap3A_457 = vector.shape_cast %add3A_452 : vector<16xi32> to vector<1x16xi32>
      tpu.vector_store %arg6[%swap3A_453, %swap3A_454], %swap3A_457 {strides = array<i32>} : memref<160x128xi32, #tpu.memory_space<vmem>>, vector<1x16xi32>,
      %get3A_458 = arith.index_cast %while3A_437 : i32 to index
      %get3A_459 = arith.constant 32 : index
      %get3A_460 = tpu.vector_load %arg6[%get3A_458, %get3A_459] {strides = array<i32>} : memref<160x128xi32, #tpu.memory_space<vmem>>, vector<1x16xi32>,
      %get3A_461 = vector.shape_cast %get3A_460 : vector<1x16xi32> to vector<16xi32>
      %add3A_462 = arith.addi %get3A_461, %broadcast_in_dim3A_321 : vector<16xi32>
      %swap3A_463 = arith.index_cast %while3A_437 : i32 to index
      %swap3A_464 = arith.constant 32 : index
      %swap3A_465 = tpu.vector_load %arg6[%swap3A_463, %swap3A_464] {strides = array<i32>} : memref<160x128xi32, #tpu.memory_space<vmem>>, vector<1x16xi32>,
      %swap3A_466 = vector.shape_cast %swap3A_465 : vector<1x16xi32> to vector<16xi32>
      %swap3A_467 = vector.shape_cast %add3A_462 : vector<16xi32> to vector<1x16xi32>
      tpu.vector_store %arg6[%swap3A_463, %swap3A_464], %swap3A_467 {strides = array<i32>} : memref<160x128xi32, #tpu.memory_space<vmem>>, vector<1x16xi32>,
      %get3A_468 = arith.index_cast %while3A_437 : i32 to index
      %get3A_469 = arith.constant 48 : index
      %get3A_470 = tpu.vector_load %arg6[%get3A_468, %get3A_469] {strides = array<i32>} : memref<160x128xi32, #tpu.memory_space<vmem>>, vector<1x16xi32>,
      %get3A_471 = vector.shape_cast %get3A_470 : vector<1x16xi32> to vector<16xi32>
      %add3A_472 = arith.addi %get3A_471, %broadcast_in_dim3A_321 : vector<16xi32>
      %swap3A_473 = arith.index_cast %while3A_437 : i32 to index
      %swap3A_474 = arith.constant 48 : index
      %swap3A_475 = tpu.vector_load %arg6[%swap3A_473, %swap3A_474] {strides = array<i32>} : memref<160x128xi32, #tpu.memory_space<vmem>>, vector<1x16xi32>,
      %swap3A_476 = vector.shape_cast %swap3A_475 : vector<1x16xi32> to vector<16xi32>
      %swap3A_477 = vector.shape_cast %add3A_472 : vector<16xi32> to vector<1x16xi32>
      tpu.vector_store %arg6[%swap3A_473, %swap3A_474], %swap3A_477 {strides = array<i32>} : memref<160x128xi32, #tpu.memory_space<vmem>>, vector<1x16xi32>,
      %get3A_478 = arith.index_cast %while3A_437 : i32 to index
      %get3A_479 = arith.constant 64 : index
      %get3A_480 = tpu.vector_load %arg6[%get3A_478, %get3A_479] {strides = array<i32>} : memref<160x128xi32, #tpu.memory_space<vmem>>, vector<1x16xi32>,
      %get3A_481 = vector.shape_cast %get3A_480 : vector<1x16xi32> to vector<16xi32>
      %add3A_482 = arith.addi %get3A_481, %broadcast_in_dim3A_321 : vector<16xi32>
      %swap3A_483 = arith.index_cast %while3A_437 : i32 to index
      %swap3A_484 = arith.constant 64 : index
      %swap3A_485 = tpu.vector_load %arg6[%swap3A_483, %swap3A_484] {strides = array<i32>} : memref<160x128xi32, #tpu.memory_space<vmem>>, vector<1x16xi32>,
      %swap3A_486 = vector.shape_cast %swap3A_485 : vector<1x16xi32> to vector<16xi32>
      %swap3A_487 = vector.shape_cast %add3A_482 : vector<16xi32> to vector<1x16xi32>
      tpu.vector_store %arg6[%swap3A_483, %swap3A_484], %swap3A_487 {strides = array<i32>} : memref<160x128xi32, #tpu.memory_space<vmem>>, vector<1x16xi32>,
      %get3A_488 = arith.index_cast %while3A_437 : i32 to index
      %get3A_489 = arith.constant 80 : index
      %get3A_490 = tpu.vector_load %arg6[%get3A_488, %get3A_489] {strides = array<i32>} : memref<160x128xi32, #tpu.memory_space<vmem>>, vector<1x16xi32>,
      %get3A_491 = vector.shape_cast %get3A_490 : vector<1x16xi32> to vector<16xi32>
      %add3A_492 = arith.addi %get3A_491, %broadcast_in_dim3A_321 : vector<16xi32>
      %swap3A_493 = arith.index_cast %while3A_437 : i32 to index
      %swap3A_494 = arith.constant 80 : index
      %swap3A_495 = tpu.vector_load %arg6[%swap3A_493, %swap3A_494] {strides = array<i32>} : memref<160x128xi32, #tpu.memory_space<vmem>>, vector<1x16xi32>,
      %swap3A_496 = vector.shape_cast %swap3A_495 : vector<1x16xi32> to vector<16xi32>
      %swap3A_497 = vector.shape_cast %add3A_492 : vector<16xi32> to vector<1x16xi32>
      tpu.vector_store %arg6[%swap3A_493, %swap3A_494], %swap3A_497 {strides = array<i32>} : memref<160x128xi32, #tpu.memory_space<vmem>>, vector<1x16xi32>,
      %get3A_498 = arith.index_cast %while3A_437 : i32 to index
      %get3A_499 = arith.constant 96 : index
      %get3A_500 = tpu.vector_load %arg6[%get3A_498, %get3A_499] {strides = array<i32>} : memref<160x128xi32, #tpu.memory_space<vmem>>, vector<1x16xi32>,
      %get3A_501 = vector.shape_cast %get3A_500 : vector<1x16xi32> to vector<16xi32>
      %add3A_502 = arith.addi %get3A_501, %broadcast_in_dim3A_321 : vector<16xi32>
      %swap3A_503 = arith.index_cast %while3A_437 : i32 to index
      %swap3A_504 = arith.constant 96 : index
      %swap3A_505 = tpu.vector_load %arg6[%swap3A_503, %swap3A_504] {strides = array<i32>} : memref<160x128xi32, #tpu.memory_space<vmem>>, vector<1x16xi32>,
      %swap3A_506 = vector.shape_cast %swap3A_505 : vector<1x16xi32> to vector<16xi32>
      %swap3A_507 = vector.shape_cast %add3A_502 : vector<16xi32> to vector<1x16xi32>
      tpu.vector_store %arg6[%swap3A_503, %swap3A_504], %swap3A_507 {strides = array<i32>} : memref<160x128xi32, #tpu.memory_space<vmem>>, vector<1x16xi32>,
      %get3A_508 = arith.index_cast %while3A_437 : i32 to index
      %get3A_509 = arith.constant 112 : index
      %get3A_510 = tpu.vector_load %arg6[%get3A_508, %get3A_509] {strides = array<i32>} : memref<160x128xi32, #tpu.memory_space<vmem>>, vector<1x16xi32>,
      %get3A_511 = vector.shape_cast %get3A_510 : vector<1x16xi32> to vector<16xi32>
      %add3A_512 = arith.addi %get3A_511, %broadcast_in_dim3A_321 : vector<16xi32>
      %swap3A_513 = arith.index_cast %while3A_437 : i32 to index
      %swap3A_514 = arith.constant 112 : index
      %swap3A_515 = tpu.vector_load %arg6[%swap3A_513, %swap3A_514] {strides = array<i32>} : memref<160x128xi32, #tpu.memory_space<vmem>>, vector<1x16xi32>,
      %swap3A_516 = vector.shape_cast %swap3A_515 : vector<1x16xi32> to vector<16xi32>
      %swap3A_517 = vector.shape_cast %add3A_512 : vector<16xi32> to vector<1x16xi32>
      tpu.vector_store %arg6[%swap3A_513, %swap3A_514], %swap3A_517 {strides = array<i32>} : memref<160x128xi32, #tpu.memory_space<vmem>>, vector<1x16xi32>,
      %while3A_518 = arith.constant 0 : i32
      scf.yield %while3A_518 : i32
    }
    %while3A_331 = arith.constant 1 : i32
    %while3A_332 = scf.for %while3A_437 = %while3A_328 to %while3A_324 step %while3A_331 iter_args(%while3A_438 = %while3A_330) -> (i32)  : i32 {
      %get3A = arith.index_cast %while3A_437 : i32 to index
      %get3A_439 = arith.constant 0 : index
      %get3A_440 = tpu.vector_load %arg6[%get3A, %get3A_439] {strides = array<i32>} : memref<160x128xi32, #tpu.memory_space<vmem>>, vector<1x16xi32>,
      %get3A_441 = vector.shape_cast %get3A_440 : vector<1x16xi32> to vector<16xi32>
      %add3A_442 = arith.addi %get3A_441, %broadcast_in_dim3A_321 : vector<16xi32>
      %swap3A_443 = arith.index_cast %while3A_437 : i32 to index
      %swap3A_444 = arith.constant 0 : index
      %swap3A_445 = tpu.vector_load %arg6[%swap3A_443, %swap3A_444] {strides = array<i32>} : memref<160x128xi32, #tpu.memory_space<vmem>>, vector<1x16xi32>,
      %swap3A_446 = vector.shape_cast %swap3A_445 : vector<1x16xi32> to vector<16xi32>
      %swap3A_447 = vector.shape_cast %add3A_442 : vector<16xi32> to vector<1x16xi32>
      tpu.vector_store %arg6[%swap3A_443, %swap3A_444], %swap3A_447 {strides = array<i32>} : memref<160x128xi32, #tpu.memory_space<vmem>>, vector<1x16xi32>,
      %get3A_448 = arith.index_cast %while3A_437 : i32 to index
      %get3A_449 = arith.constant 16 : index
      %get3A_450 = tpu.vector_load %arg6[%get3A_448, %get3A_449] {strides = array<i32>} : memref<160x128xi32, #tpu.memory_space<vmem>>, vector<1x16xi32>,
      %get3A_451 = vector.shape_cast %get3A_450 : vector<1x16xi32> to vector<16xi32>
      %add3A_452 = arith.addi %get3A_451, %broadcast_in_dim3A_321 : vector<16xi32>
      %swap3A_453 = arith.index_cast %while3A_437 : i32 to index
      %swap3A_454 = arith.constant 16 : index
      %swap3A_455 = tpu.vector_load %arg6[%swap3A_453, %swap3A_454] {strides = array<i32>} : memref<160x128xi32, #tpu.memory_space<vmem>>, vector<1x16xi32>,
      %swap3A_456 = vector.shape_cast %swap3A_455 : vector<1x16xi32> to vector<16xi32>
      %swap3A_457 = vector.shape_cast %add3A_452 : vector<16xi32> to vector<1x16xi32>
      tpu.vector_store %arg6[%swap3A_453, %swap3A_454], %swap3A_457 {strides = array<i32>} : memref<160x128xi32, #tpu.memory_space<vmem>>, vector<1x16xi32>,
      %get3A_458 = arith.index_cast %while3A_437 : i32 to index
      %get3A_459 = arith.constant 32 : index
      %get3A_460 = tpu.vector_load %arg6[%get3A_458, %get3A_459] {strides = array<i32>} : memref<160x128xi32, #tpu.memory_space<vmem>>, vector<1x16xi32>,
      %get3A_461 = vector.shape_cast %get3A_460 : vector<1x16xi32> to vector<16xi32>
      %add3A_462 = arith.addi %get3A_461, %broadcast_in_dim3A_321 : vector<16xi32>
      %swap3A_463 = arith.index_cast %while3A_437 : i32 to index
      %swap3A_464 = arith.constant 32 : index
      %swap3A_465 = tpu.vector_load %arg6[%swap3A_463, %swap3A_464] {strides = array<i32>} : memref<160x128xi32, #tpu.memory_space<vmem>>, vector<1x16xi32>,
      %swap3A_466 = vector.shape_cast %swap3A_465 : vector<1x16xi32> to vector<16xi32>
      %swap3A_467 = vector.shape_cast %add3A_462 : vector<16xi32> to vector<1x16xi32>
      tpu.vector_store %arg6[%swap3A_463, %swap3A_464], %swap3A_467 {strides = array<i32>} : memref<160x128xi32, #tpu.memory_space<vmem>>, vector<1x16xi32>,
      %get3A_468 = arith.index_cast %while3A_437 : i32 to index
      %get3A_469 = arith.constant 48 : index
      %get3A_470 = tpu.vector_load %arg6[%get3A_468, %get3A_469] {strides = array<i32>} : memref<160x128xi32, #tpu.memory_space<vmem>>, vector<1x16xi32>,
      %get3A_471 = vector.shape_cast %get3A_470 : vector<1x16xi32> to vector<16xi32>
      %add3A_472 = arith.addi %get3A_471, %broadcast_in_dim3A_321 : vector<16xi32>
      %swap3A_473 = arith.index_cast %while3A_437 : i32 to index
      %swap3A_474 = arith.constant 48 : index
      %swap3A_475 = tpu.vector_load %arg6[%swap3A_473, %swap3A_474] {strides = array<i32>} : memref<160x128xi32, #tpu.memory_space<vmem>>, vector<1x16xi32>,
      %swap3A_476 = vector.shape_cast %swap3A_475 : vector<1x16xi32> to vector<16xi32>
      %swap3A_477 = vector.shape_cast %add3A_472 : vector<16xi32> to vector<1x16xi32>
      tpu.vector_store %arg6[%swap3A_473, %swap3A_474], %swap3A_477 {strides = array<i32>} : memref<160x128xi32, #tpu.memory_space<vmem>>, vector<1x16xi32>,
      %get3A_478 = arith.index_cast %while3A_437 : i32 to index
      %get3A_479 = arith.constant 64 : index
      %get3A_480 = tpu.vector_load %arg6[%get3A_478, %get3A_479] {strides = array<i32>} : memref<160x128xi32, #tpu.memory_space<vmem>>, vector<1x16xi32>,
      %get3A_481 = vector.shape_cast %get3A_480 : vector<1x16xi32> to vector<16xi32>
      %add3A_482 = arith.addi %get3A_481, %broadcast_in_dim3A_321 : vector<16xi32>
      %swap3A_483 = arith.index_cast %while3A_437 : i32 to index
      %swap3A_484 = arith.constant 64 : index
      %swap3A_485 = tpu.vector_load %arg6[%swap3A_483, %swap3A_484] {strides = array<i32>} : memref<160x128xi32, #tpu.memory_space<vmem>>, vector<1x16xi32>,
      %swap3A_486 = vector.shape_cast %swap3A_485 : vector<1x16xi32> to vector<16xi32>
      %swap3A_487 = vector.shape_cast %add3A_482 : vector<16xi32> to vector<1x16xi32>
      tpu.vector_store %arg6[%swap3A_483, %swap3A_484], %swap3A_487 {strides = array<i32>} : memref<160x128xi32, #tpu.memory_space<vmem>>, vector<1x16xi32>,
      %get3A_488 = arith.index_cast %while3A_437 : i32 to index
      %get3A_489 = arith.constant 80 : index
      %get3A_490 = tpu.vector_load %arg6[%get3A_488, %get3A_489] {strides = array<i32>} : memref<160x128xi32, #tpu.memory_space<vmem>>, vector<1x16xi32>,
      %get3A_491 = vector.shape_cast %get3A_490 : vector<1x16xi32> to vector<16xi32>
      %add3A_492 = arith.addi %get3A_491, %broadcast_in_dim3A_321 : vector<16xi32>
      %swap3A_493 = arith.index_cast %while3A_437 : i32 to index
      %swap3A_494 = arith.constant 80 : index
      %swap3A_495 = tpu.vector_load %arg6[%swap3A_493, %swap3A_494] {strides = array<i32>} : memref<160x128xi32, #tpu.memory_space<vmem>>, vector<1x16xi32>,
      %swap3A_496 = vector.shape_cast %swap3A_495 : vector<1x16xi32> to vector<16xi32>
      %swap3A_497 = vector.shape_cast %add3A_492 : vector<16xi32> to vector<1x16xi32>
      tpu.vector_store %arg6[%swap3A_493, %swap3A_494], %swap3A_497 {strides = array<i32>} : memref<160x128xi32, #tpu.memory_space<vmem>>, vector<1x16xi32>,
      %get3A_498 = arith.index_cast %while3A_437 : i32 to index
      %get3A_499 = arith.constant 96 : index
      %get3A_500 = tpu.vector_load %arg6[%get3A_498, %get3A_499] {strides = array<i32>} : memref<160x128xi32, #tpu.memory_space<vmem>>, vector<1x16xi32>,
      %get3A_501 = vector.shape_cast %get3A_500 : vector<1x16xi32> to vector<16xi32>
      %add3A_502 = arith.addi %get3A_501, %broadcast_in_dim3A_321 : vector<16xi32>
      %swap3A_503 = arith.index_cast %while3A_437 : i32 to index
      %swap3A_504 = arith.constant 96 : index
      %swap3A_505 = tpu.vector_load %arg6[%swap3A_503, %swap3A_504] {strides = array<i32>} : memref<160x128xi32, #tpu.memory_space<vmem>>, vector<1x16xi32>,
      %swap3A_506 = vector.shape_cast %swap3A_505 : vector<1x16xi32> to vector<16xi32>
      %swap3A_507 = vector.shape_cast %add3A_502 : vector<16xi32> to vector<1x16xi32>
      tpu.vector_store %arg6[%swap3A_503, %swap3A_504], %swap3A_507 {strides = array<i32>} : memref<160x128xi32, #tpu.memory_space<vmem>>, vector<1x16xi32>,
      %get3A_508 = arith.index_cast %while3A_437 : i32 to index
      %get3A_509 = arith.constant 112 : index
      %get3A_510 = tpu.vector_load %arg6[%get3A_508, %get3A_509] {strides = array<i32>} : memref<160x128xi32, #tpu.memory_space<vmem>>, vector<1x16xi32>,
      %get3A_511 = vector.shape_cast %get3A_510 : vector<1x16xi32> to vector<16xi32>
      %add3A_512 = arith.addi %get3A_511, %broadcast_in_dim3A_321 : vector<16xi32>
      %swap3A_513 = arith.index_cast %while3A_437 : i32 to index
      %swap3A_514 = arith.constant 112 : index
      %swap3A_515 = tpu.vector_load %arg6[%swap3A_513, %swap3A_514] {strides = array<i32>} : memref<160x128xi32, #tpu.memory_space<vmem>>, vector<1x16xi32>,
      %swap3A_516 = vector.shape_cast %swap3A_515 : vector<1x16xi32> to vector<16xi32>
      %swap3A_517 = vector.shape_cast %add3A_512 : vector<16xi32> to vector<1x16xi32>
      tpu.vector_store %arg6[%swap3A_513, %swap3A_514], %swap3A_517 {strides = array<i32>} : memref<160x128xi32, #tpu.memory_space<vmem>>, vector<1x16xi32>,
      %while3A_518 = arith.constant 0 : i32
      scf.yield %while3A_518 : i32
    }
    %barrier3A = arith.constant 0 : index
    tpu.barrier barrier_id(%barrier3A)
    %dma_start3A = arith.constant 0 : i32
    %dma_start3A_333 = arith.constant 0 : i32
    %dma_start3A_334 = tpu.memref_slice %arg6[%dma_start3A, %dma_start3A_333] : memref<160x128xi32, #tpu.memory_space<vmem>> -> memref<1x128xi32, #tpu.memory_space<vmem>>
    %dma_start3A_335 = tpu.memref_squeeze %dma_start3A_334 : memref<1x128xi32, #tpu.memory_space<vmem>> -> memref<128xi32, #tpu.memory_space<vmem>>
    %dma_start3A_336 = arith.constant 0 : i32
    %dma_start3A_337 = arith.constant 0 : i32
    %dma_start3A_338 = tpu.memref_slice %arg2[%dma_start3A_336, %dma_start3A_337] : memref<20000x64xf32, #tpu.memory_space<hbm>> -> memref<20000x64xf32, #tpu.memory_space<hbm>>
    tpu.enqueue_indirect_dma source(%dma_start3A_338 : memref<20000x64xf32, #tpu.memory_space<hbm>>) target(%arg8 : memref<128x64xf32, #tpu.memory_space<vmem>>) offsets(%dma_start3A_335 : memref<128xi32, #tpu.memory_space<vmem>>) semaphore(%arg17 : memref<!tpu.dma_semaphore, #tpu.memory_space<semaphore_mem>>)
    %dma_start3A_339 = arith.constant 1 : i32
    %dma_start3A_340 = arith.constant 0 : i32
    %dma_start3A_341 = tpu.memref_slice %arg6[%dma_start3A_339, %dma_start3A_340] : memref<160x128xi32, #tpu.memory_space<vmem>> -> memref<1x128xi32, #tpu.memory_space<vmem>>
    %dma_start3A_342 = tpu.memref_squeeze %dma_start3A_341 : memref<1x128xi32, #tpu.memory_space<vmem>> -> memref<128xi32, #tpu.memory_space<vmem>>
    %dma_start3A_343 = arith.constant 0 : i32
    %dma_start3A_344 = arith.constant 0 : i32
    %dma_start3A_345 = tpu.memref_slice %arg2[%dma_start3A_343, %dma_start3A_344] : memref<20000x64xf32, #tpu.memory_space<hbm>> -> memref<20000x64xf32, #tpu.memory_space<hbm>>
    tpu.enqueue_indirect_dma source(%dma_start3A_345 : memref<20000x64xf32, #tpu.memory_space<hbm>>) target(%arg9 : memref<128x64xf32, #tpu.memory_space<vmem>>) offsets(%dma_start3A_342 : memref<128xi32, #tpu.memory_space<vmem>>) semaphore(%arg18 : memref<!tpu.dma_semaphore, #tpu.memory_space<semaphore_mem>>)
    %jit3A_346 = arith.constant 4 : i32
    %div3A = arith.divsi %select_n3A, %jit3A_346 : i32
    %sign3A = arith.constant 0 : i32
    %sign3A_347 = arith.cmpi sgt, %select_n3A, %sign3A : i32
    %sign3A_348 = arith.extui %sign3A_347 : i1 to i32
    %sign3A_349 = arith.constant 0 : i32
    %sign3A_350 = arith.cmpi slt, %select_n3A, %sign3A_349 : i32
    %sign3A_351 = arith.extui %sign3A_350 : i1 to i32
    %sign3A_352 = arith.subi %sign3A_348, %sign3A_351 : i32
    %sign3A_353 = arith.constant 0 : i32
    %sign3A_354 = arith.cmpi sgt, %jit3A_346, %sign3A_353 : i32
    %sign3A_355 = arith.extui %sign3A_354 : i1 to i32
    %sign3A_356 = arith.constant 0 : i32
    %sign3A_357 = arith.cmpi slt, %jit3A_346, %sign3A_356 : i32
    %sign3A_358 = arith.extui %sign3A_357 : i1 to i32
    %sign3A_359 = arith.subi %sign3A_355, %sign3A_358 : i32
    %ne3A = arith.cmpi ne, %sign3A_352, %sign3A_359 : i32
    %rem3A = arith.remsi %select_n3A, %jit3A_346 : i32
    %ne3A_360 = arith.constant 0 : i32
    %ne3A_361 = arith.cmpi ne, %rem3A, %ne3A_360 : i32
    %and3A = arith.andi %ne3A, %ne3A_361 : i1
    %sub3A = arith.constant 1 : i32
    %sub3A_362 = arith.subi %div3A, %sub3A : i32
    %select_n3A_363 = arith.select %and3A, %sub3A_362, %div3A : i32
    %while3A_364 = arith.constant 0 : i32
    %while3A_365 = arith.constant 0 : i32
    %while3A_366 = arith.subi %select_n3A_363, %while3A_364 : i32
    %while3A_367 = arith.addi %while3A_364, %while3A_366 : i32
    %while3A_368 = arith.constant 1 : i32
    %while3A_369 = arith.divsi %while3A_366, %while3A_368 : i32
    %while3A_370 = arith.muli %while3A_369, %while3A_368 : i32
    %while3A_371 = arith.addi %while3A_364, %while3A_370 : i32
    %while3A_372 = arith.constant 1 : i32
    %while3A_373 = scf.for %while3A_437 = %while3A_364 to %while3A_371 step %while3A_372 iter_args(%while3A_438 = %while3A_365) -> (i32)  : i32 {
      %mul3A_439 = arith.constant 4 : i32
      %mul3A_440 = arith.muli %mul3A_439, %while3A_437 : i32
      %add3A_441 = arith.constant 0 : i32
      %add3A_442 = arith.addi %mul3A_440, %add3A_441 : i32
      %dma_wait3A_443 = arith.constant 0 : i32
      %dma_wait3A_444 = tpu.memref_slice %arg6[%add3A_442, %dma_wait3A_443] : memref<160x128xi32, #tpu.memory_space<vmem>> -> memref<1x128xi32, #tpu.memory_space<vmem>>
      %dma_wait3A_445 = tpu.memref_squeeze %dma_wait3A_444 : memref<1x128xi32, #tpu.memory_space<vmem>> -> memref<128xi32, #tpu.memory_space<vmem>>
      %dma_wait3A_446 = arith.constant 0 : i32
      %dma_wait3A_447 = arith.constant 0 : i32
      %dma_wait3A_448 = tpu.memref_slice %arg2[%dma_wait3A_446, %dma_wait3A_447] : memref<20000x64xf32, #tpu.memory_space<hbm>> -> memref<20000x64xf32, #tpu.memory_space<hbm>>
      tpu.wait_indirect_dma semaphore(%arg17 : memref<!tpu.dma_semaphore, #tpu.memory_space<semaphore_mem>>) src(%dma_wait3A_448 : memref<20000x64xf32, #tpu.memory_space<hbm>>) dst(%arg8 : memref<128x64xf32, #tpu.memory_space<vmem>>)
      %dma_start3A_449 = arith.constant 0 : i32
      %dma_start3A_450 = tpu.memref_slice %arg7[%add3A_442, %dma_start3A_449] : memref<160x128xi32, #tpu.memory_space<vmem>> -> memref<1x128xi32, #tpu.memory_space<vmem>>
      %dma_start3A_451 = tpu.memref_squeeze %dma_start3A_450 : memref<1x128xi32, #tpu.memory_space<vmem>> -> memref<128xi32, #tpu.memory_space<vmem>>
      %dma_start3A_452 = arith.constant 0 : i32
      %dma_start3A_453 = arith.constant 0 : i32
      %dma_start3A_454 = tpu.memref_slice %arg15[%dma_start3A_452, %dma_start3A_453] : memref<10240x64xf32, #tpu.memory_space<vmem_shared>> -> memref<10240x64xf32, #tpu.memory_space<vmem_shared>>
      tpu.enqueue_indirect_dma source(%arg8 : memref<128x64xf32, #tpu.memory_space<vmem>>) target(%dma_start3A_454 : memref<10240x64xf32, #tpu.memory_space<vmem_shared>>) offsets(%dma_start3A_451 : memref<128xi32, #tpu.memory_space<vmem>>) semaphore(%arg21 : memref<!tpu.dma_semaphore, #tpu.memory_space<semaphore_mem>>) {add = true}
      %eq3A_455 = arith.constant 0 : i32
      %eq3A_456 = arith.cmpi eq, %arg0, %eq3A_455 : i32
      %convert_element_type3A_457 = arith.extui %eq3A_456 : i1 to i32
      %cond3A_458 = arith.constant 0 : i32
      %cond3A_459 = arith.cmpi ne, %convert_element_type3A_457, %cond3A_458 : i32
      scf.if %cond3A_459 {
        %dma_start3A_547 = arith.constant 0 : i32
        %dma_start3A_548 = tpu.memref_slice %arg7[%add3A_442, %dma_start3A_547] : memref<160x128xi32, #tpu.memory_space<vmem>> -> memref<1x128xi32, #tpu.memory_space<vmem>>
        %dma_start3A_549 = tpu.memref_squeeze %dma_start3A_548 : memref<1x128xi32, #tpu.memory_space<vmem>> -> memref<128xi32, #tpu.memory_space<vmem>>
        %dma_start3A_550 = arith.constant 0 : i32
        %dma_start3A_551 = tpu.memref_slice %arg16[%dma_start3A_550] : memref<10240xf32, #tpu.memory_space<vmem_shared>> -> memref<10240xf32, #tpu.memory_space<vmem_shared>>
        tpu.enqueue_indirect_dma source(%arg12 : memref<128xf32, #tpu.memory_space<vmem>>) target(%dma_start3A_551 : memref<10240xf32, #tpu.memory_space<vmem_shared>>) offsets(%dma_start3A_549 : memref<128xi32, #tpu.memory_space<vmem>>) semaphore(%arg25 : memref<!tpu.dma_semaphore, #tpu.memory_space<semaphore_mem>>) {add = true}
      } else {
      }
      %add3A_460 = arith.constant 2 : i32
      %add3A_461 = arith.addi %add3A_442, %add3A_460 : i32
      %lt3A = arith.cmpi slt, %add3A_461, %select_n3A : i32
      %convert_element_type3A_462 = arith.extui %lt3A : i1 to i32
      %cond3A_463 = arith.constant 0 : i32
      %cond3A_464 = arith.cmpi ne, %convert_element_type3A_462, %cond3A_463 : i32
      scf.if %cond3A_464 {
        %ge3A = arith.constant 2 : i32
        %ge3A_547 = arith.cmpi sge, %add3A_442, %ge3A : i32
        %convert_element_type3A_548 = arith.extui %ge3A_547 : i1 to i32
        %cond3A_549 = arith.constant 0 : i32
        %cond3A_550 = arith.cmpi ne, %convert_element_type3A_548, %cond3A_549 : i32
        scf.if %cond3A_550 {
          %dma_wait3A_557 = arith.constant 0 : i32
          %dma_wait3A_558 = arith.constant 0 : i32
          %dma_wait3A_559 = tpu.memref_slice %arg7[%dma_wait3A_557, %dma_wait3A_558] : memref<160x128xi32, #tpu.memory_space<vmem>> -> memref<1x128xi32, #tpu.memory_space<vmem>>
          %dma_wait3A_560 = tpu.memref_squeeze %dma_wait3A_559 : memref<1x128xi32, #tpu.memory_space<vmem>> -> memref<128xi32, #tpu.memory_space<vmem>>
          %dma_wait3A_561 = arith.constant 0 : i32
          %dma_wait3A_562 = arith.constant 0 : i32
          %dma_wait3A_563 = tpu.memref_slice %arg15[%dma_wait3A_561, %dma_wait3A_562] : memref<10240x64xf32, #tpu.memory_space<vmem_shared>> -> memref<10240x64xf32, #tpu.memory_space<vmem_shared>>
          tpu.wait_indirect_dma semaphore(%arg23 : memref<!tpu.dma_semaphore, #tpu.memory_space<semaphore_mem>>) src(%arg10 : memref<128x64xf32, #tpu.memory_space<vmem>>) dst(%dma_wait3A_563 : memref<10240x64xf32, #tpu.memory_space<vmem_shared>>)
        } else {
        }
        %dma_start3A_551 = arith.constant 0 : i32
        %dma_start3A_552 = tpu.memref_slice %arg6[%add3A_461, %dma_start3A_551] : memref<160x128xi32, #tpu.memory_space<vmem>> -> memref<1x128xi32, #tpu.memory_space<vmem>>
        %dma_start3A_553 = tpu.memref_squeeze %dma_start3A_552 : memref<1x128xi32, #tpu.memory_space<vmem>> -> memref<128xi32, #tpu.memory_space<vmem>>
        %dma_start3A_554 = arith.constant 0 : i32
        %dma_start3A_555 = arith.constant 0 : i32
        %dma_start3A_556 = tpu.memref_slice %arg2[%dma_start3A_554, %dma_start3A_555] : memref<20000x64xf32, #tpu.memory_space<hbm>> -> memref<20000x64xf32, #tpu.memory_space<hbm>>
        tpu.enqueue_indirect_dma source(%dma_start3A_556 : memref<20000x64xf32, #tpu.memory_space<hbm>>) target(%arg10 : memref<128x64xf32, #tpu.memory_space<vmem>>) offsets(%dma_start3A_553 : memref<128xi32, #tpu.memory_space<vmem>>) semaphore(%arg19 : memref<!tpu.dma_semaphore, #tpu.memory_space<semaphore_mem>>)
      } else {
      }
      %mul3A_465 = arith.constant 4 : i32
      %mul3A_466 = arith.muli %mul3A_465, %while3A_437 : i32
      %add3A_467 = arith.constant 1 : i32
      %add3A_468 = arith.addi %mul3A_466, %add3A_467 : i32
      %dma_wait3A_469 = arith.constant 0 : i32
      %dma_wait3A_470 = tpu.memref_slice %arg6[%add3A_468, %dma_wait3A_469] : memref<160x128xi32, #tpu.memory_space<vmem>> -> memref<1x128xi32, #tpu.memory_space<vmem>>
      %dma_wait3A_471 = tpu.memref_squeeze %dma_wait3A_470 : memref<1x128xi32, #tpu.memory_space<vmem>> -> memref<128xi32, #tpu.memory_space<vmem>>
      %dma_wait3A_472 = arith.constant 0 : i32
      %dma_wait3A_473 = arith.constant 0 : i32
      %dma_wait3A_474 = tpu.memref_slice %arg2[%dma_wait3A_472, %dma_wait3A_473] : memref<20000x64xf32, #tpu.memory_space<hbm>> -> memref<20000x64xf32, #tpu.memory_space<hbm>>
      tpu.wait_indirect_dma semaphore(%arg18 : memref<!tpu.dma_semaphore, #tpu.memory_space<semaphore_mem>>) src(%dma_wait3A_474 : memref<20000x64xf32, #tpu.memory_space<hbm>>) dst(%arg9 : memref<128x64xf32, #tpu.memory_space<vmem>>)
      %dma_start3A_475 = arith.constant 0 : i32
      %dma_start3A_476 = tpu.memref_slice %arg7[%add3A_468, %dma_start3A_475] : memref<160x128xi32, #tpu.memory_space<vmem>> -> memref<1x128xi32, #tpu.memory_space<vmem>>
      %dma_start3A_477 = tpu.memref_squeeze %dma_start3A_476 : memref<1x128xi32, #tpu.memory_space<vmem>> -> memref<128xi32, #tpu.memory_space<vmem>>
      %dma_start3A_478 = arith.constant 0 : i32
      %dma_start3A_479 = arith.constant 0 : i32
      %dma_start3A_480 = tpu.memref_slice %arg15[%dma_start3A_478, %dma_start3A_479] : memref<10240x64xf32, #tpu.memory_space<vmem_shared>> -> memref<10240x64xf32, #tpu.memory_space<vmem_shared>>
      tpu.enqueue_indirect_dma source(%arg9 : memref<128x64xf32, #tpu.memory_space<vmem>>) target(%dma_start3A_480 : memref<10240x64xf32, #tpu.memory_space<vmem_shared>>) offsets(%dma_start3A_477 : memref<128xi32, #tpu.memory_space<vmem>>) semaphore(%arg22 : memref<!tpu.dma_semaphore, #tpu.memory_space<semaphore_mem>>) {add = true}
      %eq3A_481 = arith.constant 1 : i32
      %eq3A_482 = arith.cmpi eq, %arg0, %eq3A_481 : i32
      %convert_element_type3A_483 = arith.extui %eq3A_482 : i1 to i32
      %cond3A_484 = arith.constant 0 : i32
      %cond3A_485 = arith.cmpi ne, %convert_element_type3A_483, %cond3A_484 : i32
      scf.if %cond3A_485 {
        %dma_start3A_547 = arith.constant 0 : i32
        %dma_start3A_548 = tpu.memref_slice %arg7[%add3A_468, %dma_start3A_547] : memref<160x128xi32, #tpu.memory_space<vmem>> -> memref<1x128xi32, #tpu.memory_space<vmem>>
        %dma_start3A_549 = tpu.memref_squeeze %dma_start3A_548 : memref<1x128xi32, #tpu.memory_space<vmem>> -> memref<128xi32, #tpu.memory_space<vmem>>
        %dma_start3A_550 = arith.constant 0 : i32
        %dma_start3A_551 = tpu.memref_slice %arg16[%dma_start3A_550] : memref<10240xf32, #tpu.memory_space<vmem_shared>> -> memref<10240xf32, #tpu.memory_space<vmem_shared>>
        tpu.enqueue_indirect_dma source(%arg12 : memref<128xf32, #tpu.memory_space<vmem>>) target(%dma_start3A_551 : memref<10240xf32, #tpu.memory_space<vmem_shared>>) offsets(%dma_start3A_549 : memref<128xi32, #tpu.memory_space<vmem>>) semaphore(%arg25 : memref<!tpu.dma_semaphore, #tpu.memory_space<semaphore_mem>>) {add = true}
      } else {
      }
      %add3A_486 = arith.constant 2 : i32
      %add3A_487 = arith.addi %add3A_468, %add3A_486 : i32
      %lt3A_488 = arith.cmpi slt, %add3A_487, %select_n3A : i32
      %convert_element_type3A_489 = arith.extui %lt3A_488 : i1 to i32
      %cond3A_490 = arith.constant 0 : i32
      %cond3A_491 = arith.cmpi ne, %convert_element_type3A_489, %cond3A_490 : i32
      scf.if %cond3A_491 {
        %ge3A = arith.constant 2 : i32
        %ge3A_547 = arith.cmpi sge, %add3A_468, %ge3A : i32
        %convert_element_type3A_548 = arith.extui %ge3A_547 : i1 to i32
        %cond3A_549 = arith.constant 0 : i32
        %cond3A_550 = arith.cmpi ne, %convert_element_type3A_548, %cond3A_549 : i32
        scf.if %cond3A_550 {
          %dma_wait3A_557 = arith.constant 0 : i32
          %dma_wait3A_558 = arith.constant 0 : i32
          %dma_wait3A_559 = tpu.memref_slice %arg7[%dma_wait3A_557, %dma_wait3A_558] : memref<160x128xi32, #tpu.memory_space<vmem>> -> memref<1x128xi32, #tpu.memory_space<vmem>>
          %dma_wait3A_560 = tpu.memref_squeeze %dma_wait3A_559 : memref<1x128xi32, #tpu.memory_space<vmem>> -> memref<128xi32, #tpu.memory_space<vmem>>
          %dma_wait3A_561 = arith.constant 0 : i32
          %dma_wait3A_562 = arith.constant 0 : i32
          %dma_wait3A_563 = tpu.memref_slice %arg15[%dma_wait3A_561, %dma_wait3A_562] : memref<10240x64xf32, #tpu.memory_space<vmem_shared>> -> memref<10240x64xf32, #tpu.memory_space<vmem_shared>>
          tpu.wait_indirect_dma semaphore(%arg24 : memref<!tpu.dma_semaphore, #tpu.memory_space<semaphore_mem>>) src(%arg11 : memref<128x64xf32, #tpu.memory_space<vmem>>) dst(%dma_wait3A_563 : memref<10240x64xf32, #tpu.memory_space<vmem_shared>>)
        } else {
        }
        %dma_start3A_551 = arith.constant 0 : i32
        %dma_start3A_552 = tpu.memref_slice %arg6[%add3A_487, %dma_start3A_551] : memref<160x128xi32, #tpu.memory_space<vmem>> -> memref<1x128xi32, #tpu.memory_space<vmem>>
        %dma_start3A_553 = tpu.memref_squeeze %dma_start3A_552 : memref<1x128xi32, #tpu.memory_space<vmem>> -> memref<128xi32, #tpu.memory_space<vmem>>
        %dma_start3A_554 = arith.constant 0 : i32
        %dma_start3A_555 = arith.constant 0 : i32
        %dma_start3A_556 = tpu.memref_slice %arg2[%dma_start3A_554, %dma_start3A_555] : memref<20000x64xf32, #tpu.memory_space<hbm>> -> memref<20000x64xf32, #tpu.memory_space<hbm>>
        tpu.enqueue_indirect_dma source(%dma_start3A_556 : memref<20000x64xf32, #tpu.memory_space<hbm>>) target(%arg11 : memref<128x64xf32, #tpu.memory_space<vmem>>) offsets(%dma_start3A_553 : memref<128xi32, #tpu.memory_space<vmem>>) semaphore(%arg20 : memref<!tpu.dma_semaphore, #tpu.memory_space<semaphore_mem>>)
      } else {
      }
      %mul3A_492 = arith.constant 4 : i32
      %mul3A_493 = arith.muli %mul3A_492, %while3A_437 : i32
      %add3A_494 = arith.constant 2 : i32
      %add3A_495 = arith.addi %mul3A_493, %add3A_494 : i32
      %dma_wait3A_496 = arith.constant 0 : i32
      %dma_wait3A_497 = tpu.memref_slice %arg6[%add3A_495, %dma_wait3A_496] : memref<160x128xi32, #tpu.memory_space<vmem>> -> memref<1x128xi32, #tpu.memory_space<vmem>>
      %dma_wait3A_498 = tpu.memref_squeeze %dma_wait3A_497 : memref<1x128xi32, #tpu.memory_space<vmem>> -> memref<128xi32, #tpu.memory_space<vmem>>
      %dma_wait3A_499 = arith.constant 0 : i32
      %dma_wait3A_500 = arith.constant 0 : i32
      %dma_wait3A_501 = tpu.memref_slice %arg2[%dma_wait3A_499, %dma_wait3A_500] : memref<20000x64xf32, #tpu.memory_space<hbm>> -> memref<20000x64xf32, #tpu.memory_space<hbm>>
      tpu.wait_indirect_dma semaphore(%arg19 : memref<!tpu.dma_semaphore, #tpu.memory_space<semaphore_mem>>) src(%dma_wait3A_501 : memref<20000x64xf32, #tpu.memory_space<hbm>>) dst(%arg10 : memref<128x64xf32, #tpu.memory_space<vmem>>)
      %dma_start3A_502 = arith.constant 0 : i32
      %dma_start3A_503 = tpu.memref_slice %arg7[%add3A_495, %dma_start3A_502] : memref<160x128xi32, #tpu.memory_space<vmem>> -> memref<1x128xi32, #tpu.memory_space<vmem>>
      %dma_start3A_504 = tpu.memref_squeeze %dma_start3A_503 : memref<1x128xi32, #tpu.memory_space<vmem>> -> memref<128xi32, #tpu.memory_space<vmem>>
      %dma_start3A_505 = arith.constant 0 : i32
      %dma_start3A_506 = arith.constant 0 : i32
      %dma_start3A_507 = tpu.memref_slice %arg15[%dma_start3A_505, %dma_start3A_506] : memref<10240x64xf32, #tpu.memory_space<vmem_shared>> -> memref<10240x64xf32, #tpu.memory_space<vmem_shared>>
      tpu.enqueue_indirect_dma source(%arg10 : memref<128x64xf32, #tpu.memory_space<vmem>>) target(%dma_start3A_507 : memref<10240x64xf32, #tpu.memory_space<vmem_shared>>) offsets(%dma_start3A_504 : memref<128xi32, #tpu.memory_space<vmem>>) semaphore(%arg23 : memref<!tpu.dma_semaphore, #tpu.memory_space<semaphore_mem>>) {add = true}
      %eq3A_508 = arith.constant 0 : i32
      %eq3A_509 = arith.cmpi eq, %arg0, %eq3A_508 : i32
      %convert_element_type3A_510 = arith.extui %eq3A_509 : i1 to i32
      %cond3A_511 = arith.constant 0 : i32
      %cond3A_512 = arith.cmpi ne, %convert_element_type3A_510, %cond3A_511 : i32
      scf.if %cond3A_512 {
        %dma_start3A_547 = arith.constant 0 : i32
        %dma_start3A_548 = tpu.memref_slice %arg7[%add3A_495, %dma_start3A_547] : memref<160x128xi32, #tpu.memory_space<vmem>> -> memref<1x128xi32, #tpu.memory_space<vmem>>
        %dma_start3A_549 = tpu.memref_squeeze %dma_start3A_548 : memref<1x128xi32, #tpu.memory_space<vmem>> -> memref<128xi32, #tpu.memory_space<vmem>>
        %dma_start3A_550 = arith.constant 0 : i32
        %dma_start3A_551 = tpu.memref_slice %arg16[%dma_start3A_550] : memref<10240xf32, #tpu.memory_space<vmem_shared>> -> memref<10240xf32, #tpu.memory_space<vmem_shared>>
        tpu.enqueue_indirect_dma source(%arg12 : memref<128xf32, #tpu.memory_space<vmem>>) target(%dma_start3A_551 : memref<10240xf32, #tpu.memory_space<vmem_shared>>) offsets(%dma_start3A_549 : memref<128xi32, #tpu.memory_space<vmem>>) semaphore(%arg25 : memref<!tpu.dma_semaphore, #tpu.memory_space<semaphore_mem>>) {add = true}
      } else {
      }
      %add3A_513 = arith.constant 2 : i32
      %add3A_514 = arith.addi %add3A_495, %add3A_513 : i32
      %lt3A_515 = arith.cmpi slt, %add3A_514, %select_n3A : i32
      %convert_element_type3A_516 = arith.extui %lt3A_515 : i1 to i32
      %cond3A_517 = arith.constant 0 : i32
      %cond3A_518 = arith.cmpi ne, %convert_element_type3A_516, %cond3A_517 : i32
      scf.if %cond3A_518 {
        %ge3A = arith.constant 2 : i32
        %ge3A_547 = arith.cmpi sge, %add3A_495, %ge3A : i32
        %convert_element_type3A_548 = arith.extui %ge3A_547 : i1 to i32
        %cond3A_549 = arith.constant 0 : i32
        %cond3A_550 = arith.cmpi ne, %convert_element_type3A_548, %cond3A_549 : i32
        scf.if %cond3A_550 {
          %dma_wait3A_557 = arith.constant 0 : i32
          %dma_wait3A_558 = arith.constant 0 : i32
          %dma_wait3A_559 = tpu.memref_slice %arg7[%dma_wait3A_557, %dma_wait3A_558] : memref<160x128xi32, #tpu.memory_space<vmem>> -> memref<1x128xi32, #tpu.memory_space<vmem>>
          %dma_wait3A_560 = tpu.memref_squeeze %dma_wait3A_559 : memref<1x128xi32, #tpu.memory_space<vmem>> -> memref<128xi32, #tpu.memory_space<vmem>>
          %dma_wait3A_561 = arith.constant 0 : i32
          %dma_wait3A_562 = arith.constant 0 : i32
          %dma_wait3A_563 = tpu.memref_slice %arg15[%dma_wait3A_561, %dma_wait3A_562] : memref<10240x64xf32, #tpu.memory_space<vmem_shared>> -> memref<10240x64xf32, #tpu.memory_space<vmem_shared>>
          tpu.wait_indirect_dma semaphore(%arg21 : memref<!tpu.dma_semaphore, #tpu.memory_space<semaphore_mem>>) src(%arg8 : memref<128x64xf32, #tpu.memory_space<vmem>>) dst(%dma_wait3A_563 : memref<10240x64xf32, #tpu.memory_space<vmem_shared>>)
        } else {
        }
        %dma_start3A_551 = arith.constant 0 : i32
        %dma_start3A_552 = tpu.memref_slice %arg6[%add3A_514, %dma_start3A_551] : memref<160x128xi32, #tpu.memory_space<vmem>> -> memref<1x128xi32, #tpu.memory_space<vmem>>
        %dma_start3A_553 = tpu.memref_squeeze %dma_start3A_552 : memref<1x128xi32, #tpu.memory_space<vmem>> -> memref<128xi32, #tpu.memory_space<vmem>>
        %dma_start3A_554 = arith.constant 0 : i32
        %dma_start3A_555 = arith.constant 0 : i32
        %dma_start3A_556 = tpu.memref_slice %arg2[%dma_start3A_554, %dma_start3A_555] : memref<20000x64xf32, #tpu.memory_space<hbm>> -> memref<20000x64xf32, #tpu.memory_space<hbm>>
        tpu.enqueue_indirect_dma source(%dma_start3A_556 : memref<20000x64xf32, #tpu.memory_space<hbm>>) target(%arg8 : memref<128x64xf32, #tpu.memory_space<vmem>>) offsets(%dma_start3A_553 : memref<128xi32, #tpu.memory_space<vmem>>) semaphore(%arg17 : memref<!tpu.dma_semaphore, #tpu.memory_space<semaphore_mem>>)
      } else {
      }
      %mul3A_519 = arith.constant 4 : i32
      %mul3A_520 = arith.muli %mul3A_519, %while3A_437 : i32
      %add3A_521 = arith.constant 3 : i32
      %add3A_522 = arith.addi %mul3A_520, %add3A_521 : i32
      %dma_wait3A_523 = arith.constant 0 : i32
      %dma_wait3A_524 = tpu.memref_slice %arg6[%add3A_522, %dma_wait3A_523] : memref<160x128xi32, #tpu.memory_space<vmem>> -> memref<1x128xi32, #tpu.memory_space<vmem>>
      %dma_wait3A_525 = tpu.memref_squeeze %dma_wait3A_524 : memref<1x128xi32, #tpu.memory_space<vmem>> -> memref<128xi32, #tpu.memory_space<vmem>>
      %dma_wait3A_526 = arith.constant 0 : i32
      %dma_wait3A_527 = arith.constant 0 : i32
      %dma_wait3A_528 = tpu.memref_slice %arg2[%dma_wait3A_526, %dma_wait3A_527] : memref<20000x64xf32, #tpu.memory_space<hbm>> -> memref<20000x64xf32, #tpu.memory_space<hbm>>
      tpu.wait_indirect_dma semaphore(%arg20 : memref<!tpu.dma_semaphore, #tpu.memory_space<semaphore_mem>>) src(%dma_wait3A_528 : memref<20000x64xf32, #tpu.memory_space<hbm>>) dst(%arg11 : memref<128x64xf32, #tpu.memory_space<vmem>>)
      %dma_start3A_529 = arith.constant 0 : i32
      %dma_start3A_530 = tpu.memref_slice %arg7[%add3A_522, %dma_start3A_529] : memref<160x128xi32, #tpu.memory_space<vmem>> -> memref<1x128xi32, #tpu.memory_space<vmem>>
      %dma_start3A_531 = tpu.memref_squeeze %dma_start3A_530 : memref<1x128xi32, #tpu.memory_space<vmem>> -> memref<128xi32, #tpu.memory_space<vmem>>
      %dma_start3A_532 = arith.constant 0 : i32
      %dma_start3A_533 = arith.constant 0 : i32
      %dma_start3A_534 = tpu.memref_slice %arg15[%dma_start3A_532, %dma_start3A_533] : memref<10240x64xf32, #tpu.memory_space<vmem_shared>> -> memref<10240x64xf32, #tpu.memory_space<vmem_shared>>
      tpu.enqueue_indirect_dma source(%arg11 : memref<128x64xf32, #tpu.memory_space<vmem>>) target(%dma_start3A_534 : memref<10240x64xf32, #tpu.memory_space<vmem_shared>>) offsets(%dma_start3A_531 : memref<128xi32, #tpu.memory_space<vmem>>) semaphore(%arg24 : memref<!tpu.dma_semaphore, #tpu.memory_space<semaphore_mem>>) {add = true}
      %eq3A_535 = arith.constant 1 : i32
      %eq3A_536 = arith.cmpi eq, %arg0, %eq3A_535 : i32
      %convert_element_type3A_537 = arith.extui %eq3A_536 : i1 to i32
      %cond3A_538 = arith.constant 0 : i32
      %cond3A_539 = arith.cmpi ne, %convert_element_type3A_537, %cond3A_538 : i32
      scf.if %cond3A_539 {
        %dma_start3A_547 = arith.constant 0 : i32
        %dma_start3A_548 = tpu.memref_slice %arg7[%add3A_522, %dma_start3A_547] : memref<160x128xi32, #tpu.memory_space<vmem>> -> memref<1x128xi32, #tpu.memory_space<vmem>>
        %dma_start3A_549 = tpu.memref_squeeze %dma_start3A_548 : memref<1x128xi32, #tpu.memory_space<vmem>> -> memref<128xi32, #tpu.memory_space<vmem>>
        %dma_start3A_550 = arith.constant 0 : i32
        %dma_start3A_551 = tpu.memref_slice %arg16[%dma_start3A_550] : memref<10240xf32, #tpu.memory_space<vmem_shared>> -> memref<10240xf32, #tpu.memory_space<vmem_shared>>
        tpu.enqueue_indirect_dma source(%arg12 : memref<128xf32, #tpu.memory_space<vmem>>) target(%dma_start3A_551 : memref<10240xf32, #tpu.memory_space<vmem_shared>>) offsets(%dma_start3A_549 : memref<128xi32, #tpu.memory_space<vmem>>) semaphore(%arg25 : memref<!tpu.dma_semaphore, #tpu.memory_space<semaphore_mem>>) {add = true}
      } else {
      }
      %add3A_540 = arith.constant 2 : i32
      %add3A_541 = arith.addi %add3A_522, %add3A_540 : i32
      %lt3A_542 = arith.cmpi slt, %add3A_541, %select_n3A : i32
      %convert_element_type3A_543 = arith.extui %lt3A_542 : i1 to i32
      %cond3A_544 = arith.constant 0 : i32
      %cond3A_545 = arith.cmpi ne, %convert_element_type3A_543, %cond3A_544 : i32
      scf.if %cond3A_545 {
        %ge3A = arith.constant 2 : i32
        %ge3A_547 = arith.cmpi sge, %add3A_522, %ge3A : i32
        %convert_element_type3A_548 = arith.extui %ge3A_547 : i1 to i32
        %cond3A_549 = arith.constant 0 : i32
        %cond3A_550 = arith.cmpi ne, %convert_element_type3A_548, %cond3A_549 : i32
        scf.if %cond3A_550 {
          %dma_wait3A_557 = arith.constant 0 : i32
          %dma_wait3A_558 = arith.constant 0 : i32
          %dma_wait3A_559 = tpu.memref_slice %arg7[%dma_wait3A_557, %dma_wait3A_558] : memref<160x128xi32, #tpu.memory_space<vmem>> -> memref<1x128xi32, #tpu.memory_space<vmem>>
          %dma_wait3A_560 = tpu.memref_squeeze %dma_wait3A_559 : memref<1x128xi32, #tpu.memory_space<vmem>> -> memref<128xi32, #tpu.memory_space<vmem>>
          %dma_wait3A_561 = arith.constant 0 : i32
          %dma_wait3A_562 = arith.constant 0 : i32
          %dma_wait3A_563 = tpu.memref_slice %arg15[%dma_wait3A_561, %dma_wait3A_562] : memref<10240x64xf32, #tpu.memory_space<vmem_shared>> -> memref<10240x64xf32, #tpu.memory_space<vmem_shared>>
          tpu.wait_indirect_dma semaphore(%arg22 : memref<!tpu.dma_semaphore, #tpu.memory_space<semaphore_mem>>) src(%arg9 : memref<128x64xf32, #tpu.memory_space<vmem>>) dst(%dma_wait3A_563 : memref<10240x64xf32, #tpu.memory_space<vmem_shared>>)
        } else {
        }
        %dma_start3A_551 = arith.constant 0 : i32
        %dma_start3A_552 = tpu.memref_slice %arg6[%add3A_541, %dma_start3A_551] : memref<160x128xi32, #tpu.memory_space<vmem>> -> memref<1x128xi32, #tpu.memory_space<vmem>>
        %dma_start3A_553 = tpu.memref_squeeze %dma_start3A_552 : memref<1x128xi32, #tpu.memory_space<vmem>> -> memref<128xi32, #tpu.memory_space<vmem>>
        %dma_start3A_554 = arith.constant 0 : i32
        %dma_start3A_555 = arith.constant 0 : i32
        %dma_start3A_556 = tpu.memref_slice %arg2[%dma_start3A_554, %dma_start3A_555] : memref<20000x64xf32, #tpu.memory_space<hbm>> -> memref<20000x64xf32, #tpu.memory_space<hbm>>
        tpu.enqueue_indirect_dma source(%dma_start3A_556 : memref<20000x64xf32, #tpu.memory_space<hbm>>) target(%arg9 : memref<128x64xf32, #tpu.memory_space<vmem>>) offsets(%dma_start3A_553 : memref<128xi32, #tpu.memory_space<vmem>>) semaphore(%arg18 : memref<!tpu.dma_semaphore, #tpu.memory_space<semaphore_mem>>)
      } else {
      }
      %while3A_546 = arith.constant 0 : i32
      scf.yield %while3A_546 : i32
    }
    %while3A_374 = arith.constant 1 : i32
    %while3A_375 = scf.for %while3A_437 = %while3A_371 to %while3A_367 step %while3A_374 iter_args(%while3A_438 = %while3A_373) -> (i32)  : i32 {
      %mul3A_439 = arith.constant 4 : i32
      %mul3A_440 = arith.muli %mul3A_439, %while3A_437 : i32
      %add3A_441 = arith.constant 0 : i32
      %add3A_442 = arith.addi %mul3A_440, %add3A_441 : i32
      %dma_wait3A_443 = arith.constant 0 : i32
      %dma_wait3A_444 = tpu.memref_slice %arg6[%add3A_442, %dma_wait3A_443] : memref<160x128xi32, #tpu.memory_space<vmem>> -> memref<1x128xi32, #tpu.memory_space<vmem>>
      %dma_wait3A_445 = tpu.memref_squeeze %dma_wait3A_444 : memref<1x128xi32, #tpu.memory_space<vmem>> -> memref<128xi32, #tpu.memory_space<vmem>>
      %dma_wait3A_446 = arith.constant 0 : i32
      %dma_wait3A_447 = arith.constant 0 : i32
      %dma_wait3A_448 = tpu.memref_slice %arg2[%dma_wait3A_446, %dma_wait3A_447] : memref<20000x64xf32, #tpu.memory_space<hbm>> -> memref<20000x64xf32, #tpu.memory_space<hbm>>
      tpu.wait_indirect_dma semaphore(%arg17 : memref<!tpu.dma_semaphore, #tpu.memory_space<semaphore_mem>>) src(%dma_wait3A_448 : memref<20000x64xf32, #tpu.memory_space<hbm>>) dst(%arg8 : memref<128x64xf32, #tpu.memory_space<vmem>>)
      %dma_start3A_449 = arith.constant 0 : i32
      %dma_start3A_450 = tpu.memref_slice %arg7[%add3A_442, %dma_start3A_449] : memref<160x128xi32, #tpu.memory_space<vmem>> -> memref<1x128xi32, #tpu.memory_space<vmem>>
      %dma_start3A_451 = tpu.memref_squeeze %dma_start3A_450 : memref<1x128xi32, #tpu.memory_space<vmem>> -> memref<128xi32, #tpu.memory_space<vmem>>
      %dma_start3A_452 = arith.constant 0 : i32
      %dma_start3A_453 = arith.constant 0 : i32
      %dma_start3A_454 = tpu.memref_slice %arg15[%dma_start3A_452, %dma_start3A_453] : memref<10240x64xf32, #tpu.memory_space<vmem_shared>> -> memref<10240x64xf32, #tpu.memory_space<vmem_shared>>
      tpu.enqueue_indirect_dma source(%arg8 : memref<128x64xf32, #tpu.memory_space<vmem>>) target(%dma_start3A_454 : memref<10240x64xf32, #tpu.memory_space<vmem_shared>>) offsets(%dma_start3A_451 : memref<128xi32, #tpu.memory_space<vmem>>) semaphore(%arg21 : memref<!tpu.dma_semaphore, #tpu.memory_space<semaphore_mem>>) {add = true}
      %eq3A_455 = arith.constant 0 : i32
      %eq3A_456 = arith.cmpi eq, %arg0, %eq3A_455 : i32
      %convert_element_type3A_457 = arith.extui %eq3A_456 : i1 to i32
      %cond3A_458 = arith.constant 0 : i32
      %cond3A_459 = arith.cmpi ne, %convert_element_type3A_457, %cond3A_458 : i32
      scf.if %cond3A_459 {
        %dma_start3A_547 = arith.constant 0 : i32
        %dma_start3A_548 = tpu.memref_slice %arg7[%add3A_442, %dma_start3A_547] : memref<160x128xi32, #tpu.memory_space<vmem>> -> memref<1x128xi32, #tpu.memory_space<vmem>>
        %dma_start3A_549 = tpu.memref_squeeze %dma_start3A_548 : memref<1x128xi32, #tpu.memory_space<vmem>> -> memref<128xi32, #tpu.memory_space<vmem>>
        %dma_start3A_550 = arith.constant 0 : i32
        %dma_start3A_551 = tpu.memref_slice %arg16[%dma_start3A_550] : memref<10240xf32, #tpu.memory_space<vmem_shared>> -> memref<10240xf32, #tpu.memory_space<vmem_shared>>
        tpu.enqueue_indirect_dma source(%arg12 : memref<128xf32, #tpu.memory_space<vmem>>) target(%dma_start3A_551 : memref<10240xf32, #tpu.memory_space<vmem_shared>>) offsets(%dma_start3A_549 : memref<128xi32, #tpu.memory_space<vmem>>) semaphore(%arg25 : memref<!tpu.dma_semaphore, #tpu.memory_space<semaphore_mem>>) {add = true}
      } else {
      }
      %add3A_460 = arith.constant 2 : i32
      %add3A_461 = arith.addi %add3A_442, %add3A_460 : i32
      %lt3A = arith.cmpi slt, %add3A_461, %select_n3A : i32
      %convert_element_type3A_462 = arith.extui %lt3A : i1 to i32
      %cond3A_463 = arith.constant 0 : i32
      %cond3A_464 = arith.cmpi ne, %convert_element_type3A_462, %cond3A_463 : i32
      scf.if %cond3A_464 {
        %ge3A = arith.constant 2 : i32
        %ge3A_547 = arith.cmpi sge, %add3A_442, %ge3A : i32
        %convert_element_type3A_548 = arith.extui %ge3A_547 : i1 to i32
        %cond3A_549 = arith.constant 0 : i32
        %cond3A_550 = arith.cmpi ne, %convert_element_type3A_548, %cond3A_549 : i32
        scf.if %cond3A_550 {
          %dma_wait3A_557 = arith.constant 0 : i32
          %dma_wait3A_558 = arith.constant 0 : i32
          %dma_wait3A_559 = tpu.memref_slice %arg7[%dma_wait3A_557, %dma_wait3A_558] : memref<160x128xi32, #tpu.memory_space<vmem>> -> memref<1x128xi32, #tpu.memory_space<vmem>>
          %dma_wait3A_560 = tpu.memref_squeeze %dma_wait3A_559 : memref<1x128xi32, #tpu.memory_space<vmem>> -> memref<128xi32, #tpu.memory_space<vmem>>
          %dma_wait3A_561 = arith.constant 0 : i32
          %dma_wait3A_562 = arith.constant 0 : i32
          %dma_wait3A_563 = tpu.memref_slice %arg15[%dma_wait3A_561, %dma_wait3A_562] : memref<10240x64xf32, #tpu.memory_space<vmem_shared>> -> memref<10240x64xf32, #tpu.memory_space<vmem_shared>>
          tpu.wait_indirect_dma semaphore(%arg23 : memref<!tpu.dma_semaphore, #tpu.memory_space<semaphore_mem>>) src(%arg10 : memref<128x64xf32, #tpu.memory_space<vmem>>) dst(%dma_wait3A_563 : memref<10240x64xf32, #tpu.memory_space<vmem_shared>>)
        } else {
        }
        %dma_start3A_551 = arith.constant 0 : i32
        %dma_start3A_552 = tpu.memref_slice %arg6[%add3A_461, %dma_start3A_551] : memref<160x128xi32, #tpu.memory_space<vmem>> -> memref<1x128xi32, #tpu.memory_space<vmem>>
        %dma_start3A_553 = tpu.memref_squeeze %dma_start3A_552 : memref<1x128xi32, #tpu.memory_space<vmem>> -> memref<128xi32, #tpu.memory_space<vmem>>
        %dma_start3A_554 = arith.constant 0 : i32
        %dma_start3A_555 = arith.constant 0 : i32
        %dma_start3A_556 = tpu.memref_slice %arg2[%dma_start3A_554, %dma_start3A_555] : memref<20000x64xf32, #tpu.memory_space<hbm>> -> memref<20000x64xf32, #tpu.memory_space<hbm>>
        tpu.enqueue_indirect_dma source(%dma_start3A_556 : memref<20000x64xf32, #tpu.memory_space<hbm>>) target(%arg10 : memref<128x64xf32, #tpu.memory_space<vmem>>) offsets(%dma_start3A_553 : memref<128xi32, #tpu.memory_space<vmem>>) semaphore(%arg19 : memref<!tpu.dma_semaphore, #tpu.memory_space<semaphore_mem>>)
      } else {
      }
      %mul3A_465 = arith.constant 4 : i32
      %mul3A_466 = arith.muli %mul3A_465, %while3A_437 : i32
      %add3A_467 = arith.constant 1 : i32
      %add3A_468 = arith.addi %mul3A_466, %add3A_467 : i32
      %dma_wait3A_469 = arith.constant 0 : i32
      %dma_wait3A_470 = tpu.memref_slice %arg6[%add3A_468, %dma_wait3A_469] : memref<160x128xi32, #tpu.memory_space<vmem>> -> memref<1x128xi32, #tpu.memory_space<vmem>>
      %dma_wait3A_471 = tpu.memref_squeeze %dma_wait3A_470 : memref<1x128xi32, #tpu.memory_space<vmem>> -> memref<128xi32, #tpu.memory_space<vmem>>
      %dma_wait3A_472 = arith.constant 0 : i32
      %dma_wait3A_473 = arith.constant 0 : i32
      %dma_wait3A_474 = tpu.memref_slice %arg2[%dma_wait3A_472, %dma_wait3A_473] : memref<20000x64xf32, #tpu.memory_space<hbm>> -> memref<20000x64xf32, #tpu.memory_space<hbm>>
      tpu.wait_indirect_dma semaphore(%arg18 : memref<!tpu.dma_semaphore, #tpu.memory_space<semaphore_mem>>) src(%dma_wait3A_474 : memref<20000x64xf32, #tpu.memory_space<hbm>>) dst(%arg9 : memref<128x64xf32, #tpu.memory_space<vmem>>)
      %dma_start3A_475 = arith.constant 0 : i32
      %dma_start3A_476 = tpu.memref_slice %arg7[%add3A_468, %dma_start3A_475] : memref<160x128xi32, #tpu.memory_space<vmem>> -> memref<1x128xi32, #tpu.memory_space<vmem>>
      %dma_start3A_477 = tpu.memref_squeeze %dma_start3A_476 : memref<1x128xi32, #tpu.memory_space<vmem>> -> memref<128xi32, #tpu.memory_space<vmem>>
      %dma_start3A_478 = arith.constant 0 : i32
      %dma_start3A_479 = arith.constant 0 : i32
      %dma_start3A_480 = tpu.memref_slice %arg15[%dma_start3A_478, %dma_start3A_479] : memref<10240x64xf32, #tpu.memory_space<vmem_shared>> -> memref<10240x64xf32, #tpu.memory_space<vmem_shared>>
      tpu.enqueue_indirect_dma source(%arg9 : memref<128x64xf32, #tpu.memory_space<vmem>>) target(%dma_start3A_480 : memref<10240x64xf32, #tpu.memory_space<vmem_shared>>) offsets(%dma_start3A_477 : memref<128xi32, #tpu.memory_space<vmem>>) semaphore(%arg22 : memref<!tpu.dma_semaphore, #tpu.memory_space<semaphore_mem>>) {add = true}
      %eq3A_481 = arith.constant 1 : i32
      %eq3A_482 = arith.cmpi eq, %arg0, %eq3A_481 : i32
      %convert_element_type3A_483 = arith.extui %eq3A_482 : i1 to i32
      %cond3A_484 = arith.constant 0 : i32
      %cond3A_485 = arith.cmpi ne, %convert_element_type3A_483, %cond3A_484 : i32
      scf.if %cond3A_485 {
        %dma_start3A_547 = arith.constant 0 : i32
        %dma_start3A_548 = tpu.memref_slice %arg7[%add3A_468, %dma_start3A_547] : memref<160x128xi32, #tpu.memory_space<vmem>> -> memref<1x128xi32, #tpu.memory_space<vmem>>
        %dma_start3A_549 = tpu.memref_squeeze %dma_start3A_548 : memref<1x128xi32, #tpu.memory_space<vmem>> -> memref<128xi32, #tpu.memory_space<vmem>>
        %dma_start3A_550 = arith.constant 0 : i32
        %dma_start3A_551 = tpu.memref_slice %arg16[%dma_start3A_550] : memref<10240xf32, #tpu.memory_space<vmem_shared>> -> memref<10240xf32, #tpu.memory_space<vmem_shared>>
        tpu.enqueue_indirect_dma source(%arg12 : memref<128xf32, #tpu.memory_space<vmem>>) target(%dma_start3A_551 : memref<10240xf32, #tpu.memory_space<vmem_shared>>) offsets(%dma_start3A_549 : memref<128xi32, #tpu.memory_space<vmem>>) semaphore(%arg25 : memref<!tpu.dma_semaphore, #tpu.memory_space<semaphore_mem>>) {add = true}
      } else {
      }
      %add3A_486 = arith.constant 2 : i32
      %add3A_487 = arith.addi %add3A_468, %add3A_486 : i32
      %lt3A_488 = arith.cmpi slt, %add3A_487, %select_n3A : i32
      %convert_element_type3A_489 = arith.extui %lt3A_488 : i1 to i32
      %cond3A_490 = arith.constant 0 : i32
      %cond3A_491 = arith.cmpi ne, %convert_element_type3A_489, %cond3A_490 : i32
      scf.if %cond3A_491 {
        %ge3A = arith.constant 2 : i32
        %ge3A_547 = arith.cmpi sge, %add3A_468, %ge3A : i32
        %convert_element_type3A_548 = arith.extui %ge3A_547 : i1 to i32
        %cond3A_549 = arith.constant 0 : i32
        %cond3A_550 = arith.cmpi ne, %convert_element_type3A_548, %cond3A_549 : i32
        scf.if %cond3A_550 {
          %dma_wait3A_557 = arith.constant 0 : i32
          %dma_wait3A_558 = arith.constant 0 : i32
          %dma_wait3A_559 = tpu.memref_slice %arg7[%dma_wait3A_557, %dma_wait3A_558] : memref<160x128xi32, #tpu.memory_space<vmem>> -> memref<1x128xi32, #tpu.memory_space<vmem>>
          %dma_wait3A_560 = tpu.memref_squeeze %dma_wait3A_559 : memref<1x128xi32, #tpu.memory_space<vmem>> -> memref<128xi32, #tpu.memory_space<vmem>>
          %dma_wait3A_561 = arith.constant 0 : i32
          %dma_wait3A_562 = arith.constant 0 : i32
          %dma_wait3A_563 = tpu.memref_slice %arg15[%dma_wait3A_561, %dma_wait3A_562] : memref<10240x64xf32, #tpu.memory_space<vmem_shared>> -> memref<10240x64xf32, #tpu.memory_space<vmem_shared>>
          tpu.wait_indirect_dma semaphore(%arg24 : memref<!tpu.dma_semaphore, #tpu.memory_space<semaphore_mem>>) src(%arg11 : memref<128x64xf32, #tpu.memory_space<vmem>>) dst(%dma_wait3A_563 : memref<10240x64xf32, #tpu.memory_space<vmem_shared>>)
        } else {
        }
        %dma_start3A_551 = arith.constant 0 : i32
        %dma_start3A_552 = tpu.memref_slice %arg6[%add3A_487, %dma_start3A_551] : memref<160x128xi32, #tpu.memory_space<vmem>> -> memref<1x128xi32, #tpu.memory_space<vmem>>
        %dma_start3A_553 = tpu.memref_squeeze %dma_start3A_552 : memref<1x128xi32, #tpu.memory_space<vmem>> -> memref<128xi32, #tpu.memory_space<vmem>>
        %dma_start3A_554 = arith.constant 0 : i32
        %dma_start3A_555 = arith.constant 0 : i32
        %dma_start3A_556 = tpu.memref_slice %arg2[%dma_start3A_554, %dma_start3A_555] : memref<20000x64xf32, #tpu.memory_space<hbm>> -> memref<20000x64xf32, #tpu.memory_space<hbm>>
        tpu.enqueue_indirect_dma source(%dma_start3A_556 : memref<20000x64xf32, #tpu.memory_space<hbm>>) target(%arg11 : memref<128x64xf32, #tpu.memory_space<vmem>>) offsets(%dma_start3A_553 : memref<128xi32, #tpu.memory_space<vmem>>) semaphore(%arg20 : memref<!tpu.dma_semaphore, #tpu.memory_space<semaphore_mem>>)
      } else {
      }
      %mul3A_492 = arith.constant 4 : i32
      %mul3A_493 = arith.muli %mul3A_492, %while3A_437 : i32
      %add3A_494 = arith.constant 2 : i32
      %add3A_495 = arith.addi %mul3A_493, %add3A_494 : i32
      %dma_wait3A_496 = arith.constant 0 : i32
      %dma_wait3A_497 = tpu.memref_slice %arg6[%add3A_495, %dma_wait3A_496] : memref<160x128xi32, #tpu.memory_space<vmem>> -> memref<1x128xi32, #tpu.memory_space<vmem>>
      %dma_wait3A_498 = tpu.memref_squeeze %dma_wait3A_497 : memref<1x128xi32, #tpu.memory_space<vmem>> -> memref<128xi32, #tpu.memory_space<vmem>>
      %dma_wait3A_499 = arith.constant 0 : i32
      %dma_wait3A_500 = arith.constant 0 : i32
      %dma_wait3A_501 = tpu.memref_slice %arg2[%dma_wait3A_499, %dma_wait3A_500] : memref<20000x64xf32, #tpu.memory_space<hbm>> -> memref<20000x64xf32, #tpu.memory_space<hbm>>
      tpu.wait_indirect_dma semaphore(%arg19 : memref<!tpu.dma_semaphore, #tpu.memory_space<semaphore_mem>>) src(%dma_wait3A_501 : memref<20000x64xf32, #tpu.memory_space<hbm>>) dst(%arg10 : memref<128x64xf32, #tpu.memory_space<vmem>>)
      %dma_start3A_502 = arith.constant 0 : i32
      %dma_start3A_503 = tpu.memref_slice %arg7[%add3A_495, %dma_start3A_502] : memref<160x128xi32, #tpu.memory_space<vmem>> -> memref<1x128xi32, #tpu.memory_space<vmem>>
      %dma_start3A_504 = tpu.memref_squeeze %dma_start3A_503 : memref<1x128xi32, #tpu.memory_space<vmem>> -> memref<128xi32, #tpu.memory_space<vmem>>
      %dma_start3A_505 = arith.constant 0 : i32
      %dma_start3A_506 = arith.constant 0 : i32
      %dma_start3A_507 = tpu.memref_slice %arg15[%dma_start3A_505, %dma_start3A_506] : memref<10240x64xf32, #tpu.memory_space<vmem_shared>> -> memref<10240x64xf32, #tpu.memory_space<vmem_shared>>
      tpu.enqueue_indirect_dma source(%arg10 : memref<128x64xf32, #tpu.memory_space<vmem>>) target(%dma_start3A_507 : memref<10240x64xf32, #tpu.memory_space<vmem_shared>>) offsets(%dma_start3A_504 : memref<128xi32, #tpu.memory_space<vmem>>) semaphore(%arg23 : memref<!tpu.dma_semaphore, #tpu.memory_space<semaphore_mem>>) {add = true}
      %eq3A_508 = arith.constant 0 : i32
      %eq3A_509 = arith.cmpi eq, %arg0, %eq3A_508 : i32
      %convert_element_type3A_510 = arith.extui %eq3A_509 : i1 to i32
      %cond3A_511 = arith.constant 0 : i32
      %cond3A_512 = arith.cmpi ne, %convert_element_type3A_510, %cond3A_511 : i32
      scf.if %cond3A_512 {
        %dma_start3A_547 = arith.constant 0 : i32
        %dma_start3A_548 = tpu.memref_slice %arg7[%add3A_495, %dma_start3A_547] : memref<160x128xi32, #tpu.memory_space<vmem>> -> memref<1x128xi32, #tpu.memory_space<vmem>>
        %dma_start3A_549 = tpu.memref_squeeze %dma_start3A_548 : memref<1x128xi32, #tpu.memory_space<vmem>> -> memref<128xi32, #tpu.memory_space<vmem>>
        %dma_start3A_550 = arith.constant 0 : i32
        %dma_start3A_551 = tpu.memref_slice %arg16[%dma_start3A_550] : memref<10240xf32, #tpu.memory_space<vmem_shared>> -> memref<10240xf32, #tpu.memory_space<vmem_shared>>
        tpu.enqueue_indirect_dma source(%arg12 : memref<128xf32, #tpu.memory_space<vmem>>) target(%dma_start3A_551 : memref<10240xf32, #tpu.memory_space<vmem_shared>>) offsets(%dma_start3A_549 : memref<128xi32, #tpu.memory_space<vmem>>) semaphore(%arg25 : memref<!tpu.dma_semaphore, #tpu.memory_space<semaphore_mem>>) {add = true}
      } else {
      }
      %add3A_513 = arith.constant 2 : i32
      %add3A_514 = arith.addi %add3A_495, %add3A_513 : i32
      %lt3A_515 = arith.cmpi slt, %add3A_514, %select_n3A : i32
      %convert_element_type3A_516 = arith.extui %lt3A_515 : i1 to i32
      %cond3A_517 = arith.constant 0 : i32
      %cond3A_518 = arith.cmpi ne, %convert_element_type3A_516, %cond3A_517 : i32
      scf.if %cond3A_518 {
        %ge3A = arith.constant 2 : i32
        %ge3A_547 = arith.cmpi sge, %add3A_495, %ge3A : i32
        %convert_element_type3A_548 = arith.extui %ge3A_547 : i1 to i32
        %cond3A_549 = arith.constant 0 : i32
        %cond3A_550 = arith.cmpi ne, %convert_element_type3A_548, %cond3A_549 : i32
        scf.if %cond3A_550 {
          %dma_wait3A_557 = arith.constant 0 : i32
          %dma_wait3A_558 = arith.constant 0 : i32
          %dma_wait3A_559 = tpu.memref_slice %arg7[%dma_wait3A_557, %dma_wait3A_558] : memref<160x128xi32, #tpu.memory_space<vmem>> -> memref<1x128xi32, #tpu.memory_space<vmem>>
          %dma_wait3A_560 = tpu.memref_squeeze %dma_wait3A_559 : memref<1x128xi32, #tpu.memory_space<vmem>> -> memref<128xi32, #tpu.memory_space<vmem>>
          %dma_wait3A_561 = arith.constant 0 : i32
          %dma_wait3A_562 = arith.constant 0 : i32
          %dma_wait3A_563 = tpu.memref_slice %arg15[%dma_wait3A_561, %dma_wait3A_562] : memref<10240x64xf32, #tpu.memory_space<vmem_shared>> -> memref<10240x64xf32, #tpu.memory_space<vmem_shared>>
          tpu.wait_indirect_dma semaphore(%arg21 : memref<!tpu.dma_semaphore, #tpu.memory_space<semaphore_mem>>) src(%arg8 : memref<128x64xf32, #tpu.memory_space<vmem>>) dst(%dma_wait3A_563 : memref<10240x64xf32, #tpu.memory_space<vmem_shared>>)
        } else {
        }
        %dma_start3A_551 = arith.constant 0 : i32
        %dma_start3A_552 = tpu.memref_slice %arg6[%add3A_514, %dma_start3A_551] : memref<160x128xi32, #tpu.memory_space<vmem>> -> memref<1x128xi32, #tpu.memory_space<vmem>>
        %dma_start3A_553 = tpu.memref_squeeze %dma_start3A_552 : memref<1x128xi32, #tpu.memory_space<vmem>> -> memref<128xi32, #tpu.memory_space<vmem>>
        %dma_start3A_554 = arith.constant 0 : i32
        %dma_start3A_555 = arith.constant 0 : i32
        %dma_start3A_556 = tpu.memref_slice %arg2[%dma_start3A_554, %dma_start3A_555] : memref<20000x64xf32, #tpu.memory_space<hbm>> -> memref<20000x64xf32, #tpu.memory_space<hbm>>
        tpu.enqueue_indirect_dma source(%dma_start3A_556 : memref<20000x64xf32, #tpu.memory_space<hbm>>) target(%arg8 : memref<128x64xf32, #tpu.memory_space<vmem>>) offsets(%dma_start3A_553 : memref<128xi32, #tpu.memory_space<vmem>>) semaphore(%arg17 : memref<!tpu.dma_semaphore, #tpu.memory_space<semaphore_mem>>)
      } else {
      }
      %mul3A_519 = arith.constant 4 : i32
      %mul3A_520 = arith.muli %mul3A_519, %while3A_437 : i32
      %add3A_521 = arith.constant 3 : i32
      %add3A_522 = arith.addi %mul3A_520, %add3A_521 : i32
      %dma_wait3A_523 = arith.constant 0 : i32
      %dma_wait3A_524 = tpu.memref_slice %arg6[%add3A_522, %dma_wait3A_523] : memref<160x128xi32, #tpu.memory_space<vmem>> -> memref<1x128xi32, #tpu.memory_space<vmem>>
      %dma_wait3A_525 = tpu.memref_squeeze %dma_wait3A_524 : memref<1x128xi32, #tpu.memory_space<vmem>> -> memref<128xi32, #tpu.memory_space<vmem>>
      %dma_wait3A_526 = arith.constant 0 : i32
      %dma_wait3A_527 = arith.constant 0 : i32
      %dma_wait3A_528 = tpu.memref_slice %arg2[%dma_wait3A_526, %dma_wait3A_527] : memref<20000x64xf32, #tpu.memory_space<hbm>> -> memref<20000x64xf32, #tpu.memory_space<hbm>>
      tpu.wait_indirect_dma semaphore(%arg20 : memref<!tpu.dma_semaphore, #tpu.memory_space<semaphore_mem>>) src(%dma_wait3A_528 : memref<20000x64xf32, #tpu.memory_space<hbm>>) dst(%arg11 : memref<128x64xf32, #tpu.memory_space<vmem>>)
      %dma_start3A_529 = arith.constant 0 : i32
      %dma_start3A_530 = tpu.memref_slice %arg7[%add3A_522, %dma_start3A_529] : memref<160x128xi32, #tpu.memory_space<vmem>> -> memref<1x128xi32, #tpu.memory_space<vmem>>
      %dma_start3A_531 = tpu.memref_squeeze %dma_start3A_530 : memref<1x128xi32, #tpu.memory_space<vmem>> -> memref<128xi32, #tpu.memory_space<vmem>>
      %dma_start3A_532 = arith.constant 0 : i32
      %dma_start3A_533 = arith.constant 0 : i32
      %dma_start3A_534 = tpu.memref_slice %arg15[%dma_start3A_532, %dma_start3A_533] : memref<10240x64xf32, #tpu.memory_space<vmem_shared>> -> memref<10240x64xf32, #tpu.memory_space<vmem_shared>>
      tpu.enqueue_indirect_dma source(%arg11 : memref<128x64xf32, #tpu.memory_space<vmem>>) target(%dma_start3A_534 : memref<10240x64xf32, #tpu.memory_space<vmem_shared>>) offsets(%dma_start3A_531 : memref<128xi32, #tpu.memory_space<vmem>>) semaphore(%arg24 : memref<!tpu.dma_semaphore, #tpu.memory_space<semaphore_mem>>) {add = true}
      %eq3A_535 = arith.constant 1 : i32
      %eq3A_536 = arith.cmpi eq, %arg0, %eq3A_535 : i32
      %convert_element_type3A_537 = arith.extui %eq3A_536 : i1 to i32
      %cond3A_538 = arith.constant 0 : i32
      %cond3A_539 = arith.cmpi ne, %convert_element_type3A_537, %cond3A_538 : i32
      scf.if %cond3A_539 {
        %dma_start3A_547 = arith.constant 0 : i32
        %dma_start3A_548 = tpu.memref_slice %arg7[%add3A_522, %dma_start3A_547] : memref<160x128xi32, #tpu.memory_space<vmem>> -> memref<1x128xi32, #tpu.memory_space<vmem>>
        %dma_start3A_549 = tpu.memref_squeeze %dma_start3A_548 : memref<1x128xi32, #tpu.memory_space<vmem>> -> memref<128xi32, #tpu.memory_space<vmem>>
        %dma_start3A_550 = arith.constant 0 : i32
        %dma_start3A_551 = tpu.memref_slice %arg16[%dma_start3A_550] : memref<10240xf32, #tpu.memory_space<vmem_shared>> -> memref<10240xf32, #tpu.memory_space<vmem_shared>>
        tpu.enqueue_indirect_dma source(%arg12 : memref<128xf32, #tpu.memory_space<vmem>>) target(%dma_start3A_551 : memref<10240xf32, #tpu.memory_space<vmem_shared>>) offsets(%dma_start3A_549 : memref<128xi32, #tpu.memory_space<vmem>>) semaphore(%arg25 : memref<!tpu.dma_semaphore, #tpu.memory_space<semaphore_mem>>) {add = true}
      } else {
      }
      %add3A_540 = arith.constant 2 : i32
      %add3A_541 = arith.addi %add3A_522, %add3A_540 : i32
      %lt3A_542 = arith.cmpi slt, %add3A_541, %select_n3A : i32
      %convert_element_type3A_543 = arith.extui %lt3A_542 : i1 to i32
      %cond3A_544 = arith.constant 0 : i32
      %cond3A_545 = arith.cmpi ne, %convert_element_type3A_543, %cond3A_544 : i32
      scf.if %cond3A_545 {
        %ge3A = arith.constant 2 : i32
        %ge3A_547 = arith.cmpi sge, %add3A_522, %ge3A : i32
        %convert_element_type3A_548 = arith.extui %ge3A_547 : i1 to i32
        %cond3A_549 = arith.constant 0 : i32
        %cond3A_550 = arith.cmpi ne, %convert_element_type3A_548, %cond3A_549 : i32
        scf.if %cond3A_550 {
          %dma_wait3A_557 = arith.constant 0 : i32
          %dma_wait3A_558 = arith.constant 0 : i32
          %dma_wait3A_559 = tpu.memref_slice %arg7[%dma_wait3A_557, %dma_wait3A_558] : memref<160x128xi32, #tpu.memory_space<vmem>> -> memref<1x128xi32, #tpu.memory_space<vmem>>
          %dma_wait3A_560 = tpu.memref_squeeze %dma_wait3A_559 : memref<1x128xi32, #tpu.memory_space<vmem>> -> memref<128xi32, #tpu.memory_space<vmem>>
          %dma_wait3A_561 = arith.constant 0 : i32
          %dma_wait3A_562 = arith.constant 0 : i32
          %dma_wait3A_563 = tpu.memref_slice %arg15[%dma_wait3A_561, %dma_wait3A_562] : memref<10240x64xf32, #tpu.memory_space<vmem_shared>> -> memref<10240x64xf32, #tpu.memory_space<vmem_shared>>
          tpu.wait_indirect_dma semaphore(%arg22 : memref<!tpu.dma_semaphore, #tpu.memory_space<semaphore_mem>>) src(%arg9 : memref<128x64xf32, #tpu.memory_space<vmem>>) dst(%dma_wait3A_563 : memref<10240x64xf32, #tpu.memory_space<vmem_shared>>)
        } else {
        }
        %dma_start3A_551 = arith.constant 0 : i32
        %dma_start3A_552 = tpu.memref_slice %arg6[%add3A_541, %dma_start3A_551] : memref<160x128xi32, #tpu.memory_space<vmem>> -> memref<1x128xi32, #tpu.memory_space<vmem>>
        %dma_start3A_553 = tpu.memref_squeeze %dma_start3A_552 : memref<1x128xi32, #tpu.memory_space<vmem>> -> memref<128xi32, #tpu.memory_space<vmem>>
        %dma_start3A_554 = arith.constant 0 : i32
        %dma_start3A_555 = arith.constant 0 : i32
        %dma_start3A_556 = tpu.memref_slice %arg2[%dma_start3A_554, %dma_start3A_555] : memref<20000x64xf32, #tpu.memory_space<hbm>> -> memref<20000x64xf32, #tpu.memory_space<hbm>>
        tpu.enqueue_indirect_dma source(%dma_start3A_556 : memref<20000x64xf32, #tpu.memory_space<hbm>>) target(%arg9 : memref<128x64xf32, #tpu.memory_space<vmem>>) offsets(%dma_start3A_553 : memref<128xi32, #tpu.memory_space<vmem>>) semaphore(%arg18 : memref<!tpu.dma_semaphore, #tpu.memory_space<semaphore_mem>>)
      } else {
      }
      %while3A_546 = arith.constant 0 : i32
      scf.yield %while3A_546 : i32
    }
    %dma_wait3A = arith.constant 0 : i32
    %dma_wait3A_376 = arith.constant 0 : i32
    %dma_wait3A_377 = tpu.memref_slice %arg7[%dma_wait3A, %dma_wait3A_376] : memref<160x128xi32, #tpu.memory_space<vmem>> -> memref<1x128xi32, #tpu.memory_space<vmem>>
    %dma_wait3A_378 = tpu.memref_squeeze %dma_wait3A_377 : memref<1x128xi32, #tpu.memory_space<vmem>> -> memref<128xi32, #tpu.memory_space<vmem>>
    %dma_wait3A_379 = arith.constant 0 : i32
    %dma_wait3A_380 = arith.constant 0 : i32
    %dma_wait3A_381 = tpu.memref_slice %arg15[%dma_wait3A_379, %dma_wait3A_380] : memref<10240x64xf32, #tpu.memory_space<vmem_shared>> -> memref<10240x64xf32, #tpu.memory_space<vmem_shared>>
    tpu.wait_indirect_dma semaphore(%arg23 : memref<!tpu.dma_semaphore, #tpu.memory_space<semaphore_mem>>) src(%arg10 : memref<128x64xf32, #tpu.memory_space<vmem>>) dst(%dma_wait3A_381 : memref<10240x64xf32, #tpu.memory_space<vmem_shared>>)
    %dma_wait3A_382 = arith.constant 0 : i32
    %dma_wait3A_383 = arith.constant 0 : i32
    %dma_wait3A_384 = tpu.memref_slice %arg7[%dma_wait3A_382, %dma_wait3A_383] : memref<160x128xi32, #tpu.memory_space<vmem>> -> memref<1x128xi32, #tpu.memory_space<vmem>>
    %dma_wait3A_385 = tpu.memref_squeeze %dma_wait3A_384 : memref<1x128xi32, #tpu.memory_space<vmem>> -> memref<128xi32, #tpu.memory_space<vmem>>
    %dma_wait3A_386 = arith.constant 0 : i32
    %dma_wait3A_387 = arith.constant 0 : i32
    %dma_wait3A_388 = tpu.memref_slice %arg15[%dma_wait3A_386, %dma_wait3A_387] : memref<10240x64xf32, #tpu.memory_space<vmem_shared>> -> memref<10240x64xf32, #tpu.memory_space<vmem_shared>>
    tpu.wait_indirect_dma semaphore(%arg24 : memref<!tpu.dma_semaphore, #tpu.memory_space<semaphore_mem>>) src(%arg11 : memref<128x64xf32, #tpu.memory_space<vmem>>) dst(%dma_wait3A_388 : memref<10240x64xf32, #tpu.memory_space<vmem_shared>>)
    %jit3A_389 = arith.constant 2 : i32
    %div3A_390 = arith.divsi %select_n3A, %jit3A_389 : i32
    %sign3A_391 = arith.constant 0 : i32
    %sign3A_392 = arith.cmpi sgt, %select_n3A, %sign3A_391 : i32
    %sign3A_393 = arith.extui %sign3A_392 : i1 to i32
    %sign3A_394 = arith.constant 0 : i32
    %sign3A_395 = arith.cmpi slt, %select_n3A, %sign3A_394 : i32
    %sign3A_396 = arith.extui %sign3A_395 : i1 to i32
    %sign3A_397 = arith.subi %sign3A_393, %sign3A_396 : i32
    %sign3A_398 = arith.constant 0 : i32
    %sign3A_399 = arith.cmpi sgt, %jit3A_389, %sign3A_398 : i32
    %sign3A_400 = arith.extui %sign3A_399 : i1 to i32
    %sign3A_401 = arith.constant 0 : i32
    %sign3A_402 = arith.cmpi slt, %jit3A_389, %sign3A_401 : i32
    %sign3A_403 = arith.extui %sign3A_402 : i1 to i32
    %sign3A_404 = arith.subi %sign3A_400, %sign3A_403 : i32
    %ne3A_405 = arith.cmpi ne, %sign3A_397, %sign3A_404 : i32
    %rem3A_406 = arith.remsi %select_n3A, %jit3A_389 : i32
    %ne3A_407 = arith.constant 0 : i32
    %ne3A_408 = arith.cmpi ne, %rem3A_406, %ne3A_407 : i32
    %and3A_409 = arith.andi %ne3A_405, %ne3A_408 : i1
    %sub3A_410 = arith.constant 1 : i32
    %sub3A_411 = arith.subi %div3A_390, %sub3A_410 : i32
    %select_n3A_412 = arith.select %and3A_409, %sub3A_411, %div3A_390 : i32
    %while3A_413 = arith.constant 0 : i32
    %while3A_414 = arith.constant 0 : i32
    %while3A_415 = arith.subi %select_n3A_412, %while3A_413 : i32
    %while3A_416 = arith.addi %while3A_413, %while3A_415 : i32
    %while3A_417 = arith.constant 1 : i32
    %while3A_418 = arith.divsi %while3A_415, %while3A_417 : i32
    %while3A_419 = arith.muli %while3A_418, %while3A_417 : i32
    %while3A_420 = arith.addi %while3A_413, %while3A_419 : i32
    %while3A_421 = arith.constant 1 : i32
    %while3A_422 = scf.for %while3A_437 = %while3A_413 to %while3A_420 step %while3A_421 iter_args(%while3A_438 = %while3A_414) -> (i32)  : i32 {
      %dma_wait3A_439 = arith.constant 0 : i32
      %dma_wait3A_440 = arith.constant 0 : i32
      %dma_wait3A_441 = tpu.memref_slice %arg7[%dma_wait3A_439, %dma_wait3A_440] : memref<160x128xi32, #tpu.memory_space<vmem>> -> memref<1x128xi32, #tpu.memory_space<vmem>>
      %dma_wait3A_442 = tpu.memref_squeeze %dma_wait3A_441 : memref<1x128xi32, #tpu.memory_space<vmem>> -> memref<128xi32, #tpu.memory_space<vmem>>
      %dma_wait3A_443 = arith.constant 0 : i32
      %dma_wait3A_444 = tpu.memref_slice %arg16[%dma_wait3A_443] : memref<10240xf32, #tpu.memory_space<vmem_shared>> -> memref<10240xf32, #tpu.memory_space<vmem_shared>>
      tpu.wait_indirect_dma semaphore(%arg25 : memref<!tpu.dma_semaphore, #tpu.memory_space<semaphore_mem>>) src(%arg12 : memref<128xf32, #tpu.memory_space<vmem>>) dst(%dma_wait3A_444 : memref<10240xf32, #tpu.memory_space<vmem_shared>>)
      %while3A_445 = arith.constant 0 : i32
      scf.yield %while3A_445 : i32
    }
    %while3A_423 = arith.constant 1 : i32
    %while3A_424 = scf.for %while3A_437 = %while3A_420 to %while3A_416 step %while3A_423 iter_args(%while3A_438 = %while3A_422) -> (i32)  : i32 {
      %dma_wait3A_439 = arith.constant 0 : i32
      %dma_wait3A_440 = arith.constant 0 : i32
      %dma_wait3A_441 = tpu.memref_slice %arg7[%dma_wait3A_439, %dma_wait3A_440] : memref<160x128xi32, #tpu.memory_space<vmem>> -> memref<1x128xi32, #tpu.memory_space<vmem>>
      %dma_wait3A_442 = tpu.memref_squeeze %dma_wait3A_441 : memref<1x128xi32, #tpu.memory_space<vmem>> -> memref<128xi32, #tpu.memory_space<vmem>>
      %dma_wait3A_443 = arith.constant 0 : i32
      %dma_wait3A_444 = tpu.memref_slice %arg16[%dma_wait3A_443] : memref<10240xf32, #tpu.memory_space<vmem_shared>> -> memref<10240xf32, #tpu.memory_space<vmem_shared>>
      tpu.wait_indirect_dma semaphore(%arg25 : memref<!tpu.dma_semaphore, #tpu.memory_space<semaphore_mem>>) src(%arg12 : memref<128xf32, #tpu.memory_space<vmem>>) dst(%dma_wait3A_444 : memref<10240xf32, #tpu.memory_space<vmem_shared>>)
      %while3A_445 = arith.constant 0 : i32
      scf.yield %while3A_445 : i32
    }
    %barrier3A_425 = arith.constant 0 : index
    tpu.barrier barrier_id(%barrier3A_425)
    %mul3A_426 = arith.constant 10000 : i32
    %mul3A_427 = arith.muli %arg0, %mul3A_426 : i32
    %add3A_428 = arith.addi %mul3A_427, %mul3A_0 : i32
    %not3A_429 = arith.constant true
    %not3A_430 = arith.xori %eq3A_312, %not3A_429 : i1
    %convert_element_type3A_431 = arith.extui %not3A_430 : i1 to i32
    %cond3A_432 = arith.constant 0 : i32
    %cond3A_433 = arith.cmpi ne, %convert_element_type3A_431, %cond3A_432 : i32
    scf.if %cond3A_433 {
      "tpu.region"() ({
        %run_scoped3A = tpu.sem_alloc : memref<!tpu.dma_semaphore, #tpu.memory_space<semaphore_mem>>
        %dma_start3A_437 = arith.constant 0 : i32
        %dma_start3A_438 = tpu.memref_slice %arg4[%add3A_428, %dma_start3A_437] : memref<20000x64xf32, #tpu.memory_space<hbm>> -> memref<640x64xf32, #tpu.memory_space<hbm>>
        %dma_start3A_439 = arith.constant 0 : i32
        %dma_start3A_440 = tpu.memref_slice %arg15[%mul3A_0, %dma_start3A_439] : memref<10240x64xf32, #tpu.memory_space<vmem_shared>> -> memref<640x64xf32, #tpu.memory_space<vmem_shared>>
        tpu.enqueue_dma source(%dma_start3A_440 : memref<640x64xf32, #tpu.memory_space<vmem_shared>>) target(%dma_start3A_438 : memref<640x64xf32, #tpu.memory_space<hbm>>) target_semaphore(%run_scoped3A : memref<!tpu.dma_semaphore, #tpu.memory_space<semaphore_mem>>)
        %dma_wait3A_441 = arith.constant 0 : i32
        %dma_wait3A_442 = tpu.memref_slice %arg4[%add3A_428, %dma_wait3A_441] : memref<20000x64xf32, #tpu.memory_space<hbm>> -> memref<640x64xf32, #tpu.memory_space<hbm>>
        %dma_wait3A_443 = arith.constant 0 : i32
        %dma_wait3A_444 = tpu.memref_slice %arg15[%mul3A_0, %dma_wait3A_443] : memref<10240x64xf32, #tpu.memory_space<vmem_shared>> -> memref<640x64xf32, #tpu.memory_space<vmem_shared>>
        tpu.wait_dma2 semaphore(%run_scoped3A : memref<!tpu.dma_semaphore, #tpu.memory_space<semaphore_mem>>) src(%dma_wait3A_444 : memref<640x64xf32, #tpu.memory_space<vmem_shared>>) dst(%dma_wait3A_442 : memref<640x64xf32, #tpu.memory_space<hbm>>)
        tpu.yield
      }) : () -> ()
      "tpu.region"() ({
        %run_scoped3A = tpu.sem_alloc : memref<!tpu.dma_semaphore, #tpu.memory_space<semaphore_mem>>
        %dma_start3A_437 = tpu.memref_slice %arg5[%add3A_428] : memref<20000xf32, #tpu.memory_space<hbm>> -> memref<640xf32, #tpu.memory_space<hbm>>
        %dma_start3A_438 = tpu.memref_slice %arg16[%mul3A_0] : memref<10240xf32, #tpu.memory_space<vmem_shared>> -> memref<640xf32, #tpu.memory_space<vmem_shared>>
        tpu.enqueue_dma source(%dma_start3A_438 : memref<640xf32, #tpu.memory_space<vmem_shared>>) target(%dma_start3A_437 : memref<640xf32, #tpu.memory_space<hbm>>) target_semaphore(%run_scoped3A : memref<!tpu.dma_semaphore, #tpu.memory_space<semaphore_mem>>)
        %dma_wait3A_439 = tpu.memref_slice %arg5[%add3A_428] : memref<20000xf32, #tpu.memory_space<hbm>> -> memref<640xf32, #tpu.memory_space<hbm>>
        %dma_wait3A_440 = tpu.memref_slice %arg16[%mul3A_0] : memref<10240xf32, #tpu.memory_space<vmem_shared>> -> memref<640xf32, #tpu.memory_space<vmem_shared>>
        tpu.wait_dma2 semaphore(%run_scoped3A : memref<!tpu.dma_semaphore, #tpu.memory_space<semaphore_mem>>) src(%dma_wait3A_440 : memref<640xf32, #tpu.memory_space<vmem_shared>>) dst(%dma_wait3A_439 : memref<640xf32, #tpu.memory_space<hbm>>)
        tpu.yield
      }) : () -> ()
    } else {
    }
    %convert_element_type3A_434 = arith.extui %eq3A_312 : i1 to i32
    %cond3A_435 = arith.constant 0 : i32
    %cond3A_436 = arith.cmpi ne, %convert_element_type3A_434, %cond3A_435 : i32
    scf.if %cond3A_436 {
      "tpu.region"() ({
        %run_scoped3A = tpu.sem_alloc : memref<!tpu.dma_semaphore, #tpu.memory_space<semaphore_mem>>
        %dma_start3A_437 = arith.constant 0 : i32
        %dma_start3A_438 = tpu.memref_slice %arg4[%add3A_428, %dma_start3A_437] : memref<20000x64xf32, #tpu.memory_space<hbm>> -> memref<400x64xf32, #tpu.memory_space<hbm>>
        %dma_start3A_439 = arith.constant 0 : i32
        %dma_start3A_440 = tpu.memref_slice %arg15[%mul3A_0, %dma_start3A_439] : memref<10240x64xf32, #tpu.memory_space<vmem_shared>> -> memref<400x64xf32, #tpu.memory_space<vmem_shared>>
        tpu.enqueue_dma source(%dma_start3A_440 : memref<400x64xf32, #tpu.memory_space<vmem_shared>>) target(%dma_start3A_438 : memref<400x64xf32, #tpu.memory_space<hbm>>) target_semaphore(%run_scoped3A : memref<!tpu.dma_semaphore, #tpu.memory_space<semaphore_mem>>)
        %dma_wait3A_441 = arith.constant 0 : i32
        %dma_wait3A_442 = tpu.memref_slice %arg4[%add3A_428, %dma_wait3A_441] : memref<20000x64xf32, #tpu.memory_space<hbm>> -> memref<400x64xf32, #tpu.memory_space<hbm>>
        %dma_wait3A_443 = arith.constant 0 : i32
        %dma_wait3A_444 = tpu.memref_slice %arg15[%mul3A_0, %dma_wait3A_443] : memref<10240x64xf32, #tpu.memory_space<vmem_shared>> -> memref<400x64xf32, #tpu.memory_space<vmem_shared>>
        tpu.wait_dma2 semaphore(%run_scoped3A : memref<!tpu.dma_semaphore, #tpu.memory_space<semaphore_mem>>) src(%dma_wait3A_444 : memref<400x64xf32, #tpu.memory_space<vmem_shared>>) dst(%dma_wait3A_442 : memref<400x64xf32, #tpu.memory_space<hbm>>)
        tpu.yield
      }) : () -> ()
      "tpu.region"() ({
        %run_scoped3A = tpu.sem_alloc : memref<!tpu.dma_semaphore, #tpu.memory_space<semaphore_mem>>
        %dma_start3A_437 = tpu.memref_slice %arg5[%add3A_428] : memref<20000xf32, #tpu.memory_space<hbm>> -> memref<400xf32, #tpu.memory_space<hbm>>
        %dma_start3A_438 = tpu.memref_slice %arg16[%mul3A_0] : memref<10240xf32, #tpu.memory_space<vmem_shared>> -> memref<400xf32, #tpu.memory_space<vmem_shared>>
        tpu.enqueue_dma source(%dma_start3A_438 : memref<400xf32, #tpu.memory_space<vmem_shared>>) target(%dma_start3A_437 : memref<400xf32, #tpu.memory_space<hbm>>) target_semaphore(%run_scoped3A : memref<!tpu.dma_semaphore, #tpu.memory_space<semaphore_mem>>)
        %dma_wait3A_439 = tpu.memref_slice %arg5[%add3A_428] : memref<20000xf32, #tpu.memory_space<hbm>> -> memref<400xf32, #tpu.memory_space<hbm>>
        %dma_wait3A_440 = tpu.memref_slice %arg16[%mul3A_0] : memref<10240xf32, #tpu.memory_space<vmem_shared>> -> memref<400xf32, #tpu.memory_space<vmem_shared>>
        tpu.wait_dma2 semaphore(%run_scoped3A : memref<!tpu.dma_semaphore, #tpu.memory_space<semaphore_mem>>) src(%dma_wait3A_440 : memref<400xf32, #tpu.memory_space<vmem_shared>>) dst(%dma_wait3A_439 : memref<400xf32, #tpu.memory_space<hbm>>)
        tpu.yield
      }) : () -> ()
    } else {
    }
    return
  }
}

module attributes {stable_mosaic.version = 14 : i64} {
  func.func @_dense_kernel(%arg0: i32, %arg1: memref<1000x128xf32, #tpu.memory_space<vmem>>, %arg2: memref<1000x64xf32, #tpu.memory_space<vmem>>, %arg3: memref<1000x64xf32, #tpu.memory_space<vmem>>, %arg4: memref<1000x1xf32, #tpu.memory_space<vmem>>, %arg5: memref<1000x1xf32, #tpu.memory_space<vmem>>, %arg6: memref<128x64xf32, #tpu.memory_space<vmem>>, %arg7: memref<128x64xf32, #tpu.memory_space<vmem>>, %arg8: memref<128x128xf32, #tpu.memory_space<vmem>>, %arg9: memref<1x128xf32, #tpu.memory_space<vmem>>, %arg10: memref<64x128xf32, #tpu.memory_space<vmem>>, %arg11: memref<64x128xf32, #tpu.memory_space<vmem>>, %arg12: memref<1x64xf32, #tpu.memory_space<vmem>>, %arg13: memref<1000x64xf32, #tpu.memory_space<vmem>>, %arg14: memref<1000x64xf32, #tpu.memory_space<vmem>>, %arg15: memref<1000x16xf32, #tpu.memory_space<vmem>>) attributes {dimension_semantics = [#tpu.dimension_semantics<arbitrary>], iteration_bounds = array<i64: 10>, scalar_prefetch = 0 : i64, scratch_operands = 0 : i64, tpu.core_type = #tpu.core_type<tc>, window_params = [{transform_indices = @transform_0, window_bounds = array<i64: 1000, 128>}, {transform_indices = @transform_1, window_bounds = array<i64: 1000, 64>}, {transform_indices = @transform_2, window_bounds = array<i64: 1000, 64>}, {transform_indices = @transform_3, window_bounds = array<i64: 1000, 1>}, {transform_indices = @transform_4, window_bounds = array<i64: 1000, 1>}, {pipeline_mode = #tpu.pipeline_mode<synchronous>, transform_indices = @transform_5, window_bounds = array<i64: 128, 64>}, {pipeline_mode = #tpu.pipeline_mode<synchronous>, transform_indices = @transform_6, window_bounds = array<i64: 128, 64>}, {pipeline_mode = #tpu.pipeline_mode<synchronous>, transform_indices = @transform_7, window_bounds = array<i64: 128, 128>}, {pipeline_mode = #tpu.pipeline_mode<synchronous>, transform_indices = @transform_8, window_bounds = array<i64: 1, 128>}, {pipeline_mode = #tpu.pipeline_mode<synchronous>, transform_indices = @transform_9, window_bounds = array<i64: 64, 128>}, {pipeline_mode = #tpu.pipeline_mode<synchronous>, transform_indices = @transform_10, window_bounds = array<i64: 64, 128>}, {pipeline_mode = #tpu.pipeline_mode<synchronous>, transform_indices = @transform_11, window_bounds = array<i64: 1, 64>}, {transform_indices = @transform_12, window_bounds = array<i64: 1000, 64>}, {transform_indices = @transform_13, window_bounds = array<i64: 1000, 64>}, {transform_indices = @transform_14, window_bounds = array<i64: 1000, 16>}]} {
    %get3A = arith.constant 0 : index
    %get3A_0 = arith.constant 0 : index
    %get3A_1 = vector.load %arg4[%get3A, %get3A_0] : memref<1000x1xf32, #tpu.memory_space<vmem>>, vector<1000x1xf32>
    %get3A_2 = arith.constant 0 : index
    %get3A_3 = arith.constant 0 : index
    %get3A_4 = vector.load %arg5[%get3A_2, %get3A_3] : memref<1000x1xf32, #tpu.memory_space<vmem>>, vector<1000x1xf32>
    %add3A = arith.addf %get3A_1, %get3A_4 : vector<1000x1xf32>
    %max3A = arith.constant 1.000000e+00 : f32
    %max3A_5 = vector.broadcast %max3A : f32 to vector<1000x1xf32>
    %max3A_6 = arith.maximumf %add3A, %max3A_5 : vector<1000x1xf32>
    %div3A = arith.constant 1.000000e+00 : f32
    %div3A_7 = vector.broadcast %div3A : f32 to vector<1000x1xf32>
    %div3A_8 = arith.divf %div3A_7, %max3A_6 : vector<1000x1xf32>
    %get3A_9 = arith.constant 0 : index
    %get3A_10 = arith.constant 0 : index
    %get3A_11 = vector.load %arg2[%get3A_9, %get3A_10] : memref<1000x64xf32, #tpu.memory_space<vmem>>, vector<1000x64xf32>
    %mul3A = vector.broadcast %div3A_8 : vector<1000x1xf32> to vector<1000x64xf32>
    %mul3A_12 = arith.mulf %get3A_11, %mul3A : vector<1000x64xf32>
    %get3A_13 = arith.constant 0 : index
    %get3A_14 = arith.constant 0 : index
    %get3A_15 = vector.load %arg6[%get3A_13, %get3A_14] : memref<128x64xf32, #tpu.memory_space<vmem>>, vector<128x64xf32>
    %dot_general3A = arith.constant dense<0.000000e+00> : vector<1000x128xf32>
    %dot_general3A_16 = tpu.matmul %mul3A_12, %get3A_15, %dot_general3A {dimension_numbers = #tpu.dot_dimension_numbers<[1], [1], [0], [0], [0, 0, 1, 0], [], []>, precision = #tpu.contract_precision<fp32>, transpose_lhs_hint = false} : vector<1000x64xf32>, vector<128x64xf32>, vector<1000x128xf32> -> vector<1000x128xf32>
    %get3A_17 = arith.constant 0 : index
    %get3A_18 = arith.constant 0 : index
    %get3A_19 = vector.load %arg3[%get3A_17, %get3A_18] : memref<1000x64xf32, #tpu.memory_space<vmem>>, vector<1000x64xf32>
    %mul3A_20 = vector.broadcast %div3A_8 : vector<1000x1xf32> to vector<1000x64xf32>
    %mul3A_21 = arith.mulf %get3A_19, %mul3A_20 : vector<1000x64xf32>
    %get3A_22 = arith.constant 0 : index
    %get3A_23 = arith.constant 0 : index
    %get3A_24 = vector.load %arg7[%get3A_22, %get3A_23] : memref<128x64xf32, #tpu.memory_space<vmem>>, vector<128x64xf32>
    %dot_general3A_25 = arith.constant dense<0.000000e+00> : vector<1000x128xf32>
    %dot_general3A_26 = tpu.matmul %mul3A_21, %get3A_24, %dot_general3A_25 {dimension_numbers = #tpu.dot_dimension_numbers<[1], [1], [0], [0], [0, 0, 1, 0], [], []>, precision = #tpu.contract_precision<fp32>, transpose_lhs_hint = false} : vector<1000x64xf32>, vector<128x64xf32>, vector<1000x128xf32> -> vector<1000x128xf32>
    %add3A_27 = arith.addf %dot_general3A_16, %dot_general3A_26 : vector<1000x128xf32>
    %get3A_28 = arith.constant 0 : index
    %get3A_29 = arith.constant 0 : index
    %get3A_30 = vector.load %arg1[%get3A_28, %get3A_29] : memref<1000x128xf32, #tpu.memory_space<vmem>>, vector<1000x128xf32>
    %get3A_31 = arith.constant 0 : index
    %get3A_32 = arith.constant 0 : index
    %get3A_33 = vector.load %arg8[%get3A_31, %get3A_32] : memref<128x128xf32, #tpu.memory_space<vmem>>, vector<128x128xf32>
    %dot_general3A_34 = arith.constant dense<0.000000e+00> : vector<1000x128xf32>
    %dot_general3A_35 = tpu.matmul %get3A_30, %get3A_33, %dot_general3A_34 {dimension_numbers = #tpu.dot_dimension_numbers<[1], [1], [0], [0], [0, 0, 1, 0], [], []>, precision = #tpu.contract_precision<fp32>, transpose_lhs_hint = false} : vector<1000x128xf32>, vector<128x128xf32>, vector<1000x128xf32> -> vector<1000x128xf32>
    %add3A_36 = arith.addf %add3A_27, %dot_general3A_35 : vector<1000x128xf32>
    %get3A_37 = arith.constant 0 : index
    %get3A_38 = arith.constant 0 : index
    %get3A_39 = vector.load %arg9[%get3A_37, %get3A_38] : memref<1x128xf32, #tpu.memory_space<vmem>>, vector<1x128xf32>
    %add3A_40 = vector.broadcast %get3A_39 : vector<1x128xf32> to vector<1000x128xf32>
    %add3A_41 = arith.addf %add3A_36, %add3A_40 : vector<1000x128xf32>
    %max3A_42 = arith.constant 0.000000e+00 : f32
    %max3A_43 = vector.broadcast %max3A_42 : f32 to vector<1000x128xf32>
    %max3A_44 = arith.maximumf %add3A_41, %max3A_43 : vector<1000x128xf32>
    %get3A_45 = arith.constant 0 : index
    %get3A_46 = arith.constant 0 : index
    %get3A_47 = vector.load %arg10[%get3A_45, %get3A_46] : memref<64x128xf32, #tpu.memory_space<vmem>>, vector<64x128xf32>
    %dot_general3A_48 = arith.constant dense<0.000000e+00> : vector<1000x64xf32>
    %dot_general3A_49 = tpu.matmul %max3A_44, %get3A_47, %dot_general3A_48 {dimension_numbers = #tpu.dot_dimension_numbers<[1], [1], [0], [0], [0, 0, 1, 0], [], []>, precision = #tpu.contract_precision<fp32>, transpose_lhs_hint = false} : vector<1000x128xf32>, vector<64x128xf32>, vector<1000x64xf32> -> vector<1000x64xf32>
    %swap3A = arith.constant 0 : index
    %swap3A_50 = arith.constant 0 : index
    %swap3A_51 = vector.load %arg13[%swap3A, %swap3A_50] : memref<1000x64xf32, #tpu.memory_space<vmem>>, vector<1000x64xf32>
    tpu.vector_store %arg13[%swap3A, %swap3A_50], %dot_general3A_49 {strides = array<i32>} : memref<1000x64xf32, #tpu.memory_space<vmem>>, vector<1000x64xf32>,
    %get3A_52 = arith.constant 0 : index
    %get3A_53 = arith.constant 0 : index
    %get3A_54 = vector.load %arg11[%get3A_52, %get3A_53] : memref<64x128xf32, #tpu.memory_space<vmem>>, vector<64x128xf32>
    %dot_general3A_55 = arith.constant dense<0.000000e+00> : vector<1000x64xf32>
    %dot_general3A_56 = tpu.matmul %max3A_44, %get3A_54, %dot_general3A_55 {dimension_numbers = #tpu.dot_dimension_numbers<[1], [1], [0], [0], [0, 0, 1, 0], [], []>, precision = #tpu.contract_precision<fp32>, transpose_lhs_hint = false} : vector<1000x128xf32>, vector<64x128xf32>, vector<1000x64xf32> -> vector<1000x64xf32>
    %get3A_57 = arith.constant 0 : index
    %get3A_58 = arith.constant 0 : index
    %get3A_59 = vector.load %arg12[%get3A_57, %get3A_58] : memref<1x64xf32, #tpu.memory_space<vmem>>, vector<1x64xf32>
    %add3A_60 = vector.broadcast %get3A_59 : vector<1x64xf32> to vector<1000x64xf32>
    %add3A_61 = arith.addf %dot_general3A_56, %add3A_60 : vector<1000x64xf32>
    %swap3A_62 = arith.constant 0 : index
    %swap3A_63 = arith.constant 0 : index
    %swap3A_64 = vector.load %arg14[%swap3A_62, %swap3A_63] : memref<1000x64xf32, #tpu.memory_space<vmem>>, vector<1000x64xf32>
    tpu.vector_store %arg14[%swap3A_62, %swap3A_63], %add3A_61 {strides = array<i32>} : memref<1000x64xf32, #tpu.memory_space<vmem>>, vector<1000x64xf32>,
    %broadcast_in_dim3A = vector.shape_cast %div3A_8 : vector<1000x1xf32> to vector<1000x1xf32>
    %broadcast_in_dim3A_65 = vector.broadcast %broadcast_in_dim3A : vector<1000x1xf32> to vector<1000x16xf32>
    %swap3A_66 = arith.constant 0 : index
    %swap3A_67 = arith.constant 0 : index
    %swap3A_68 = vector.load %arg15[%swap3A_66, %swap3A_67] : memref<1000x16xf32, #tpu.memory_space<vmem>>, vector<1000x16xf32>
    tpu.vector_store %arg15[%swap3A_66, %swap3A_67], %broadcast_in_dim3A_65 {strides = array<i32>} : memref<1000x16xf32, #tpu.memory_space<vmem>>, vector<1000x16xf32>,
    return
  }
  func.func @transform_0(%arg0: i32) -> (i32, i32) {
    %c0_i32 = arith.constant 0 : i32
    %c0_i32_0 = arith.constant 0 : i32
    return %arg0, %c0_i32 : i32, i32
  }
  func.func @transform_1(%arg0: i32) -> (i32, i32) {
    %c0_i32 = arith.constant 0 : i32
    %c0_i32_0 = arith.constant 0 : i32
    return %arg0, %c0_i32 : i32, i32
  }
  func.func @transform_2(%arg0: i32) -> (i32, i32) {
    %add3A = arith.constant 10 : i32
    %add3A_0 = arith.addi %add3A, %arg0 : i32
    %c0_i32 = arith.constant 0 : i32
    %c0_i32_1 = arith.constant 0 : i32
    return %add3A_0, %c0_i32 : i32, i32
  }
  func.func @transform_3(%arg0: i32) -> (i32, i32) {
    %c0_i32 = arith.constant 0 : i32
    %c0_i32_0 = arith.constant 0 : i32
    return %arg0, %c0_i32 : i32, i32
  }
  func.func @transform_4(%arg0: i32) -> (i32, i32) {
    %add3A = arith.constant 10 : i32
    %add3A_0 = arith.addi %add3A, %arg0 : i32
    %c0_i32 = arith.constant 0 : i32
    %c0_i32_1 = arith.constant 0 : i32
    return %add3A_0, %c0_i32 : i32, i32
  }
  func.func @transform_5(%arg0: i32) -> (i32, i32) {
    %c0_i32 = arith.constant 0 : i32
    %c0_i32_0 = arith.constant 0 : i32
    %c0_i32_1 = arith.constant 0 : i32
    return %c0_i32, %c0_i32_0 : i32, i32
  }
  func.func @transform_6(%arg0: i32) -> (i32, i32) {
    %c0_i32 = arith.constant 0 : i32
    %c0_i32_0 = arith.constant 0 : i32
    %c0_i32_1 = arith.constant 0 : i32
    return %c0_i32, %c0_i32_0 : i32, i32
  }
  func.func @transform_7(%arg0: i32) -> (i32, i32) {
    %c0_i32 = arith.constant 0 : i32
    %c0_i32_0 = arith.constant 0 : i32
    %c0_i32_1 = arith.constant 0 : i32
    return %c0_i32, %c0_i32_0 : i32, i32
  }
  func.func @transform_8(%arg0: i32) -> (i32, i32) {
    %c0_i32 = arith.constant 0 : i32
    %c0_i32_0 = arith.constant 0 : i32
    %c0_i32_1 = arith.constant 0 : i32
    return %c0_i32, %c0_i32_0 : i32, i32
  }
  func.func @transform_9(%arg0: i32) -> (i32, i32) {
    %c0_i32 = arith.constant 0 : i32
    %c0_i32_0 = arith.constant 0 : i32
    %c0_i32_1 = arith.constant 0 : i32
    return %c0_i32, %c0_i32_0 : i32, i32
  }
  func.func @transform_10(%arg0: i32) -> (i32, i32) {
    %c0_i32 = arith.constant 0 : i32
    %c0_i32_0 = arith.constant 0 : i32
    %c0_i32_1 = arith.constant 0 : i32
    return %c0_i32, %c0_i32_0 : i32, i32
  }
  func.func @transform_11(%arg0: i32) -> (i32, i32) {
    %c0_i32 = arith.constant 0 : i32
    %c0_i32_0 = arith.constant 0 : i32
    %c0_i32_1 = arith.constant 0 : i32
    return %c0_i32, %c0_i32_0 : i32, i32
  }
  func.func @transform_12(%arg0: i32) -> (i32, i32) {
    %c0_i32 = arith.constant 0 : i32
    %c0_i32_0 = arith.constant 0 : i32
    return %arg0, %c0_i32 : i32, i32
  }
  func.func @transform_13(%arg0: i32) -> (i32, i32) {
    %c0_i32 = arith.constant 0 : i32
    %c0_i32_0 = arith.constant 0 : i32
    return %arg0, %c0_i32 : i32, i32
  }
  func.func @transform_14(%arg0: i32) -> (i32, i32) {
    %c0_i32 = arith.constant 0 : i32
    %c0_i32_0 = arith.constant 0 : i32
    return %arg0, %c0_i32 : i32, i32
  }
}

</mosaic_0001>

<sc_bundles>
// kernel: kernel.5.cloned.1.call-start
scs
__scs_entry_jumppad:
0x0: {  	(pc) =	sbr.rel $0x88, $3  }
0x1: {  	(tag) =	ssettag $0x0;
	lr =	simm.s32 $0x1  }
0x2: {  	[smem:$0x3F98] =	sst lr;
	_ =	strace $0xD0000000  }
0x3: {  	_ = 	snop  }
0x4: {  	_ = 	snop  }
0x5: {  	_ = 	snop  }
0x6: {  	_ = 	snop  }
0x7: {  	_ = 	snop  }
__scs_overlays_trampoline_lowered:
0x8: {  	[smem:$0x3FA7] =	sst s0  }
0x9: {  	[smem:$0x3FA8] =	sst s1  }
0xa: {  	[smem:$0x3FA9] =	sst s2  }
0xb: {  	[smem:$0x3FAA] =	sst s3  }
0xc: {  	[smem:$0x3FAB] =	sst s4  }
0xd: {  	[smem:$0x3FAC] =	sst s5  }
0xe: {  	[smem:$0x3FAD] =	sst s6  }
0xf: {  	[smem:$0x3FAE] =	sst s7  }
0x10: {  	[smem:$0x3FAF] =	sst s8  }
0x11: {  	[smem:$0x3FB0] =	sst s9;
	s0 =	simm.s32 @!p0 $0x0  }
0x12: {  	s1 =	sld [smem:$0x3F96];
	s0 =	simm.s32 @p0 $0x1  }
0x13: {  	[smem:$0x3FB1] =	sst s0;
	s0 =	simm.s32 @!p1 $0x0  }
0x14: {  	s2 =	sld [smem:$0x3F95];
	s0 =	simm.s32 @p1 $0x1  }
0x15: {  	[smem:$0x3FB2] =	sst s0;
	s0 =	simm.s32 @!p2 $0x0  }
0x16: {  	s3 =	sld [smem:$0x3FDB];
	s0 =	simm.s32 @p2 $0x1  }
0x17: {  	s4 =	simm.s32 $0x1BF5;
	[smem:$0x3FB4] =	sst s0  }
0x18: {  	s0 =	sld [smem:$0x3F97];
	_ =	swait.ge [sflag:s4], $0x0  }
0x19: {  	s7 =	sld [smem:$0x3F98]  }
0x1a: {  	s8 =	sadd.s32 $0xFFFFE003, lr  }
0x1b: {  	s9 =	sadd.s32 $0xFFFFFEF7, lr;
	s5 =	simm.s32 $0xFFFFFFFF;
	p2 =	slt.u32 s8, $0xFFFFF086  }
0x1c: {  	p1 =	slt.u32 s9, $0xF7A;
	s5 =	simm.s32 @!p2 $0x0  }
0x1d: {  	s5 =	simm.s32 @p1 $0x1;
	p0 =	seq.s32 s7, s2  }
0x1e: {  	s7 =	smul.u32 @!p0 $0xF7A, s2;
	p2 =	seq.s32 @!p0 s5, $0x0  }
0x1f: {  	s9 =	smul.u32 $0xF7A, s1;
	s8 =	simm.s32 @!p0 $0x1BF5;
	p2 =	por !p2, p0  }
0x20: {  	[sflag:s8] =	ssyncset.s32 @!p0 $0xFFFFF086;
	s6 =	sadd.s32 @!p0 s3, s7;
	s7 =	simm.s32 @!p0 $0x108  }
0x21: {  	s3 =	sadd.s32 s3, s9;
	s6 =	sadd.s32 @!p0 $0x88, s6;
	s7 =	simm.s32 @p2 $0x1082  }
0x22: {  	[simem:s7], [sflag:s8] =	dma.local @!p0 [hbm:s6], $0xF7A  }
0x23: {  	s9 =	sor.u32 $0xD0000000, s2;
	s6 =	simm.s32 $0x108;
	_ =	swait.ge @!p0 [sflag:s8], $0x0  }
0x24: {  	s3 =	sadd.s32 $0x88, s3;
	s6 =	simm.s32 @!p1 $0x1082;
	[sflag:s4] =	ssyncset.s32 $0xFFFFF086  }
0x25: {  	[simem:s6], [sflag:s4] =	dma.local [hbm:s3], $0xF7A  }
0x26: {  	[smem:$0x3F98] =	sst s1;
	(tag) =	ssettag s2;
	_ =	strace s9  }
0x27: {  	s1 =	sld [smem:$0x3FA8]  }
0x28: {  	s2 =	sld [smem:$0x3FA9]  }
0x29: {  	s4 =	sld [smem:$0x3FAB]  }
0x2a: {  	p0 =	seq.s32 s5, $0x0;
	s5 =	sld [smem:$0x3FAC]  }
0x2b: {  	s6 =	sld [smem:$0x3FAD]  }
0x2c: {  	s7 =	sld [smem:$0x3FAE]  }
0x2d: {  	s3 =	simm.s32 $0x108;
	s8 =	sld [smem:$0x3FAF]  }
0x2e: {  	s3 =	simm.s32 @!p0 $0x1082;
	s9 =	sld [smem:$0x3FB0]  }
0x2f: {  	lr =	sadd.s32 s0, s3;
	s0 =	sld [smem:$0x3FA7]  }
0x30: {  	s3 =	sld [smem:$0x3FAA]  }
0x31: {  	[smem:$0x3FB3] =	sst s10  }
0x32: {  	s10 =	sld [smem:$0x3FB1];
	_ =	sdelay $0x3  }
0x33: {  	p0 =	seq.s32 s10, $0x1;
	s10 =	sld [smem:$0x3FB3];
	_ =	sdelay $0x3  }
0x34: {  	[smem:$0x3FB3] =	sst s10  }
0x35: {  	s10 =	sld [smem:$0x3FB2];
	_ =	sdelay $0x3  }
0x36: {  	p1 =	seq.s32 s10, $0x1;
	s10 =	sld [smem:$0x3FB3];
	_ =	sdelay $0x3  }
0x37: {  	[smem:$0x3FB3] =	sst s10  }
0x38: {  	s10 =	sld [smem:$0x3FB4]  }
0x39: {  	_ = 	snop;
	(pc) =	sbr.ind lr, $3  }
0x3a: {  	_ = 	snop  }
0x3b: {  	_ = 	snop  }
0x3c: {  	p2 =	seq.s32 s10, $0x1;
	s10 =	sld [smem:$0x3FB3]  }
0x3d: {  	_ =	shalt  }
0x3e: {  	_ =	shalt  }
0x3f: {  	_ =	shalt  }
0x40: {  	_ =	shalt  }
0x41: {  	_ =	shalt  }
0x42: {  	_ =	shalt  }
0x43: {  	_ =	shalt  }
0x44: {  	_ =	shalt  }
0x45: {  	_ =	shalt  }
0x46: {  	_ =	shalt  }
0x47: {  	_ =	shalt  }
0x48: {  	_ =	shalt  }
0x49: {  	_ =	shalt  }
0x4a: {  	_ =	shalt  }
0x4b: {  	_ =	shalt  }
0x4c: {  	_ =	shalt  }
0x4d: {  	_ =	shalt  }
0x4e: {  	_ =	shalt  }
0x4f: {  	_ =	shalt  }
0x50: {  	_ =	shalt  }
0x51: {  	_ =	shalt  }
0x52: {  	_ =	shalt  }
0x53: {  	_ =	shalt  }
0x54: {  	_ =	shalt  }
0x55: {  	_ =	shalt  }
0x56: {  	_ =	shalt  }
0x57: {  	_ =	shalt  }
0x58: {  	_ =	shalt  }
0x59: {  	_ =	shalt  }
0x5a: {  	_ =	shalt  }
0x5b: {  	_ =	shalt  }
0x5c: {  	_ =	shalt  }
0x5d: {  	_ =	shalt  }
0x5e: {  	_ =	shalt  }
0x5f: {  	_ =	shalt  }
0x60: {  	_ =	shalt  }
0x61: {  	_ =	shalt  }
0x62: {  	_ =	shalt  }
0x63: {  	_ =	shalt  }
0x64: {  	_ =	shalt  }
0x65: {  	_ =	shalt  }
0x66: {  	_ =	shalt  }
0x67: {  	_ =	shalt  }
0x68: {  	_ =	shalt  }
0x69: {  	_ =	shalt  }
0x6a: {  	_ =	shalt  }
0x6b: {  	_ =	shalt  }
0x6c: {  	_ =	shalt  }
0x6d: {  	_ =	shalt  }
0x6e: {  	_ =	shalt  }
0x6f: {  	_ =	shalt  }
0x70: {  	_ =	shalt  }
0x71: {  	_ =	shalt  }
0x72: {  	_ =	shalt  }
0x73: {  	_ =	shalt  }
0x74: {  	_ =	shalt  }
0x75: {  	_ =	shalt  }
0x76: {  	_ =	shalt  }
0x77: {  	_ =	shalt  }
0x78: {  	_ =	shalt  }
0x79: {  	_ =	shalt  }
0x7a: {  	_ =	shalt  }
0x7b: {  	_ =	shalt  }
0x7c: {  	_ =	shalt  }
0x7d: {  	_ =	shalt  }
0x7e: {  	_ =	shalt  }
0x7f: {  	_ =	shalt  }
0x80: {  	_ =	shalt  }
0x81: {  	_ =	shalt  }
0x82: {  	_ =	shalt  }
0x83: {  	_ =	shalt  }
0x84: {  	_ =	shalt  }
0x85: {  	_ =	shalt  }
0x86: {  	_ =	shalt  }
0x87: {  	_ =	shalt  }
.Lfunc_end0:
.L_simem_size_0:
called_computation_lowered:
.L_overlay_start_0:
0x88: {  	s2 =	sld [smem:$0x3FD9]  }
0x89: {  	s3 =	sld [smem:$0x3FFE];
	_ =	sdelay $0x1  }
0x8a: {  	s1 =	srdreg.scid  }
0x8b: {  	s0 =	sand.u32 $0x1, s1  }
0x8c: {  	s17 =	sshll.u32 s0, $0xA;
	s2 =	sadd.s32 s3, s2  }
0x8d: {  	s2 =	sadd.s32 s2, s17  }
0x8e: {  	[smem:$0x3FBF] =	sst s2  }
0x8f: {  	_ = 	snop  }
0x90: {  	s2 =	sld [smem:$0x3FD0];
	(tm) =	ssettm $0x1  }
0x91: {  	s18 =	sld [smem:$0x3FFB];
	_ =	sdelay $0x3  }
0x92: {  	_ =	strace s18  }
0x93: {  	s3 =	sld [smem:$0x3FFC];
	_ =	sdelay $0x3  }
0x94: {  	_ =	strace s3  }
0x95: {  	s3 =	sld [smem:$0x3FFD];
	_ =	sdelay $0x3  }
0x96: {  	_ =	strace s3  }
0x97: {  	_ =	strace $0x8FFFFFFF  }
0x98: {  	s19 =	sld [smem:$0x3FDB];
	_ =	sdelay $0x1  }
0x99: {  	s4 =	simm.s32 $_scs_section_size  }
0x9a: {  	s5 =	simm.s32 $_size__tile_overlayer_lowered;
	s6 =	simm.s32 $_tile_overlayer_lowered  }
0x9b: {  	s22 =	simm.s32 $0x1BFF;
	s21 =	sshll.u32 s6, $0x1;
	s3 =	sadd.s32 s4, s19  }
0x9c: {  	s7 =	simm.s32 $0x0;
	s20 =	sshll.u32 s5, $0x1;
	s5 =	sadd.s32 s21, s3  }
0x9d: {  	[timem:s7], [sflag:s22] =	dma.local [hbm:s5], s20  }
0x9e: {  	_ =	swait.ge [sflag:s22], s20  }
0x9f: {  	s4 =	ssub.s32 $0x0, s20;
	[sflag:s22] =	ssyncset.done $0x0  }
0xa0: {  	[sflag:s22] =	ssyncadd.s32 s4;
	_ =	sdelay $0x1  }
0xa1: {  	s23 =	simm.s32 $0x1B8B  }
0xa2: {  	_ =	swait.ge [sflag:s23], $0x1  }
0xa3: {  	[sflag:s23] =	ssyncset.done $0x0  }
0xa4: {  	s25 =	simm.s32 $0x1B8E;
	s24 =	sld [smem:$0x3FFE];
	[sflag:s23] =	ssyncadd.s32 $0xFFFFFFFF  }
0xa5: {  	s26 =	simm.s32 $execute0_lowered;
	[smem:$0x3FD2] =	sst s25  }
0xa6: {  	s5 =	sshll.u32 s26, $0x1;
	_ =	strace $0x80000046;
	[dreg:$0x1] =	wrdreg $0xFFFFFFFF  }
0xa7: {  	s28 =	simm.s32 $_size_execute0_lowered;
	s3 =	sadd.s32 s3, s5;
	[dreg:$0x0] =	wrdreg $0x0  }
0xa8: {  	s5 =	sshll.u32 s28, $0x1;
	[dreg:$0x2] =	wrdreg s3  }
0xa9: {  	[dreg:$0x3] =	wrdreg s5  }
0xaa: {  	[dreg:$0x4] =	wrdreg $0xC0  }
0xab: {  	_ =	task [dreg:s7], $0x5FFFF  }
0xac: {  	[dreg:$0x1] =	wrdreg $0xFFFFFFFF  }
0xad: {  	[dreg:$0x0] =	wrdreg $0x60  }
0xae: {  	[dreg:$0x2] =	wrdreg s24  }
0xaf: {  	[dreg:$0x3] =	wrdreg s2  }
0xb0: {  	[dreg:$0x4] =	wrdreg $0x133000  }
0xb1: {  	[dreg:$0x5] =	wrdreg $0x1D3000  }
0xb2: {  	[dreg:$0x6] =	wrdreg $0x9  }
0xb3: {  	_ =	task.clear_ibuf [dreg:s7], $0x7FFFF;
	_ =	strace $0x90000046  }
0xb4: {  	s29 =	simm.s32 $0x9;
	_ =	strace $0x80000048  }
0xb5: {  	_ =	swait.ge [sflag:s29], $0x1  }
0xb6: {  	[sflag:s29] =	ssyncadd.s32 $0xFFFFFFFF  }
0xb7: {  	_ =	strace $0x90000048  }
0xb8: {  	_ =	sfence  }
0xb9: {  	s30 =	sld [smem:$0x0];
	_ =	sdelay $0x2  }
0xba: {  	s31 =	sshll.u32 s1, $0xD;
	s1 =	sshrl.u32 s1, $0x2  }
0xbb: {  	s3 =	sand.u32 $0x4000, s31;
	s1 =	sadd.s32 s1, s30  }
0xbc: {  	s0 =	sor.u32 s3, s0;
	s1 =	sshll.u32 s1, $0x11  }
0xbd: {  	s0 =	sor.u32 s1, s0  }
0xbe: {  	s0 =	sadd.s32 $0x8F2B, s0  }
0xbf: {  	[sflag:s0] =	ssyncadd.remote.s32 $0x1  }
0xc0: {  	_ =	sfence.sel $0xFFFF  }
0xc1: {  	[dreg:$0x0] =	wrdreg $0xFFFFFFFF;
	(pc) =	sbr.abs _section_cstart, $3  }
0xc2: {  	[dreg:$0x1] =	wrdreg $0xFFFFFFFF  }
0xc3: {  	_ =	task.clear_ibuf [dreg:s7], $0x2FFFF;
	_ =	strace $0x9FFFFFFF  }
0xc4: {  	(tm) =	ssettm $0x7FFFFFFF  }
0xc5: {  	_ =	shalt  }
tec
execute0_lowered:
.L_overlay_start_1:
0x0: {  	(tag) =	ssettag $0x1  }
0x1: {  	s0 =	rddreg [dreg:$0x0]  }
0x2: {  	s2 =	rddreg [dreg:$0x1]  }
0x3: {  	s1 =	rddreg [dreg:$0x2]  }
0x4: {  	s15 =	stileid.u32;
	s4 =	srdreg.scid  }
0x5: {  	s3 =	rddreg [dreg:$0x3];
	s28 =	simm.s32 $0xA;
	s30 =	simm.s32 $0x80  }
0x6: {  	s31 =	simm.s32 $0xA000;
	s29 =	simm.s32 $0x1;
	s5 =	smul.u32 $0x5000, s15  }
0x7: {  	s7 =	sand.u32 $0x1, s4;
	s8 =	smul.u32 $0x280, s15;
	s4 =	simm.s32 $0x0  }
0x8: {  	s10 =	smul.u32 $0x28000, s15;
	p0 =	seq.s32 s15, $0xF;
	s15 =	simm.s32 $0x64  }
0x9: {  	s9 =	smul.u32 $0x2710, s7;
	[smem:$0x7FF] =	sst s4;
	s13 =	ssub.s32 $0x2, s7  }
0xa: {  	s15 =	simm.s32 @!p0 $0xA0;
	s6 =	sshrl.u32 s5, $0x3;
	s20 =	sshrl.u32 s10, $0x2  }
0xb: {  	s11 =	sadd.s32 s6, s0;
	s6 =	sadd.s32 s20, s1;
	s20 =	sshll.u32 s15, $0x9  }
0xc: {  	_ =	strace $0x80000047;
	s22 =	sadd.s32 $0x1000, s6;
	[dreg:$0x7] =	wrdreg s20  }
0xd: {  	p1 =	sne.s32 s7, $0x0;
	s23 =	sadd.s32 $0x2000, s6;
	[dreg:$0x8] =	wrdreg s22  }
0xe: {  	p2 =	seq.s32 s7, $0x0;
	s24 =	sadd.s32 $0x3000, s6;
	[dreg:$0x9] =	wrdreg s23  }
0xf: {  	s7 =	simm.s32 $0x3;
	s25 =	sadd.s32 $0x4000, s6;
	[dreg:$0xa] =	wrdreg s24  }
0x10: {  	s5 =	sadd.s32 $0x2C00, s0;
	s26 =	sadd.s32 $0x5000, s6;
	[dreg:$0xb] =	wrdreg s25  }
0x11: {  	s14 =	sshrl.u32 s13, $0x1;
	s16 =	sadd.s32 $0x6000, s6;
	[dreg:$0xc] =	wrdreg s26  }
0x12: {  	s12 =	sadd.s32 s8, s9;
	s17 =	sadd.s32 $0x7000, s6;
	[dreg:$0xd] =	wrdreg s16  }
0x13: {  	s13 =	ssub.s32 s13, s14;
	s18 =	sadd.s32 $0x8000, s6;
	[dreg:$0xe] =	wrdreg s17  }
0x14: {  	s21 =	sshll.u32 s12, $0x3;
	s19 =	sadd.s32 $0x9000, s6;
	[dreg:$0xf] =	wrdreg s18  }
0x15: {  	s10 =	sadd.s32 s21, s0;
	[dreg:$0x10] =	wrdreg s19;
	s21 =	simm.s32 $0xE000  }
0x16: {  	s12 =	sshrl.u32 s12, $0x3;
	s23 =	sadd.s32 $0x29E00, s11;
	[dreg:$0x5] =	wrdreg s21  }
0x17: {  	s17 =	sadd.s32 s8, s3;
	s24 =	sadd.s32 $0x33A40, s11;
	[dreg:$0x11] =	wrdreg s23  }
0x18: {  	s18 =	sadd.s32 s2, s12;
	s22 =	simm.s32 $0x10000;
	[dreg:$0x12] =	wrdreg s24  }
0x19: {  	s25 =	sadd.s32 $0x33400, s0;
	s0 =	sadd.s32 $0x3D040, s0;
	[dreg:$0x6] =	wrdreg s22  }
0x1a: {  	s26 =	smax.u32 s13, $0x1;
	s2 =	simm.s32 $0xC000;
	[dreg:$0x13] =	wrdreg s25  }
0x1b: {  	s8 =	simm.s32 $0x4;
	s11 =	simm.s32 $0x9;
	[dreg:$0x14] =	wrdreg s0  }
0x1c: {  	s23 =	sadd.s32 $0x3D800, s10;
	[dreg:$0x15] =	wrdreg s26;
	s25 =	sshrl.u32 s15, $0x1  }
0x1d: {  	v1 =	vimm.f32 $0.0e+00;
	v2 =	vimm.f32 $1.000000000e+00;
	v0 =	vmov s9;
	s26 =	simm.s32 $0x12300;
	s0 =	simm.s32 $0x2;
	s10 =	simm.s32 $0x8  }
.LBB2_1:
0x1e: {  	s13 =	simm.s32 $0x100;
	s12 =	simm.s32 $0x0  }
.LBB2_2:
0x1f: {  	p3 =	sne.s32 s13, $0x3F00;
	[tilespmem:s12+$0x12330] =	vst v1;
	s14 =	smov.u32 s13;
	s13 =	sadd.s32 $0x100, s13  }
.Ltmp0:
0x20: {  	[tilespmem:s12+$0x12320] =	vst v1;
	(pc) =	sbr.rel @p3 .LBB2_2-.Ltmp0, $3  }
0x21: {  	[tilespmem:s12+$0x12300] =	vst v1  }
0x22: {  	[tilespmem:s12+$0x12310] =	vst v1;
	_ =	sdelay $0x1  }
0x23: {  	s12 =	sshra.s32 s14, $0x2  }
0x24: {  	[tilespmem:s12+$0x12330] =	vst v1  }
0x25: {  	[tilespmem:s12+$0x12320] =	vst v1  }
0x26: {  	[tilespmem:s12+$0x12300] =	vst v1  }
0x27: {  	[tilespmem:s12+$0x12310] =	vst v1  }
0x28: {  	[tilespmem:$0x12000] =	vst v2  }
0x29: {  	[tilespmem:$0x12010] =	vst v2  }
0x2a: {  	[tilespmem:$0x12020] =	vst v2  }
0x2b: {  	[tilespmem:$0x12030] =	vst v2  }
0x2c: {  	[tilespmem:$0x12040] =	vst v2  }
0x2d: {  	[tilespmem:$0x12050] =	vst v2  }
0x2e: {  	[tilespmem:$0x12060] =	vst v2  }
0x2f: {  	[tilespmem:$0x12070] =	vst v2  }
0x30: {  	[tilespmem:$0x12080] =	vst v1  }
0x31: {  	[tilespmem:$0x12090] =	vst v1  }
0x32: {  	[tilespmem:$0x120A0] =	vst v1  }
0x33: {  	[tilespmem:$0x120B0] =	vst v1  }
0x34: {  	[tilespmem:$0x120C0] =	vst v1  }
0x35: {  	[tilespmem:$0x120D0] =	vst v1  }
0x36: {  	[tilespmem:$0x120E0] =	vst v1  }
0x37: {  	[tilespmem:$0x120F0] =	vst v1  }
0x38: {  	[tilespmem:$0x12100] =	vst v1  }
0x39: {  	[tilespmem:$0x12110] =	vst v1  }
0x3a: {  	[tilespmem:$0x12120] =	vst v1  }
0x3b: {  	[tilespmem:$0x12130] =	vst v1  }
0x3c: {  	[tilespmem:$0x12140] =	vst v1  }
0x3d: {  	[tilespmem:$0x12150] =	vst v1  }
0x3e: {  	[tilespmem:$0x12160] =	vst v1  }
0x3f: {  	[tilespmem:$0x12170] =	vst v1  }
0x40: {  	[tilespmem:$0x12180] =	vst v1  }
0x41: {  	[tilespmem:$0x12190] =	vst v1  }
0x42: {  	[tilespmem:$0x121A0] =	vst v1  }
0x43: {  	[tilespmem:$0x121B0] =	vst v1  }
0x44: {  	[tilespmem:$0x121C0] =	vst v1  }
0x45: {  	[tilespmem:$0x121D0] =	vst v1  }
0x46: {  	[tilespmem:$0x121E0] =	vst v1  }
0x47: {  	[tilespmem:$0x121F0] =	vst v1  }
0x48: {  	[tilespmem:$0x12200] =	vst v1  }
0x49: {  	[tilespmem:$0x12210] =	vst v1  }
0x4a: {  	[tilespmem:$0x12220] =	vst v1  }
0x4b: {  	[tilespmem:$0x12230] =	vst v1  }
0x4c: {  	[tilespmem:$0x12240] =	vst v1  }
0x4d: {  	[tilespmem:$0x12250] =	vst v1  }
0x4e: {  	[tilespmem:$0x12260] =	vst v1  }
0x4f: {  	[tilespmem:$0x12270] =	vst v1  }
0x50: {  	[tilespmem:$0x12280] =	vst v1  }
0x51: {  	[tilespmem:$0x12290] =	vst v1  }
0x52: {  	[tilespmem:$0x122A0] =	vst v1  }
0x53: {  	[tilespmem:$0x122B0] =	vst v1  }
0x54: {  	[tilespmem:$0x122C0] =	vst v1  }
0x55: {  	[tilespmem:$0x122D0] =	vst v1  }
0x56: {  	[tilespmem:$0x122E0] =	vst v1  }
0x57: {  	[tilespmem:$0x122F0] =	vst v1  }
0x58: {  	[spmem:s6] =	stream.linear.scatter [tilespmem:s26], [sflag:$0xA], $0x1000, $0x38;
	[tilespmem:$0x1D580] =	vst v63  }
0x59: {  	_ =	swait.ge [sflag:s28], $0x1000  }
0x5a: {  	[sflag:s28] =	ssyncset.done $0x0  }
0x5b: {  	s9 =	rddreg [dreg:$0x8];
	[sflag:s28] =	ssyncadd.s32 $0xFFFFF000  }
0x5c: {  	[spmem:s9] =	stream.linear.scatter [tilespmem:s26], [sflag:$0xA], $0x1000, $0x38;
	[tilespmem:$0x1D580] =	vst v63  }
0x5d: {  	_ =	swait.ge [sflag:s28], $0x1000  }
0x5e: {  	[sflag:s28] =	ssyncset.done $0x0  }
0x5f: {  	s12 =	rddreg [dreg:$0x9];
	[sflag:s28] =	ssyncadd.s32 $0xFFFFF000  }
0x60: {  	[spmem:s12] =	stream.linear.scatter [tilespmem:s26], [sflag:$0xA], $0x1000, $0x38;
	[tilespmem:$0x1D580] =	vst v63  }
0x61: {  	_ =	swait.ge [sflag:s28], $0x1000  }
0x62: {  	[sflag:s28] =	ssyncset.done $0x0  }
0x63: {  	s13 =	rddreg [dreg:$0xa];
	[sflag:s28] =	ssyncadd.s32 $0xFFFFF000  }
0x64: {  	[spmem:s13] =	stream.linear.scatter [tilespmem:s26], [sflag:$0xA], $0x1000, $0x38;
	[tilespmem:$0x1D580] =	vst v63  }
0x65: {  	_ =	swait.ge [sflag:s28], $0x1000  }
0x66: {  	[sflag:s28] =	ssyncset.done $0x0  }
0x67: {  	s14 =	rddreg [dreg:$0xb];
	[sflag:s28] =	ssyncadd.s32 $0xFFFFF000  }
0x68: {  	[spmem:s14] =	stream.linear.scatter [tilespmem:s26], [sflag:$0xA], $0x1000, $0x38;
	[tilespmem:$0x1D580] =	vst v63  }
0x69: {  	_ =	swait.ge [sflag:s28], $0x1000  }
0x6a: {  	[sflag:s28] =	ssyncset.done $0x0  }
0x6b: {  	s16 =	rddreg [dreg:$0xc];
	[sflag:s28] =	ssyncadd.s32 $0xFFFFF000  }
0x6c: {  	[spmem:s16] =	stream.linear.scatter [tilespmem:s26], [sflag:$0xA], $0x1000, $0x38;
	[tilespmem:$0x1D580] =	vst v63  }
0x6d: {  	_ =	swait.ge [sflag:s28], $0x1000  }
0x6e: {  	[sflag:s28] =	ssyncset.done $0x0  }
0x6f: {  	s19 =	rddreg [dreg:$0xd];
	[sflag:s28] =	ssyncadd.s32 $0xFFFFF000  }
0x70: {  	[spmem:s19] =	stream.linear.scatter [tilespmem:s26], [sflag:$0xA], $0x1000, $0x38;
	[tilespmem:$0x1D580] =	vst v63  }
0x71: {  	_ =	swait.ge [sflag:s28], $0x1000  }
0x72: {  	[sflag:s28] =	ssyncset.done $0x0  }
0x73: {  	s20 =	rddreg [dreg:$0xe];
	[sflag:s28] =	ssyncadd.s32 $0xFFFFF000  }
0x74: {  	[spmem:s20] =	stream.linear.scatter [tilespmem:s26], [sflag:$0xA], $0x1000, $0x38;
	[tilespmem:$0x1D580] =	vst v63  }
0x75: {  	_ =	swait.ge [sflag:s28], $0x1000  }
0x76: {  	[sflag:s28] =	ssyncset.done $0x0  }
0x77: {  	s21 =	rddreg [dreg:$0xf];
	[sflag:s28] =	ssyncadd.s32 $0xFFFFF000  }
0x78: {  	[spmem:s21] =	stream.linear.scatter [tilespmem:s26], [sflag:$0xA], $0x1000, $0x38;
	[tilespmem:$0x1D580] =	vst v63  }
0x79: {  	_ =	swait.ge [sflag:s28], $0x1000  }
0x7a: {  	[sflag:s28] =	ssyncset.done $0x0  }
0x7b: {  	s22 =	rddreg [dreg:$0x10];
	[sflag:s28] =	ssyncadd.s32 $0xFFFFF000  }
0x7c: {  	[spmem:s22] =	stream.linear.scatter [tilespmem:s26], [sflag:$0xA], $0x1000, $0x38;
	[tilespmem:$0x1D580] =	vst v63  }
0x7d: {  	_ =	swait.ge [sflag:s28], $0x1000  }
0x7e: {  	[sflag:s28] =	ssyncset.done $0x0  }
0x7f: {  	s24 =	simm.s32 $0x12080;
	[sflag:s28] =	ssyncadd.s32 $0xFFFFF000  }
0x80: {  	[spmem:s17] =	stream.linear.scatter [tilespmem:s24], [sflag:$0xA], $0x280, $0x38;
	[tilespmem:$0x1D580] =	vst v63  }
0x81: {  	_ =	swait.ge [sflag:s28], $0x280  }
0x82: {  	s12 =	simm.s32 @p0 $0x0;
	[sflag:s28] =	ssyncset.done $0x0  }
0x83: {  	s13 =	simm.s32 @p0 $0xA;
	s9 =	rddreg [dreg:$0x13];
	[sflag:s28] =	ssyncadd.s32 $0xFFFFFD80  }
0x84: {  	[tilespmem:s12], [sflag:$0xA] =	stream.linear.gather @p0 [hbm4b:s9+s12], $0x3200, $0x38;
	[tilespmem:$0x1D580] =	vst v63  }
0x85: {  	_ =	swait.ge @p0 [sflag:s13], $0x3200  }
0x86: {  	[sflag:s13] =	ssyncset.done @p0 $0x0  }
0x87: {  	s14 =	simm.s32 @p0 $0x5000;
	s9 =	rddreg [dreg:$0x14];
	[sflag:s13] =	ssyncadd.s32 @p0 $0xFFFFCE00  }
0x88: {  	[tilespmem:s14], [sflag:$0xA] =	stream.linear.gather @p0 [hbm4b:s9+s12], $0x3200, $0x38;
	[tilespmem:$0x1D580] =	vst v63  }
0x89: {  	_ =	swait.ge @p0 [sflag:s13], $0x3200  }
0x8a: {  	s12 =	simm.s32 @!p0 $0x0;
	[sflag:s13] =	ssyncset.done @p0 $0x0  }
0x8b: {  	s9 =	rddreg [dreg:$0x11];
	[sflag:s13] =	ssyncadd.s32 @p0 $0xFFFFCE00;
	s13 =	simm.s32 @!p0 $0xA  }
0x8c: {  	[tilespmem:s12], [sflag:$0xA] =	stream.linear.gather @!p0 [hbm4b:s9+s12], $0x5000, $0x38;
	[tilespmem:$0x1D580] =	vst v63  }
0x8d: {  	_ =	swait.ge @!p0 [sflag:s13], $0x5000  }
0x8e: {  	[sflag:s13] =	ssyncset.done @!p0 $0x0  }
0x8f: {  	s14 =	simm.s32 @!p0 $0x5000;
	s9 =	rddreg [dreg:$0x12];
	[sflag:s13] =	ssyncadd.s32 @!p0 $0xFFFFB000  }
0x90: {  	[tilespmem:s14], [sflag:$0xA] =	stream.linear.gather @!p0 [hbm4b:s9+s12], $0x5000, $0x38;
	[tilespmem:$0x1D580] =	vst v63  }
0x91: {  	_ =	swait.ge @!p0 [sflag:s13], $0x5000  }
0x92: {  	[sflag:s13] =	ssyncset.done @!p0 $0x0  }
0x93: {  	s12 =	simm.s32 $0x40;
	[sflag:s13] =	ssyncadd.s32 @!p0 $0xFFFFB000  }
0x94: {  	v5 =	vld [tilespmem:s12+$0xFFFFFFC0]  }
0x95: {  	p3 =	sne.s32 s15, $0x1;
	v7 =	vld [tilespmem:s12+$0xFFFFFFD0]  }
.Ltmp1:
0x96: {  	v6 =	vld [tilespmem:s12+$0xFFFFFFE0];
	(pc) =	sbr.rel @!p3 .LBB2_5-.Ltmp1, $4  }
0x97: {  	v4 =	vld [tilespmem:s12+$0x0]  }
0x98: {  	v3 =	vld [tilespmem:s12+$0x10]  }
0x99: {  	v8 =	vadd.s32 v0, v5;
	v5 =	vld [tilespmem:s12+$0x20]  }
0x9a: {  	s14 =	simm.s32 $0x40;
	s13 =	sadd.s32 $0xFFFFFFFF, s15;
	[tilespmem:s12+$0xFFFFFFC0] =	vst v8;
	v8 =	vadd.s32 v0, v7;
	v7 =	vld [tilespmem:s12+$0x30]  }
.LBB2_4:
0x9b: {  	p3 =	sne.s32 s13, $0x1;
	[tilespmem:s12+$0xFFFFFFD0] =	vst v8;
	v6 =	vadd.s32 v0, v6;
	v8 =	vld [tilespmem:s12+$0xFFFFFFF0];
	s14 =	sadd.s32 $0x80, s14  }
0x9c: {  	v9 =	vld [tilespmem:s14+$0xFFFFFFC0];
	[tilespmem:s12+$0xFFFFFFE0] =	vst v6;
	v4 =	vadd.s32 v0, v4  }
0x9d: {  	v10 =	vld [tilespmem:s14+$0xFFFFFFD0];
	[tilespmem:s12+$0x0] =	vst v4;
	v3 =	vadd.s32 v0, v3  }
.Ltmp2:
0x9e: {  	v6 =	vld [tilespmem:s14+$0xFFFFFFE0];
	[tilespmem:s12+$0x10] =	vst v3;
	v3 =	vadd.s32 v0, v5;
	(pc) =	sbr.rel @p3 .LBB2_4-.Ltmp2, $4  }
0x9f: {  	v4 =	vld [tilespmem:s14+$0x0];
	[tilespmem:s12+$0x20] =	vst v3;
	v5 =	vadd.s32 v0, v7  }
0xa0: {  	v3 =	vld [tilespmem:s14+$0x10];
	v7 =	vadd.s32 v0, v8;
	[tilespmem:s12+$0x30] =	vst v5  }
0xa1: {  	v8 =	vadd.s32 v0, v9;
	v5 =	vld [tilespmem:s14+$0x20];
	[tilespmem:s12+$0xFFFFFFF0] =	vst v7;
	s12 =	smov.u32 s14  }
0xa2: {  	s13 =	sadd.s32 $0xFFFFFFFF, s13;
	[tilespmem:s14+$0xFFFFFFC0] =	vst v8;
	v8 =	vadd.s32 v0, v10;
	v7 =	vld [tilespmem:s14+$0x30]  }
.LBB2_5:
0xa3: {  	[tilespmem:s12+$0xFFFFFFD0] =	vst v8;
	v6 =	vadd.s32 v0, v6;
	v62 =	vld [tilespmem:s12+$0xFFFFFFF0]  }
0xa4: {  	[tilespmem:s12+$0xFFFFFFE0] =	vst v6;
	v4 =	vadd.s32 v0, v4  }
0xa5: {  	[tilespmem:s12+$0x0] =	vst v4;
	v3 =	vadd.s32 v0, v3  }
0xa6: {  	[tilespmem:s12+$0x10] =	vst v3;
	v3 =	vadd.s32 v0, v5  }
0xa7: {  	[tilespmem:s12+$0x20] =	vst v3;
	v3 =	vadd.s32 v0, v7  }
0xa8: {  	v63 =	vadd.s32 v0, v62;
	[tilespmem:s12+$0x30] =	vst v3  }
0xa9: {  	[tilespmem:s12+$0xFFFFFFF0] =	vst v63  }
0xaa: {  	s12 =	simm.s32 $0x0;
	[bflag:$0x0] =	sbarrier.arrive $0xFFFF  }
0xab: {  	[tilespmem:s31], [sflag:$0x1] =	stream.indirect.gather [hbm4b:s5+s30], $0x40, s12, s30, $0xb8;
	[tilespmem:$0x1D580] =	vst v63  }
0xac: {  	s13 =	simm.s32 $0x5  }
0xad: {  	[tilespmem:s2], [sflag:$0x2] =	stream.indirect.gather [hbm4b:s5+s30], $0x40, s30, s30, $0xb8;
	[tilespmem:$0x1D580] =	vst v63  }
.LBB2_6:
0xae: {  	_ =	swait.ge [sflag:s29], $0x2000;
	s24 =	sadd.s32 $0xFFFFFFFD, s13  }
0xaf: {  	s14 =	sshra.s32 s12, $0x2;
	[sflag:s29] =	ssyncset.done $0x0;
	p3 =	sge.u32 s24, s15  }
0xb0: {  	s16 =	sadd.s32 $0x5000, s14;
	[sflag:s29] =	ssyncadd.s32 $0xFFFFE000;
	p4 =	seq.s32 @!p3 s12, $0x0  }
0xb1: {  	[spmem:s1] =	stream.indirect.scatter.add.f32 [tilespmem:s31], [sflag:$0x5], $0x40, s16, s30, $0xb8;
	[tilespmem:$0x1D580] =	vst v63  }
0xb2: {  	s19 =	simm.s32 @!p1 $0x80;
	s20 =	simm.s32 @!p1 $0x12000;
	p4 =	por p4, p3  }
0xb3: {  	[spmem:s3] =	stream.indirect.scatter.add.f32 @!p1 [tilespmem:s20], [sflag:$0x9], $0x1, s16, s19, $0xb8;
	[tilespmem:$0x1D580] =	vst v63  }
0xb4: {  	s16 =	simm.s32 @!p4 $0x7  }
0xb5: {  	_ =	swait.ge @!p4 [sflag:s16], $0x2000  }
0xb6: {  	[sflag:s16] =	ssyncset.done @!p4 $0x0  }
0xb7: {  	[sflag:s16] =	ssyncadd.s32 @!p4 $0xFFFFE000;
	s16 =	sshra.s32 @!p3 s12, $0x2  }
0xb8: {  	s21 =	simm.s32 @!p3 $0x80;
	s22 =	simm.s32 @!p3 $0xE000;
	s16 =	sadd.s32 @!p3 $0x100, s16  }
0xb9: {  	[tilespmem:s22], [sflag:$0x3] =	stream.indirect.gather @!p3 [hbm4b:s5+s21], $0x40, s16, s21, $0xb8;
	[tilespmem:$0x1D580] =	vst v63  }
0xba: {  	s9 =	sadd.s32 $0xFFFFFFFE, s13;
	_ =	swait.ge [sflag:s0], $0x2000  }
0xbb: {  	p3 =	sge.u32 s9, s15;
	[sflag:s0] =	ssyncset.done $0x0  }
0xbc: {  	s16 =	sadd.s32 $0x5080, s14;
	p4 =	seq.s32 @!p3 s12, $0x0;
	[sflag:s0] =	ssyncadd.s32 $0xFFFFE000  }
0xbd: {  	[spmem:s1] =	stream.indirect.scatter.add.f32 [tilespmem:s2], [sflag:$0x6], $0x40, s16, s30, $0xb8;
	[tilespmem:$0x1D580] =	vst v63  }
0xbe: {  	s21 =	simm.s32 @!p2 $0x80;
	s22 =	simm.s32 @!p2 $0x12000;
	p4 =	por p4, p3  }
0xbf: {  	[spmem:s3] =	stream.indirect.scatter.add.f32 @!p2 [tilespmem:s22], [sflag:$0x9], $0x1, s16, s21, $0xb8;
	[tilespmem:$0x1D580] =	vst v63  }
0xc0: {  	s16 =	simm.s32 @!p4 $0x8  }
0xc1: {  	_ =	swait.ge @!p4 [sflag:s16], $0x2000  }
0xc2: {  	[sflag:s16] =	ssyncset.done @!p4 $0x0  }
0xc3: {  	[sflag:s16] =	ssyncadd.s32 @!p4 $0xFFFFE000;
	s16 =	sshra.s32 @!p3 s12, $0x2  }
0xc4: {  	s24 =	simm.s32 @!p3 $0x80;
	s9 =	simm.s32 @!p3 $0x10000;
	s16 =	sadd.s32 @!p3 $0x180, s16  }
0xc5: {  	[tilespmem:s9], [sflag:$0x4] =	stream.indirect.gather @!p3 [hbm4b:s5+s24], $0x40, s16, s24, $0xb8;
	[tilespmem:$0x1D580] =	vst v63  }
0xc6: {  	_ =	swait.ge [sflag:s7], $0x2000  }
0xc7: {  	[sflag:s7] =	ssyncset.done $0x0  }
0xc8: {  	s16 =	sadd.s32 $0x5100, s14;
	s24 =	rddreg [dreg:$0x5];
	[sflag:s7] =	ssyncadd.s32 $0xFFFFE000  }
0xc9: {  	[spmem:s1] =	stream.indirect.scatter.add.f32 [tilespmem:s24], [sflag:$0x7], $0x40, s16, s30, $0xb8;
	[tilespmem:$0x1D580] =	vst v63  }
0xca: {  	_ = 	snop  }
0xcb: {  	[spmem:s3] =	stream.indirect.scatter.add.f32 @!p1 [tilespmem:s20], [sflag:$0x9], $0x1, s16, s19, $0xb8;
	[tilespmem:$0x1D580] =	vst v63  }
0xcc: {  	s19 =	sadd.s32 $0xFFFFFFFF, s13  }
0xcd: {  	p3 =	sge.u32 s19, s15  }
0xce: {  	s9 =	simm.s32 @!p3 $0x5  }
0xcf: {  	_ =	swait.ge @!p3 [sflag:s9], $0x2000  }
0xd0: {  	[sflag:s9] =	ssyncset.done @!p3 $0x0  }
0xd1: {  	[sflag:s9] =	ssyncadd.s32 @!p3 $0xFFFFE000;
	s9 =	sshra.s32 @!p3 s12, $0x2  }
0xd2: {  	s16 =	simm.s32 @!p3 $0x80;
	s19 =	simm.s32 @!p3 $0xA000;
	s9 =	sadd.s32 @!p3 $0x200, s9  }
0xd3: {  	[tilespmem:s19], [sflag:$0x1] =	stream.indirect.gather @!p3 [hbm4b:s5+s16], $0x40, s9, s16, $0xb8;
	[tilespmem:$0x1D580] =	vst v63  }
0xd4: {  	_ =	swait.ge [sflag:s8], $0x2000  }
0xd5: {  	s14 =	sadd.s32 $0x5180, s14;
	[sflag:s8] =	ssyncset.done $0x0  }
0xd6: {  	p3 =	sge.u32 s13, s15;
	s20 =	rddreg [dreg:$0x6];
	[sflag:s8] =	ssyncadd.s32 $0xFFFFE000  }
0xd7: {  	[spmem:s1] =	stream.indirect.scatter.add.f32 [tilespmem:s20], [sflag:$0x8], $0x40, s14, s30, $0xb8;
	[tilespmem:$0x1D580] =	vst v63  }
0xd8: {  	s9 =	simm.s32 @!p3 $0x6  }
0xd9: {  	[spmem:s3] =	stream.indirect.scatter.add.f32 @!p2 [tilespmem:s22], [sflag:$0x9], $0x1, s14, s21, $0xb8;
	[tilespmem:$0x1D580] =	vst v63  }
0xda: {  	s16 =	simm.s32 @!p3 $0xC000;
	s14 =	sshra.s32 @!p3 s12, $0x2;
	_ =	swait.ge @!p3 [sflag:s9], $0x2000  }
0xdb: {  	s12 =	sadd.s32 $0x800, s12;
	[sflag:s9] =	ssyncset.done @!p3 $0x0;
	s24 =	rddreg [dreg:$0x7]  }
0xdc: {  	[sflag:s9] =	ssyncadd.s32 @!p3 $0xFFFFE000;
	s9 =	sadd.s32 @!p3 $0x280, s14;
	s14 =	simm.s32 @!p3 $0x80  }
0xdd: {  	[tilespmem:s16], [sflag:$0x2] =	stream.indirect.gather @!p3 [hbm4b:s5+s14], $0x40, s9, s14, $0xb8;
	[tilespmem:$0x1D580] =	vst v63  }
0xde: {  	p3 =	sne.s32 s24, s12  }
.Ltmp3:
0xdf: {  	_ = 	snop;
	(pc) =	sbr.rel @p3 .LBB2_6-.Ltmp3, $2  }
0xe0: {  	_ =	sdelay $0x2  }
0xe1: {  	s13 =	sadd.s32 $0x4, s13  }
0xe2: {  	s9 =	simm.s32 $0x7  }
0xe3: {  	_ =	swait.ge [sflag:s9], $0x2000  }
0xe4: {  	[sflag:s9] =	ssyncset.done $0x0  }
0xe5: {  	p3 =	sne.s32 s25, $0x1;
	[sflag:s9] =	ssyncadd.s32 $0xFFFFE000  }
.Ltmp4:
0xe6: {  	_ =	swait.ge [sflag:s10], $0x2000;
	(pc) =	sbr.rel @!p3 .LBB2_9-.Ltmp4, $4  }
0xe7: {  	[sflag:s10] =	ssyncset.done $0x0  }
0xe8: {  	[sflag:s10] =	ssyncadd.s32 $0xFFFFE000  }
0xe9: {  	_ =	swait.ge [sflag:s11], $0x80  }
0xea: {  	s12 =	sadd.s32 $0xFFFFFFFF, s25;
	[sflag:s11] =	ssyncset.done $0x0  }
.LBB2_8:
0xeb: {  	p3 =	sne.s32 s12, $0x1;
	s12 =	sadd.s32 $0xFFFFFFFF, s12;
	[sflag:s11] =	ssyncadd.s32 $0xFFFFFF80  }
.Ltmp5:
0xec: {  	(pc) =	sbr.rel @p3 .LBB2_8-.Ltmp5, $3  }
0xed: {  	_ =	sdelay $0x1  }
0xee: {  	_ =	swait.ge [sflag:s11], $0x80  }
0xef: {  	[sflag:s11] =	ssyncset.done $0x0  }
.LBB2_9:
0xf0: {  	[sflag:s11] =	ssyncadd.s32 $0xFFFFFF80  }
0xf1: {  	s9 =	sshrl.u32 @p0 s6, $0x3;
	s12 =	simm.s32 @p0 $0x1FCA;
	[bflag:$0x0] =	sbarrier.arrive $0xFFFF  }
0xf2: {  	[hbm:s23], [sflag:s12] =	dma.local @p0 [spmem:s9], $0xC80  }
0xf3: {  	s9 =	simm.s32 @p0 $0xA  }
0xf4: {  	_ =	swait.ge @p0 [sflag:s9], $0xC80  }
0xf5: {  	[sflag:s9] =	ssyncset.done @p0 $0x0  }
0xf6: {  	s13 =	sshrl.u32 @p0 s17, $0x3;
	[sflag:s9] =	ssyncadd.s32 @p0 $0xFFFFF380  }
0xf7: {  	[hbm:s18], [sflag:s12] =	dma.local @p0 [spmem:s13], $0x32  }
0xf8: {  	s12 =	stileid.u32;
	_ =	swait.ge @p0 [sflag:s9], $0x32  }
0xf9: {  	s12 =	sshll.u32 @!p0 s12, $0x6;
	[sflag:s9] =	ssyncset.done @p0 $0x0  }
0xfa: {  	[sflag:s9] =	ssyncadd.s32 @p0 $0xFFFFFFCE;
	s9 =	sor.u32 @!p0 $0x1C0A, s12;
	s12 =	sshrl.u32 @!p0 s6, $0x3  }
0xfb: {  	[hbm:s23], [sflag:s9] =	dma.local @!p0 [spmem:s12], $0x1400  }
0xfc: {  	s12 =	simm.s32 @!p0 $0xA  }
0xfd: {  	_ =	swait.ge @!p0 [sflag:s12], $0x1400  }
0xfe: {  	[sflag:s12] =	ssyncset.done @!p0 $0x0  }
0xff: {  	s13 =	sshrl.u32 @!p0 s17, $0x3;
	[sflag:s12] =	ssyncadd.s32 @!p0 $0xFFFFEC00  }
0x100: {  	[hbm:s18], [sflag:s9] =	dma.local @!p0 [spmem:s13], $0x50  }
0x101: {  	_ =	swait.ge @!p0 [sflag:s12], $0x50  }
0x102: {  	s4 =	sadd.s32 $0x1, s4;
	s24 =	rddreg [dreg:$0x15]  }
0x103: {  	p3 =	sne.s32 s4, s24  }
.Ltmp6:
0x104: {  	_ = 	snop;
	(pc) =	sbr.rel @p3 .LBB2_1-.Ltmp6, $3  }
0x105: {  	_ =	sdelay $0x1  }
0x106: {  	[sflag:s12] =	ssyncset.done @!p0 $0x0  }
0x107: {  	[sflag:s12] =	ssyncadd.s32 @!p0 $0xFFFFFFB0  }
0x108: {  	_ =	sfence.sel $0x180000  }
0x109: {  	[bflag:$0x0] =	sbarrier.arrive $0xFFFF  }
0x10a: {  	_ =	strace $0x90000047  }
0x10b: {  	s0 =	stileid.u32;
	[bflag:$0x2] =	sbarrier.arrive $0xFFFF  }
0x10c: {  	p0 =	sne.s32 s0, $0x0;
	s0 =	rddreg [dreg:$0x4]  }
0x10d: {  	s0 =	sadd.s32 @!p0 $0x100000, s0  }
0x10e: {  	[sflag:s0] =	ssyncadd.tile.s32 @!p0 $0x1;
	_ =	shalt  }
.Lfunc_end2:
_tile_overlayer_lowered:
.L_overlay_start_2:
0x10f: {  	(tag) =	ssettag $0x2  }
0x110: {  	s0 =	rddreg [dreg:$0x0];
	s2 =	stileid.u32  }
0x111: {  	s1 =	rddreg [dreg:$0x1];
	p0 =	sne.s32 s2, $0x0  }
0x112: {  	s3 =	rddreg [dreg:$0x2];
	[bflag:$0x3] =	sbarrier.arrive $0xFFFF;
	s2 =	simm.s32 @!p0 $0x1C0A  }
0x113: {  	[timem:s3], [sflag:s2] =	dma.local @!p0 [hbm:s0], s1  }
0x114: {  	s0 =	simm.s32 @!p0 $0xA  }
0x115: {  	_ =	swait.ge @!p0 [sflag:s0], s1  }
0x116: {  	s1 =	ssub.s32 @!p0 $0x0, s1;
	[sflag:s0] =	ssyncset.done @!p0 $0x0  }
0x117: {  	[sflag:s0] =	ssyncadd.s32 @!p0 s1  }
0x118: {  	[bflag:$0x3] =	sbarrier.arrive $0xFFFF  }
0x119: {  	_ =	shalt  }

// kernel: kernel.8.cloned.1.call-start
scs
__scs_entry_jumppad:
0x0: {  	(pc) =	sbr.rel $0x88, $3  }
0x1: {  	(tag) =	ssettag $0x0;
	lr =	simm.s32 $0x1  }
0x2: {  	[smem:$0x3F98] =	sst lr;
	_ =	strace $0xD0000000  }
0x3: {  	_ = 	snop  }
0x4: {  	_ = 	snop  }
0x5: {  	_ = 	snop  }
0x6: {  	_ = 	snop  }
0x7: {  	_ = 	snop  }
__scs_overlays_trampoline_lowered:
0x8: {  	[smem:$0x3FA7] =	sst s0  }
0x9: {  	[smem:$0x3FA8] =	sst s1  }
0xa: {  	[smem:$0x3FA9] =	sst s2  }
0xb: {  	[smem:$0x3FAA] =	sst s3  }
0xc: {  	[smem:$0x3FAB] =	sst s4  }
0xd: {  	[smem:$0x3FAC] =	sst s5  }
0xe: {  	[smem:$0x3FAD] =	sst s6  }
0xf: {  	[smem:$0x3FAE] =	sst s7  }
0x10: {  	[smem:$0x3FAF] =	sst s8  }
0x11: {  	[smem:$0x3FB0] =	sst s9;
	s0 =	simm.s32 @!p0 $0x0  }
0x12: {  	s1 =	sld [smem:$0x3F96];
	s0 =	simm.s32 @p0 $0x1  }
0x13: {  	[smem:$0x3FB1] =	sst s0;
	s0 =	simm.s32 @!p1 $0x0  }
0x14: {  	s2 =	sld [smem:$0x3F95];
	s0 =	simm.s32 @p1 $0x1  }
0x15: {  	[smem:$0x3FB2] =	sst s0;
	s0 =	simm.s32 @!p2 $0x0  }
0x16: {  	s3 =	sld [smem:$0x3FDB];
	s0 =	simm.s32 @p2 $0x1  }
0x17: {  	s4 =	simm.s32 $0x1BF5;
	[smem:$0x3FB4] =	sst s0  }
0x18: {  	s0 =	sld [smem:$0x3F97];
	_ =	swait.ge [sflag:s4], $0x0  }
0x19: {  	s7 =	sld [smem:$0x3F98]  }
0x1a: {  	s8 =	sadd.s32 $0xFFFFE003, lr  }
0x1b: {  	s9 =	sadd.s32 $0xFFFFFEF7, lr;
	s5 =	simm.s32 $0xFFFFFFFF;
	p2 =	slt.u32 s8, $0xFFFFF086  }
0x1c: {  	p1 =	slt.u32 s9, $0xF7A;
	s5 =	simm.s32 @!p2 $0x0  }
0x1d: {  	s5 =	simm.s32 @p1 $0x1;
	p0 =	seq.s32 s7, s2  }
0x1e: {  	s7 =	smul.u32 @!p0 $0xF7A, s2;
	p2 =	seq.s32 @!p0 s5, $0x0  }
0x1f: {  	s9 =	smul.u32 $0xF7A, s1;
	s8 =	simm.s32 @!p0 $0x1BF5;
	p2 =	por !p2, p0  }
0x20: {  	[sflag:s8] =	ssyncset.s32 @!p0 $0xFFFFF086;
	s6 =	sadd.s32 @!p0 s3, s7;
	s7 =	simm.s32 @!p0 $0x108  }
0x21: {  	s3 =	sadd.s32 s3, s9;
	s6 =	sadd.s32 @!p0 $0x88, s6;
	s7 =	simm.s32 @p2 $0x1082  }
0x22: {  	[simem:s7], [sflag:s8] =	dma.local @!p0 [hbm:s6], $0xF7A  }
0x23: {  	s9 =	sor.u32 $0xD0000000, s2;
	s6 =	simm.s32 $0x108;
	_ =	swait.ge @!p0 [sflag:s8], $0x0  }
0x24: {  	s3 =	sadd.s32 $0x88, s3;
	s6 =	simm.s32 @!p1 $0x1082;
	[sflag:s4] =	ssyncset.s32 $0xFFFFF086  }
0x25: {  	[simem:s6], [sflag:s4] =	dma.local [hbm:s3], $0xF7A  }
0x26: {  	[smem:$0x3F98] =	sst s1;
	(tag) =	ssettag s2;
	_ =	strace s9  }
0x27: {  	s1 =	sld [smem:$0x3FA8]  }
0x28: {  	s2 =	sld [smem:$0x3FA9]  }
0x29: {  	s4 =	sld [smem:$0x3FAB]  }
0x2a: {  	p0 =	seq.s32 s5, $0x0;
	s5 =	sld [smem:$0x3FAC]  }
0x2b: {  	s6 =	sld [smem:$0x3FAD]  }
0x2c: {  	s7 =	sld [smem:$0x3FAE]  }
0x2d: {  	s3 =	simm.s32 $0x108;
	s8 =	sld [smem:$0x3FAF]  }
0x2e: {  	s3 =	simm.s32 @!p0 $0x1082;
	s9 =	sld [smem:$0x3FB0]  }
0x2f: {  	lr =	sadd.s32 s0, s3;
	s0 =	sld [smem:$0x3FA7]  }
0x30: {  	s3 =	sld [smem:$0x3FAA]  }
0x31: {  	[smem:$0x3FB3] =	sst s10  }
0x32: {  	s10 =	sld [smem:$0x3FB1];
	_ =	sdelay $0x3  }
0x33: {  	p0 =	seq.s32 s10, $0x1;
	s10 =	sld [smem:$0x3FB3];
	_ =	sdelay $0x3  }
0x34: {  	[smem:$0x3FB3] =	sst s10  }
0x35: {  	s10 =	sld [smem:$0x3FB2];
	_ =	sdelay $0x3  }
0x36: {  	p1 =	seq.s32 s10, $0x1;
	s10 =	sld [smem:$0x3FB3];
	_ =	sdelay $0x3  }
0x37: {  	[smem:$0x3FB3] =	sst s10  }
0x38: {  	s10 =	sld [smem:$0x3FB4]  }
0x39: {  	_ = 	snop;
	(pc) =	sbr.ind lr, $3  }
0x3a: {  	_ = 	snop  }
0x3b: {  	_ = 	snop  }
0x3c: {  	p2 =	seq.s32 s10, $0x1;
	s10 =	sld [smem:$0x3FB3]  }
0x3d: {  	_ =	shalt  }
0x3e: {  	_ =	shalt  }
0x3f: {  	_ =	shalt  }
0x40: {  	_ =	shalt  }
0x41: {  	_ =	shalt  }
0x42: {  	_ =	shalt  }
0x43: {  	_ =	shalt  }
0x44: {  	_ =	shalt  }
0x45: {  	_ =	shalt  }
0x46: {  	_ =	shalt  }
0x47: {  	_ =	shalt  }
0x48: {  	_ =	shalt  }
0x49: {  	_ =	shalt  }
0x4a: {  	_ =	shalt  }
0x4b: {  	_ =	shalt  }
0x4c: {  	_ =	shalt  }
0x4d: {  	_ =	shalt  }
0x4e: {  	_ =	shalt  }
0x4f: {  	_ =	shalt  }
0x50: {  	_ =	shalt  }
0x51: {  	_ =	shalt  }
0x52: {  	_ =	shalt  }
0x53: {  	_ =	shalt  }
0x54: {  	_ =	shalt  }
0x55: {  	_ =	shalt  }
0x56: {  	_ =	shalt  }
0x57: {  	_ =	shalt  }
0x58: {  	_ =	shalt  }
0x59: {  	_ =	shalt  }
0x5a: {  	_ =	shalt  }
0x5b: {  	_ =	shalt  }
0x5c: {  	_ =	shalt  }
0x5d: {  	_ =	shalt  }
0x5e: {  	_ =	shalt  }
0x5f: {  	_ =	shalt  }
0x60: {  	_ =	shalt  }
0x61: {  	_ =	shalt  }
0x62: {  	_ =	shalt  }
0x63: {  	_ =	shalt  }
0x64: {  	_ =	shalt  }
0x65: {  	_ =	shalt  }
0x66: {  	_ =	shalt  }
0x67: {  	_ =	shalt  }
0x68: {  	_ =	shalt  }
0x69: {  	_ =	shalt  }
0x6a: {  	_ =	shalt  }
0x6b: {  	_ =	shalt  }
0x6c: {  	_ =	shalt  }
0x6d: {  	_ =	shalt  }
0x6e: {  	_ =	shalt  }
0x6f: {  	_ =	shalt  }
0x70: {  	_ =	shalt  }
0x71: {  	_ =	shalt  }
0x72: {  	_ =	shalt  }
0x73: {  	_ =	shalt  }
0x74: {  	_ =	shalt  }
0x75: {  	_ =	shalt  }
0x76: {  	_ =	shalt  }
0x77: {  	_ =	shalt  }
0x78: {  	_ =	shalt  }
0x79: {  	_ =	shalt  }
0x7a: {  	_ =	shalt  }
0x7b: {  	_ =	shalt  }
0x7c: {  	_ =	shalt  }
0x7d: {  	_ =	shalt  }
0x7e: {  	_ =	shalt  }
0x7f: {  	_ =	shalt  }
0x80: {  	_ =	shalt  }
0x81: {  	_ =	shalt  }
0x82: {  	_ =	shalt  }
0x83: {  	_ =	shalt  }
0x84: {  	_ =	shalt  }
0x85: {  	_ =	shalt  }
0x86: {  	_ =	shalt  }
0x87: {  	_ =	shalt  }
.Lfunc_end0:
.L_simem_size_0:
called_computation.1_lowered:
.L_overlay_start_0:
0x88: {  	s2 =	sld [smem:$0x3FD9]  }
0x89: {  	s3 =	sld [smem:$0x3FFE];
	_ =	sdelay $0x1  }
0x8a: {  	s1 =	srdreg.scid  }
0x8b: {  	s0 =	sand.u32 $0x1, s1  }
0x8c: {  	s16 =	sshll.u32 s0, $0xA;
	s2 =	sadd.s32 s3, s2  }
0x8d: {  	s2 =	sadd.s32 s2, s16  }
0x8e: {  	[smem:$0x3FBF] =	sst s2  }
0x8f: {  	_ = 	snop  }
0x90: {  	(tm) =	ssettm $0x1  }
0x91: {  	s17 =	sld [smem:$0x3FFB];
	_ =	sdelay $0x3  }
0x92: {  	_ =	strace s17  }
0x93: {  	s2 =	sld [smem:$0x3FFC];
	_ =	sdelay $0x3  }
0x94: {  	_ =	strace s2  }
0x95: {  	s2 =	sld [smem:$0x3FFD];
	_ =	sdelay $0x3  }
0x96: {  	_ =	strace s2  }
0x97: {  	_ =	strace $0x8FFFFFFF  }
0x98: {  	s18 =	sld [smem:$0x3FDB];
	_ =	sdelay $0x1  }
0x99: {  	s19 =	simm.s32 $_scs_section_size  }
0x9a: {  	s4 =	simm.s32 $_size__tile_overlayer_lowered;
	s5 =	simm.s32 $_tile_overlayer_lowered  }
0x9b: {  	s22 =	simm.s32 $0x1BFF;
	s21 =	sshll.u32 s5, $0x1;
	s2 =	sadd.s32 s19, s18  }
0x9c: {  	s6 =	simm.s32 $0x0;
	s20 =	sshll.u32 s4, $0x1;
	s4 =	sadd.s32 s21, s2  }
0x9d: {  	[timem:s6], [sflag:s22] =	dma.local [hbm:s4], s20  }
0x9e: {  	_ =	swait.ge [sflag:s22], s20  }
0x9f: {  	s3 =	ssub.s32 $0x0, s20;
	[sflag:s22] =	ssyncset.done $0x0  }
0xa0: {  	[sflag:s22] =	ssyncadd.s32 s3;
	_ =	sdelay $0x1  }
0xa1: {  	s23 =	simm.s32 $0x1B8B  }
0xa2: {  	_ =	swait.ge [sflag:s23], $0x1  }
0xa3: {  	[sflag:s23] =	ssyncset.done $0x0  }
0xa4: {  	s25 =	simm.s32 $0x1B8E;
	s24 =	sld [smem:$0x3FFE];
	[sflag:s23] =	ssyncadd.s32 $0xFFFFFFFF  }
0xa5: {  	s26 =	simm.s32 $execute0_lowered;
	[smem:$0x3FD2] =	sst s25  }
0xa6: {  	s4 =	sshll.u32 s26, $0x1;
	_ =	strace $0x80000049;
	[dreg:$0x1] =	wrdreg $0xFFFFFFFF  }
0xa7: {  	s28 =	simm.s32 $_size_execute0_lowered;
	s2 =	sadd.s32 s2, s4;
	[dreg:$0x0] =	wrdreg $0x0  }
0xa8: {  	s4 =	sshll.u32 s28, $0x1;
	[dreg:$0x2] =	wrdreg s2  }
0xa9: {  	[dreg:$0x3] =	wrdreg s4  }
0xaa: {  	[dreg:$0x4] =	wrdreg $0xC0  }
0xab: {  	_ =	task [dreg:s6], $0x5FFFF  }
0xac: {  	[dreg:$0x1] =	wrdreg $0xFFFFFFFF  }
0xad: {  	[dreg:$0x0] =	wrdreg $0x60  }
0xae: {  	[dreg:$0x2] =	wrdreg s24  }
0xaf: {  	[dreg:$0x3] =	wrdreg $0x114400  }
0xb0: {  	[dreg:$0x4] =	wrdreg $0x9  }
0xb1: {  	_ =	task.clear_ibuf [dreg:s6], $0x5FFFF;
	_ =	strace $0x90000049  }
0xb2: {  	s29 =	simm.s32 $0x9;
	_ =	strace $0x8000004B  }
0xb3: {  	_ =	swait.ge [sflag:s29], $0x1  }
0xb4: {  	[sflag:s29] =	ssyncadd.s32 $0xFFFFFFFF  }
0xb5: {  	_ =	strace $0x9000004B  }
0xb6: {  	_ =	sfence  }
0xb7: {  	s30 =	sld [smem:$0x0];
	_ =	sdelay $0x2  }
0xb8: {  	s31 =	sshll.u32 s1, $0xD;
	s1 =	sshrl.u32 s1, $0x2  }
0xb9: {  	s3 =	sand.u32 $0x4000, s31;
	s1 =	sadd.s32 s1, s30  }
0xba: {  	s0 =	sor.u32 s3, s0;
	s1 =	sshll.u32 s1, $0x11  }
0xbb: {  	s0 =	sor.u32 s1, s0  }
0xbc: {  	s0 =	sadd.s32 $0x8F2B, s0  }
0xbd: {  	[sflag:s0] =	ssyncadd.remote.s32 $0x1  }
0xbe: {  	_ =	sfence.sel $0xFFFF  }
0xbf: {  	[dreg:$0x0] =	wrdreg $0xFFFFFFFF;
	(pc) =	sbr.abs _section_cstart, $3  }
0xc0: {  	[dreg:$0x1] =	wrdreg $0xFFFFFFFF  }
0xc1: {  	_ =	task.clear_ibuf [dreg:s6], $0x2FFFF;
	_ =	strace $0x9FFFFFFF  }
0xc2: {  	(tm) =	ssettm $0x7FFFFFFF  }
0xc3: {  	_ =	shalt  }
tec
execute0_lowered:
.L_overlay_start_1:
0x0: {  	(tag) =	ssettag $0x1  }
0x1: {  	s0 =	rddreg [dreg:$0x0];
	s8 =	stileid.u32  }
0x2: {  	s1 =	srdreg.scid;
	s3 =	simm.s32 $0x30;
	s2 =	rddreg [dreg:$0x1]  }
0x3: {  	s5 =	simm.s32 $0x0;
	s28 =	simm.s32 $0x80;
	s29 =	simm.s32 $0x5000  }
0x4: {  	s30 =	simm.s32 $0x7000;
	s31 =	simm.s32 $0x1;
	p0 =	seq.s32 s8, $0xF  }
0x5: {  	s1 =	sand.u32 $0x1, s1;
	s4 =	smul.u32 $0xA0, s8;
	[smem:$0x7FF] =	sst s5  }
0x6: {  	s5 =	simm.s32 $0x30;
	s6 =	sadd.s32 $0x2C00, s0;
	s11 =	sadd.s32 $0x16600, s0  }
0x7: {  	s12 =	sshll.u32 s8, $0x3;
	s7 =	sshll.u32 s8, $0x9;
	s8 =	smul.u32 $0x28000, s8  }
0x8: {  	s24 =	sadd.s32 $0x33400, s0;
	_ =	strace $0x8000004A;
	[dreg:$0x4] =	wrdreg s6  }
0x9: {  	s3 =	simm.s32 @!p0 $0x50;
	[dreg:$0x5] =	wrdreg s11;
	s6 =	sadd.s32 s12, s0  }
0xa: {  	s7 =	sadd.s32 s7, s0;
	s9 =	ssub.s32 $0x2, s1;
	p1 =	seq.s32 s1, $0x0  }
0xb: {  	s21 =	sshll.u32 s1, $0xD;
	[dreg:$0xf] =	wrdreg s24;
	p3 =	seq.s32 s1, $0x1  }
0xc: {  	p2 =	sne.s32 @p0 s1, $0x0;
	s12 =	simm.s32 $0x8;
	s3 =	smul.u32 s1, s3  }
0xd: {  	s10 =	sshrl.u32 s9, $0x1;
	s5 =	simm.s32 @!p1 $0x34;
	s8 =	sshrl.u32 s8, $0x2  }
0xe: {  	s7 =	sadd.s32 s21, s7;
	s25 =	sadd.s32 $0x64A00, s6;
	p1 =	sne.s32 s1, $0x0  }
0xf: {  	p2 =	por p2, !p0;
	p3 =	por !p3, !p0;
	s1 =	simm.s32 $0x2  }
0x10: {  	s6 =	simm.s32 $0x3;
	s9 =	ssub.s32 s9, s10;
	s5 =	simm.s32 @!p0 $0x50  }
0x11: {  	s8 =	sadd.s32 s8, s2;
	[dreg:$0x11] =	wrdreg s25;
	s26 =	sadd.s32 $0x1B600, s7  }
0x12: {  	s25 =	simm.s32 $0xD000;
	s13 =	sadd.s32 $0x1000, s8;
	[dreg:$0x12] =	wrdreg s26  }
0x13: {  	s7 =	simm.s32 $0x5;
	s14 =	sadd.s32 $0x2000, s8;
	[dreg:$0x6] =	wrdreg s13  }
0x14: {  	s10 =	simm.s32 $0x6;
	s15 =	sadd.s32 $0x3000, s8;
	[dreg:$0x7] =	wrdreg s14  }
0x15: {  	s3 =	sadd.s32 s4, s3;
	s16 =	sadd.s32 $0x4000, s8;
	[dreg:$0x8] =	wrdreg s15  }
0x16: {  	s4 =	sadd.s32 $0x3D800, s0;
	s17 =	sadd.s32 $0x5000, s8;
	[dreg:$0x9] =	wrdreg s16  }
0x17: {  	s18 =	sadd.s32 $0x6000, s8;
	s19 =	sadd.s32 $0x7000, s8;
	[dreg:$0xa] =	wrdreg s17  }
0x18: {  	s20 =	sadd.s32 $0x8000, s8;
	s11 =	sadd.s32 $0x9000, s8;
	[dreg:$0xb] =	wrdreg s18  }
0x19: {  	s22 =	sshll.u32 s5, $0x9;
	s24 =	smax.u32 s9, $0x1;
	[dreg:$0xc] =	wrdreg s19  }
0x1a: {  	s26 =	simm.s32 $0x9;
	s9 =	simm.s32 $0x4;
	[dreg:$0xd] =	wrdreg s20  }
0x1b: {  	s3 =	sshll.u32 s3, $0x4;
	[dreg:$0xe] =	wrdreg s11;
	s23 =	sadd.s32 $0xFFFFF000, s22  }
0x1c: {  	s11 =	simm.s32 $0x7;
	s13 =	simm.s32 $0xE000;
	s14 =	simm.s32 $0x40  }
0x1d: {  	s15 =	simm.s32 $0x0;
	s3 =	sadd.s32 s3, s0;
	[dreg:$0x3] =	wrdreg s23  }
0x1e: {  	s0 =	sadd.s32 $0x3D040, s0;
	s18 =	sadd.s32 $0x29E00, s3;
	s19 =	sadd.s32 $0x33A40, s3  }
0x1f: {  	v0 =	vimm.f32 $0.0e+00;
	[dreg:$0x10] =	wrdreg s0;
	s3 =	simm.s32 $0x9000;
	s0 =	simm.s32 $0xB000  }
.LBB2_1:
0x20: {  	s17 =	simm.s32 $0x100;
	s16 =	simm.s32 $0x0  }
.LBB2_2:
0x21: {  	p4 =	sne.s32 s17, $0x3F00;
	[tilespmem:s16+$0xD030] =	vst v0;
	s20 =	smov.u32 s17;
	s17 =	sadd.s32 $0x100, s17  }
.Ltmp0:
0x22: {  	[tilespmem:s16+$0xD020] =	vst v0;
	(pc) =	sbr.rel @p4 .LBB2_2-.Ltmp0, $3  }
0x23: {  	[tilespmem:s16+$0xD000] =	vst v0  }
0x24: {  	[tilespmem:s16+$0xD010] =	vst v0;
	_ =	sdelay $0x1  }
0x25: {  	s16 =	sshra.s32 s20, $0x2  }
0x26: {  	[tilespmem:s16+$0xD030] =	vst v0  }
0x27: {  	[tilespmem:s16+$0xD020] =	vst v0  }
0x28: {  	[tilespmem:s16+$0xD000] =	vst v0  }
0x29: {  	[tilespmem:s16+$0xD010] =	vst v0  }
0x2a: {  	[spmem:s8] =	stream.linear.scatter [tilespmem:s25], [sflag:$0x9], $0x1000, $0x38;
	[tilespmem:$0x1B440] =	vst v63  }
0x2b: {  	_ =	swait.ge [sflag:s26], $0x1000  }
0x2c: {  	[sflag:s26] =	ssyncset.done $0x0  }
0x2d: {  	s21 =	rddreg [dreg:$0x6];
	[sflag:s26] =	ssyncadd.s32 $0xFFFFF000  }
0x2e: {  	[spmem:s21] =	stream.linear.scatter [tilespmem:s25], [sflag:$0x9], $0x1000, $0x38;
	[tilespmem:$0x1B440] =	vst v63  }
0x2f: {  	_ =	swait.ge [sflag:s26], $0x1000  }
0x30: {  	[sflag:s26] =	ssyncset.done $0x0  }
0x31: {  	s22 =	rddreg [dreg:$0x7];
	[sflag:s26] =	ssyncadd.s32 $0xFFFFF000  }
0x32: {  	[spmem:s22] =	stream.linear.scatter [tilespmem:s25], [sflag:$0x9], $0x1000, $0x38;
	[tilespmem:$0x1B440] =	vst v63  }
0x33: {  	_ =	swait.ge [sflag:s26], $0x1000  }
0x34: {  	[sflag:s26] =	ssyncset.done $0x0  }
0x35: {  	s23 =	rddreg [dreg:$0x8];
	[sflag:s26] =	ssyncadd.s32 $0xFFFFF000  }
0x36: {  	[spmem:s23] =	stream.linear.scatter [tilespmem:s25], [sflag:$0x9], $0x1000, $0x38;
	[tilespmem:$0x1B440] =	vst v63  }
0x37: {  	_ =	swait.ge [sflag:s26], $0x1000  }
0x38: {  	[sflag:s26] =	ssyncset.done $0x0  }
0x39: {  	s17 =	rddreg [dreg:$0x9];
	[sflag:s26] =	ssyncadd.s32 $0xFFFFF000  }
0x3a: {  	[spmem:s17] =	stream.linear.scatter [tilespmem:s25], [sflag:$0x9], $0x1000, $0x38;
	[tilespmem:$0x1B440] =	vst v63  }
0x3b: {  	_ =	swait.ge [sflag:s26], $0x1000  }
0x3c: {  	[sflag:s26] =	ssyncset.done $0x0  }
0x3d: {  	s20 =	rddreg [dreg:$0xa];
	[sflag:s26] =	ssyncadd.s32 $0xFFFFF000  }
0x3e: {  	[spmem:s20] =	stream.linear.scatter [tilespmem:s25], [sflag:$0x9], $0x1000, $0x38;
	[tilespmem:$0x1B440] =	vst v63  }
0x3f: {  	_ =	swait.ge [sflag:s26], $0x1000  }
0x40: {  	[sflag:s26] =	ssyncset.done $0x0  }
0x41: {  	s21 =	rddreg [dreg:$0xb];
	[sflag:s26] =	ssyncadd.s32 $0xFFFFF000  }
0x42: {  	[spmem:s21] =	stream.linear.scatter [tilespmem:s25], [sflag:$0x9], $0x1000, $0x38;
	[tilespmem:$0x1B440] =	vst v63  }
0x43: {  	_ =	swait.ge [sflag:s26], $0x1000  }
0x44: {  	[sflag:s26] =	ssyncset.done $0x0  }
0x45: {  	s22 =	rddreg [dreg:$0xc];
	[sflag:s26] =	ssyncadd.s32 $0xFFFFF000  }
0x46: {  	[spmem:s22] =	stream.linear.scatter [tilespmem:s25], [sflag:$0x9], $0x1000, $0x38;
	[tilespmem:$0x1B440] =	vst v63  }
0x47: {  	_ =	swait.ge [sflag:s26], $0x1000  }
0x48: {  	[sflag:s26] =	ssyncset.done $0x0  }
0x49: {  	s23 =	rddreg [dreg:$0xd];
	[sflag:s26] =	ssyncadd.s32 $0xFFFFF000  }
0x4a: {  	[spmem:s23] =	stream.linear.scatter [tilespmem:s25], [sflag:$0x9], $0x1000, $0x38;
	[tilespmem:$0x1B440] =	vst v63  }
0x4b: {  	_ =	swait.ge [sflag:s26], $0x1000  }
0x4c: {  	[sflag:s26] =	ssyncset.done $0x0  }
0x4d: {  	s17 =	rddreg [dreg:$0xe];
	[sflag:s26] =	ssyncadd.s32 $0xFFFFF000  }
0x4e: {  	[spmem:s17] =	stream.linear.scatter [tilespmem:s25], [sflag:$0x9], $0x1000, $0x38;
	[tilespmem:$0x1B440] =	vst v63  }
0x4f: {  	_ =	swait.ge [sflag:s26], $0x1000  }
0x50: {  	[sflag:s26] =	ssyncset.done $0x0  }
0x51: {  	s16 =	simm.s32 @!p2 $0x0;
	s17 =	rddreg [dreg:$0xf];
	[sflag:s26] =	ssyncadd.s32 $0xFFFFF000  }
0x52: {  	[tilespmem:s16], [sflag:$0x9] =	stream.linear.gather @!p2 [hbm4b:s17+s16], $0x1800, $0x38;
	[tilespmem:$0x1B440] =	vst v63  }
0x53: {  	s17 =	simm.s32 @!p2 $0x9  }
0x54: {  	_ =	swait.ge @!p2 [sflag:s17], $0x1800  }
0x55: {  	[sflag:s17] =	ssyncset.done @!p2 $0x0  }
0x56: {  	s20 =	simm.s32 @!p2 $0x2800;
	s21 =	rddreg [dreg:$0x10];
	[sflag:s17] =	ssyncadd.s32 @!p2 $0xFFFFE800  }
0x57: {  	[tilespmem:s20], [sflag:$0x9] =	stream.linear.gather @!p2 [hbm4b:s21+s16], $0x1800, $0x38;
	[tilespmem:$0x1B440] =	vst v63  }
0x58: {  	_ =	swait.ge @!p2 [sflag:s17], $0x1800  }
0x59: {  	[sflag:s17] =	ssyncset.done @!p2 $0x0  }
0x5a: {  	s16 =	simm.s32 @!p3 $0x0;
	[sflag:s17] =	ssyncadd.s32 @!p2 $0xFFFFE800;
	s17 =	simm.s32 @!p3 $0x9  }
0x5b: {  	[tilespmem:s16], [sflag:$0x9] =	stream.linear.gather @!p3 [hbm4b:s18+s16], $0x1A00, $0x38;
	[tilespmem:$0x1B440] =	vst v63  }
0x5c: {  	_ =	swait.ge @!p3 [sflag:s17], $0x1A00  }
0x5d: {  	[sflag:s17] =	ssyncset.done @!p3 $0x0  }
0x5e: {  	s20 =	simm.s32 @!p3 $0x2800;
	[sflag:s17] =	ssyncadd.s32 @!p3 $0xFFFFE600  }
0x5f: {  	[tilespmem:s20], [sflag:$0x9] =	stream.linear.gather @!p3 [hbm4b:s19+s16], $0x1A00, $0x38;
	[tilespmem:$0x1B440] =	vst v63  }
0x60: {  	_ =	swait.ge @!p3 [sflag:s17], $0x1A00  }
0x61: {  	[sflag:s17] =	ssyncset.done @!p3 $0x0  }
0x62: {  	s16 =	simm.s32 @!p0 $0x0;
	[sflag:s17] =	ssyncadd.s32 @!p3 $0xFFFFE600;
	s17 =	simm.s32 @!p0 $0x9  }
0x63: {  	[tilespmem:s16], [sflag:$0x9] =	stream.linear.gather @!p0 [hbm4b:s18+s16], $0x2800, $0x38;
	[tilespmem:$0x1B440] =	vst v63  }
0x64: {  	_ =	swait.ge @!p0 [sflag:s17], $0x2800  }
0x65: {  	[sflag:s17] =	ssyncset.done @!p0 $0x0  }
0x66: {  	s20 =	simm.s32 @!p0 $0x2800;
	[sflag:s17] =	ssyncadd.s32 @!p0 $0xFFFFD800  }
0x67: {  	[tilespmem:s20], [sflag:$0x9] =	stream.linear.gather @!p0 [hbm4b:s19+s16], $0x2800, $0x38;
	[tilespmem:$0x1B440] =	vst v63  }
0x68: {  	_ =	swait.ge @!p0 [sflag:s17], $0x2800  }
0x69: {  	[sflag:s17] =	ssyncset.done @!p0 $0x0  }
0x6a: {  	[sflag:s17] =	ssyncadd.s32 @!p0 $0xFFFFD800  }
0x6b: {  	s16 =	simm.s32 $0x0;
	[bflag:$0x0] =	sbarrier.arrive $0xFFFF  }
0x6c: {  	[tilespmem:s29], [sflag:$0x1] =	stream.indirect.gather [hbm4b:s4+s28], $0x40, s16, s28, $0xb8;
	[tilespmem:$0x1B440] =	vst v63  }
0x6d: {  	_ = 	snop  }
0x6e: {  	[tilespmem:s30], [sflag:$0x2] =	stream.indirect.gather [hbm4b:s4+s28], $0x40, s28, s28, $0xb8;
	[tilespmem:$0x1B440] =	vst v63  }
0x6f: {  	_ =	swait.ge [sflag:s31], $0x2000  }
0x70: {  	[sflag:s31] =	ssyncset.done $0x0  }
0x71: {  	s20 =	simm.s32 $0x2800;
	[sflag:s31] =	ssyncadd.s32 $0xFFFFE000  }
0x72: {  	[spmem:s2] =	stream.indirect.scatter.add.f32 [tilespmem:s29], [sflag:$0x5], $0x40, s20, s28, $0xb8;
	[tilespmem:$0x1B440] =	vst v63  }
0x73: {  	s21 =	simm.s32 $0x100  }
0x74: {  	[tilespmem:s3], [sflag:$0x3] =	stream.indirect.gather [hbm4b:s4+s28], $0x40, s21, s28, $0xb8;
	[tilespmem:$0x1B440] =	vst v63  }
0x75: {  	_ =	swait.ge [sflag:s1], $0x2000  }
0x76: {  	[sflag:s1] =	ssyncset.done $0x0  }
0x77: {  	s22 =	simm.s32 $0x2880;
	[sflag:s1] =	ssyncadd.s32 $0xFFFFE000  }
0x78: {  	[spmem:s2] =	stream.indirect.scatter.add.f32 [tilespmem:s30], [sflag:$0x6], $0x40, s22, s28, $0xb8;
	[tilespmem:$0x1B440] =	vst v63  }
0x79: {  	s23 =	simm.s32 $0x180  }
0x7a: {  	[tilespmem:s0], [sflag:$0x4] =	stream.indirect.gather [hbm4b:s4+s28], $0x40, s23, s28, $0xb8;
	[tilespmem:$0x1B440] =	vst v63  }
0x7b: {  	_ =	swait.ge [sflag:s6], $0x2000  }
0x7c: {  	[sflag:s6] =	ssyncset.done $0x0  }
0x7d: {  	s20 =	simm.s32 $0x2900;
	[sflag:s6] =	ssyncadd.s32 $0xFFFFE000  }
0x7e: {  	[spmem:s2] =	stream.indirect.scatter.add.f32 [tilespmem:s3], [sflag:$0x7], $0x40, s20, s28, $0xb8;
	[tilespmem:$0x1B440] =	vst v63  }
0x7f: {  	_ =	swait.ge [sflag:s7], $0x2000  }
0x80: {  	[sflag:s7] =	ssyncset.done $0x0  }
0x81: {  	s21 =	simm.s32 $0x200;
	[sflag:s7] =	ssyncadd.s32 $0xFFFFE000  }
0x82: {  	[tilespmem:s29], [sflag:$0x1] =	stream.indirect.gather [hbm4b:s4+s28], $0x40, s21, s28, $0xb8;
	[tilespmem:$0x1B440] =	vst v63  }
0x83: {  	_ =	swait.ge [sflag:s9], $0x2000  }
0x84: {  	[sflag:s9] =	ssyncset.done $0x0  }
0x85: {  	s22 =	simm.s32 $0x2980;
	[sflag:s9] =	ssyncadd.s32 $0xFFFFE000  }
0x86: {  	[spmem:s2] =	stream.indirect.scatter.add.f32 [tilespmem:s0], [sflag:$0x8], $0x40, s22, s28, $0xb8;
	[tilespmem:$0x1B440] =	vst v63  }
0x87: {  	_ =	swait.ge [sflag:s10], $0x2000  }
0x88: {  	[sflag:s10] =	ssyncset.done $0x0  }
0x89: {  	s17 =	simm.s32 $0x9;
	s23 =	simm.s32 $0x280;
	[sflag:s10] =	ssyncadd.s32 $0xFFFFE000  }
0x8a: {  	[tilespmem:s30], [sflag:$0x2] =	stream.indirect.gather [hbm4b:s4+s28], $0x40, s23, s28, $0xb8;
	[tilespmem:$0x1B440] =	vst v63  }
.LBB2_4:
0x8b: {  	_ =	swait.ge [sflag:s31], $0x2000  }
0x8c: {  	s20 =	sshra.s32 s16, $0x2;
	s23 =	sadd.s32 $0xFFFFFFFD, s17;
	[sflag:s31] =	ssyncset.done $0x0  }
0x8d: {  	s21 =	sadd.s32 $0x2A00, s20;
	p4 =	sge.u32 s23, s5;
	[sflag:s31] =	ssyncadd.s32 $0xFFFFE000  }
0x8e: {  	[spmem:s2] =	stream.indirect.scatter.add.f32 [tilespmem:s29], [sflag:$0x5], $0x40, s21, s28, $0xb8;
	[tilespmem:$0x1B440] =	vst v63  }
0x8f: {  	s21 =	simm.s32 @!p4 $0x7  }
0x90: {  	_ =	swait.ge @!p4 [sflag:s21], $0x2000  }
0x91: {  	[sflag:s21] =	ssyncset.done @!p4 $0x0  }
0x92: {  	[sflag:s21] =	ssyncadd.s32 @!p4 $0xFFFFE000;
	s21 =	sshra.s32 @!p4 s16, $0x2  }
0x93: {  	s22 =	simm.s32 @!p4 $0x80;
	s23 =	simm.s32 @!p4 $0x9000;
	s21 =	sadd.s32 @!p4 $0x300, s21  }
0x94: {  	[tilespmem:s23], [sflag:$0x3] =	stream.indirect.gather @!p4 [hbm4b:s4+s22], $0x40, s21, s22, $0xb8;
	[tilespmem:$0x1B440] =	vst v63  }
0x95: {  	s23 =	sadd.s32 $0xFFFFFFFE, s17;
	_ =	swait.ge [sflag:s1], $0x2000  }
0x96: {  	p4 =	sge.u32 s23, s5;
	[sflag:s1] =	ssyncset.done $0x0  }
0x97: {  	s22 =	sadd.s32 $0x2A80, s20;
	s21 =	simm.s32 @!p4 $0x8;
	[sflag:s1] =	ssyncadd.s32 $0xFFFFE000  }
0x98: {  	[spmem:s2] =	stream.indirect.scatter.add.f32 [tilespmem:s30], [sflag:$0x6], $0x40, s22, s28, $0xb8;
	[tilespmem:$0x1B440] =	vst v63  }
0x99: {  	_ =	swait.ge @!p4 [sflag:s21], $0x2000  }
0x9a: {  	[sflag:s21] =	ssyncset.done @!p4 $0x0  }
0x9b: {  	[sflag:s21] =	ssyncadd.s32 @!p4 $0xFFFFE000;
	s21 =	sshra.s32 @!p4 s16, $0x2  }
0x9c: {  	s23 =	simm.s32 @!p4 $0xB000;
	s22 =	simm.s32 @!p4 $0x80;
	s21 =	sadd.s32 @!p4 $0x380, s21  }
0x9d: {  	[tilespmem:s23], [sflag:$0x4] =	stream.indirect.gather @!p4 [hbm4b:s4+s22], $0x40, s21, s22, $0xb8;
	[tilespmem:$0x1B440] =	vst v63  }
0x9e: {  	s23 =	sadd.s32 $0xFFFFFFFF, s17;
	_ =	swait.ge [sflag:s6], $0x2000  }
0x9f: {  	p4 =	sge.u32 s23, s5;
	[sflag:s6] =	ssyncset.done $0x0  }
0xa0: {  	s22 =	sadd.s32 $0x2B00, s20;
	s21 =	simm.s32 @!p4 $0x5;
	[sflag:s6] =	ssyncadd.s32 $0xFFFFE000  }
0xa1: {  	[spmem:s2] =	stream.indirect.scatter.add.f32 [tilespmem:s3], [sflag:$0x7], $0x40, s22, s28, $0xb8;
	[tilespmem:$0x1B440] =	vst v63  }
0xa2: {  	_ =	swait.ge @!p4 [sflag:s21], $0x2000  }
0xa3: {  	[sflag:s21] =	ssyncset.done @!p4 $0x0  }
0xa4: {  	[sflag:s21] =	ssyncadd.s32 @!p4 $0xFFFFE000;
	s21 =	sshra.s32 @!p4 s16, $0x2  }
0xa5: {  	s23 =	simm.s32 @!p4 $0x5000;
	s22 =	simm.s32 @!p4 $0x80;
	s21 =	sadd.s32 @!p4 $0x400, s21  }
0xa6: {  	[tilespmem:s23], [sflag:$0x1] =	stream.indirect.gather @!p4 [hbm4b:s4+s22], $0x40, s21, s22, $0xb8;
	[tilespmem:$0x1B440] =	vst v63  }
0xa7: {  	_ =	swait.ge [sflag:s9], $0x2000  }
0xa8: {  	[sflag:s9] =	ssyncset.done $0x0  }
0xa9: {  	s20 =	sadd.s32 $0x2B80, s20;
	p4 =	sge.u32 s17, s5;
	[sflag:s9] =	ssyncadd.s32 $0xFFFFE000  }
0xaa: {  	[spmem:s2] =	stream.indirect.scatter.add.f32 [tilespmem:s0], [sflag:$0x8], $0x40, s20, s28, $0xb8;
	[tilespmem:$0x1B440] =	vst v63  }
0xab: {  	s20 =	simm.s32 @!p4 $0x6  }
0xac: {  	s21 =	sshra.s32 @!p4 s16, $0x2;
	s22 =	simm.s32 @!p4 $0x7000;
	_ =	swait.ge @!p4 [sflag:s20], $0x2000  }
0xad: {  	s16 =	sadd.s32 $0x800, s16;
	[sflag:s20] =	ssyncset.done @!p4 $0x0;
	s23 =	rddreg [dreg:$0x3]  }
0xae: {  	[sflag:s20] =	ssyncadd.s32 @!p4 $0xFFFFE000;
	s20 =	sadd.s32 @!p4 $0x480, s21;
	s21 =	simm.s32 @!p4 $0x80  }
0xaf: {  	[tilespmem:s22], [sflag:$0x2] =	stream.indirect.gather @!p4 [hbm4b:s4+s21], $0x40, s20, s21, $0xb8;
	[tilespmem:$0x1B440] =	vst v63  }
0xb0: {  	p4 =	sne.s32 s23, s16  }
.Ltmp1:
0xb1: {  	_ = 	snop;
	(pc) =	sbr.rel @p4 .LBB2_4-.Ltmp1, $2  }
0xb2: {  	_ =	sdelay $0x2  }
0xb3: {  	s17 =	sadd.s32 $0x4, s17  }
0xb4: {  	_ =	swait.ge [sflag:s31], $0x2000  }
0xb5: {  	s20 =	sshra.s32 s16, $0x2;
	s23 =	sadd.s32 $0xFFFFFFFD, s17;
	[sflag:s31] =	ssyncset.done $0x0  }
0xb6: {  	s21 =	sadd.s32 $0x2A00, s20;
	p4 =	sge.u32 s23, s5;
	[sflag:s31] =	ssyncadd.s32 $0xFFFFE000  }
0xb7: {  	[spmem:s2] =	stream.indirect.scatter.add.f32 [tilespmem:s29], [sflag:$0x5], $0x40, s21, s28, $0xb8;
	[tilespmem:$0x1B440] =	vst v63  }
0xb8: {  	s21 =	simm.s32 @!p4 $0x7  }
0xb9: {  	_ =	swait.ge @!p4 [sflag:s21], $0x2000  }
0xba: {  	[sflag:s21] =	ssyncset.done @!p4 $0x0  }
0xbb: {  	[sflag:s21] =	ssyncadd.s32 @!p4 $0xFFFFE000;
	s21 =	sshra.s32 @!p4 s16, $0x2  }
0xbc: {  	s22 =	simm.s32 @!p4 $0x80;
	s23 =	simm.s32 @!p4 $0x9000;
	s21 =	sadd.s32 @!p4 $0x300, s21  }
0xbd: {  	[tilespmem:s23], [sflag:$0x3] =	stream.indirect.gather @!p4 [hbm4b:s4+s22], $0x40, s21, s22, $0xb8;
	[tilespmem:$0x1B440] =	vst v63  }
0xbe: {  	s23 =	sadd.s32 $0xFFFFFFFE, s17;
	_ =	swait.ge [sflag:s1], $0x2000  }
0xbf: {  	p4 =	sge.u32 s23, s5;
	[sflag:s1] =	ssyncset.done $0x0  }
0xc0: {  	s22 =	sadd.s32 $0x2A80, s20;
	s21 =	simm.s32 @!p4 $0x8;
	[sflag:s1] =	ssyncadd.s32 $0xFFFFE000  }
0xc1: {  	[spmem:s2] =	stream.indirect.scatter.add.f32 [tilespmem:s30], [sflag:$0x6], $0x40, s22, s28, $0xb8;
	[tilespmem:$0x1B440] =	vst v63  }
0xc2: {  	_ =	swait.ge @!p4 [sflag:s21], $0x2000  }
0xc3: {  	[sflag:s21] =	ssyncset.done @!p4 $0x0  }
0xc4: {  	[sflag:s21] =	ssyncadd.s32 @!p4 $0xFFFFE000;
	s21 =	sshra.s32 @!p4 s16, $0x2  }
0xc5: {  	s23 =	simm.s32 @!p4 $0xB000;
	s22 =	simm.s32 @!p4 $0x80;
	s21 =	sadd.s32 @!p4 $0x380, s21  }
0xc6: {  	[tilespmem:s23], [sflag:$0x4] =	stream.indirect.gather @!p4 [hbm4b:s4+s22], $0x40, s21, s22, $0xb8;
	[tilespmem:$0x1B440] =	vst v63  }
0xc7: {  	s23 =	sadd.s32 $0xFFFFFFFF, s17;
	_ =	swait.ge [sflag:s6], $0x2000  }
0xc8: {  	p4 =	sge.u32 s23, s5;
	[sflag:s6] =	ssyncset.done $0x0  }
0xc9: {  	s22 =	sadd.s32 $0x2B00, s20;
	s21 =	simm.s32 @!p4 $0x5;
	[sflag:s6] =	ssyncadd.s32 $0xFFFFE000  }
0xca: {  	[spmem:s2] =	stream.indirect.scatter.add.f32 [tilespmem:s3], [sflag:$0x7], $0x40, s22, s28, $0xb8;
	[tilespmem:$0x1B440] =	vst v63  }
0xcb: {  	_ =	swait.ge @!p4 [sflag:s21], $0x2000  }
0xcc: {  	[sflag:s21] =	ssyncset.done @!p4 $0x0  }
0xcd: {  	[sflag:s21] =	ssyncadd.s32 @!p4 $0xFFFFE000;
	s21 =	sshra.s32 @!p4 s16, $0x2  }
0xce: {  	s23 =	simm.s32 @!p4 $0x5000;
	s22 =	simm.s32 @!p4 $0x80;
	s21 =	sadd.s32 @!p4 $0x400, s21  }
0xcf: {  	[tilespmem:s23], [sflag:$0x1] =	stream.indirect.gather @!p4 [hbm4b:s4+s22], $0x40, s21, s22, $0xb8;
	[tilespmem:$0x1B440] =	vst v63  }
0xd0: {  	_ =	swait.ge [sflag:s9], $0x2000  }
0xd1: {  	p4 =	sge.u32 s17, s5;
	[sflag:s9] =	ssyncset.done $0x0  }
0xd2: {  	s20 =	sadd.s32 $0x2B80, s20;
	s17 =	simm.s32 @!p4 $0x6;
	[sflag:s9] =	ssyncadd.s32 $0xFFFFE000  }
0xd3: {  	[spmem:s2] =	stream.indirect.scatter.add.f32 [tilespmem:s0], [sflag:$0x8], $0x40, s20, s28, $0xb8;
	[tilespmem:$0x1B440] =	vst v63  }
0xd4: {  	s16 =	sshra.s32 @!p4 s16, $0x2;
	_ =	swait.ge @!p4 [sflag:s17], $0x2000  }
0xd5: {  	s16 =	sadd.s32 @!p4 $0x480, s16;
	[sflag:s17] =	ssyncset.done @!p4 $0x0  }
0xd6: {  	s20 =	simm.s32 @!p4 $0x7000;
	[sflag:s17] =	ssyncadd.s32 @!p4 $0xFFFFE000;
	s17 =	simm.s32 @!p4 $0x80  }
0xd7: {  	[tilespmem:s20], [sflag:$0x2] =	stream.indirect.gather @!p4 [hbm4b:s4+s17], $0x40, s16, s17, $0xb8;
	[tilespmem:$0x1B440] =	vst v63  }
0xd8: {  	_ =	swait.ge [sflag:s11], $0x2000  }
0xd9: {  	[sflag:s11] =	ssyncset.done $0x0  }
0xda: {  	[sflag:s11] =	ssyncadd.s32 $0xFFFFE000  }
0xdb: {  	_ =	swait.ge [sflag:s12], $0x2000  }
0xdc: {  	[sflag:s12] =	ssyncset.done $0x0  }
0xdd: {  	[sflag:s12] =	ssyncadd.s32 $0xFFFFE000  }
0xde: {  	[bflag:$0x0] =	sbarrier.arrive $0xFFFF  }
0xdf: {  	s22 =	simm.s32 $0x0;
	s23 =	rddreg [dreg:$0x11]  }
0xe0: {  	[tilespmem:s13], [sflag:$0x9] =	stream.linear.gather [hbm4b:s23+s22], $0x40, $0x38;
	[tilespmem:$0x1B440] =	vst v63  }
0xe1: {  	_ =	swait.ge [sflag:s26], $0x40  }
0xe2: {  	[sflag:s26] =	ssyncset.done $0x0  }
0xe3: {  	s17 =	simm.s32 $0x100;
	s16 =	simm.s32 $0x0;
	[sflag:s26] =	ssyncadd.s32 $0xFFFFFFC0  }
.LBB2_6:
0xe4: {  	p4 =	sne.s32 s17, $0x3F00;
	[tilespmem:s16+$0xF070] =	vst v0;
	s20 =	smov.u32 s17;
	s17 =	sadd.s32 $0x100, s17  }
.Ltmp2:
0xe5: {  	[tilespmem:s16+$0xF060] =	vst v0;
	(pc) =	sbr.rel @p4 .LBB2_6-.Ltmp2, $3  }
0xe6: {  	[tilespmem:s16+$0xF040] =	vst v0  }
0xe7: {  	[tilespmem:s16+$0xF050] =	vst v0;
	_ =	sdelay $0x1  }
0xe8: {  	s16 =	sshra.s32 s20, $0x2  }
0xe9: {  	[tilespmem:s16+$0xF070] =	vst v0  }
0xea: {  	[tilespmem:s16+$0xF060] =	vst v0  }
0xeb: {  	[tilespmem:s16+$0xF040] =	vst v0  }
0xec: {  	[tilespmem:s16+$0xF050] =	vst v0;
	s16 =	simm.s32 @!p1 $0x40  }
0xed: {  	s17 =	simm.s32 @!p1 $0xE000;
	s20 =	simm.s32 @!p1 $0xF040;
	s21 =	rddreg [dreg:$0x4]  }
0xee: {  	[tilespmem:s20], [sflag:$0x1] =	stream.indirect.gather @!p1 [hbm4b:s21+s16], $0x40, s17, s16, $0xb8;
	[tilespmem:$0x1B440] =	vst v63  }
0xef: {  	s16 =	simm.s32 @!p1 $0x1  }
0xf0: {  	_ =	swait.ge @!p1 [sflag:s16], $0x1000  }
0xf1: {  	[sflag:s16] =	ssyncset.done @!p1 $0x0  }
0xf2: {  	s22 =	simm.s32 $0xE040;
	[sflag:s16] =	ssyncadd.s32 @!p1 $0xFFFFF000  }
0xf3: {  	[tilespmem:s22], [sflag:$0x1] =	stream.indirect.gather [spmem:s2], $0x40, s13, s14, $0xb8;
	[tilespmem:$0x1B440] =	vst v63  }
0xf4: {  	_ =	swait.ge [sflag:s31], $0x1000  }
0xf5: {  	[sflag:s31] =	ssyncset.done $0x0  }
0xf6: {  	s17 =	simm.s32 $0x10040;
	s23 =	rddreg [dreg:$0x5];
	[sflag:s31] =	ssyncadd.s32 $0xFFFFF000  }
0xf7: {  	[tilespmem:s17], [sflag:$0x1] =	stream.indirect.gather [hbm4b:s23+s14], $0x10, s13, s14, $0xb8;
	[tilespmem:$0x1B440] =	vst v63  }
0xf8: {  	_ =	swait.ge [sflag:s31], $0x400  }
0xf9: {  	[sflag:s31] =	ssyncset.done $0x0  }
0xfa: {  	s16 =	simm.s32 $0x0;
	[sflag:s31] =	ssyncadd.s32 $0xFFFFFC00  }
0xfb: {  	v1 =	vld [tilespmem:s16+$0xF040]  }
0xfc: {  	v2 =	vld [tilespmem:s16+$0xF050]  }
0xfd: {  	v3 =	vld [tilespmem:s16+$0xE040]  }
0xfe: {  	v4 =	vld [tilespmem:s16+$0xE050]  }
0xff: {  	s20 =	simm.s32 $0x100;
	v5 =	vld [tilespmem:s16+$0xE060]  }
.LBB2_8:
0x100: {  	p4 =	sne.s32 s20, $0x3F00;
	v6 =	vld [tilespmem:s17+$0x0]  }
0x101: {  	v7 =	vld [tilespmem:s16+$0xE070]  }
0x102: {  	v8 =	vld [tilespmem:s16+$0xF060]  }
0x103: {  	v9 =	vld [tilespmem:s16+$0xF070];
	_ =	sdelay $0x1  }
0x104: {  	v3 =	vmul.f32 v3, v6;
	v4 =	vmul.f32 v4, v6  }
0x105: {  	v5 =	vmul.f32 v5, v6;
	v6 =	vmul.f32 v7, v6  }
0x106: {  	s21 =	sshra.s32 s20, $0x2;
	v3 =	vadd.f32 v1, v3;
	v4 =	vadd.f32 v2, v4  }
.Ltmp3:
0x107: {  	v5 =	vadd.f32 v8, v5;
	v1 =	vld [tilespmem:s21+$0xF040];
	v6 =	vadd.f32 v9, v6;
	(pc) =	sbr.rel @p4 .LBB2_8-.Ltmp3, $4  }
0x108: {  	v2 =	vld [tilespmem:s21+$0xF050];
	[tilespmem:s16+$0x10440] =	vst v3  }
0x109: {  	v3 =	vld [tilespmem:s21+$0xE040];
	[tilespmem:s16+$0x10450] =	vst v4  }
0x10a: {  	v4 =	vld [tilespmem:s21+$0xE050];
	[tilespmem:s16+$0x10460] =	vst v5  }
0x10b: {  	s20 =	sadd.s32 $0x100, s20;
	s17 =	sadd.s32 $0x10, s17;
	v5 =	vld [tilespmem:s21+$0xE060];
	[tilespmem:s16+$0x10470] =	vst v6;
	s16 =	smov.u32 s21  }
0x10c: {  	v6 =	vld [tilespmem:s17+$0x0];
	_ =	sdelay $0x2  }
0x10d: {  	v7 =	vld [tilespmem:s16+$0xE070]  }
0x10e: {  	v8 =	vld [tilespmem:s16+$0xF060]  }
0x10f: {  	v9 =	vld [tilespmem:s16+$0xF070];
	v3 =	vmul.f32 v3, v6  }
0x110: {  	v4 =	vmul.f32 v4, v6  }
0x111: {  	v5 =	vmul.f32 v5, v6;
	v1 =	vadd.f32 v1, v3  }
0x112: {  	v3 =	vmul.f32 v7, v6;
	v2 =	vadd.f32 v2, v4  }
0x113: {  	v63 =	vadd.f32 v8, v5;
	[tilespmem:s16+$0x10440] =	vst v1  }
0x114: {  	s15 =	sadd.s32 $0x1, s15;
	v1 =	vadd.f32 v9, v3;
	[tilespmem:s16+$0x10450] =	vst v2  }
0x115: {  	s22 =	simm.s32 $0x0;
	p4 =	sne.s32 s15, s24;
	[tilespmem:s16+$0x10460] =	vst v63  }
.Ltmp4:
0x116: {  	s23 =	rddreg [dreg:$0x12];
	s20 =	simm.s32 $0x10440;
	[tilespmem:s16+$0x10470] =	vst v1;
	(pc) =	sbr.rel @p4 .LBB2_1-.Ltmp4, $4  }
0x117: {  	[hbm4b:s23+s22] =	stream.linear.scatter [tilespmem:s20], [sflag:$0x9], $0x1000, $0x38;
	[tilespmem:$0x1B440] =	vst v63  }
0x118: {  	_ =	swait.ge [sflag:s26], $0x1000  }
0x119: {  	[sflag:s26] =	ssyncset.done $0x0  }
0x11a: {  	[sflag:s26] =	ssyncadd.s32 $0xFFFFF000  }
0x11b: {  	_ =	sfence.sel $0x180000  }
0x11c: {  	[bflag:$0x0] =	sbarrier.arrive $0xFFFF  }
0x11d: {  	_ =	strace $0x9000004A  }
0x11e: {  	s0 =	stileid.u32;
	[bflag:$0x2] =	sbarrier.arrive $0xFFFF  }
0x11f: {  	p0 =	sne.s32 s0, $0x0;
	s0 =	rddreg [dreg:$0x2]  }
0x120: {  	s0 =	sadd.s32 @!p0 $0x100000, s0  }
0x121: {  	[sflag:s0] =	ssyncadd.tile.s32 @!p0 $0x1;
	_ =	shalt  }
.Lfunc_end2:
_tile_overlayer_lowered:
.L_overlay_start_2:
0x122: {  	(tag) =	ssettag $0x2  }
0x123: {  	s0 =	rddreg [dreg:$0x0];
	s2 =	stileid.u32  }
0x124: {  	s1 =	rddreg [dreg:$0x1];
	p0 =	sne.s32 s2, $0x0  }
0x125: {  	s3 =	rddreg [dreg:$0x2];
	[bflag:$0x3] =	sbarrier.arrive $0xFFFF;
	s2 =	simm.s32 @!p0 $0x1C09  }
0x126: {  	[timem:s3], [sflag:s2] =	dma.local @!p0 [hbm:s0], s1  }
0x127: {  	s0 =	simm.s32 @!p0 $0x9  }
0x128: {  	_ =	swait.ge @!p0 [sflag:s0], s1  }
0x129: {  	s1 =	ssub.s32 @!p0 $0x0, s1;
	[sflag:s0] =	ssyncset.done @!p0 $0x0  }
0x12a: {  	[sflag:s0] =	ssyncadd.s32 @!p0 s1  }
0x12b: {  	[bflag:$0x3] =	sbarrier.arrive $0xFFFF  }
0x12c: {  	_ =	shalt  }

</sc_bundles>
